<compile_context>
chip_gen: v7x
topology: tpu7x:2x2x1
jax: 0.10.2.dev20260603
libtpu: 0.0.44.dev20260713+nightly
codegen_flags: <defaults>
</compile_context>

<pallas_src>
import functools

import jax
import jax.numpy as jnp
from jax import lax
from jax.experimental import pallas as pl
from jax.experimental.pallas import tpu as pltpu
from jax.experimental.pallas import tpu_sc as plsc

_N_CORES = 2
_N_SUBCORES = 16
_N_WORKERS = _N_CORES * _N_SUBCORES
_LANES = 16
_TILE_W = 128


def kernel(label, partition_matrix):
    (batch,) = label.shape
    n_cls, n_env = partition_matrix.shape
    b_per_w = batch // _N_WORKERS
    n_chunks = b_per_w // _LANES

    table_t = jnp.swapaxes(partition_matrix, 0, 1)

    mesh = plsc.VectorSubcoreMesh(core_axis_name="c", subcore_axis_name="s")

    cp = pltpu.CompilerParams(
        needs_layout_passes=False,
        use_tc_tiling_on_sc=True,
        disable_bounds_checks=True,
    )

    @functools.partial(
        pl.kernel,
        compiler_params=cp,
        out_type=jax.ShapeDtypeStruct((n_env, batch), jnp.float32),
        mesh=mesh,
        scratch_types=[
            pltpu.VMEM((b_per_w,), jnp.int32),
            pltpu.VMEM((_LANES, n_env, _TILE_W), jnp.float32),
            pltpu.VMEM((_LANES, n_env, _TILE_W), jnp.float32),
            pltpu.VMEM((_LANES, n_env, _TILE_W), jnp.float32),
            pltpu.VMEM((n_env, b_per_w), jnp.float32),
            pltpu.SemaphoreType.DMA,
            pltpu.SemaphoreType.DMA,
            pltpu.SemaphoreType.DMA,
            pltpu.SemaphoreType.DMA,
        ],
    )
    def _sc_kernel(
        label_hbm, table_hbm, out_hbm,
        idx_v, buf_a, buf_b, buf_c, res_v, sem_a, sem_b, sem_c, sem_o,
    ):
        wid = lax.axis_index("s") * _N_CORES + lax.axis_index("c")
        base = wid * b_per_w

        pltpu.sync_copy(label_hbm.at[pl.ds(base, b_per_w)], idx_v)

        lane_iota = lax.iota(jnp.int32, _LANES)

        def fire(c, buf, sem):
            blks = (idx_v[pl.ds(c * _LANES, _LANES)] // _TILE_W) * _TILE_W
            for j in range(_LANES):
                blk = pl.multiple_of(blks[j], _TILE_W)
                pltpu.async_copy(
                    table_hbm.at[:, pl.ds(blk, _TILE_W)], buf.at[j], sem
                )

        def drain(buf, sem):
            @pl.loop(0, _LANES)
            def _(j):
                pltpu.make_async_copy(
                    table_hbm.at[:, pl.ds(0, _TILE_W)], buf.at[j], sem
                ).wait()

        def process(c, buf):
            lo = idx_v[pl.ds(c * _LANES, _LANES)] & (_TILE_W - 1)
            cols = [
                plsc.load_gather(
                    buf, [lane_iota, jnp.full((_LANES,), e, jnp.int32), lo]
                )
                for e in range(n_env)
            ]
            m = cols[0]
            for e in range(1, n_env):
                m = jnp.maximum(m, cols[e])
            exps = [jnp.exp(v - m) for v in cols]
            s = exps[0]
            for e in range(1, n_env):
                s = s + exps[e]
            inv = 1.0 / s
            sl = pl.ds(c * _LANES, _LANES)
            for e in range(n_env):
                res_v[e, sl] = exps[e] * inv

        fire(0, buf_a, sem_a)
        fire(1, buf_b, sem_b)

        @pl.loop(0, n_chunks // 3)
        def _(t):
            c0 = t * 3
            fire(c0 + 2, buf_c, sem_c)
            drain(buf_a, sem_a)
            process(c0, buf_a)

            @pl.when(c0 + 3 < n_chunks)
            def _():
                fire(c0 + 3, buf_a, sem_a)

            drain(buf_b, sem_b)
            process(c0 + 1, buf_b)

            @pl.when(c0 + 4 < n_chunks)
            def _():
                fire(c0 + 4, buf_b, sem_b)

            drain(buf_c, sem_c)
            process(c0 + 2, buf_c)

        drain(buf_a, sem_a)
        process(n_chunks - 2, buf_a)
        drain(buf_b, sem_b)
        process(n_chunks - 1, buf_b)

        pltpu.async_copy(res_v, out_hbm.at[:, pl.ds(base, b_per_w)], sem_o).wait()

    out_t = _sc_kernel(label, table_t)
    return jnp.swapaxes(out_t, 0, 1)

# --- scband reference (transcript-rebuilt; emitter-appended) ---
"""Pipeline reference for scband-partition-17145509445756 (READ-ONLY COPY).

The authoritative reference and input builder live on the scoring server;
editing this copy changes nothing except your own understanding.
"""

import jax, jax.numpy as jnp
import numpy as np

N_CLS = 1000000
N_ENV = 16
BATCH = 16384

def setup_inputs(seed: int = 0) -> dict:
    key = jax.random.key(seed)
    k1, k2 = jax.random.split(key)
    label = jax.random.randint(k1, (BATCH,), 0, N_CLS, dtype=jnp.int64 if jax.config.jax_enable_x64 else jnp.int32).astype(jnp.int32)
    partition_matrix = jax.random.normal(k2, (N_CLS, N_ENV), dtype=jnp.float32)
    return {"label": label, "partition_matrix": partition_matrix}

def reference(label, partition_matrix):
    # gather rows by label, then softmax over last dim (n_env)
    gathered = jnp.take(partition_matrix, label, axis=0)
    sample_split = jax.nn.softmax(gathered, axis=-1)
    return sample_split

if __name__ == "__main__":
    import jax
    _d = setup_inputs()
    print(jax.jit(kernel)(*tuple(_d.values())))

</pallas_src>

<mosaic_0001>
#map = affine_map<(d0, d1) -> (0)>
#map1 = affine_map<(d0, d1) -> (0, 0)>
module attributes {stable_mosaic.version = 14 : i64} {
  func.func @_sc_kernel(%arg0: i32, %arg1: i32, %arg2: memref<16384xi32, #tpu.memory_space<hbm>>, %arg3: memref<16x1000000xf32, #tpu.memory_space<hbm>>, %arg4: memref<16x16384xf32, #tpu.memory_space<hbm>>, %arg5: memref<512xi32, #tpu.memory_space<vmem>>, %arg6: memref<16x16x128xf32, #tpu.memory_space<vmem>>, %arg7: memref<16x16x128xf32, #tpu.memory_space<vmem>>, %arg8: memref<16x16x128xf32, #tpu.memory_space<vmem>>, %arg9: memref<16x512xf32, #tpu.memory_space<vmem>>, %arg10: memref<!tpu.dma_semaphore, #tpu.memory_space<semaphore_mem>>, %arg11: memref<!tpu.dma_semaphore, #tpu.memory_space<semaphore_mem>>, %arg12: memref<!tpu.dma_semaphore, #tpu.memory_space<semaphore_mem>>, %arg13: memref<!tpu.dma_semaphore, #tpu.memory_space<semaphore_mem>>) attributes {dimension_semantics = [#tpu.dimension_semantics<core_parallel>, #tpu.dimension_semantics<subcore_parallel>], iteration_bounds = array<i64: 2, 16>, scalar_prefetch = 0 : i64, scratch_operands = 9 : i64, tpu.core_type = #tpu.core_type<sc_vector_subcore>, window_params = [{transform_indices = #map}, {transform_indices = #map1}, {transform_indices = #map1}]} {
    %mul3A = arith.constant 2 : i32
    %mul3A_0 = arith.muli %arg1, %mul3A : i32
    %add3A = arith.addi %mul3A_0, %arg0 : i32
    %mul3A_1 = arith.constant 512 : i32
    %mul3A_2 = arith.muli %add3A, %mul3A_1 : i32
    "tpu.region"() ({
      %run_scoped3A = tpu.sem_alloc : memref<!tpu.dma_semaphore, #tpu.memory_space<semaphore_mem>>
      %dma_start3A_986 = tpu.memref_slice %arg2[%mul3A_2] : memref<16384xi32, #tpu.memory_space<hbm>> -> memref<512xi32, #tpu.memory_space<hbm>>
      %dma_start3A_987 = tpu.memref_slice %arg2[%mul3A_2] : memref<16384xi32, #tpu.memory_space<hbm>> -> memref<512xi32, #tpu.memory_space<hbm>>
      tpu.enqueue_dma source(%dma_start3A_987 : memref<512xi32, #tpu.memory_space<hbm>>) target(%arg5 : memref<512xi32, #tpu.memory_space<vmem>>) target_semaphore(%run_scoped3A : memref<!tpu.dma_semaphore, #tpu.memory_space<semaphore_mem>>)
      %dma_wait3A_988 = tpu.memref_slice %arg2[%mul3A_2] : memref<16384xi32, #tpu.memory_space<hbm>> -> memref<512xi32, #tpu.memory_space<hbm>>
      %dma_wait3A_989 = tpu.memref_slice %arg2[%mul3A_2] : memref<16384xi32, #tpu.memory_space<hbm>> -> memref<512xi32, #tpu.memory_space<hbm>>
      tpu.wait_dma2 semaphore(%run_scoped3A : memref<!tpu.dma_semaphore, #tpu.memory_space<semaphore_mem>>) src(%dma_wait3A_989 : memref<512xi32, #tpu.memory_space<hbm>>) dst(%arg5 : memref<512xi32, #tpu.memory_space<vmem>>)
      tpu.yield
    }) : () -> ()
    %iota3A = tpu.iota {dimensions = array<i32: 0>} : vector<16xi32>
    %get3A = arith.constant 0 : index
    %get3A_3 = tpu.vector_load %arg5[%get3A] {strides = array<i32>} : memref<512xi32, #tpu.memory_space<vmem>>, vector<16xi32>,
    %jit3A = arith.constant 128 : i32
    %div3A = vector.broadcast %jit3A : i32 to vector<16xi32>
    %div3A_4 = arith.divsi %get3A_3, %div3A : vector<16xi32>
    %sign3A = arith.constant 0 : i32
    %sign3A_5 = vector.broadcast %sign3A : i32 to vector<16xi32>
    %sign3A_6 = arith.cmpi sgt, %get3A_3, %sign3A_5 : vector<16xi32>
    %sign3A_7 = arith.extui %sign3A_6 : vector<16xi1> to vector<16xi32>
    %sign3A_8 = arith.constant 0 : i32
    %sign3A_9 = vector.broadcast %sign3A_8 : i32 to vector<16xi32>
    %sign3A_10 = arith.cmpi slt, %get3A_3, %sign3A_9 : vector<16xi32>
    %sign3A_11 = arith.extui %sign3A_10 : vector<16xi1> to vector<16xi32>
    %sign3A_12 = arith.subi %sign3A_7, %sign3A_11 : vector<16xi32>
    %sign3A_13 = arith.constant 0 : i32
    %sign3A_14 = arith.cmpi sgt, %jit3A, %sign3A_13 : i32
    %sign3A_15 = arith.extui %sign3A_14 : i1 to i32
    %sign3A_16 = arith.constant 0 : i32
    %sign3A_17 = arith.cmpi slt, %jit3A, %sign3A_16 : i32
    %sign3A_18 = arith.extui %sign3A_17 : i1 to i32
    %sign3A_19 = arith.subi %sign3A_15, %sign3A_18 : i32
    %ne3A = vector.broadcast %sign3A_19 : i32 to vector<16xi32>
    %ne3A_20 = arith.cmpi ne, %sign3A_12, %ne3A : vector<16xi32>
    %rem3A = vector.broadcast %jit3A : i32 to vector<16xi32>
    %rem3A_21 = arith.remsi %get3A_3, %rem3A : vector<16xi32>
    %ne3A_22 = arith.constant 0 : i32
    %ne3A_23 = vector.broadcast %ne3A_22 : i32 to vector<16xi32>
    %ne3A_24 = arith.cmpi ne, %rem3A_21, %ne3A_23 : vector<16xi32>
    %and3A = arith.andi %ne3A_20, %ne3A_24 : vector<16xi1>
    %sub3A = arith.constant 1 : i32
    %sub3A_25 = vector.broadcast %sub3A : i32 to vector<16xi32>
    %sub3A_26 = arith.subi %div3A_4, %sub3A_25 : vector<16xi32>
    %select_n3A = arith.select %and3A, %sub3A_26, %div3A_4 : vector<16xi1>, vector<16xi32>
    %mul3A_27 = arith.constant 128 : i32
    %mul3A_28 = vector.broadcast %mul3A_27 : i32 to vector<16xi32>
    %mul3A_29 = arith.muli %select_n3A, %mul3A_28 : vector<16xi32>
    %slice3A = vector.extract_strided_slice %mul3A_29 {offsets = [0], sizes = [1], strides = [1]} : vector<16xi32> to vector<1xi32>
    %squeeze3A = vector.extract %slice3A[0] : i32 from vector<1xi32>
    %multiple_of3A = tpu.assume_multiple %squeeze3A, 128 : i32
    %dma_start3A = arith.constant 0 : i32
    %dma_start3A_30 = arith.constant 0 : i32
    %dma_start3A_31 = arith.constant 0 : i32
    %dma_start3A_32 = tpu.memref_slice %arg6[%dma_start3A, %dma_start3A_30, %dma_start3A_31] : memref<16x16x128xf32, #tpu.memory_space<vmem>> -> memref<1x16x128xf32, #tpu.memory_space<vmem>>
    %dma_start3A_33 = tpu.memref_squeeze %dma_start3A_32 : memref<1x16x128xf32, #tpu.memory_space<vmem>> -> memref<16x128xf32, #tpu.memory_space<vmem>>
    %dma_start3A_34 = arith.constant 0 : i32
    %dma_start3A_35 = tpu.memref_slice %arg3[%dma_start3A_34, %multiple_of3A] : memref<16x1000000xf32, #tpu.memory_space<hbm>> -> memref<16x128xf32, #tpu.memory_space<hbm>>
    %dma_start3A_36 = arith.constant 0 : i32
    %dma_start3A_37 = arith.constant 0 : i32
    %dma_start3A_38 = tpu.memref_slice %arg6[%dma_start3A, %dma_start3A_36, %dma_start3A_37] : memref<16x16x128xf32, #tpu.memory_space<vmem>> -> memref<1x16x128xf32, #tpu.memory_space<vmem>>
    %dma_start3A_39 = tpu.memref_squeeze %dma_start3A_38 : memref<1x16x128xf32, #tpu.memory_space<vmem>> -> memref<16x128xf32, #tpu.memory_space<vmem>>
    %dma_start3A_40 = arith.constant 0 : i32
    %dma_start3A_41 = tpu.memref_slice %arg3[%dma_start3A_40, %multiple_of3A] : memref<16x1000000xf32, #tpu.memory_space<hbm>> -> memref<16x128xf32, #tpu.memory_space<hbm>>
    tpu.enqueue_dma source(%dma_start3A_41 : memref<16x128xf32, #tpu.memory_space<hbm>>) target(%dma_start3A_39 : memref<16x128xf32, #tpu.memory_space<vmem>>) target_semaphore(%arg10 : memref<!tpu.dma_semaphore, #tpu.memory_space<semaphore_mem>>)
    %slice3A_42 = vector.extract_strided_slice %mul3A_29 {offsets = [1], sizes = [1], strides = [1]} : vector<16xi32> to vector<1xi32>
    %squeeze3A_43 = vector.extract %slice3A_42[0] : i32 from vector<1xi32>
    %multiple_of3A_44 = tpu.assume_multiple %squeeze3A_43, 128 : i32
    %dma_start3A_45 = arith.constant 1 : i32
    %dma_start3A_46 = arith.constant 0 : i32
    %dma_start3A_47 = arith.constant 0 : i32
    %dma_start3A_48 = tpu.memref_slice %arg6[%dma_start3A_45, %dma_start3A_46, %dma_start3A_47] : memref<16x16x128xf32, #tpu.memory_space<vmem>> -> memref<1x16x128xf32, #tpu.memory_space<vmem>>
    %dma_start3A_49 = tpu.memref_squeeze %dma_start3A_48 : memref<1x16x128xf32, #tpu.memory_space<vmem>> -> memref<16x128xf32, #tpu.memory_space<vmem>>
    %dma_start3A_50 = arith.constant 0 : i32
    %dma_start3A_51 = tpu.memref_slice %arg3[%dma_start3A_50, %multiple_of3A_44] : memref<16x1000000xf32, #tpu.memory_space<hbm>> -> memref<16x128xf32, #tpu.memory_space<hbm>>
    %dma_start3A_52 = arith.constant 0 : i32
    %dma_start3A_53 = arith.constant 0 : i32
    %dma_start3A_54 = tpu.memref_slice %arg6[%dma_start3A_45, %dma_start3A_52, %dma_start3A_53] : memref<16x16x128xf32, #tpu.memory_space<vmem>> -> memref<1x16x128xf32, #tpu.memory_space<vmem>>
    %dma_start3A_55 = tpu.memref_squeeze %dma_start3A_54 : memref<1x16x128xf32, #tpu.memory_space<vmem>> -> memref<16x128xf32, #tpu.memory_space<vmem>>
    %dma_start3A_56 = arith.constant 0 : i32
    %dma_start3A_57 = tpu.memref_slice %arg3[%dma_start3A_56, %multiple_of3A_44] : memref<16x1000000xf32, #tpu.memory_space<hbm>> -> memref<16x128xf32, #tpu.memory_space<hbm>>
    tpu.enqueue_dma source(%dma_start3A_57 : memref<16x128xf32, #tpu.memory_space<hbm>>) target(%dma_start3A_55 : memref<16x128xf32, #tpu.memory_space<vmem>>) target_semaphore(%arg10 : memref<!tpu.dma_semaphore, #tpu.memory_space<semaphore_mem>>)
    %slice3A_58 = vector.extract_strided_slice %mul3A_29 {offsets = [2], sizes = [1], strides = [1]} : vector<16xi32> to vector<1xi32>
    %squeeze3A_59 = vector.extract %slice3A_58[0] : i32 from vector<1xi32>
    %multiple_of3A_60 = tpu.assume_multiple %squeeze3A_59, 128 : i32
    %dma_start3A_61 = arith.constant 2 : i32
    %dma_start3A_62 = arith.constant 0 : i32
    %dma_start3A_63 = arith.constant 0 : i32
    %dma_start3A_64 = tpu.memref_slice %arg6[%dma_start3A_61, %dma_start3A_62, %dma_start3A_63] : memref<16x16x128xf32, #tpu.memory_space<vmem>> -> memref<1x16x128xf32, #tpu.memory_space<vmem>>
    %dma_start3A_65 = tpu.memref_squeeze %dma_start3A_64 : memref<1x16x128xf32, #tpu.memory_space<vmem>> -> memref<16x128xf32, #tpu.memory_space<vmem>>
    %dma_start3A_66 = arith.constant 0 : i32
    %dma_start3A_67 = tpu.memref_slice %arg3[%dma_start3A_66, %multiple_of3A_60] : memref<16x1000000xf32, #tpu.memory_space<hbm>> -> memref<16x128xf32, #tpu.memory_space<hbm>>
    %dma_start3A_68 = arith.constant 0 : i32
    %dma_start3A_69 = arith.constant 0 : i32
    %dma_start3A_70 = tpu.memref_slice %arg6[%dma_start3A_61, %dma_start3A_68, %dma_start3A_69] : memref<16x16x128xf32, #tpu.memory_space<vmem>> -> memref<1x16x128xf32, #tpu.memory_space<vmem>>
    %dma_start3A_71 = tpu.memref_squeeze %dma_start3A_70 : memref<1x16x128xf32, #tpu.memory_space<vmem>> -> memref<16x128xf32, #tpu.memory_space<vmem>>
    %dma_start3A_72 = arith.constant 0 : i32
    %dma_start3A_73 = tpu.memref_slice %arg3[%dma_start3A_72, %multiple_of3A_60] : memref<16x1000000xf32, #tpu.memory_space<hbm>> -> memref<16x128xf32, #tpu.memory_space<hbm>>
    tpu.enqueue_dma source(%dma_start3A_73 : memref<16x128xf32, #tpu.memory_space<hbm>>) target(%dma_start3A_71 : memref<16x128xf32, #tpu.memory_space<vmem>>) target_semaphore(%arg10 : memref<!tpu.dma_semaphore, #tpu.memory_space<semaphore_mem>>)
    %slice3A_74 = vector.extract_strided_slice %mul3A_29 {offsets = [3], sizes = [1], strides = [1]} : vector<16xi32> to vector<1xi32>
    %squeeze3A_75 = vector.extract %slice3A_74[0] : i32 from vector<1xi32>
    %multiple_of3A_76 = tpu.assume_multiple %squeeze3A_75, 128 : i32
    %dma_start3A_77 = arith.constant 3 : i32
    %dma_start3A_78 = arith.constant 0 : i32
    %dma_start3A_79 = arith.constant 0 : i32
    %dma_start3A_80 = tpu.memref_slice %arg6[%dma_start3A_77, %dma_start3A_78, %dma_start3A_79] : memref<16x16x128xf32, #tpu.memory_space<vmem>> -> memref<1x16x128xf32, #tpu.memory_space<vmem>>
    %dma_start3A_81 = tpu.memref_squeeze %dma_start3A_80 : memref<1x16x128xf32, #tpu.memory_space<vmem>> -> memref<16x128xf32, #tpu.memory_space<vmem>>
    %dma_start3A_82 = arith.constant 0 : i32
    %dma_start3A_83 = tpu.memref_slice %arg3[%dma_start3A_82, %multiple_of3A_76] : memref<16x1000000xf32, #tpu.memory_space<hbm>> -> memref<16x128xf32, #tpu.memory_space<hbm>>
    %dma_start3A_84 = arith.constant 0 : i32
    %dma_start3A_85 = arith.constant 0 : i32
    %dma_start3A_86 = tpu.memref_slice %arg6[%dma_start3A_77, %dma_start3A_84, %dma_start3A_85] : memref<16x16x128xf32, #tpu.memory_space<vmem>> -> memref<1x16x128xf32, #tpu.memory_space<vmem>>
    %dma_start3A_87 = tpu.memref_squeeze %dma_start3A_86 : memref<1x16x128xf32, #tpu.memory_space<vmem>> -> memref<16x128xf32, #tpu.memory_space<vmem>>
    %dma_start3A_88 = arith.constant 0 : i32
    %dma_start3A_89 = tpu.memref_slice %arg3[%dma_start3A_88, %multiple_of3A_76] : memref<16x1000000xf32, #tpu.memory_space<hbm>> -> memref<16x128xf32, #tpu.memory_space<hbm>>
    tpu.enqueue_dma source(%dma_start3A_89 : memref<16x128xf32, #tpu.memory_space<hbm>>) target(%dma_start3A_87 : memref<16x128xf32, #tpu.memory_space<vmem>>) target_semaphore(%arg10 : memref<!tpu.dma_semaphore, #tpu.memory_space<semaphore_mem>>)
    %slice3A_90 = vector.extract_strided_slice %mul3A_29 {offsets = [4], sizes = [1], strides = [1]} : vector<16xi32> to vector<1xi32>
    %squeeze3A_91 = vector.extract %slice3A_90[0] : i32 from vector<1xi32>
    %multiple_of3A_92 = tpu.assume_multiple %squeeze3A_91, 128 : i32
    %dma_start3A_93 = arith.constant 4 : i32
    %dma_start3A_94 = arith.constant 0 : i32
    %dma_start3A_95 = arith.constant 0 : i32
    %dma_start3A_96 = tpu.memref_slice %arg6[%dma_start3A_93, %dma_start3A_94, %dma_start3A_95] : memref<16x16x128xf32, #tpu.memory_space<vmem>> -> memref<1x16x128xf32, #tpu.memory_space<vmem>>
    %dma_start3A_97 = tpu.memref_squeeze %dma_start3A_96 : memref<1x16x128xf32, #tpu.memory_space<vmem>> -> memref<16x128xf32, #tpu.memory_space<vmem>>
    %dma_start3A_98 = arith.constant 0 : i32
    %dma_start3A_99 = tpu.memref_slice %arg3[%dma_start3A_98, %multiple_of3A_92] : memref<16x1000000xf32, #tpu.memory_space<hbm>> -> memref<16x128xf32, #tpu.memory_space<hbm>>
    %dma_start3A_100 = arith.constant 0 : i32
    %dma_start3A_101 = arith.constant 0 : i32
    %dma_start3A_102 = tpu.memref_slice %arg6[%dma_start3A_93, %dma_start3A_100, %dma_start3A_101] : memref<16x16x128xf32, #tpu.memory_space<vmem>> -> memref<1x16x128xf32, #tpu.memory_space<vmem>>
    %dma_start3A_103 = tpu.memref_squeeze %dma_start3A_102 : memref<1x16x128xf32, #tpu.memory_space<vmem>> -> memref<16x128xf32, #tpu.memory_space<vmem>>
    %dma_start3A_104 = arith.constant 0 : i32
    %dma_start3A_105 = tpu.memref_slice %arg3[%dma_start3A_104, %multiple_of3A_92] : memref<16x1000000xf32, #tpu.memory_space<hbm>> -> memref<16x128xf32, #tpu.memory_space<hbm>>
    tpu.enqueue_dma source(%dma_start3A_105 : memref<16x128xf32, #tpu.memory_space<hbm>>) target(%dma_start3A_103 : memref<16x128xf32, #tpu.memory_space<vmem>>) target_semaphore(%arg10 : memref<!tpu.dma_semaphore, #tpu.memory_space<semaphore_mem>>)
    %slice3A_106 = vector.extract_strided_slice %mul3A_29 {offsets = [5], sizes = [1], strides = [1]} : vector<16xi32> to vector<1xi32>
    %squeeze3A_107 = vector.extract %slice3A_106[0] : i32 from vector<1xi32>
    %multiple_of3A_108 = tpu.assume_multiple %squeeze3A_107, 128 : i32
    %dma_start3A_109 = arith.constant 5 : i32
    %dma_start3A_110 = arith.constant 0 : i32
    %dma_start3A_111 = arith.constant 0 : i32
    %dma_start3A_112 = tpu.memref_slice %arg6[%dma_start3A_109, %dma_start3A_110, %dma_start3A_111] : memref<16x16x128xf32, #tpu.memory_space<vmem>> -> memref<1x16x128xf32, #tpu.memory_space<vmem>>
    %dma_start3A_113 = tpu.memref_squeeze %dma_start3A_112 : memref<1x16x128xf32, #tpu.memory_space<vmem>> -> memref<16x128xf32, #tpu.memory_space<vmem>>
    %dma_start3A_114 = arith.constant 0 : i32
    %dma_start3A_115 = tpu.memref_slice %arg3[%dma_start3A_114, %multiple_of3A_108] : memref<16x1000000xf32, #tpu.memory_space<hbm>> -> memref<16x128xf32, #tpu.memory_space<hbm>>
    %dma_start3A_116 = arith.constant 0 : i32
    %dma_start3A_117 = arith.constant 0 : i32
    %dma_start3A_118 = tpu.memref_slice %arg6[%dma_start3A_109, %dma_start3A_116, %dma_start3A_117] : memref<16x16x128xf32, #tpu.memory_space<vmem>> -> memref<1x16x128xf32, #tpu.memory_space<vmem>>
    %dma_start3A_119 = tpu.memref_squeeze %dma_start3A_118 : memref<1x16x128xf32, #tpu.memory_space<vmem>> -> memref<16x128xf32, #tpu.memory_space<vmem>>
    %dma_start3A_120 = arith.constant 0 : i32
    %dma_start3A_121 = tpu.memref_slice %arg3[%dma_start3A_120, %multiple_of3A_108] : memref<16x1000000xf32, #tpu.memory_space<hbm>> -> memref<16x128xf32, #tpu.memory_space<hbm>>
    tpu.enqueue_dma source(%dma_start3A_121 : memref<16x128xf32, #tpu.memory_space<hbm>>) target(%dma_start3A_119 : memref<16x128xf32, #tpu.memory_space<vmem>>) target_semaphore(%arg10 : memref<!tpu.dma_semaphore, #tpu.memory_space<semaphore_mem>>)
    %slice3A_122 = vector.extract_strided_slice %mul3A_29 {offsets = [6], sizes = [1], strides = [1]} : vector<16xi32> to vector<1xi32>
    %squeeze3A_123 = vector.extract %slice3A_122[0] : i32 from vector<1xi32>
    %multiple_of3A_124 = tpu.assume_multiple %squeeze3A_123, 128 : i32
    %dma_start3A_125 = arith.constant 6 : i32
    %dma_start3A_126 = arith.constant 0 : i32
    %dma_start3A_127 = arith.constant 0 : i32
    %dma_start3A_128 = tpu.memref_slice %arg6[%dma_start3A_125, %dma_start3A_126, %dma_start3A_127] : memref<16x16x128xf32, #tpu.memory_space<vmem>> -> memref<1x16x128xf32, #tpu.memory_space<vmem>>
    %dma_start3A_129 = tpu.memref_squeeze %dma_start3A_128 : memref<1x16x128xf32, #tpu.memory_space<vmem>> -> memref<16x128xf32, #tpu.memory_space<vmem>>
    %dma_start3A_130 = arith.constant 0 : i32
    %dma_start3A_131 = tpu.memref_slice %arg3[%dma_start3A_130, %multiple_of3A_124] : memref<16x1000000xf32, #tpu.memory_space<hbm>> -> memref<16x128xf32, #tpu.memory_space<hbm>>
    %dma_start3A_132 = arith.constant 0 : i32
    %dma_start3A_133 = arith.constant 0 : i32
    %dma_start3A_134 = tpu.memref_slice %arg6[%dma_start3A_125, %dma_start3A_132, %dma_start3A_133] : memref<16x16x128xf32, #tpu.memory_space<vmem>> -> memref<1x16x128xf32, #tpu.memory_space<vmem>>
    %dma_start3A_135 = tpu.memref_squeeze %dma_start3A_134 : memref<1x16x128xf32, #tpu.memory_space<vmem>> -> memref<16x128xf32, #tpu.memory_space<vmem>>
    %dma_start3A_136 = arith.constant 0 : i32
    %dma_start3A_137 = tpu.memref_slice %arg3[%dma_start3A_136, %multiple_of3A_124] : memref<16x1000000xf32, #tpu.memory_space<hbm>> -> memref<16x128xf32, #tpu.memory_space<hbm>>
    tpu.enqueue_dma source(%dma_start3A_137 : memref<16x128xf32, #tpu.memory_space<hbm>>) target(%dma_start3A_135 : memref<16x128xf32, #tpu.memory_space<vmem>>) target_semaphore(%arg10 : memref<!tpu.dma_semaphore, #tpu.memory_space<semaphore_mem>>)
    %slice3A_138 = vector.extract_strided_slice %mul3A_29 {offsets = [7], sizes = [1], strides = [1]} : vector<16xi32> to vector<1xi32>
    %squeeze3A_139 = vector.extract %slice3A_138[0] : i32 from vector<1xi32>
    %multiple_of3A_140 = tpu.assume_multiple %squeeze3A_139, 128 : i32
    %dma_start3A_141 = arith.constant 7 : i32
    %dma_start3A_142 = arith.constant 0 : i32
    %dma_start3A_143 = arith.constant 0 : i32
    %dma_start3A_144 = tpu.memref_slice %arg6[%dma_start3A_141, %dma_start3A_142, %dma_start3A_143] : memref<16x16x128xf32, #tpu.memory_space<vmem>> -> memref<1x16x128xf32, #tpu.memory_space<vmem>>
    %dma_start3A_145 = tpu.memref_squeeze %dma_start3A_144 : memref<1x16x128xf32, #tpu.memory_space<vmem>> -> memref<16x128xf32, #tpu.memory_space<vmem>>
    %dma_start3A_146 = arith.constant 0 : i32
    %dma_start3A_147 = tpu.memref_slice %arg3[%dma_start3A_146, %multiple_of3A_140] : memref<16x1000000xf32, #tpu.memory_space<hbm>> -> memref<16x128xf32, #tpu.memory_space<hbm>>
    %dma_start3A_148 = arith.constant 0 : i32
    %dma_start3A_149 = arith.constant 0 : i32
    %dma_start3A_150 = tpu.memref_slice %arg6[%dma_start3A_141, %dma_start3A_148, %dma_start3A_149] : memref<16x16x128xf32, #tpu.memory_space<vmem>> -> memref<1x16x128xf32, #tpu.memory_space<vmem>>
    %dma_start3A_151 = tpu.memref_squeeze %dma_start3A_150 : memref<1x16x128xf32, #tpu.memory_space<vmem>> -> memref<16x128xf32, #tpu.memory_space<vmem>>
    %dma_start3A_152 = arith.constant 0 : i32
    %dma_start3A_153 = tpu.memref_slice %arg3[%dma_start3A_152, %multiple_of3A_140] : memref<16x1000000xf32, #tpu.memory_space<hbm>> -> memref<16x128xf32, #tpu.memory_space<hbm>>
    tpu.enqueue_dma source(%dma_start3A_153 : memref<16x128xf32, #tpu.memory_space<hbm>>) target(%dma_start3A_151 : memref<16x128xf32, #tpu.memory_space<vmem>>) target_semaphore(%arg10 : memref<!tpu.dma_semaphore, #tpu.memory_space<semaphore_mem>>)
    %slice3A_154 = vector.extract_strided_slice %mul3A_29 {offsets = [8], sizes = [1], strides = [1]} : vector<16xi32> to vector<1xi32>
    %squeeze3A_155 = vector.extract %slice3A_154[0] : i32 from vector<1xi32>
    %multiple_of3A_156 = tpu.assume_multiple %squeeze3A_155, 128 : i32
    %dma_start3A_157 = arith.constant 8 : i32
    %dma_start3A_158 = arith.constant 0 : i32
    %dma_start3A_159 = arith.constant 0 : i32
    %dma_start3A_160 = tpu.memref_slice %arg6[%dma_start3A_157, %dma_start3A_158, %dma_start3A_159] : memref<16x16x128xf32, #tpu.memory_space<vmem>> -> memref<1x16x128xf32, #tpu.memory_space<vmem>>
    %dma_start3A_161 = tpu.memref_squeeze %dma_start3A_160 : memref<1x16x128xf32, #tpu.memory_space<vmem>> -> memref<16x128xf32, #tpu.memory_space<vmem>>
    %dma_start3A_162 = arith.constant 0 : i32
    %dma_start3A_163 = tpu.memref_slice %arg3[%dma_start3A_162, %multiple_of3A_156] : memref<16x1000000xf32, #tpu.memory_space<hbm>> -> memref<16x128xf32, #tpu.memory_space<hbm>>
    %dma_start3A_164 = arith.constant 0 : i32
    %dma_start3A_165 = arith.constant 0 : i32
    %dma_start3A_166 = tpu.memref_slice %arg6[%dma_start3A_157, %dma_start3A_164, %dma_start3A_165] : memref<16x16x128xf32, #tpu.memory_space<vmem>> -> memref<1x16x128xf32, #tpu.memory_space<vmem>>
    %dma_start3A_167 = tpu.memref_squeeze %dma_start3A_166 : memref<1x16x128xf32, #tpu.memory_space<vmem>> -> memref<16x128xf32, #tpu.memory_space<vmem>>
    %dma_start3A_168 = arith.constant 0 : i32
    %dma_start3A_169 = tpu.memref_slice %arg3[%dma_start3A_168, %multiple_of3A_156] : memref<16x1000000xf32, #tpu.memory_space<hbm>> -> memref<16x128xf32, #tpu.memory_space<hbm>>
    tpu.enqueue_dma source(%dma_start3A_169 : memref<16x128xf32, #tpu.memory_space<hbm>>) target(%dma_start3A_167 : memref<16x128xf32, #tpu.memory_space<vmem>>) target_semaphore(%arg10 : memref<!tpu.dma_semaphore, #tpu.memory_space<semaphore_mem>>)
    %slice3A_170 = vector.extract_strided_slice %mul3A_29 {offsets = [9], sizes = [1], strides = [1]} : vector<16xi32> to vector<1xi32>
    %squeeze3A_171 = vector.extract %slice3A_170[0] : i32 from vector<1xi32>
    %multiple_of3A_172 = tpu.assume_multiple %squeeze3A_171, 128 : i32
    %dma_start3A_173 = arith.constant 9 : i32
    %dma_start3A_174 = arith.constant 0 : i32
    %dma_start3A_175 = arith.constant 0 : i32
    %dma_start3A_176 = tpu.memref_slice %arg6[%dma_start3A_173, %dma_start3A_174, %dma_start3A_175] : memref<16x16x128xf32, #tpu.memory_space<vmem>> -> memref<1x16x128xf32, #tpu.memory_space<vmem>>
    %dma_start3A_177 = tpu.memref_squeeze %dma_start3A_176 : memref<1x16x128xf32, #tpu.memory_space<vmem>> -> memref<16x128xf32, #tpu.memory_space<vmem>>
    %dma_start3A_178 = arith.constant 0 : i32
    %dma_start3A_179 = tpu.memref_slice %arg3[%dma_start3A_178, %multiple_of3A_172] : memref<16x1000000xf32, #tpu.memory_space<hbm>> -> memref<16x128xf32, #tpu.memory_space<hbm>>
    %dma_start3A_180 = arith.constant 0 : i32
    %dma_start3A_181 = arith.constant 0 : i32
    %dma_start3A_182 = tpu.memref_slice %arg6[%dma_start3A_173, %dma_start3A_180, %dma_start3A_181] : memref<16x16x128xf32, #tpu.memory_space<vmem>> -> memref<1x16x128xf32, #tpu.memory_space<vmem>>
    %dma_start3A_183 = tpu.memref_squeeze %dma_start3A_182 : memref<1x16x128xf32, #tpu.memory_space<vmem>> -> memref<16x128xf32, #tpu.memory_space<vmem>>
    %dma_start3A_184 = arith.constant 0 : i32
    %dma_start3A_185 = tpu.memref_slice %arg3[%dma_start3A_184, %multiple_of3A_172] : memref<16x1000000xf32, #tpu.memory_space<hbm>> -> memref<16x128xf32, #tpu.memory_space<hbm>>
    tpu.enqueue_dma source(%dma_start3A_185 : memref<16x128xf32, #tpu.memory_space<hbm>>) target(%dma_start3A_183 : memref<16x128xf32, #tpu.memory_space<vmem>>) target_semaphore(%arg10 : memref<!tpu.dma_semaphore, #tpu.memory_space<semaphore_mem>>)
    %slice3A_186 = vector.extract_strided_slice %mul3A_29 {offsets = [10], sizes = [1], strides = [1]} : vector<16xi32> to vector<1xi32>
    %squeeze3A_187 = vector.extract %slice3A_186[0] : i32 from vector<1xi32>
    %multiple_of3A_188 = tpu.assume_multiple %squeeze3A_187, 128 : i32
    %dma_start3A_189 = arith.constant 10 : i32
    %dma_start3A_190 = arith.constant 0 : i32
    %dma_start3A_191 = arith.constant 0 : i32
    %dma_start3A_192 = tpu.memref_slice %arg6[%dma_start3A_189, %dma_start3A_190, %dma_start3A_191] : memref<16x16x128xf32, #tpu.memory_space<vmem>> -> memref<1x16x128xf32, #tpu.memory_space<vmem>>
    %dma_start3A_193 = tpu.memref_squeeze %dma_start3A_192 : memref<1x16x128xf32, #tpu.memory_space<vmem>> -> memref<16x128xf32, #tpu.memory_space<vmem>>
    %dma_start3A_194 = arith.constant 0 : i32
    %dma_start3A_195 = tpu.memref_slice %arg3[%dma_start3A_194, %multiple_of3A_188] : memref<16x1000000xf32, #tpu.memory_space<hbm>> -> memref<16x128xf32, #tpu.memory_space<hbm>>
    %dma_start3A_196 = arith.constant 0 : i32
    %dma_start3A_197 = arith.constant 0 : i32
    %dma_start3A_198 = tpu.memref_slice %arg6[%dma_start3A_189, %dma_start3A_196, %dma_start3A_197] : memref<16x16x128xf32, #tpu.memory_space<vmem>> -> memref<1x16x128xf32, #tpu.memory_space<vmem>>
    %dma_start3A_199 = tpu.memref_squeeze %dma_start3A_198 : memref<1x16x128xf32, #tpu.memory_space<vmem>> -> memref<16x128xf32, #tpu.memory_space<vmem>>
    %dma_start3A_200 = arith.constant 0 : i32
    %dma_start3A_201 = tpu.memref_slice %arg3[%dma_start3A_200, %multiple_of3A_188] : memref<16x1000000xf32, #tpu.memory_space<hbm>> -> memref<16x128xf32, #tpu.memory_space<hbm>>
    tpu.enqueue_dma source(%dma_start3A_201 : memref<16x128xf32, #tpu.memory_space<hbm>>) target(%dma_start3A_199 : memref<16x128xf32, #tpu.memory_space<vmem>>) target_semaphore(%arg10 : memref<!tpu.dma_semaphore, #tpu.memory_space<semaphore_mem>>)
    %slice3A_202 = vector.extract_strided_slice %mul3A_29 {offsets = [11], sizes = [1], strides = [1]} : vector<16xi32> to vector<1xi32>
    %squeeze3A_203 = vector.extract %slice3A_202[0] : i32 from vector<1xi32>
    %multiple_of3A_204 = tpu.assume_multiple %squeeze3A_203, 128 : i32
    %dma_start3A_205 = arith.constant 11 : i32
    %dma_start3A_206 = arith.constant 0 : i32
    %dma_start3A_207 = arith.constant 0 : i32
    %dma_start3A_208 = tpu.memref_slice %arg6[%dma_start3A_205, %dma_start3A_206, %dma_start3A_207] : memref<16x16x128xf32, #tpu.memory_space<vmem>> -> memref<1x16x128xf32, #tpu.memory_space<vmem>>
    %dma_start3A_209 = tpu.memref_squeeze %dma_start3A_208 : memref<1x16x128xf32, #tpu.memory_space<vmem>> -> memref<16x128xf32, #tpu.memory_space<vmem>>
    %dma_start3A_210 = arith.constant 0 : i32
    %dma_start3A_211 = tpu.memref_slice %arg3[%dma_start3A_210, %multiple_of3A_204] : memref<16x1000000xf32, #tpu.memory_space<hbm>> -> memref<16x128xf32, #tpu.memory_space<hbm>>
    %dma_start3A_212 = arith.constant 0 : i32
    %dma_start3A_213 = arith.constant 0 : i32
    %dma_start3A_214 = tpu.memref_slice %arg6[%dma_start3A_205, %dma_start3A_212, %dma_start3A_213] : memref<16x16x128xf32, #tpu.memory_space<vmem>> -> memref<1x16x128xf32, #tpu.memory_space<vmem>>
    %dma_start3A_215 = tpu.memref_squeeze %dma_start3A_214 : memref<1x16x128xf32, #tpu.memory_space<vmem>> -> memref<16x128xf32, #tpu.memory_space<vmem>>
    %dma_start3A_216 = arith.constant 0 : i32
    %dma_start3A_217 = tpu.memref_slice %arg3[%dma_start3A_216, %multiple_of3A_204] : memref<16x1000000xf32, #tpu.memory_space<hbm>> -> memref<16x128xf32, #tpu.memory_space<hbm>>
    tpu.enqueue_dma source(%dma_start3A_217 : memref<16x128xf32, #tpu.memory_space<hbm>>) target(%dma_start3A_215 : memref<16x128xf32, #tpu.memory_space<vmem>>) target_semaphore(%arg10 : memref<!tpu.dma_semaphore, #tpu.memory_space<semaphore_mem>>)
    %slice3A_218 = vector.extract_strided_slice %mul3A_29 {offsets = [12], sizes = [1], strides = [1]} : vector<16xi32> to vector<1xi32>
    %squeeze3A_219 = vector.extract %slice3A_218[0] : i32 from vector<1xi32>
    %multiple_of3A_220 = tpu.assume_multiple %squeeze3A_219, 128 : i32
    %dma_start3A_221 = arith.constant 12 : i32
    %dma_start3A_222 = arith.constant 0 : i32
    %dma_start3A_223 = arith.constant 0 : i32
    %dma_start3A_224 = tpu.memref_slice %arg6[%dma_start3A_221, %dma_start3A_222, %dma_start3A_223] : memref<16x16x128xf32, #tpu.memory_space<vmem>> -> memref<1x16x128xf32, #tpu.memory_space<vmem>>
    %dma_start3A_225 = tpu.memref_squeeze %dma_start3A_224 : memref<1x16x128xf32, #tpu.memory_space<vmem>> -> memref<16x128xf32, #tpu.memory_space<vmem>>
    %dma_start3A_226 = arith.constant 0 : i32
    %dma_start3A_227 = tpu.memref_slice %arg3[%dma_start3A_226, %multiple_of3A_220] : memref<16x1000000xf32, #tpu.memory_space<hbm>> -> memref<16x128xf32, #tpu.memory_space<hbm>>
    %dma_start3A_228 = arith.constant 0 : i32
    %dma_start3A_229 = arith.constant 0 : i32
    %dma_start3A_230 = tpu.memref_slice %arg6[%dma_start3A_221, %dma_start3A_228, %dma_start3A_229] : memref<16x16x128xf32, #tpu.memory_space<vmem>> -> memref<1x16x128xf32, #tpu.memory_space<vmem>>
    %dma_start3A_231 = tpu.memref_squeeze %dma_start3A_230 : memref<1x16x128xf32, #tpu.memory_space<vmem>> -> memref<16x128xf32, #tpu.memory_space<vmem>>
    %dma_start3A_232 = arith.constant 0 : i32
    %dma_start3A_233 = tpu.memref_slice %arg3[%dma_start3A_232, %multiple_of3A_220] : memref<16x1000000xf32, #tpu.memory_space<hbm>> -> memref<16x128xf32, #tpu.memory_space<hbm>>
    tpu.enqueue_dma source(%dma_start3A_233 : memref<16x128xf32, #tpu.memory_space<hbm>>) target(%dma_start3A_231 : memref<16x128xf32, #tpu.memory_space<vmem>>) target_semaphore(%arg10 : memref<!tpu.dma_semaphore, #tpu.memory_space<semaphore_mem>>)
    %slice3A_234 = vector.extract_strided_slice %mul3A_29 {offsets = [13], sizes = [1], strides = [1]} : vector<16xi32> to vector<1xi32>
    %squeeze3A_235 = vector.extract %slice3A_234[0] : i32 from vector<1xi32>
    %multiple_of3A_236 = tpu.assume_multiple %squeeze3A_235, 128 : i32
    %dma_start3A_237 = arith.constant 13 : i32
    %dma_start3A_238 = arith.constant 0 : i32
    %dma_start3A_239 = arith.constant 0 : i32
    %dma_start3A_240 = tpu.memref_slice %arg6[%dma_start3A_237, %dma_start3A_238, %dma_start3A_239] : memref<16x16x128xf32, #tpu.memory_space<vmem>> -> memref<1x16x128xf32, #tpu.memory_space<vmem>>
    %dma_start3A_241 = tpu.memref_squeeze %dma_start3A_240 : memref<1x16x128xf32, #tpu.memory_space<vmem>> -> memref<16x128xf32, #tpu.memory_space<vmem>>
    %dma_start3A_242 = arith.constant 0 : i32
    %dma_start3A_243 = tpu.memref_slice %arg3[%dma_start3A_242, %multiple_of3A_236] : memref<16x1000000xf32, #tpu.memory_space<hbm>> -> memref<16x128xf32, #tpu.memory_space<hbm>>
    %dma_start3A_244 = arith.constant 0 : i32
    %dma_start3A_245 = arith.constant 0 : i32
    %dma_start3A_246 = tpu.memref_slice %arg6[%dma_start3A_237, %dma_start3A_244, %dma_start3A_245] : memref<16x16x128xf32, #tpu.memory_space<vmem>> -> memref<1x16x128xf32, #tpu.memory_space<vmem>>
    %dma_start3A_247 = tpu.memref_squeeze %dma_start3A_246 : memref<1x16x128xf32, #tpu.memory_space<vmem>> -> memref<16x128xf32, #tpu.memory_space<vmem>>
    %dma_start3A_248 = arith.constant 0 : i32
    %dma_start3A_249 = tpu.memref_slice %arg3[%dma_start3A_248, %multiple_of3A_236] : memref<16x1000000xf32, #tpu.memory_space<hbm>> -> memref<16x128xf32, #tpu.memory_space<hbm>>
    tpu.enqueue_dma source(%dma_start3A_249 : memref<16x128xf32, #tpu.memory_space<hbm>>) target(%dma_start3A_247 : memref<16x128xf32, #tpu.memory_space<vmem>>) target_semaphore(%arg10 : memref<!tpu.dma_semaphore, #tpu.memory_space<semaphore_mem>>)
    %slice3A_250 = vector.extract_strided_slice %mul3A_29 {offsets = [14], sizes = [1], strides = [1]} : vector<16xi32> to vector<1xi32>
    %squeeze3A_251 = vector.extract %slice3A_250[0] : i32 from vector<1xi32>
    %multiple_of3A_252 = tpu.assume_multiple %squeeze3A_251, 128 : i32
    %dma_start3A_253 = arith.constant 14 : i32
    %dma_start3A_254 = arith.constant 0 : i32
    %dma_start3A_255 = arith.constant 0 : i32
    %dma_start3A_256 = tpu.memref_slice %arg6[%dma_start3A_253, %dma_start3A_254, %dma_start3A_255] : memref<16x16x128xf32, #tpu.memory_space<vmem>> -> memref<1x16x128xf32, #tpu.memory_space<vmem>>
    %dma_start3A_257 = tpu.memref_squeeze %dma_start3A_256 : memref<1x16x128xf32, #tpu.memory_space<vmem>> -> memref<16x128xf32, #tpu.memory_space<vmem>>
    %dma_start3A_258 = arith.constant 0 : i32
    %dma_start3A_259 = tpu.memref_slice %arg3[%dma_start3A_258, %multiple_of3A_252] : memref<16x1000000xf32, #tpu.memory_space<hbm>> -> memref<16x128xf32, #tpu.memory_space<hbm>>
    %dma_start3A_260 = arith.constant 0 : i32
    %dma_start3A_261 = arith.constant 0 : i32
    %dma_start3A_262 = tpu.memref_slice %arg6[%dma_start3A_253, %dma_start3A_260, %dma_start3A_261] : memref<16x16x128xf32, #tpu.memory_space<vmem>> -> memref<1x16x128xf32, #tpu.memory_space<vmem>>
    %dma_start3A_263 = tpu.memref_squeeze %dma_start3A_262 : memref<1x16x128xf32, #tpu.memory_space<vmem>> -> memref<16x128xf32, #tpu.memory_space<vmem>>
    %dma_start3A_264 = arith.constant 0 : i32
    %dma_start3A_265 = tpu.memref_slice %arg3[%dma_start3A_264, %multiple_of3A_252] : memref<16x1000000xf32, #tpu.memory_space<hbm>> -> memref<16x128xf32, #tpu.memory_space<hbm>>
    tpu.enqueue_dma source(%dma_start3A_265 : memref<16x128xf32, #tpu.memory_space<hbm>>) target(%dma_start3A_263 : memref<16x128xf32, #tpu.memory_space<vmem>>) target_semaphore(%arg10 : memref<!tpu.dma_semaphore, #tpu.memory_space<semaphore_mem>>)
    %slice3A_266 = vector.extract_strided_slice %mul3A_29 {offsets = [15], sizes = [1], strides = [1]} : vector<16xi32> to vector<1xi32>
    %squeeze3A_267 = vector.extract %slice3A_266[0] : i32 from vector<1xi32>
    %multiple_of3A_268 = tpu.assume_multiple %squeeze3A_267, 128 : i32
    %dma_start3A_269 = arith.constant 15 : i32
    %dma_start3A_270 = arith.constant 0 : i32
    %dma_start3A_271 = arith.constant 0 : i32
    %dma_start3A_272 = tpu.memref_slice %arg6[%dma_start3A_269, %dma_start3A_270, %dma_start3A_271] : memref<16x16x128xf32, #tpu.memory_space<vmem>> -> memref<1x16x128xf32, #tpu.memory_space<vmem>>
    %dma_start3A_273 = tpu.memref_squeeze %dma_start3A_272 : memref<1x16x128xf32, #tpu.memory_space<vmem>> -> memref<16x128xf32, #tpu.memory_space<vmem>>
    %dma_start3A_274 = arith.constant 0 : i32
    %dma_start3A_275 = tpu.memref_slice %arg3[%dma_start3A_274, %multiple_of3A_268] : memref<16x1000000xf32, #tpu.memory_space<hbm>> -> memref<16x128xf32, #tpu.memory_space<hbm>>
    %dma_start3A_276 = arith.constant 0 : i32
    %dma_start3A_277 = arith.constant 0 : i32
    %dma_start3A_278 = tpu.memref_slice %arg6[%dma_start3A_269, %dma_start3A_276, %dma_start3A_277] : memref<16x16x128xf32, #tpu.memory_space<vmem>> -> memref<1x16x128xf32, #tpu.memory_space<vmem>>
    %dma_start3A_279 = tpu.memref_squeeze %dma_start3A_278 : memref<1x16x128xf32, #tpu.memory_space<vmem>> -> memref<16x128xf32, #tpu.memory_space<vmem>>
    %dma_start3A_280 = arith.constant 0 : i32
    %dma_start3A_281 = tpu.memref_slice %arg3[%dma_start3A_280, %multiple_of3A_268] : memref<16x1000000xf32, #tpu.memory_space<hbm>> -> memref<16x128xf32, #tpu.memory_space<hbm>>
    tpu.enqueue_dma source(%dma_start3A_281 : memref<16x128xf32, #tpu.memory_space<hbm>>) target(%dma_start3A_279 : memref<16x128xf32, #tpu.memory_space<vmem>>) target_semaphore(%arg10 : memref<!tpu.dma_semaphore, #tpu.memory_space<semaphore_mem>>)
    %get3A_282 = arith.constant 16 : index
    %get3A_283 = tpu.vector_load %arg5[%get3A_282] {strides = array<i32>} : memref<512xi32, #tpu.memory_space<vmem>>, vector<16xi32>,
    %jit3A_284 = arith.constant 128 : i32
    %div3A_285 = vector.broadcast %jit3A_284 : i32 to vector<16xi32>
    %div3A_286 = arith.divsi %get3A_283, %div3A_285 : vector<16xi32>
    %sign3A_287 = arith.constant 0 : i32
    %sign3A_288 = vector.broadcast %sign3A_287 : i32 to vector<16xi32>
    %sign3A_289 = arith.cmpi sgt, %get3A_283, %sign3A_288 : vector<16xi32>
    %sign3A_290 = arith.extui %sign3A_289 : vector<16xi1> to vector<16xi32>
    %sign3A_291 = arith.constant 0 : i32
    %sign3A_292 = vector.broadcast %sign3A_291 : i32 to vector<16xi32>
    %sign3A_293 = arith.cmpi slt, %get3A_283, %sign3A_292 : vector<16xi32>
    %sign3A_294 = arith.extui %sign3A_293 : vector<16xi1> to vector<16xi32>
    %sign3A_295 = arith.subi %sign3A_290, %sign3A_294 : vector<16xi32>
    %sign3A_296 = arith.constant 0 : i32
    %sign3A_297 = arith.cmpi sgt, %jit3A_284, %sign3A_296 : i32
    %sign3A_298 = arith.extui %sign3A_297 : i1 to i32
    %sign3A_299 = arith.constant 0 : i32
    %sign3A_300 = arith.cmpi slt, %jit3A_284, %sign3A_299 : i32
    %sign3A_301 = arith.extui %sign3A_300 : i1 to i32
    %sign3A_302 = arith.subi %sign3A_298, %sign3A_301 : i32
    %ne3A_303 = vector.broadcast %sign3A_302 : i32 to vector<16xi32>
    %ne3A_304 = arith.cmpi ne, %sign3A_295, %ne3A_303 : vector<16xi32>
    %rem3A_305 = vector.broadcast %jit3A_284 : i32 to vector<16xi32>
    %rem3A_306 = arith.remsi %get3A_283, %rem3A_305 : vector<16xi32>
    %ne3A_307 = arith.constant 0 : i32
    %ne3A_308 = vector.broadcast %ne3A_307 : i32 to vector<16xi32>
    %ne3A_309 = arith.cmpi ne, %rem3A_306, %ne3A_308 : vector<16xi32>
    %and3A_310 = arith.andi %ne3A_304, %ne3A_309 : vector<16xi1>
    %sub3A_311 = arith.constant 1 : i32
    %sub3A_312 = vector.broadcast %sub3A_311 : i32 to vector<16xi32>
    %sub3A_313 = arith.subi %div3A_286, %sub3A_312 : vector<16xi32>
    %select_n3A_314 = arith.select %and3A_310, %sub3A_313, %div3A_286 : vector<16xi1>, vector<16xi32>
    %mul3A_315 = arith.constant 128 : i32
    %mul3A_316 = vector.broadcast %mul3A_315 : i32 to vector<16xi32>
    %mul3A_317 = arith.muli %select_n3A_314, %mul3A_316 : vector<16xi32>
    %slice3A_318 = vector.extract_strided_slice %mul3A_317 {offsets = [0], sizes = [1], strides = [1]} : vector<16xi32> to vector<1xi32>
    %squeeze3A_319 = vector.extract %slice3A_318[0] : i32 from vector<1xi32>
    %multiple_of3A_320 = tpu.assume_multiple %squeeze3A_319, 128 : i32
    %dma_start3A_321 = arith.constant 0 : i32
    %dma_start3A_322 = arith.constant 0 : i32
    %dma_start3A_323 = arith.constant 0 : i32
    %dma_start3A_324 = tpu.memref_slice %arg7[%dma_start3A_321, %dma_start3A_322, %dma_start3A_323] : memref<16x16x128xf32, #tpu.memory_space<vmem>> -> memref<1x16x128xf32, #tpu.memory_space<vmem>>
    %dma_start3A_325 = tpu.memref_squeeze %dma_start3A_324 : memref<1x16x128xf32, #tpu.memory_space<vmem>> -> memref<16x128xf32, #tpu.memory_space<vmem>>
    %dma_start3A_326 = arith.constant 0 : i32
    %dma_start3A_327 = tpu.memref_slice %arg3[%dma_start3A_326, %multiple_of3A_320] : memref<16x1000000xf32, #tpu.memory_space<hbm>> -> memref<16x128xf32, #tpu.memory_space<hbm>>
    %dma_start3A_328 = arith.constant 0 : i32
    %dma_start3A_329 = arith.constant 0 : i32
    %dma_start3A_330 = tpu.memref_slice %arg7[%dma_start3A_321, %dma_start3A_328, %dma_start3A_329] : memref<16x16x128xf32, #tpu.memory_space<vmem>> -> memref<1x16x128xf32, #tpu.memory_space<vmem>>
    %dma_start3A_331 = tpu.memref_squeeze %dma_start3A_330 : memref<1x16x128xf32, #tpu.memory_space<vmem>> -> memref<16x128xf32, #tpu.memory_space<vmem>>
    %dma_start3A_332 = arith.constant 0 : i32
    %dma_start3A_333 = tpu.memref_slice %arg3[%dma_start3A_332, %multiple_of3A_320] : memref<16x1000000xf32, #tpu.memory_space<hbm>> -> memref<16x128xf32, #tpu.memory_space<hbm>>
    tpu.enqueue_dma source(%dma_start3A_333 : memref<16x128xf32, #tpu.memory_space<hbm>>) target(%dma_start3A_331 : memref<16x128xf32, #tpu.memory_space<vmem>>) target_semaphore(%arg11 : memref<!tpu.dma_semaphore, #tpu.memory_space<semaphore_mem>>)
    %slice3A_334 = vector.extract_strided_slice %mul3A_317 {offsets = [1], sizes = [1], strides = [1]} : vector<16xi32> to vector<1xi32>
    %squeeze3A_335 = vector.extract %slice3A_334[0] : i32 from vector<1xi32>
    %multiple_of3A_336 = tpu.assume_multiple %squeeze3A_335, 128 : i32
    %dma_start3A_337 = arith.constant 1 : i32
    %dma_start3A_338 = arith.constant 0 : i32
    %dma_start3A_339 = arith.constant 0 : i32
    %dma_start3A_340 = tpu.memref_slice %arg7[%dma_start3A_337, %dma_start3A_338, %dma_start3A_339] : memref<16x16x128xf32, #tpu.memory_space<vmem>> -> memref<1x16x128xf32, #tpu.memory_space<vmem>>
    %dma_start3A_341 = tpu.memref_squeeze %dma_start3A_340 : memref<1x16x128xf32, #tpu.memory_space<vmem>> -> memref<16x128xf32, #tpu.memory_space<vmem>>
    %dma_start3A_342 = arith.constant 0 : i32
    %dma_start3A_343 = tpu.memref_slice %arg3[%dma_start3A_342, %multiple_of3A_336] : memref<16x1000000xf32, #tpu.memory_space<hbm>> -> memref<16x128xf32, #tpu.memory_space<hbm>>
    %dma_start3A_344 = arith.constant 0 : i32
    %dma_start3A_345 = arith.constant 0 : i32
    %dma_start3A_346 = tpu.memref_slice %arg7[%dma_start3A_337, %dma_start3A_344, %dma_start3A_345] : memref<16x16x128xf32, #tpu.memory_space<vmem>> -> memref<1x16x128xf32, #tpu.memory_space<vmem>>
    %dma_start3A_347 = tpu.memref_squeeze %dma_start3A_346 : memref<1x16x128xf32, #tpu.memory_space<vmem>> -> memref<16x128xf32, #tpu.memory_space<vmem>>
    %dma_start3A_348 = arith.constant 0 : i32
    %dma_start3A_349 = tpu.memref_slice %arg3[%dma_start3A_348, %multiple_of3A_336] : memref<16x1000000xf32, #tpu.memory_space<hbm>> -> memref<16x128xf32, #tpu.memory_space<hbm>>
    tpu.enqueue_dma source(%dma_start3A_349 : memref<16x128xf32, #tpu.memory_space<hbm>>) target(%dma_start3A_347 : memref<16x128xf32, #tpu.memory_space<vmem>>) target_semaphore(%arg11 : memref<!tpu.dma_semaphore, #tpu.memory_space<semaphore_mem>>)
    %slice3A_350 = vector.extract_strided_slice %mul3A_317 {offsets = [2], sizes = [1], strides = [1]} : vector<16xi32> to vector<1xi32>
    %squeeze3A_351 = vector.extract %slice3A_350[0] : i32 from vector<1xi32>
    %multiple_of3A_352 = tpu.assume_multiple %squeeze3A_351, 128 : i32
    %dma_start3A_353 = arith.constant 2 : i32
    %dma_start3A_354 = arith.constant 0 : i32
    %dma_start3A_355 = arith.constant 0 : i32
    %dma_start3A_356 = tpu.memref_slice %arg7[%dma_start3A_353, %dma_start3A_354, %dma_start3A_355] : memref<16x16x128xf32, #tpu.memory_space<vmem>> -> memref<1x16x128xf32, #tpu.memory_space<vmem>>
    %dma_start3A_357 = tpu.memref_squeeze %dma_start3A_356 : memref<1x16x128xf32, #tpu.memory_space<vmem>> -> memref<16x128xf32, #tpu.memory_space<vmem>>
    %dma_start3A_358 = arith.constant 0 : i32
    %dma_start3A_359 = tpu.memref_slice %arg3[%dma_start3A_358, %multiple_of3A_352] : memref<16x1000000xf32, #tpu.memory_space<hbm>> -> memref<16x128xf32, #tpu.memory_space<hbm>>
    %dma_start3A_360 = arith.constant 0 : i32
    %dma_start3A_361 = arith.constant 0 : i32
    %dma_start3A_362 = tpu.memref_slice %arg7[%dma_start3A_353, %dma_start3A_360, %dma_start3A_361] : memref<16x16x128xf32, #tpu.memory_space<vmem>> -> memref<1x16x128xf32, #tpu.memory_space<vmem>>
    %dma_start3A_363 = tpu.memref_squeeze %dma_start3A_362 : memref<1x16x128xf32, #tpu.memory_space<vmem>> -> memref<16x128xf32, #tpu.memory_space<vmem>>
    %dma_start3A_364 = arith.constant 0 : i32
    %dma_start3A_365 = tpu.memref_slice %arg3[%dma_start3A_364, %multiple_of3A_352] : memref<16x1000000xf32, #tpu.memory_space<hbm>> -> memref<16x128xf32, #tpu.memory_space<hbm>>
    tpu.enqueue_dma source(%dma_start3A_365 : memref<16x128xf32, #tpu.memory_space<hbm>>) target(%dma_start3A_363 : memref<16x128xf32, #tpu.memory_space<vmem>>) target_semaphore(%arg11 : memref<!tpu.dma_semaphore, #tpu.memory_space<semaphore_mem>>)
    %slice3A_366 = vector.extract_strided_slice %mul3A_317 {offsets = [3], sizes = [1], strides = [1]} : vector<16xi32> to vector<1xi32>
    %squeeze3A_367 = vector.extract %slice3A_366[0] : i32 from vector<1xi32>
    %multiple_of3A_368 = tpu.assume_multiple %squeeze3A_367, 128 : i32
    %dma_start3A_369 = arith.constant 3 : i32
    %dma_start3A_370 = arith.constant 0 : i32
    %dma_start3A_371 = arith.constant 0 : i32
    %dma_start3A_372 = tpu.memref_slice %arg7[%dma_start3A_369, %dma_start3A_370, %dma_start3A_371] : memref<16x16x128xf32, #tpu.memory_space<vmem>> -> memref<1x16x128xf32, #tpu.memory_space<vmem>>
    %dma_start3A_373 = tpu.memref_squeeze %dma_start3A_372 : memref<1x16x128xf32, #tpu.memory_space<vmem>> -> memref<16x128xf32, #tpu.memory_space<vmem>>
    %dma_start3A_374 = arith.constant 0 : i32
    %dma_start3A_375 = tpu.memref_slice %arg3[%dma_start3A_374, %multiple_of3A_368] : memref<16x1000000xf32, #tpu.memory_space<hbm>> -> memref<16x128xf32, #tpu.memory_space<hbm>>
    %dma_start3A_376 = arith.constant 0 : i32
    %dma_start3A_377 = arith.constant 0 : i32
    %dma_start3A_378 = tpu.memref_slice %arg7[%dma_start3A_369, %dma_start3A_376, %dma_start3A_377] : memref<16x16x128xf32, #tpu.memory_space<vmem>> -> memref<1x16x128xf32, #tpu.memory_space<vmem>>
    %dma_start3A_379 = tpu.memref_squeeze %dma_start3A_378 : memref<1x16x128xf32, #tpu.memory_space<vmem>> -> memref<16x128xf32, #tpu.memory_space<vmem>>
    %dma_start3A_380 = arith.constant 0 : i32
    %dma_start3A_381 = tpu.memref_slice %arg3[%dma_start3A_380, %multiple_of3A_368] : memref<16x1000000xf32, #tpu.memory_space<hbm>> -> memref<16x128xf32, #tpu.memory_space<hbm>>
    tpu.enqueue_dma source(%dma_start3A_381 : memref<16x128xf32, #tpu.memory_space<hbm>>) target(%dma_start3A_379 : memref<16x128xf32, #tpu.memory_space<vmem>>) target_semaphore(%arg11 : memref<!tpu.dma_semaphore, #tpu.memory_space<semaphore_mem>>)
    %slice3A_382 = vector.extract_strided_slice %mul3A_317 {offsets = [4], sizes = [1], strides = [1]} : vector<16xi32> to vector<1xi32>
    %squeeze3A_383 = vector.extract %slice3A_382[0] : i32 from vector<1xi32>
    %multiple_of3A_384 = tpu.assume_multiple %squeeze3A_383, 128 : i32
    %dma_start3A_385 = arith.constant 4 : i32
    %dma_start3A_386 = arith.constant 0 : i32
    %dma_start3A_387 = arith.constant 0 : i32
    %dma_start3A_388 = tpu.memref_slice %arg7[%dma_start3A_385, %dma_start3A_386, %dma_start3A_387] : memref<16x16x128xf32, #tpu.memory_space<vmem>> -> memref<1x16x128xf32, #tpu.memory_space<vmem>>
    %dma_start3A_389 = tpu.memref_squeeze %dma_start3A_388 : memref<1x16x128xf32, #tpu.memory_space<vmem>> -> memref<16x128xf32, #tpu.memory_space<vmem>>
    %dma_start3A_390 = arith.constant 0 : i32
    %dma_start3A_391 = tpu.memref_slice %arg3[%dma_start3A_390, %multiple_of3A_384] : memref<16x1000000xf32, #tpu.memory_space<hbm>> -> memref<16x128xf32, #tpu.memory_space<hbm>>
    %dma_start3A_392 = arith.constant 0 : i32
    %dma_start3A_393 = arith.constant 0 : i32
    %dma_start3A_394 = tpu.memref_slice %arg7[%dma_start3A_385, %dma_start3A_392, %dma_start3A_393] : memref<16x16x128xf32, #tpu.memory_space<vmem>> -> memref<1x16x128xf32, #tpu.memory_space<vmem>>
    %dma_start3A_395 = tpu.memref_squeeze %dma_start3A_394 : memref<1x16x128xf32, #tpu.memory_space<vmem>> -> memref<16x128xf32, #tpu.memory_space<vmem>>
    %dma_start3A_396 = arith.constant 0 : i32
    %dma_start3A_397 = tpu.memref_slice %arg3[%dma_start3A_396, %multiple_of3A_384] : memref<16x1000000xf32, #tpu.memory_space<hbm>> -> memref<16x128xf32, #tpu.memory_space<hbm>>
    tpu.enqueue_dma source(%dma_start3A_397 : memref<16x128xf32, #tpu.memory_space<hbm>>) target(%dma_start3A_395 : memref<16x128xf32, #tpu.memory_space<vmem>>) target_semaphore(%arg11 : memref<!tpu.dma_semaphore, #tpu.memory_space<semaphore_mem>>)
    %slice3A_398 = vector.extract_strided_slice %mul3A_317 {offsets = [5], sizes = [1], strides = [1]} : vector<16xi32> to vector<1xi32>
    %squeeze3A_399 = vector.extract %slice3A_398[0] : i32 from vector<1xi32>
    %multiple_of3A_400 = tpu.assume_multiple %squeeze3A_399, 128 : i32
    %dma_start3A_401 = arith.constant 5 : i32
    %dma_start3A_402 = arith.constant 0 : i32
    %dma_start3A_403 = arith.constant 0 : i32
    %dma_start3A_404 = tpu.memref_slice %arg7[%dma_start3A_401, %dma_start3A_402, %dma_start3A_403] : memref<16x16x128xf32, #tpu.memory_space<vmem>> -> memref<1x16x128xf32, #tpu.memory_space<vmem>>
    %dma_start3A_405 = tpu.memref_squeeze %dma_start3A_404 : memref<1x16x128xf32, #tpu.memory_space<vmem>> -> memref<16x128xf32, #tpu.memory_space<vmem>>
    %dma_start3A_406 = arith.constant 0 : i32
    %dma_start3A_407 = tpu.memref_slice %arg3[%dma_start3A_406, %multiple_of3A_400] : memref<16x1000000xf32, #tpu.memory_space<hbm>> -> memref<16x128xf32, #tpu.memory_space<hbm>>
    %dma_start3A_408 = arith.constant 0 : i32
    %dma_start3A_409 = arith.constant 0 : i32
    %dma_start3A_410 = tpu.memref_slice %arg7[%dma_start3A_401, %dma_start3A_408, %dma_start3A_409] : memref<16x16x128xf32, #tpu.memory_space<vmem>> -> memref<1x16x128xf32, #tpu.memory_space<vmem>>
    %dma_start3A_411 = tpu.memref_squeeze %dma_start3A_410 : memref<1x16x128xf32, #tpu.memory_space<vmem>> -> memref<16x128xf32, #tpu.memory_space<vmem>>
    %dma_start3A_412 = arith.constant 0 : i32
    %dma_start3A_413 = tpu.memref_slice %arg3[%dma_start3A_412, %multiple_of3A_400] : memref<16x1000000xf32, #tpu.memory_space<hbm>> -> memref<16x128xf32, #tpu.memory_space<hbm>>
    tpu.enqueue_dma source(%dma_start3A_413 : memref<16x128xf32, #tpu.memory_space<hbm>>) target(%dma_start3A_411 : memref<16x128xf32, #tpu.memory_space<vmem>>) target_semaphore(%arg11 : memref<!tpu.dma_semaphore, #tpu.memory_space<semaphore_mem>>)
    %slice3A_414 = vector.extract_strided_slice %mul3A_317 {offsets = [6], sizes = [1], strides = [1]} : vector<16xi32> to vector<1xi32>
    %squeeze3A_415 = vector.extract %slice3A_414[0] : i32 from vector<1xi32>
    %multiple_of3A_416 = tpu.assume_multiple %squeeze3A_415, 128 : i32
    %dma_start3A_417 = arith.constant 6 : i32
    %dma_start3A_418 = arith.constant 0 : i32
    %dma_start3A_419 = arith.constant 0 : i32
    %dma_start3A_420 = tpu.memref_slice %arg7[%dma_start3A_417, %dma_start3A_418, %dma_start3A_419] : memref<16x16x128xf32, #tpu.memory_space<vmem>> -> memref<1x16x128xf32, #tpu.memory_space<vmem>>
    %dma_start3A_421 = tpu.memref_squeeze %dma_start3A_420 : memref<1x16x128xf32, #tpu.memory_space<vmem>> -> memref<16x128xf32, #tpu.memory_space<vmem>>
    %dma_start3A_422 = arith.constant 0 : i32
    %dma_start3A_423 = tpu.memref_slice %arg3[%dma_start3A_422, %multiple_of3A_416] : memref<16x1000000xf32, #tpu.memory_space<hbm>> -> memref<16x128xf32, #tpu.memory_space<hbm>>
    %dma_start3A_424 = arith.constant 0 : i32
    %dma_start3A_425 = arith.constant 0 : i32
    %dma_start3A_426 = tpu.memref_slice %arg7[%dma_start3A_417, %dma_start3A_424, %dma_start3A_425] : memref<16x16x128xf32, #tpu.memory_space<vmem>> -> memref<1x16x128xf32, #tpu.memory_space<vmem>>
    %dma_start3A_427 = tpu.memref_squeeze %dma_start3A_426 : memref<1x16x128xf32, #tpu.memory_space<vmem>> -> memref<16x128xf32, #tpu.memory_space<vmem>>
    %dma_start3A_428 = arith.constant 0 : i32
    %dma_start3A_429 = tpu.memref_slice %arg3[%dma_start3A_428, %multiple_of3A_416] : memref<16x1000000xf32, #tpu.memory_space<hbm>> -> memref<16x128xf32, #tpu.memory_space<hbm>>
    tpu.enqueue_dma source(%dma_start3A_429 : memref<16x128xf32, #tpu.memory_space<hbm>>) target(%dma_start3A_427 : memref<16x128xf32, #tpu.memory_space<vmem>>) target_semaphore(%arg11 : memref<!tpu.dma_semaphore, #tpu.memory_space<semaphore_mem>>)
    %slice3A_430 = vector.extract_strided_slice %mul3A_317 {offsets = [7], sizes = [1], strides = [1]} : vector<16xi32> to vector<1xi32>
    %squeeze3A_431 = vector.extract %slice3A_430[0] : i32 from vector<1xi32>
    %multiple_of3A_432 = tpu.assume_multiple %squeeze3A_431, 128 : i32
    %dma_start3A_433 = arith.constant 7 : i32
    %dma_start3A_434 = arith.constant 0 : i32
    %dma_start3A_435 = arith.constant 0 : i32
    %dma_start3A_436 = tpu.memref_slice %arg7[%dma_start3A_433, %dma_start3A_434, %dma_start3A_435] : memref<16x16x128xf32, #tpu.memory_space<vmem>> -> memref<1x16x128xf32, #tpu.memory_space<vmem>>
    %dma_start3A_437 = tpu.memref_squeeze %dma_start3A_436 : memref<1x16x128xf32, #tpu.memory_space<vmem>> -> memref<16x128xf32, #tpu.memory_space<vmem>>
    %dma_start3A_438 = arith.constant 0 : i32
    %dma_start3A_439 = tpu.memref_slice %arg3[%dma_start3A_438, %multiple_of3A_432] : memref<16x1000000xf32, #tpu.memory_space<hbm>> -> memref<16x128xf32, #tpu.memory_space<hbm>>
    %dma_start3A_440 = arith.constant 0 : i32
    %dma_start3A_441 = arith.constant 0 : i32
    %dma_start3A_442 = tpu.memref_slice %arg7[%dma_start3A_433, %dma_start3A_440, %dma_start3A_441] : memref<16x16x128xf32, #tpu.memory_space<vmem>> -> memref<1x16x128xf32, #tpu.memory_space<vmem>>
    %dma_start3A_443 = tpu.memref_squeeze %dma_start3A_442 : memref<1x16x128xf32, #tpu.memory_space<vmem>> -> memref<16x128xf32, #tpu.memory_space<vmem>>
    %dma_start3A_444 = arith.constant 0 : i32
    %dma_start3A_445 = tpu.memref_slice %arg3[%dma_start3A_444, %multiple_of3A_432] : memref<16x1000000xf32, #tpu.memory_space<hbm>> -> memref<16x128xf32, #tpu.memory_space<hbm>>
    tpu.enqueue_dma source(%dma_start3A_445 : memref<16x128xf32, #tpu.memory_space<hbm>>) target(%dma_start3A_443 : memref<16x128xf32, #tpu.memory_space<vmem>>) target_semaphore(%arg11 : memref<!tpu.dma_semaphore, #tpu.memory_space<semaphore_mem>>)
    %slice3A_446 = vector.extract_strided_slice %mul3A_317 {offsets = [8], sizes = [1], strides = [1]} : vector<16xi32> to vector<1xi32>
    %squeeze3A_447 = vector.extract %slice3A_446[0] : i32 from vector<1xi32>
    %multiple_of3A_448 = tpu.assume_multiple %squeeze3A_447, 128 : i32
    %dma_start3A_449 = arith.constant 8 : i32
    %dma_start3A_450 = arith.constant 0 : i32
    %dma_start3A_451 = arith.constant 0 : i32
    %dma_start3A_452 = tpu.memref_slice %arg7[%dma_start3A_449, %dma_start3A_450, %dma_start3A_451] : memref<16x16x128xf32, #tpu.memory_space<vmem>> -> memref<1x16x128xf32, #tpu.memory_space<vmem>>
    %dma_start3A_453 = tpu.memref_squeeze %dma_start3A_452 : memref<1x16x128xf32, #tpu.memory_space<vmem>> -> memref<16x128xf32, #tpu.memory_space<vmem>>
    %dma_start3A_454 = arith.constant 0 : i32
    %dma_start3A_455 = tpu.memref_slice %arg3[%dma_start3A_454, %multiple_of3A_448] : memref<16x1000000xf32, #tpu.memory_space<hbm>> -> memref<16x128xf32, #tpu.memory_space<hbm>>
    %dma_start3A_456 = arith.constant 0 : i32
    %dma_start3A_457 = arith.constant 0 : i32
    %dma_start3A_458 = tpu.memref_slice %arg7[%dma_start3A_449, %dma_start3A_456, %dma_start3A_457] : memref<16x16x128xf32, #tpu.memory_space<vmem>> -> memref<1x16x128xf32, #tpu.memory_space<vmem>>
    %dma_start3A_459 = tpu.memref_squeeze %dma_start3A_458 : memref<1x16x128xf32, #tpu.memory_space<vmem>> -> memref<16x128xf32, #tpu.memory_space<vmem>>
    %dma_start3A_460 = arith.constant 0 : i32
    %dma_start3A_461 = tpu.memref_slice %arg3[%dma_start3A_460, %multiple_of3A_448] : memref<16x1000000xf32, #tpu.memory_space<hbm>> -> memref<16x128xf32, #tpu.memory_space<hbm>>
    tpu.enqueue_dma source(%dma_start3A_461 : memref<16x128xf32, #tpu.memory_space<hbm>>) target(%dma_start3A_459 : memref<16x128xf32, #tpu.memory_space<vmem>>) target_semaphore(%arg11 : memref<!tpu.dma_semaphore, #tpu.memory_space<semaphore_mem>>)
    %slice3A_462 = vector.extract_strided_slice %mul3A_317 {offsets = [9], sizes = [1], strides = [1]} : vector<16xi32> to vector<1xi32>
    %squeeze3A_463 = vector.extract %slice3A_462[0] : i32 from vector<1xi32>
    %multiple_of3A_464 = tpu.assume_multiple %squeeze3A_463, 128 : i32
    %dma_start3A_465 = arith.constant 9 : i32
    %dma_start3A_466 = arith.constant 0 : i32
    %dma_start3A_467 = arith.constant 0 : i32
    %dma_start3A_468 = tpu.memref_slice %arg7[%dma_start3A_465, %dma_start3A_466, %dma_start3A_467] : memref<16x16x128xf32, #tpu.memory_space<vmem>> -> memref<1x16x128xf32, #tpu.memory_space<vmem>>
    %dma_start3A_469 = tpu.memref_squeeze %dma_start3A_468 : memref<1x16x128xf32, #tpu.memory_space<vmem>> -> memref<16x128xf32, #tpu.memory_space<vmem>>
    %dma_start3A_470 = arith.constant 0 : i32
    %dma_start3A_471 = tpu.memref_slice %arg3[%dma_start3A_470, %multiple_of3A_464] : memref<16x1000000xf32, #tpu.memory_space<hbm>> -> memref<16x128xf32, #tpu.memory_space<hbm>>
    %dma_start3A_472 = arith.constant 0 : i32
    %dma_start3A_473 = arith.constant 0 : i32
    %dma_start3A_474 = tpu.memref_slice %arg7[%dma_start3A_465, %dma_start3A_472, %dma_start3A_473] : memref<16x16x128xf32, #tpu.memory_space<vmem>> -> memref<1x16x128xf32, #tpu.memory_space<vmem>>
    %dma_start3A_475 = tpu.memref_squeeze %dma_start3A_474 : memref<1x16x128xf32, #tpu.memory_space<vmem>> -> memref<16x128xf32, #tpu.memory_space<vmem>>
    %dma_start3A_476 = arith.constant 0 : i32
    %dma_start3A_477 = tpu.memref_slice %arg3[%dma_start3A_476, %multiple_of3A_464] : memref<16x1000000xf32, #tpu.memory_space<hbm>> -> memref<16x128xf32, #tpu.memory_space<hbm>>
    tpu.enqueue_dma source(%dma_start3A_477 : memref<16x128xf32, #tpu.memory_space<hbm>>) target(%dma_start3A_475 : memref<16x128xf32, #tpu.memory_space<vmem>>) target_semaphore(%arg11 : memref<!tpu.dma_semaphore, #tpu.memory_space<semaphore_mem>>)
    %slice3A_478 = vector.extract_strided_slice %mul3A_317 {offsets = [10], sizes = [1], strides = [1]} : vector<16xi32> to vector<1xi32>
    %squeeze3A_479 = vector.extract %slice3A_478[0] : i32 from vector<1xi32>
    %multiple_of3A_480 = tpu.assume_multiple %squeeze3A_479, 128 : i32
    %dma_start3A_481 = arith.constant 10 : i32
    %dma_start3A_482 = arith.constant 0 : i32
    %dma_start3A_483 = arith.constant 0 : i32
    %dma_start3A_484 = tpu.memref_slice %arg7[%dma_start3A_481, %dma_start3A_482, %dma_start3A_483] : memref<16x16x128xf32, #tpu.memory_space<vmem>> -> memref<1x16x128xf32, #tpu.memory_space<vmem>>
    %dma_start3A_485 = tpu.memref_squeeze %dma_start3A_484 : memref<1x16x128xf32, #tpu.memory_space<vmem>> -> memref<16x128xf32, #tpu.memory_space<vmem>>
    %dma_start3A_486 = arith.constant 0 : i32
    %dma_start3A_487 = tpu.memref_slice %arg3[%dma_start3A_486, %multiple_of3A_480] : memref<16x1000000xf32, #tpu.memory_space<hbm>> -> memref<16x128xf32, #tpu.memory_space<hbm>>
    %dma_start3A_488 = arith.constant 0 : i32
    %dma_start3A_489 = arith.constant 0 : i32
    %dma_start3A_490 = tpu.memref_slice %arg7[%dma_start3A_481, %dma_start3A_488, %dma_start3A_489] : memref<16x16x128xf32, #tpu.memory_space<vmem>> -> memref<1x16x128xf32, #tpu.memory_space<vmem>>
    %dma_start3A_491 = tpu.memref_squeeze %dma_start3A_490 : memref<1x16x128xf32, #tpu.memory_space<vmem>> -> memref<16x128xf32, #tpu.memory_space<vmem>>
    %dma_start3A_492 = arith.constant 0 : i32
    %dma_start3A_493 = tpu.memref_slice %arg3[%dma_start3A_492, %multiple_of3A_480] : memref<16x1000000xf32, #tpu.memory_space<hbm>> -> memref<16x128xf32, #tpu.memory_space<hbm>>
    tpu.enqueue_dma source(%dma_start3A_493 : memref<16x128xf32, #tpu.memory_space<hbm>>) target(%dma_start3A_491 : memref<16x128xf32, #tpu.memory_space<vmem>>) target_semaphore(%arg11 : memref<!tpu.dma_semaphore, #tpu.memory_space<semaphore_mem>>)
    %slice3A_494 = vector.extract_strided_slice %mul3A_317 {offsets = [11], sizes = [1], strides = [1]} : vector<16xi32> to vector<1xi32>
    %squeeze3A_495 = vector.extract %slice3A_494[0] : i32 from vector<1xi32>
    %multiple_of3A_496 = tpu.assume_multiple %squeeze3A_495, 128 : i32
    %dma_start3A_497 = arith.constant 11 : i32
    %dma_start3A_498 = arith.constant 0 : i32
    %dma_start3A_499 = arith.constant 0 : i32
    %dma_start3A_500 = tpu.memref_slice %arg7[%dma_start3A_497, %dma_start3A_498, %dma_start3A_499] : memref<16x16x128xf32, #tpu.memory_space<vmem>> -> memref<1x16x128xf32, #tpu.memory_space<vmem>>
    %dma_start3A_501 = tpu.memref_squeeze %dma_start3A_500 : memref<1x16x128xf32, #tpu.memory_space<vmem>> -> memref<16x128xf32, #tpu.memory_space<vmem>>
    %dma_start3A_502 = arith.constant 0 : i32
    %dma_start3A_503 = tpu.memref_slice %arg3[%dma_start3A_502, %multiple_of3A_496] : memref<16x1000000xf32, #tpu.memory_space<hbm>> -> memref<16x128xf32, #tpu.memory_space<hbm>>
    %dma_start3A_504 = arith.constant 0 : i32
    %dma_start3A_505 = arith.constant 0 : i32
    %dma_start3A_506 = tpu.memref_slice %arg7[%dma_start3A_497, %dma_start3A_504, %dma_start3A_505] : memref<16x16x128xf32, #tpu.memory_space<vmem>> -> memref<1x16x128xf32, #tpu.memory_space<vmem>>
    %dma_start3A_507 = tpu.memref_squeeze %dma_start3A_506 : memref<1x16x128xf32, #tpu.memory_space<vmem>> -> memref<16x128xf32, #tpu.memory_space<vmem>>
    %dma_start3A_508 = arith.constant 0 : i32
    %dma_start3A_509 = tpu.memref_slice %arg3[%dma_start3A_508, %multiple_of3A_496] : memref<16x1000000xf32, #tpu.memory_space<hbm>> -> memref<16x128xf32, #tpu.memory_space<hbm>>
    tpu.enqueue_dma source(%dma_start3A_509 : memref<16x128xf32, #tpu.memory_space<hbm>>) target(%dma_start3A_507 : memref<16x128xf32, #tpu.memory_space<vmem>>) target_semaphore(%arg11 : memref<!tpu.dma_semaphore, #tpu.memory_space<semaphore_mem>>)
    %slice3A_510 = vector.extract_strided_slice %mul3A_317 {offsets = [12], sizes = [1], strides = [1]} : vector<16xi32> to vector<1xi32>
    %squeeze3A_511 = vector.extract %slice3A_510[0] : i32 from vector<1xi32>
    %multiple_of3A_512 = tpu.assume_multiple %squeeze3A_511, 128 : i32
    %dma_start3A_513 = arith.constant 12 : i32
    %dma_start3A_514 = arith.constant 0 : i32
    %dma_start3A_515 = arith.constant 0 : i32
    %dma_start3A_516 = tpu.memref_slice %arg7[%dma_start3A_513, %dma_start3A_514, %dma_start3A_515] : memref<16x16x128xf32, #tpu.memory_space<vmem>> -> memref<1x16x128xf32, #tpu.memory_space<vmem>>
    %dma_start3A_517 = tpu.memref_squeeze %dma_start3A_516 : memref<1x16x128xf32, #tpu.memory_space<vmem>> -> memref<16x128xf32, #tpu.memory_space<vmem>>
    %dma_start3A_518 = arith.constant 0 : i32
    %dma_start3A_519 = tpu.memref_slice %arg3[%dma_start3A_518, %multiple_of3A_512] : memref<16x1000000xf32, #tpu.memory_space<hbm>> -> memref<16x128xf32, #tpu.memory_space<hbm>>
    %dma_start3A_520 = arith.constant 0 : i32
    %dma_start3A_521 = arith.constant 0 : i32
    %dma_start3A_522 = tpu.memref_slice %arg7[%dma_start3A_513, %dma_start3A_520, %dma_start3A_521] : memref<16x16x128xf32, #tpu.memory_space<vmem>> -> memref<1x16x128xf32, #tpu.memory_space<vmem>>
    %dma_start3A_523 = tpu.memref_squeeze %dma_start3A_522 : memref<1x16x128xf32, #tpu.memory_space<vmem>> -> memref<16x128xf32, #tpu.memory_space<vmem>>
    %dma_start3A_524 = arith.constant 0 : i32
    %dma_start3A_525 = tpu.memref_slice %arg3[%dma_start3A_524, %multiple_of3A_512] : memref<16x1000000xf32, #tpu.memory_space<hbm>> -> memref<16x128xf32, #tpu.memory_space<hbm>>
    tpu.enqueue_dma source(%dma_start3A_525 : memref<16x128xf32, #tpu.memory_space<hbm>>) target(%dma_start3A_523 : memref<16x128xf32, #tpu.memory_space<vmem>>) target_semaphore(%arg11 : memref<!tpu.dma_semaphore, #tpu.memory_space<semaphore_mem>>)
    %slice3A_526 = vector.extract_strided_slice %mul3A_317 {offsets = [13], sizes = [1], strides = [1]} : vector<16xi32> to vector<1xi32>
    %squeeze3A_527 = vector.extract %slice3A_526[0] : i32 from vector<1xi32>
    %multiple_of3A_528 = tpu.assume_multiple %squeeze3A_527, 128 : i32
    %dma_start3A_529 = arith.constant 13 : i32
    %dma_start3A_530 = arith.constant 0 : i32
    %dma_start3A_531 = arith.constant 0 : i32
    %dma_start3A_532 = tpu.memref_slice %arg7[%dma_start3A_529, %dma_start3A_530, %dma_start3A_531] : memref<16x16x128xf32, #tpu.memory_space<vmem>> -> memref<1x16x128xf32, #tpu.memory_space<vmem>>
    %dma_start3A_533 = tpu.memref_squeeze %dma_start3A_532 : memref<1x16x128xf32, #tpu.memory_space<vmem>> -> memref<16x128xf32, #tpu.memory_space<vmem>>
    %dma_start3A_534 = arith.constant 0 : i32
    %dma_start3A_535 = tpu.memref_slice %arg3[%dma_start3A_534, %multiple_of3A_528] : memref<16x1000000xf32, #tpu.memory_space<hbm>> -> memref<16x128xf32, #tpu.memory_space<hbm>>
    %dma_start3A_536 = arith.constant 0 : i32
    %dma_start3A_537 = arith.constant 0 : i32
    %dma_start3A_538 = tpu.memref_slice %arg7[%dma_start3A_529, %dma_start3A_536, %dma_start3A_537] : memref<16x16x128xf32, #tpu.memory_space<vmem>> -> memref<1x16x128xf32, #tpu.memory_space<vmem>>
    %dma_start3A_539 = tpu.memref_squeeze %dma_start3A_538 : memref<1x16x128xf32, #tpu.memory_space<vmem>> -> memref<16x128xf32, #tpu.memory_space<vmem>>
    %dma_start3A_540 = arith.constant 0 : i32
    %dma_start3A_541 = tpu.memref_slice %arg3[%dma_start3A_540, %multiple_of3A_528] : memref<16x1000000xf32, #tpu.memory_space<hbm>> -> memref<16x128xf32, #tpu.memory_space<hbm>>
    tpu.enqueue_dma source(%dma_start3A_541 : memref<16x128xf32, #tpu.memory_space<hbm>>) target(%dma_start3A_539 : memref<16x128xf32, #tpu.memory_space<vmem>>) target_semaphore(%arg11 : memref<!tpu.dma_semaphore, #tpu.memory_space<semaphore_mem>>)
    %slice3A_542 = vector.extract_strided_slice %mul3A_317 {offsets = [14], sizes = [1], strides = [1]} : vector<16xi32> to vector<1xi32>
    %squeeze3A_543 = vector.extract %slice3A_542[0] : i32 from vector<1xi32>
    %multiple_of3A_544 = tpu.assume_multiple %squeeze3A_543, 128 : i32
    %dma_start3A_545 = arith.constant 14 : i32
    %dma_start3A_546 = arith.constant 0 : i32
    %dma_start3A_547 = arith.constant 0 : i32
    %dma_start3A_548 = tpu.memref_slice %arg7[%dma_start3A_545, %dma_start3A_546, %dma_start3A_547] : memref<16x16x128xf32, #tpu.memory_space<vmem>> -> memref<1x16x128xf32, #tpu.memory_space<vmem>>
    %dma_start3A_549 = tpu.memref_squeeze %dma_start3A_548 : memref<1x16x128xf32, #tpu.memory_space<vmem>> -> memref<16x128xf32, #tpu.memory_space<vmem>>
    %dma_start3A_550 = arith.constant 0 : i32
    %dma_start3A_551 = tpu.memref_slice %arg3[%dma_start3A_550, %multiple_of3A_544] : memref<16x1000000xf32, #tpu.memory_space<hbm>> -> memref<16x128xf32, #tpu.memory_space<hbm>>
    %dma_start3A_552 = arith.constant 0 : i32
    %dma_start3A_553 = arith.constant 0 : i32
    %dma_start3A_554 = tpu.memref_slice %arg7[%dma_start3A_545, %dma_start3A_552, %dma_start3A_553] : memref<16x16x128xf32, #tpu.memory_space<vmem>> -> memref<1x16x128xf32, #tpu.memory_space<vmem>>
    %dma_start3A_555 = tpu.memref_squeeze %dma_start3A_554 : memref<1x16x128xf32, #tpu.memory_space<vmem>> -> memref<16x128xf32, #tpu.memory_space<vmem>>
    %dma_start3A_556 = arith.constant 0 : i32
    %dma_start3A_557 = tpu.memref_slice %arg3[%dma_start3A_556, %multiple_of3A_544] : memref<16x1000000xf32, #tpu.memory_space<hbm>> -> memref<16x128xf32, #tpu.memory_space<hbm>>
    tpu.enqueue_dma source(%dma_start3A_557 : memref<16x128xf32, #tpu.memory_space<hbm>>) target(%dma_start3A_555 : memref<16x128xf32, #tpu.memory_space<vmem>>) target_semaphore(%arg11 : memref<!tpu.dma_semaphore, #tpu.memory_space<semaphore_mem>>)
    %slice3A_558 = vector.extract_strided_slice %mul3A_317 {offsets = [15], sizes = [1], strides = [1]} : vector<16xi32> to vector<1xi32>
    %squeeze3A_559 = vector.extract %slice3A_558[0] : i32 from vector<1xi32>
    %multiple_of3A_560 = tpu.assume_multiple %squeeze3A_559, 128 : i32
    %dma_start3A_561 = arith.constant 15 : i32
    %dma_start3A_562 = arith.constant 0 : i32
    %dma_start3A_563 = arith.constant 0 : i32
    %dma_start3A_564 = tpu.memref_slice %arg7[%dma_start3A_561, %dma_start3A_562, %dma_start3A_563] : memref<16x16x128xf32, #tpu.memory_space<vmem>> -> memref<1x16x128xf32, #tpu.memory_space<vmem>>
    %dma_start3A_565 = tpu.memref_squeeze %dma_start3A_564 : memref<1x16x128xf32, #tpu.memory_space<vmem>> -> memref<16x128xf32, #tpu.memory_space<vmem>>
    %dma_start3A_566 = arith.constant 0 : i32
    %dma_start3A_567 = tpu.memref_slice %arg3[%dma_start3A_566, %multiple_of3A_560] : memref<16x1000000xf32, #tpu.memory_space<hbm>> -> memref<16x128xf32, #tpu.memory_space<hbm>>
    %dma_start3A_568 = arith.constant 0 : i32
    %dma_start3A_569 = arith.constant 0 : i32
    %dma_start3A_570 = tpu.memref_slice %arg7[%dma_start3A_561, %dma_start3A_568, %dma_start3A_569] : memref<16x16x128xf32, #tpu.memory_space<vmem>> -> memref<1x16x128xf32, #tpu.memory_space<vmem>>
    %dma_start3A_571 = tpu.memref_squeeze %dma_start3A_570 : memref<1x16x128xf32, #tpu.memory_space<vmem>> -> memref<16x128xf32, #tpu.memory_space<vmem>>
    %dma_start3A_572 = arith.constant 0 : i32
    %dma_start3A_573 = tpu.memref_slice %arg3[%dma_start3A_572, %multiple_of3A_560] : memref<16x1000000xf32, #tpu.memory_space<hbm>> -> memref<16x128xf32, #tpu.memory_space<hbm>>
    tpu.enqueue_dma source(%dma_start3A_573 : memref<16x128xf32, #tpu.memory_space<hbm>>) target(%dma_start3A_571 : memref<16x128xf32, #tpu.memory_space<vmem>>) target_semaphore(%arg11 : memref<!tpu.dma_semaphore, #tpu.memory_space<semaphore_mem>>)
    %scan3A = arith.constant 0 : i32
    %scan3A_574 = arith.constant 10 : i32
    %scan3A_575 = arith.addi %scan3A, %scan3A_574 : i32
    %scan3A_576 = arith.constant 1 : i32
    scf.for %scan3A_986 = %scan3A to %scan3A_575 step %scan3A_576  : i32 {
      %mul3A_987 = arith.constant 1 : i32
      %mul3A_988 = arith.muli %scan3A_986, %mul3A_987 : i32
      %add3A_989 = arith.constant 0 : i32
      %add3A_990 = arith.addi %add3A_989, %mul3A_988 : i32
      %mul3A_991 = arith.constant 3 : i32
      %mul3A_992 = arith.muli %add3A_990, %mul3A_991 : i32
      %add3A_993 = arith.constant 2 : i32
      %add3A_994 = arith.addi %mul3A_992, %add3A_993 : i32
      %mul3A_995 = arith.constant 16 : i32
      %mul3A_996 = arith.muli %add3A_994, %mul3A_995 : i32
      %get3A_997 = arith.index_cast %mul3A_996 : i32 to index
      %get3A_998 = tpu.vector_load %arg5[%get3A_997] {strides = array<i32>} : memref<512xi32, #tpu.memory_space<vmem>>, vector<16xi32>,
      %jit3A_999 = arith.constant 128 : i32
      %div3A_1000 = vector.broadcast %jit3A_999 : i32 to vector<16xi32>
      %div3A_1001 = arith.divsi %get3A_998, %div3A_1000 : vector<16xi32>
      %sign3A_1002 = arith.constant 0 : i32
      %sign3A_1003 = vector.broadcast %sign3A_1002 : i32 to vector<16xi32>
      %sign3A_1004 = arith.cmpi sgt, %get3A_998, %sign3A_1003 : vector<16xi32>
      %sign3A_1005 = arith.extui %sign3A_1004 : vector<16xi1> to vector<16xi32>
      %sign3A_1006 = arith.constant 0 : i32
      %sign3A_1007 = vector.broadcast %sign3A_1006 : i32 to vector<16xi32>
      %sign3A_1008 = arith.cmpi slt, %get3A_998, %sign3A_1007 : vector<16xi32>
      %sign3A_1009 = arith.extui %sign3A_1008 : vector<16xi1> to vector<16xi32>
      %sign3A_1010 = arith.subi %sign3A_1005, %sign3A_1009 : vector<16xi32>
      %sign3A_1011 = arith.constant 0 : i32
      %sign3A_1012 = arith.cmpi sgt, %jit3A_999, %sign3A_1011 : i32
      %sign3A_1013 = arith.extui %sign3A_1012 : i1 to i32
      %sign3A_1014 = arith.constant 0 : i32
      %sign3A_1015 = arith.cmpi slt, %jit3A_999, %sign3A_1014 : i32
      %sign3A_1016 = arith.extui %sign3A_1015 : i1 to i32
      %sign3A_1017 = arith.subi %sign3A_1013, %sign3A_1016 : i32
      %ne3A_1018 = vector.broadcast %sign3A_1017 : i32 to vector<16xi32>
      %ne3A_1019 = arith.cmpi ne, %sign3A_1010, %ne3A_1018 : vector<16xi32>
      %rem3A_1020 = vector.broadcast %jit3A_999 : i32 to vector<16xi32>
      %rem3A_1021 = arith.remsi %get3A_998, %rem3A_1020 : vector<16xi32>
      %ne3A_1022 = arith.constant 0 : i32
      %ne3A_1023 = vector.broadcast %ne3A_1022 : i32 to vector<16xi32>
      %ne3A_1024 = arith.cmpi ne, %rem3A_1021, %ne3A_1023 : vector<16xi32>
      %and3A_1025 = arith.andi %ne3A_1019, %ne3A_1024 : vector<16xi1>
      %sub3A_1026 = arith.constant 1 : i32
      %sub3A_1027 = vector.broadcast %sub3A_1026 : i32 to vector<16xi32>
      %sub3A_1028 = arith.subi %div3A_1001, %sub3A_1027 : vector<16xi32>
      %select_n3A_1029 = arith.select %and3A_1025, %sub3A_1028, %div3A_1001 : vector<16xi1>, vector<16xi32>
      %mul3A_1030 = arith.constant 128 : i32
      %mul3A_1031 = vector.broadcast %mul3A_1030 : i32 to vector<16xi32>
      %mul3A_1032 = arith.muli %select_n3A_1029, %mul3A_1031 : vector<16xi32>
      %slice3A_1033 = vector.extract_strided_slice %mul3A_1032 {offsets = [0], sizes = [1], strides = [1]} : vector<16xi32> to vector<1xi32>
      %squeeze3A_1034 = vector.extract %slice3A_1033[0] : i32 from vector<1xi32>
      %multiple_of3A_1035 = tpu.assume_multiple %squeeze3A_1034, 128 : i32
      %dma_start3A_1036 = arith.constant 0 : i32
      %dma_start3A_1037 = arith.constant 0 : i32
      %dma_start3A_1038 = arith.constant 0 : i32
      %dma_start3A_1039 = tpu.memref_slice %arg8[%dma_start3A_1036, %dma_start3A_1037, %dma_start3A_1038] : memref<16x16x128xf32, #tpu.memory_space<vmem>> -> memref<1x16x128xf32, #tpu.memory_space<vmem>>
      %dma_start3A_1040 = tpu.memref_squeeze %dma_start3A_1039 : memref<1x16x128xf32, #tpu.memory_space<vmem>> -> memref<16x128xf32, #tpu.memory_space<vmem>>
      %dma_start3A_1041 = arith.constant 0 : i32
      %dma_start3A_1042 = tpu.memref_slice %arg3[%dma_start3A_1041, %multiple_of3A_1035] : memref<16x1000000xf32, #tpu.memory_space<hbm>> -> memref<16x128xf32, #tpu.memory_space<hbm>>
      %dma_start3A_1043 = arith.constant 0 : i32
      %dma_start3A_1044 = arith.constant 0 : i32
      %dma_start3A_1045 = tpu.memref_slice %arg8[%dma_start3A_1036, %dma_start3A_1043, %dma_start3A_1044] : memref<16x16x128xf32, #tpu.memory_space<vmem>> -> memref<1x16x128xf32, #tpu.memory_space<vmem>>
      %dma_start3A_1046 = tpu.memref_squeeze %dma_start3A_1045 : memref<1x16x128xf32, #tpu.memory_space<vmem>> -> memref<16x128xf32, #tpu.memory_space<vmem>>
      %dma_start3A_1047 = arith.constant 0 : i32
      %dma_start3A_1048 = tpu.memref_slice %arg3[%dma_start3A_1047, %multiple_of3A_1035] : memref<16x1000000xf32, #tpu.memory_space<hbm>> -> memref<16x128xf32, #tpu.memory_space<hbm>>
      tpu.enqueue_dma source(%dma_start3A_1048 : memref<16x128xf32, #tpu.memory_space<hbm>>) target(%dma_start3A_1046 : memref<16x128xf32, #tpu.memory_space<vmem>>) target_semaphore(%arg12 : memref<!tpu.dma_semaphore, #tpu.memory_space<semaphore_mem>>)
      %slice3A_1049 = vector.extract_strided_slice %mul3A_1032 {offsets = [1], sizes = [1], strides = [1]} : vector<16xi32> to vector<1xi32>
      %squeeze3A_1050 = vector.extract %slice3A_1049[0] : i32 from vector<1xi32>
      %multiple_of3A_1051 = tpu.assume_multiple %squeeze3A_1050, 128 : i32
      %dma_start3A_1052 = arith.constant 1 : i32
      %dma_start3A_1053 = arith.constant 0 : i32
      %dma_start3A_1054 = arith.constant 0 : i32
      %dma_start3A_1055 = tpu.memref_slice %arg8[%dma_start3A_1052, %dma_start3A_1053, %dma_start3A_1054] : memref<16x16x128xf32, #tpu.memory_space<vmem>> -> memref<1x16x128xf32, #tpu.memory_space<vmem>>
      %dma_start3A_1056 = tpu.memref_squeeze %dma_start3A_1055 : memref<1x16x128xf32, #tpu.memory_space<vmem>> -> memref<16x128xf32, #tpu.memory_space<vmem>>
      %dma_start3A_1057 = arith.constant 0 : i32
      %dma_start3A_1058 = tpu.memref_slice %arg3[%dma_start3A_1057, %multiple_of3A_1051] : memref<16x1000000xf32, #tpu.memory_space<hbm>> -> memref<16x128xf32, #tpu.memory_space<hbm>>
      %dma_start3A_1059 = arith.constant 0 : i32
      %dma_start3A_1060 = arith.constant 0 : i32
      %dma_start3A_1061 = tpu.memref_slice %arg8[%dma_start3A_1052, %dma_start3A_1059, %dma_start3A_1060] : memref<16x16x128xf32, #tpu.memory_space<vmem>> -> memref<1x16x128xf32, #tpu.memory_space<vmem>>
      %dma_start3A_1062 = tpu.memref_squeeze %dma_start3A_1061 : memref<1x16x128xf32, #tpu.memory_space<vmem>> -> memref<16x128xf32, #tpu.memory_space<vmem>>
      %dma_start3A_1063 = arith.constant 0 : i32
      %dma_start3A_1064 = tpu.memref_slice %arg3[%dma_start3A_1063, %multiple_of3A_1051] : memref<16x1000000xf32, #tpu.memory_space<hbm>> -> memref<16x128xf32, #tpu.memory_space<hbm>>
      tpu.enqueue_dma source(%dma_start3A_1064 : memref<16x128xf32, #tpu.memory_space<hbm>>) target(%dma_start3A_1062 : memref<16x128xf32, #tpu.memory_space<vmem>>) target_semaphore(%arg12 : memref<!tpu.dma_semaphore, #tpu.memory_space<semaphore_mem>>)
      %slice3A_1065 = vector.extract_strided_slice %mul3A_1032 {offsets = [2], sizes = [1], strides = [1]} : vector<16xi32> to vector<1xi32>
      %squeeze3A_1066 = vector.extract %slice3A_1065[0] : i32 from vector<1xi32>
      %multiple_of3A_1067 = tpu.assume_multiple %squeeze3A_1066, 128 : i32
      %dma_start3A_1068 = arith.constant 2 : i32
      %dma_start3A_1069 = arith.constant 0 : i32
      %dma_start3A_1070 = arith.constant 0 : i32
      %dma_start3A_1071 = tpu.memref_slice %arg8[%dma_start3A_1068, %dma_start3A_1069, %dma_start3A_1070] : memref<16x16x128xf32, #tpu.memory_space<vmem>> -> memref<1x16x128xf32, #tpu.memory_space<vmem>>
      %dma_start3A_1072 = tpu.memref_squeeze %dma_start3A_1071 : memref<1x16x128xf32, #tpu.memory_space<vmem>> -> memref<16x128xf32, #tpu.memory_space<vmem>>
      %dma_start3A_1073 = arith.constant 0 : i32
      %dma_start3A_1074 = tpu.memref_slice %arg3[%dma_start3A_1073, %multiple_of3A_1067] : memref<16x1000000xf32, #tpu.memory_space<hbm>> -> memref<16x128xf32, #tpu.memory_space<hbm>>
      %dma_start3A_1075 = arith.constant 0 : i32
      %dma_start3A_1076 = arith.constant 0 : i32
      %dma_start3A_1077 = tpu.memref_slice %arg8[%dma_start3A_1068, %dma_start3A_1075, %dma_start3A_1076] : memref<16x16x128xf32, #tpu.memory_space<vmem>> -> memref<1x16x128xf32, #tpu.memory_space<vmem>>
      %dma_start3A_1078 = tpu.memref_squeeze %dma_start3A_1077 : memref<1x16x128xf32, #tpu.memory_space<vmem>> -> memref<16x128xf32, #tpu.memory_space<vmem>>
      %dma_start3A_1079 = arith.constant 0 : i32
      %dma_start3A_1080 = tpu.memref_slice %arg3[%dma_start3A_1079, %multiple_of3A_1067] : memref<16x1000000xf32, #tpu.memory_space<hbm>> -> memref<16x128xf32, #tpu.memory_space<hbm>>
      tpu.enqueue_dma source(%dma_start3A_1080 : memref<16x128xf32, #tpu.memory_space<hbm>>) target(%dma_start3A_1078 : memref<16x128xf32, #tpu.memory_space<vmem>>) target_semaphore(%arg12 : memref<!tpu.dma_semaphore, #tpu.memory_space<semaphore_mem>>)
      %slice3A_1081 = vector.extract_strided_slice %mul3A_1032 {offsets = [3], sizes = [1], strides = [1]} : vector<16xi32> to vector<1xi32>
      %squeeze3A_1082 = vector.extract %slice3A_1081[0] : i32 from vector<1xi32>
      %multiple_of3A_1083 = tpu.assume_multiple %squeeze3A_1082, 128 : i32
      %dma_start3A_1084 = arith.constant 3 : i32
      %dma_start3A_1085 = arith.constant 0 : i32
      %dma_start3A_1086 = arith.constant 0 : i32
      %dma_start3A_1087 = tpu.memref_slice %arg8[%dma_start3A_1084, %dma_start3A_1085, %dma_start3A_1086] : memref<16x16x128xf32, #tpu.memory_space<vmem>> -> memref<1x16x128xf32, #tpu.memory_space<vmem>>
      %dma_start3A_1088 = tpu.memref_squeeze %dma_start3A_1087 : memref<1x16x128xf32, #tpu.memory_space<vmem>> -> memref<16x128xf32, #tpu.memory_space<vmem>>
      %dma_start3A_1089 = arith.constant 0 : i32
      %dma_start3A_1090 = tpu.memref_slice %arg3[%dma_start3A_1089, %multiple_of3A_1083] : memref<16x1000000xf32, #tpu.memory_space<hbm>> -> memref<16x128xf32, #tpu.memory_space<hbm>>
      %dma_start3A_1091 = arith.constant 0 : i32
      %dma_start3A_1092 = arith.constant 0 : i32
      %dma_start3A_1093 = tpu.memref_slice %arg8[%dma_start3A_1084, %dma_start3A_1091, %dma_start3A_1092] : memref<16x16x128xf32, #tpu.memory_space<vmem>> -> memref<1x16x128xf32, #tpu.memory_space<vmem>>
      %dma_start3A_1094 = tpu.memref_squeeze %dma_start3A_1093 : memref<1x16x128xf32, #tpu.memory_space<vmem>> -> memref<16x128xf32, #tpu.memory_space<vmem>>
      %dma_start3A_1095 = arith.constant 0 : i32
      %dma_start3A_1096 = tpu.memref_slice %arg3[%dma_start3A_1095, %multiple_of3A_1083] : memref<16x1000000xf32, #tpu.memory_space<hbm>> -> memref<16x128xf32, #tpu.memory_space<hbm>>
      tpu.enqueue_dma source(%dma_start3A_1096 : memref<16x128xf32, #tpu.memory_space<hbm>>) target(%dma_start3A_1094 : memref<16x128xf32, #tpu.memory_space<vmem>>) target_semaphore(%arg12 : memref<!tpu.dma_semaphore, #tpu.memory_space<semaphore_mem>>)
      %slice3A_1097 = vector.extract_strided_slice %mul3A_1032 {offsets = [4], sizes = [1], strides = [1]} : vector<16xi32> to vector<1xi32>
      %squeeze3A_1098 = vector.extract %slice3A_1097[0] : i32 from vector<1xi32>
      %multiple_of3A_1099 = tpu.assume_multiple %squeeze3A_1098, 128 : i32
      %dma_start3A_1100 = arith.constant 4 : i32
      %dma_start3A_1101 = arith.constant 0 : i32
      %dma_start3A_1102 = arith.constant 0 : i32
      %dma_start3A_1103 = tpu.memref_slice %arg8[%dma_start3A_1100, %dma_start3A_1101, %dma_start3A_1102] : memref<16x16x128xf32, #tpu.memory_space<vmem>> -> memref<1x16x128xf32, #tpu.memory_space<vmem>>
      %dma_start3A_1104 = tpu.memref_squeeze %dma_start3A_1103 : memref<1x16x128xf32, #tpu.memory_space<vmem>> -> memref<16x128xf32, #tpu.memory_space<vmem>>
      %dma_start3A_1105 = arith.constant 0 : i32
      %dma_start3A_1106 = tpu.memref_slice %arg3[%dma_start3A_1105, %multiple_of3A_1099] : memref<16x1000000xf32, #tpu.memory_space<hbm>> -> memref<16x128xf32, #tpu.memory_space<hbm>>
      %dma_start3A_1107 = arith.constant 0 : i32
      %dma_start3A_1108 = arith.constant 0 : i32
      %dma_start3A_1109 = tpu.memref_slice %arg8[%dma_start3A_1100, %dma_start3A_1107, %dma_start3A_1108] : memref<16x16x128xf32, #tpu.memory_space<vmem>> -> memref<1x16x128xf32, #tpu.memory_space<vmem>>
      %dma_start3A_1110 = tpu.memref_squeeze %dma_start3A_1109 : memref<1x16x128xf32, #tpu.memory_space<vmem>> -> memref<16x128xf32, #tpu.memory_space<vmem>>
      %dma_start3A_1111 = arith.constant 0 : i32
      %dma_start3A_1112 = tpu.memref_slice %arg3[%dma_start3A_1111, %multiple_of3A_1099] : memref<16x1000000xf32, #tpu.memory_space<hbm>> -> memref<16x128xf32, #tpu.memory_space<hbm>>
      tpu.enqueue_dma source(%dma_start3A_1112 : memref<16x128xf32, #tpu.memory_space<hbm>>) target(%dma_start3A_1110 : memref<16x128xf32, #tpu.memory_space<vmem>>) target_semaphore(%arg12 : memref<!tpu.dma_semaphore, #tpu.memory_space<semaphore_mem>>)
      %slice3A_1113 = vector.extract_strided_slice %mul3A_1032 {offsets = [5], sizes = [1], strides = [1]} : vector<16xi32> to vector<1xi32>
      %squeeze3A_1114 = vector.extract %slice3A_1113[0] : i32 from vector<1xi32>
      %multiple_of3A_1115 = tpu.assume_multiple %squeeze3A_1114, 128 : i32
      %dma_start3A_1116 = arith.constant 5 : i32
      %dma_start3A_1117 = arith.constant 0 : i32
      %dma_start3A_1118 = arith.constant 0 : i32
      %dma_start3A_1119 = tpu.memref_slice %arg8[%dma_start3A_1116, %dma_start3A_1117, %dma_start3A_1118] : memref<16x16x128xf32, #tpu.memory_space<vmem>> -> memref<1x16x128xf32, #tpu.memory_space<vmem>>
      %dma_start3A_1120 = tpu.memref_squeeze %dma_start3A_1119 : memref<1x16x128xf32, #tpu.memory_space<vmem>> -> memref<16x128xf32, #tpu.memory_space<vmem>>
      %dma_start3A_1121 = arith.constant 0 : i32
      %dma_start3A_1122 = tpu.memref_slice %arg3[%dma_start3A_1121, %multiple_of3A_1115] : memref<16x1000000xf32, #tpu.memory_space<hbm>> -> memref<16x128xf32, #tpu.memory_space<hbm>>
      %dma_start3A_1123 = arith.constant 0 : i32
      %dma_start3A_1124 = arith.constant 0 : i32
      %dma_start3A_1125 = tpu.memref_slice %arg8[%dma_start3A_1116, %dma_start3A_1123, %dma_start3A_1124] : memref<16x16x128xf32, #tpu.memory_space<vmem>> -> memref<1x16x128xf32, #tpu.memory_space<vmem>>
      %dma_start3A_1126 = tpu.memref_squeeze %dma_start3A_1125 : memref<1x16x128xf32, #tpu.memory_space<vmem>> -> memref<16x128xf32, #tpu.memory_space<vmem>>
      %dma_start3A_1127 = arith.constant 0 : i32
      %dma_start3A_1128 = tpu.memref_slice %arg3[%dma_start3A_1127, %multiple_of3A_1115] : memref<16x1000000xf32, #tpu.memory_space<hbm>> -> memref<16x128xf32, #tpu.memory_space<hbm>>
      tpu.enqueue_dma source(%dma_start3A_1128 : memref<16x128xf32, #tpu.memory_space<hbm>>) target(%dma_start3A_1126 : memref<16x128xf32, #tpu.memory_space<vmem>>) target_semaphore(%arg12 : memref<!tpu.dma_semaphore, #tpu.memory_space<semaphore_mem>>)
      %slice3A_1129 = vector.extract_strided_slice %mul3A_1032 {offsets = [6], sizes = [1], strides = [1]} : vector<16xi32> to vector<1xi32>
      %squeeze3A_1130 = vector.extract %slice3A_1129[0] : i32 from vector<1xi32>
      %multiple_of3A_1131 = tpu.assume_multiple %squeeze3A_1130, 128 : i32
      %dma_start3A_1132 = arith.constant 6 : i32
      %dma_start3A_1133 = arith.constant 0 : i32
      %dma_start3A_1134 = arith.constant 0 : i32
      %dma_start3A_1135 = tpu.memref_slice %arg8[%dma_start3A_1132, %dma_start3A_1133, %dma_start3A_1134] : memref<16x16x128xf32, #tpu.memory_space<vmem>> -> memref<1x16x128xf32, #tpu.memory_space<vmem>>
      %dma_start3A_1136 = tpu.memref_squeeze %dma_start3A_1135 : memref<1x16x128xf32, #tpu.memory_space<vmem>> -> memref<16x128xf32, #tpu.memory_space<vmem>>
      %dma_start3A_1137 = arith.constant 0 : i32
      %dma_start3A_1138 = tpu.memref_slice %arg3[%dma_start3A_1137, %multiple_of3A_1131] : memref<16x1000000xf32, #tpu.memory_space<hbm>> -> memref<16x128xf32, #tpu.memory_space<hbm>>
      %dma_start3A_1139 = arith.constant 0 : i32
      %dma_start3A_1140 = arith.constant 0 : i32
      %dma_start3A_1141 = tpu.memref_slice %arg8[%dma_start3A_1132, %dma_start3A_1139, %dma_start3A_1140] : memref<16x16x128xf32, #tpu.memory_space<vmem>> -> memref<1x16x128xf32, #tpu.memory_space<vmem>>
      %dma_start3A_1142 = tpu.memref_squeeze %dma_start3A_1141 : memref<1x16x128xf32, #tpu.memory_space<vmem>> -> memref<16x128xf32, #tpu.memory_space<vmem>>
      %dma_start3A_1143 = arith.constant 0 : i32
      %dma_start3A_1144 = tpu.memref_slice %arg3[%dma_start3A_1143, %multiple_of3A_1131] : memref<16x1000000xf32, #tpu.memory_space<hbm>> -> memref<16x128xf32, #tpu.memory_space<hbm>>
      tpu.enqueue_dma source(%dma_start3A_1144 : memref<16x128xf32, #tpu.memory_space<hbm>>) target(%dma_start3A_1142 : memref<16x128xf32, #tpu.memory_space<vmem>>) target_semaphore(%arg12 : memref<!tpu.dma_semaphore, #tpu.memory_space<semaphore_mem>>)
      %slice3A_1145 = vector.extract_strided_slice %mul3A_1032 {offsets = [7], sizes = [1], strides = [1]} : vector<16xi32> to vector<1xi32>
      %squeeze3A_1146 = vector.extract %slice3A_1145[0] : i32 from vector<1xi32>
      %multiple_of3A_1147 = tpu.assume_multiple %squeeze3A_1146, 128 : i32
      %dma_start3A_1148 = arith.constant 7 : i32
      %dma_start3A_1149 = arith.constant 0 : i32
      %dma_start3A_1150 = arith.constant 0 : i32
      %dma_start3A_1151 = tpu.memref_slice %arg8[%dma_start3A_1148, %dma_start3A_1149, %dma_start3A_1150] : memref<16x16x128xf32, #tpu.memory_space<vmem>> -> memref<1x16x128xf32, #tpu.memory_space<vmem>>
      %dma_start3A_1152 = tpu.memref_squeeze %dma_start3A_1151 : memref<1x16x128xf32, #tpu.memory_space<vmem>> -> memref<16x128xf32, #tpu.memory_space<vmem>>
      %dma_start3A_1153 = arith.constant 0 : i32
      %dma_start3A_1154 = tpu.memref_slice %arg3[%dma_start3A_1153, %multiple_of3A_1147] : memref<16x1000000xf32, #tpu.memory_space<hbm>> -> memref<16x128xf32, #tpu.memory_space<hbm>>
      %dma_start3A_1155 = arith.constant 0 : i32
      %dma_start3A_1156 = arith.constant 0 : i32
      %dma_start3A_1157 = tpu.memref_slice %arg8[%dma_start3A_1148, %dma_start3A_1155, %dma_start3A_1156] : memref<16x16x128xf32, #tpu.memory_space<vmem>> -> memref<1x16x128xf32, #tpu.memory_space<vmem>>
      %dma_start3A_1158 = tpu.memref_squeeze %dma_start3A_1157 : memref<1x16x128xf32, #tpu.memory_space<vmem>> -> memref<16x128xf32, #tpu.memory_space<vmem>>
      %dma_start3A_1159 = arith.constant 0 : i32
      %dma_start3A_1160 = tpu.memref_slice %arg3[%dma_start3A_1159, %multiple_of3A_1147] : memref<16x1000000xf32, #tpu.memory_space<hbm>> -> memref<16x128xf32, #tpu.memory_space<hbm>>
      tpu.enqueue_dma source(%dma_start3A_1160 : memref<16x128xf32, #tpu.memory_space<hbm>>) target(%dma_start3A_1158 : memref<16x128xf32, #tpu.memory_space<vmem>>) target_semaphore(%arg12 : memref<!tpu.dma_semaphore, #tpu.memory_space<semaphore_mem>>)
      %slice3A_1161 = vector.extract_strided_slice %mul3A_1032 {offsets = [8], sizes = [1], strides = [1]} : vector<16xi32> to vector<1xi32>
      %squeeze3A_1162 = vector.extract %slice3A_1161[0] : i32 from vector<1xi32>
      %multiple_of3A_1163 = tpu.assume_multiple %squeeze3A_1162, 128 : i32
      %dma_start3A_1164 = arith.constant 8 : i32
      %dma_start3A_1165 = arith.constant 0 : i32
      %dma_start3A_1166 = arith.constant 0 : i32
      %dma_start3A_1167 = tpu.memref_slice %arg8[%dma_start3A_1164, %dma_start3A_1165, %dma_start3A_1166] : memref<16x16x128xf32, #tpu.memory_space<vmem>> -> memref<1x16x128xf32, #tpu.memory_space<vmem>>
      %dma_start3A_1168 = tpu.memref_squeeze %dma_start3A_1167 : memref<1x16x128xf32, #tpu.memory_space<vmem>> -> memref<16x128xf32, #tpu.memory_space<vmem>>
      %dma_start3A_1169 = arith.constant 0 : i32
      %dma_start3A_1170 = tpu.memref_slice %arg3[%dma_start3A_1169, %multiple_of3A_1163] : memref<16x1000000xf32, #tpu.memory_space<hbm>> -> memref<16x128xf32, #tpu.memory_space<hbm>>
      %dma_start3A_1171 = arith.constant 0 : i32
      %dma_start3A_1172 = arith.constant 0 : i32
      %dma_start3A_1173 = tpu.memref_slice %arg8[%dma_start3A_1164, %dma_start3A_1171, %dma_start3A_1172] : memref<16x16x128xf32, #tpu.memory_space<vmem>> -> memref<1x16x128xf32, #tpu.memory_space<vmem>>
      %dma_start3A_1174 = tpu.memref_squeeze %dma_start3A_1173 : memref<1x16x128xf32, #tpu.memory_space<vmem>> -> memref<16x128xf32, #tpu.memory_space<vmem>>
      %dma_start3A_1175 = arith.constant 0 : i32
      %dma_start3A_1176 = tpu.memref_slice %arg3[%dma_start3A_1175, %multiple_of3A_1163] : memref<16x1000000xf32, #tpu.memory_space<hbm>> -> memref<16x128xf32, #tpu.memory_space<hbm>>
      tpu.enqueue_dma source(%dma_start3A_1176 : memref<16x128xf32, #tpu.memory_space<hbm>>) target(%dma_start3A_1174 : memref<16x128xf32, #tpu.memory_space<vmem>>) target_semaphore(%arg12 : memref<!tpu.dma_semaphore, #tpu.memory_space<semaphore_mem>>)
      %slice3A_1177 = vector.extract_strided_slice %mul3A_1032 {offsets = [9], sizes = [1], strides = [1]} : vector<16xi32> to vector<1xi32>
      %squeeze3A_1178 = vector.extract %slice3A_1177[0] : i32 from vector<1xi32>
      %multiple_of3A_1179 = tpu.assume_multiple %squeeze3A_1178, 128 : i32
      %dma_start3A_1180 = arith.constant 9 : i32
      %dma_start3A_1181 = arith.constant 0 : i32
      %dma_start3A_1182 = arith.constant 0 : i32
      %dma_start3A_1183 = tpu.memref_slice %arg8[%dma_start3A_1180, %dma_start3A_1181, %dma_start3A_1182] : memref<16x16x128xf32, #tpu.memory_space<vmem>> -> memref<1x16x128xf32, #tpu.memory_space<vmem>>
      %dma_start3A_1184 = tpu.memref_squeeze %dma_start3A_1183 : memref<1x16x128xf32, #tpu.memory_space<vmem>> -> memref<16x128xf32, #tpu.memory_space<vmem>>
      %dma_start3A_1185 = arith.constant 0 : i32
      %dma_start3A_1186 = tpu.memref_slice %arg3[%dma_start3A_1185, %multiple_of3A_1179] : memref<16x1000000xf32, #tpu.memory_space<hbm>> -> memref<16x128xf32, #tpu.memory_space<hbm>>
      %dma_start3A_1187 = arith.constant 0 : i32
      %dma_start3A_1188 = arith.constant 0 : i32
      %dma_start3A_1189 = tpu.memref_slice %arg8[%dma_start3A_1180, %dma_start3A_1187, %dma_start3A_1188] : memref<16x16x128xf32, #tpu.memory_space<vmem>> -> memref<1x16x128xf32, #tpu.memory_space<vmem>>
      %dma_start3A_1190 = tpu.memref_squeeze %dma_start3A_1189 : memref<1x16x128xf32, #tpu.memory_space<vmem>> -> memref<16x128xf32, #tpu.memory_space<vmem>>
      %dma_start3A_1191 = arith.constant 0 : i32
      %dma_start3A_1192 = tpu.memref_slice %arg3[%dma_start3A_1191, %multiple_of3A_1179] : memref<16x1000000xf32, #tpu.memory_space<hbm>> -> memref<16x128xf32, #tpu.memory_space<hbm>>
      tpu.enqueue_dma source(%dma_start3A_1192 : memref<16x128xf32, #tpu.memory_space<hbm>>) target(%dma_start3A_1190 : memref<16x128xf32, #tpu.memory_space<vmem>>) target_semaphore(%arg12 : memref<!tpu.dma_semaphore, #tpu.memory_space<semaphore_mem>>)
      %slice3A_1193 = vector.extract_strided_slice %mul3A_1032 {offsets = [10], sizes = [1], strides = [1]} : vector<16xi32> to vector<1xi32>
      %squeeze3A_1194 = vector.extract %slice3A_1193[0] : i32 from vector<1xi32>
      %multiple_of3A_1195 = tpu.assume_multiple %squeeze3A_1194, 128 : i32
      %dma_start3A_1196 = arith.constant 10 : i32
      %dma_start3A_1197 = arith.constant 0 : i32
      %dma_start3A_1198 = arith.constant 0 : i32
      %dma_start3A_1199 = tpu.memref_slice %arg8[%dma_start3A_1196, %dma_start3A_1197, %dma_start3A_1198] : memref<16x16x128xf32, #tpu.memory_space<vmem>> -> memref<1x16x128xf32, #tpu.memory_space<vmem>>
      %dma_start3A_1200 = tpu.memref_squeeze %dma_start3A_1199 : memref<1x16x128xf32, #tpu.memory_space<vmem>> -> memref<16x128xf32, #tpu.memory_space<vmem>>
      %dma_start3A_1201 = arith.constant 0 : i32
      %dma_start3A_1202 = tpu.memref_slice %arg3[%dma_start3A_1201, %multiple_of3A_1195] : memref<16x1000000xf32, #tpu.memory_space<hbm>> -> memref<16x128xf32, #tpu.memory_space<hbm>>
      %dma_start3A_1203 = arith.constant 0 : i32
      %dma_start3A_1204 = arith.constant 0 : i32
      %dma_start3A_1205 = tpu.memref_slice %arg8[%dma_start3A_1196, %dma_start3A_1203, %dma_start3A_1204] : memref<16x16x128xf32, #tpu.memory_space<vmem>> -> memref<1x16x128xf32, #tpu.memory_space<vmem>>
      %dma_start3A_1206 = tpu.memref_squeeze %dma_start3A_1205 : memref<1x16x128xf32, #tpu.memory_space<vmem>> -> memref<16x128xf32, #tpu.memory_space<vmem>>
      %dma_start3A_1207 = arith.constant 0 : i32
      %dma_start3A_1208 = tpu.memref_slice %arg3[%dma_start3A_1207, %multiple_of3A_1195] : memref<16x1000000xf32, #tpu.memory_space<hbm>> -> memref<16x128xf32, #tpu.memory_space<hbm>>
      tpu.enqueue_dma source(%dma_start3A_1208 : memref<16x128xf32, #tpu.memory_space<hbm>>) target(%dma_start3A_1206 : memref<16x128xf32, #tpu.memory_space<vmem>>) target_semaphore(%arg12 : memref<!tpu.dma_semaphore, #tpu.memory_space<semaphore_mem>>)
      %slice3A_1209 = vector.extract_strided_slice %mul3A_1032 {offsets = [11], sizes = [1], strides = [1]} : vector<16xi32> to vector<1xi32>
      %squeeze3A_1210 = vector.extract %slice3A_1209[0] : i32 from vector<1xi32>
      %multiple_of3A_1211 = tpu.assume_multiple %squeeze3A_1210, 128 : i32
      %dma_start3A_1212 = arith.constant 11 : i32
      %dma_start3A_1213 = arith.constant 0 : i32
      %dma_start3A_1214 = arith.constant 0 : i32
      %dma_start3A_1215 = tpu.memref_slice %arg8[%dma_start3A_1212, %dma_start3A_1213, %dma_start3A_1214] : memref<16x16x128xf32, #tpu.memory_space<vmem>> -> memref<1x16x128xf32, #tpu.memory_space<vmem>>
      %dma_start3A_1216 = tpu.memref_squeeze %dma_start3A_1215 : memref<1x16x128xf32, #tpu.memory_space<vmem>> -> memref<16x128xf32, #tpu.memory_space<vmem>>
      %dma_start3A_1217 = arith.constant 0 : i32
      %dma_start3A_1218 = tpu.memref_slice %arg3[%dma_start3A_1217, %multiple_of3A_1211] : memref<16x1000000xf32, #tpu.memory_space<hbm>> -> memref<16x128xf32, #tpu.memory_space<hbm>>
      %dma_start3A_1219 = arith.constant 0 : i32
      %dma_start3A_1220 = arith.constant 0 : i32
      %dma_start3A_1221 = tpu.memref_slice %arg8[%dma_start3A_1212, %dma_start3A_1219, %dma_start3A_1220] : memref<16x16x128xf32, #tpu.memory_space<vmem>> -> memref<1x16x128xf32, #tpu.memory_space<vmem>>
      %dma_start3A_1222 = tpu.memref_squeeze %dma_start3A_1221 : memref<1x16x128xf32, #tpu.memory_space<vmem>> -> memref<16x128xf32, #tpu.memory_space<vmem>>
      %dma_start3A_1223 = arith.constant 0 : i32
      %dma_start3A_1224 = tpu.memref_slice %arg3[%dma_start3A_1223, %multiple_of3A_1211] : memref<16x1000000xf32, #tpu.memory_space<hbm>> -> memref<16x128xf32, #tpu.memory_space<hbm>>
      tpu.enqueue_dma source(%dma_start3A_1224 : memref<16x128xf32, #tpu.memory_space<hbm>>) target(%dma_start3A_1222 : memref<16x128xf32, #tpu.memory_space<vmem>>) target_semaphore(%arg12 : memref<!tpu.dma_semaphore, #tpu.memory_space<semaphore_mem>>)
      %slice3A_1225 = vector.extract_strided_slice %mul3A_1032 {offsets = [12], sizes = [1], strides = [1]} : vector<16xi32> to vector<1xi32>
      %squeeze3A_1226 = vector.extract %slice3A_1225[0] : i32 from vector<1xi32>
      %multiple_of3A_1227 = tpu.assume_multiple %squeeze3A_1226, 128 : i32
      %dma_start3A_1228 = arith.constant 12 : i32
      %dma_start3A_1229 = arith.constant 0 : i32
      %dma_start3A_1230 = arith.constant 0 : i32
      %dma_start3A_1231 = tpu.memref_slice %arg8[%dma_start3A_1228, %dma_start3A_1229, %dma_start3A_1230] : memref<16x16x128xf32, #tpu.memory_space<vmem>> -> memref<1x16x128xf32, #tpu.memory_space<vmem>>
      %dma_start3A_1232 = tpu.memref_squeeze %dma_start3A_1231 : memref<1x16x128xf32, #tpu.memory_space<vmem>> -> memref<16x128xf32, #tpu.memory_space<vmem>>
      %dma_start3A_1233 = arith.constant 0 : i32
      %dma_start3A_1234 = tpu.memref_slice %arg3[%dma_start3A_1233, %multiple_of3A_1227] : memref<16x1000000xf32, #tpu.memory_space<hbm>> -> memref<16x128xf32, #tpu.memory_space<hbm>>
      %dma_start3A_1235 = arith.constant 0 : i32
      %dma_start3A_1236 = arith.constant 0 : i32
      %dma_start3A_1237 = tpu.memref_slice %arg8[%dma_start3A_1228, %dma_start3A_1235, %dma_start3A_1236] : memref<16x16x128xf32, #tpu.memory_space<vmem>> -> memref<1x16x128xf32, #tpu.memory_space<vmem>>
      %dma_start3A_1238 = tpu.memref_squeeze %dma_start3A_1237 : memref<1x16x128xf32, #tpu.memory_space<vmem>> -> memref<16x128xf32, #tpu.memory_space<vmem>>
      %dma_start3A_1239 = arith.constant 0 : i32
      %dma_start3A_1240 = tpu.memref_slice %arg3[%dma_start3A_1239, %multiple_of3A_1227] : memref<16x1000000xf32, #tpu.memory_space<hbm>> -> memref<16x128xf32, #tpu.memory_space<hbm>>
      tpu.enqueue_dma source(%dma_start3A_1240 : memref<16x128xf32, #tpu.memory_space<hbm>>) target(%dma_start3A_1238 : memref<16x128xf32, #tpu.memory_space<vmem>>) target_semaphore(%arg12 : memref<!tpu.dma_semaphore, #tpu.memory_space<semaphore_mem>>)
      %slice3A_1241 = vector.extract_strided_slice %mul3A_1032 {offsets = [13], sizes = [1], strides = [1]} : vector<16xi32> to vector<1xi32>
      %squeeze3A_1242 = vector.extract %slice3A_1241[0] : i32 from vector<1xi32>
      %multiple_of3A_1243 = tpu.assume_multiple %squeeze3A_1242, 128 : i32
      %dma_start3A_1244 = arith.constant 13 : i32
      %dma_start3A_1245 = arith.constant 0 : i32
      %dma_start3A_1246 = arith.constant 0 : i32
      %dma_start3A_1247 = tpu.memref_slice %arg8[%dma_start3A_1244, %dma_start3A_1245, %dma_start3A_1246] : memref<16x16x128xf32, #tpu.memory_space<vmem>> -> memref<1x16x128xf32, #tpu.memory_space<vmem>>
      %dma_start3A_1248 = tpu.memref_squeeze %dma_start3A_1247 : memref<1x16x128xf32, #tpu.memory_space<vmem>> -> memref<16x128xf32, #tpu.memory_space<vmem>>
      %dma_start3A_1249 = arith.constant 0 : i32
      %dma_start3A_1250 = tpu.memref_slice %arg3[%dma_start3A_1249, %multiple_of3A_1243] : memref<16x1000000xf32, #tpu.memory_space<hbm>> -> memref<16x128xf32, #tpu.memory_space<hbm>>
      %dma_start3A_1251 = arith.constant 0 : i32
      %dma_start3A_1252 = arith.constant 0 : i32
      %dma_start3A_1253 = tpu.memref_slice %arg8[%dma_start3A_1244, %dma_start3A_1251, %dma_start3A_1252] : memref<16x16x128xf32, #tpu.memory_space<vmem>> -> memref<1x16x128xf32, #tpu.memory_space<vmem>>
      %dma_start3A_1254 = tpu.memref_squeeze %dma_start3A_1253 : memref<1x16x128xf32, #tpu.memory_space<vmem>> -> memref<16x128xf32, #tpu.memory_space<vmem>>
      %dma_start3A_1255 = arith.constant 0 : i32
      %dma_start3A_1256 = tpu.memref_slice %arg3[%dma_start3A_1255, %multiple_of3A_1243] : memref<16x1000000xf32, #tpu.memory_space<hbm>> -> memref<16x128xf32, #tpu.memory_space<hbm>>
      tpu.enqueue_dma source(%dma_start3A_1256 : memref<16x128xf32, #tpu.memory_space<hbm>>) target(%dma_start3A_1254 : memref<16x128xf32, #tpu.memory_space<vmem>>) target_semaphore(%arg12 : memref<!tpu.dma_semaphore, #tpu.memory_space<semaphore_mem>>)
      %slice3A_1257 = vector.extract_strided_slice %mul3A_1032 {offsets = [14], sizes = [1], strides = [1]} : vector<16xi32> to vector<1xi32>
      %squeeze3A_1258 = vector.extract %slice3A_1257[0] : i32 from vector<1xi32>
      %multiple_of3A_1259 = tpu.assume_multiple %squeeze3A_1258, 128 : i32
      %dma_start3A_1260 = arith.constant 14 : i32
      %dma_start3A_1261 = arith.constant 0 : i32
      %dma_start3A_1262 = arith.constant 0 : i32
      %dma_start3A_1263 = tpu.memref_slice %arg8[%dma_start3A_1260, %dma_start3A_1261, %dma_start3A_1262] : memref<16x16x128xf32, #tpu.memory_space<vmem>> -> memref<1x16x128xf32, #tpu.memory_space<vmem>>
      %dma_start3A_1264 = tpu.memref_squeeze %dma_start3A_1263 : memref<1x16x128xf32, #tpu.memory_space<vmem>> -> memref<16x128xf32, #tpu.memory_space<vmem>>
      %dma_start3A_1265 = arith.constant 0 : i32
      %dma_start3A_1266 = tpu.memref_slice %arg3[%dma_start3A_1265, %multiple_of3A_1259] : memref<16x1000000xf32, #tpu.memory_space<hbm>> -> memref<16x128xf32, #tpu.memory_space<hbm>>
      %dma_start3A_1267 = arith.constant 0 : i32
      %dma_start3A_1268 = arith.constant 0 : i32
      %dma_start3A_1269 = tpu.memref_slice %arg8[%dma_start3A_1260, %dma_start3A_1267, %dma_start3A_1268] : memref<16x16x128xf32, #tpu.memory_space<vmem>> -> memref<1x16x128xf32, #tpu.memory_space<vmem>>
      %dma_start3A_1270 = tpu.memref_squeeze %dma_start3A_1269 : memref<1x16x128xf32, #tpu.memory_space<vmem>> -> memref<16x128xf32, #tpu.memory_space<vmem>>
      %dma_start3A_1271 = arith.constant 0 : i32
      %dma_start3A_1272 = tpu.memref_slice %arg3[%dma_start3A_1271, %multiple_of3A_1259] : memref<16x1000000xf32, #tpu.memory_space<hbm>> -> memref<16x128xf32, #tpu.memory_space<hbm>>
      tpu.enqueue_dma source(%dma_start3A_1272 : memref<16x128xf32, #tpu.memory_space<hbm>>) target(%dma_start3A_1270 : memref<16x128xf32, #tpu.memory_space<vmem>>) target_semaphore(%arg12 : memref<!tpu.dma_semaphore, #tpu.memory_space<semaphore_mem>>)
      %slice3A_1273 = vector.extract_strided_slice %mul3A_1032 {offsets = [15], sizes = [1], strides = [1]} : vector<16xi32> to vector<1xi32>
      %squeeze3A_1274 = vector.extract %slice3A_1273[0] : i32 from vector<1xi32>
      %multiple_of3A_1275 = tpu.assume_multiple %squeeze3A_1274, 128 : i32
      %dma_start3A_1276 = arith.constant 15 : i32
      %dma_start3A_1277 = arith.constant 0 : i32
      %dma_start3A_1278 = arith.constant 0 : i32
      %dma_start3A_1279 = tpu.memref_slice %arg8[%dma_start3A_1276, %dma_start3A_1277, %dma_start3A_1278] : memref<16x16x128xf32, #tpu.memory_space<vmem>> -> memref<1x16x128xf32, #tpu.memory_space<vmem>>
      %dma_start3A_1280 = tpu.memref_squeeze %dma_start3A_1279 : memref<1x16x128xf32, #tpu.memory_space<vmem>> -> memref<16x128xf32, #tpu.memory_space<vmem>>
      %dma_start3A_1281 = arith.constant 0 : i32
      %dma_start3A_1282 = tpu.memref_slice %arg3[%dma_start3A_1281, %multiple_of3A_1275] : memref<16x1000000xf32, #tpu.memory_space<hbm>> -> memref<16x128xf32, #tpu.memory_space<hbm>>
      %dma_start3A_1283 = arith.constant 0 : i32
      %dma_start3A_1284 = arith.constant 0 : i32
      %dma_start3A_1285 = tpu.memref_slice %arg8[%dma_start3A_1276, %dma_start3A_1283, %dma_start3A_1284] : memref<16x16x128xf32, #tpu.memory_space<vmem>> -> memref<1x16x128xf32, #tpu.memory_space<vmem>>
      %dma_start3A_1286 = tpu.memref_squeeze %dma_start3A_1285 : memref<1x16x128xf32, #tpu.memory_space<vmem>> -> memref<16x128xf32, #tpu.memory_space<vmem>>
      %dma_start3A_1287 = arith.constant 0 : i32
      %dma_start3A_1288 = tpu.memref_slice %arg3[%dma_start3A_1287, %multiple_of3A_1275] : memref<16x1000000xf32, #tpu.memory_space<hbm>> -> memref<16x128xf32, #tpu.memory_space<hbm>>
      tpu.enqueue_dma source(%dma_start3A_1288 : memref<16x128xf32, #tpu.memory_space<hbm>>) target(%dma_start3A_1286 : memref<16x128xf32, #tpu.memory_space<vmem>>) target_semaphore(%arg12 : memref<!tpu.dma_semaphore, #tpu.memory_space<semaphore_mem>>)
      %scan3A_1289 = arith.constant 0 : i32
      %scan3A_1290 = arith.constant 16 : i32
      %scan3A_1291 = arith.addi %scan3A_1289, %scan3A_1290 : i32
      %scan3A_1292 = arith.constant 1 : i32
      scf.for %scan3A_1925 = %scan3A_1289 to %scan3A_1291 step %scan3A_1292  : i32 {
        %mul3A_1926 = arith.constant 1 : i32
        %mul3A_1927 = arith.muli %scan3A_1925, %mul3A_1926 : i32
        %add3A_1928 = arith.constant 0 : i32
        %add3A_1929 = arith.addi %add3A_1928, %mul3A_1927 : i32
        %dma_wait3A_1930 = arith.constant 0 : i32
        %dma_wait3A_1931 = arith.constant 0 : i32
        %dma_wait3A_1932 = tpu.memref_slice %arg6[%add3A_1929, %dma_wait3A_1930, %dma_wait3A_1931] : memref<16x16x128xf32, #tpu.memory_space<vmem>> -> memref<1x16x128xf32, #tpu.memory_space<vmem>>
        %dma_wait3A_1933 = tpu.memref_squeeze %dma_wait3A_1932 : memref<1x16x128xf32, #tpu.memory_space<vmem>> -> memref<16x128xf32, #tpu.memory_space<vmem>>
        %dma_wait3A_1934 = arith.constant 0 : i32
        %dma_wait3A_1935 = arith.constant 0 : i32
        %dma_wait3A_1936 = tpu.memref_slice %arg3[%dma_wait3A_1934, %dma_wait3A_1935] : memref<16x1000000xf32, #tpu.memory_space<hbm>> -> memref<16x128xf32, #tpu.memory_space<hbm>>
        %dma_wait3A_1937 = arith.constant 0 : i32
        %dma_wait3A_1938 = arith.constant 0 : i32
        %dma_wait3A_1939 = tpu.memref_slice %arg6[%add3A_1929, %dma_wait3A_1937, %dma_wait3A_1938] : memref<16x16x128xf32, #tpu.memory_space<vmem>> -> memref<1x16x128xf32, #tpu.memory_space<vmem>>
        %dma_wait3A_1940 = tpu.memref_squeeze %dma_wait3A_1939 : memref<1x16x128xf32, #tpu.memory_space<vmem>> -> memref<16x128xf32, #tpu.memory_space<vmem>>
        %dma_wait3A_1941 = arith.constant 0 : i32
        %dma_wait3A_1942 = arith.constant 0 : i32
        %dma_wait3A_1943 = tpu.memref_slice %arg3[%dma_wait3A_1941, %dma_wait3A_1942] : memref<16x1000000xf32, #tpu.memory_space<hbm>> -> memref<16x128xf32, #tpu.memory_space<hbm>>
        tpu.wait_dma2 semaphore(%arg10 : memref<!tpu.dma_semaphore, #tpu.memory_space<semaphore_mem>>) src(%dma_wait3A_1943 : memref<16x128xf32, #tpu.memory_space<hbm>>) dst(%dma_wait3A_1940 : memref<16x128xf32, #tpu.memory_space<vmem>>)
      }
      %scan3A_1293 = arith.constant 16 : i32
      %mul3A_1294 = arith.constant 16 : i32
      %mul3A_1295 = arith.muli %mul3A_992, %mul3A_1294 : i32
      %get3A_1296 = arith.index_cast %mul3A_1295 : i32 to index
      %get3A_1297 = tpu.vector_load %arg5[%get3A_1296] {strides = array<i32>} : memref<512xi32, #tpu.memory_space<vmem>>, vector<16xi32>,
      %and3A_1298 = arith.constant 127 : i32
      %and3A_1299 = vector.broadcast %and3A_1298 : i32 to vector<16xi32>
      %and3A_1300 = arith.andi %get3A_1297, %and3A_1299 : vector<16xi32>
      %broadcast_in_dim3A_1301 = arith.constant 0 : i32
      %broadcast_in_dim3A_1302 = vector.broadcast %broadcast_in_dim3A_1301 : i32 to vector<16xi32>
      %gather3A_1303 = tpu.vector_load_idx %arg6[%iota3A, %broadcast_in_dim3A_1302, %and3A_1300] : memref<16x16x128xf32, #tpu.memory_space<vmem>>[vector<16xi32>, vector<16xi32>, vector<16xi32>], vector<16xf32>,
      %broadcast_in_dim3A_1304 = arith.constant 1 : i32
      %broadcast_in_dim3A_1305 = vector.broadcast %broadcast_in_dim3A_1304 : i32 to vector<16xi32>
      %gather3A_1306 = tpu.vector_load_idx %arg6[%iota3A, %broadcast_in_dim3A_1305, %and3A_1300] : memref<16x16x128xf32, #tpu.memory_space<vmem>>[vector<16xi32>, vector<16xi32>, vector<16xi32>], vector<16xf32>,
      %broadcast_in_dim3A_1307 = arith.constant 2 : i32
      %broadcast_in_dim3A_1308 = vector.broadcast %broadcast_in_dim3A_1307 : i32 to vector<16xi32>
      %gather3A_1309 = tpu.vector_load_idx %arg6[%iota3A, %broadcast_in_dim3A_1308, %and3A_1300] : memref<16x16x128xf32, #tpu.memory_space<vmem>>[vector<16xi32>, vector<16xi32>, vector<16xi32>], vector<16xf32>,
      %broadcast_in_dim3A_1310 = arith.constant 3 : i32
      %broadcast_in_dim3A_1311 = vector.broadcast %broadcast_in_dim3A_1310 : i32 to vector<16xi32>
      %gather3A_1312 = tpu.vector_load_idx %arg6[%iota3A, %broadcast_in_dim3A_1311, %and3A_1300] : memref<16x16x128xf32, #tpu.memory_space<vmem>>[vector<16xi32>, vector<16xi32>, vector<16xi32>], vector<16xf32>,
      %broadcast_in_dim3A_1313 = arith.constant 4 : i32
      %broadcast_in_dim3A_1314 = vector.broadcast %broadcast_in_dim3A_1313 : i32 to vector<16xi32>
      %gather3A_1315 = tpu.vector_load_idx %arg6[%iota3A, %broadcast_in_dim3A_1314, %and3A_1300] : memref<16x16x128xf32, #tpu.memory_space<vmem>>[vector<16xi32>, vector<16xi32>, vector<16xi32>], vector<16xf32>,
      %broadcast_in_dim3A_1316 = arith.constant 5 : i32
      %broadcast_in_dim3A_1317 = vector.broadcast %broadcast_in_dim3A_1316 : i32 to vector<16xi32>
      %gather3A_1318 = tpu.vector_load_idx %arg6[%iota3A, %broadcast_in_dim3A_1317, %and3A_1300] : memref<16x16x128xf32, #tpu.memory_space<vmem>>[vector<16xi32>, vector<16xi32>, vector<16xi32>], vector<16xf32>,
      %broadcast_in_dim3A_1319 = arith.constant 6 : i32
      %broadcast_in_dim3A_1320 = vector.broadcast %broadcast_in_dim3A_1319 : i32 to vector<16xi32>
      %gather3A_1321 = tpu.vector_load_idx %arg6[%iota3A, %broadcast_in_dim3A_1320, %and3A_1300] : memref<16x16x128xf32, #tpu.memory_space<vmem>>[vector<16xi32>, vector<16xi32>, vector<16xi32>], vector<16xf32>,
      %broadcast_in_dim3A_1322 = arith.constant 7 : i32
      %broadcast_in_dim3A_1323 = vector.broadcast %broadcast_in_dim3A_1322 : i32 to vector<16xi32>
      %gather3A_1324 = tpu.vector_load_idx %arg6[%iota3A, %broadcast_in_dim3A_1323, %and3A_1300] : memref<16x16x128xf32, #tpu.memory_space<vmem>>[vector<16xi32>, vector<16xi32>, vector<16xi32>], vector<16xf32>,
      %broadcast_in_dim3A_1325 = arith.constant 8 : i32
      %broadcast_in_dim3A_1326 = vector.broadcast %broadcast_in_dim3A_1325 : i32 to vector<16xi32>
      %gather3A_1327 = tpu.vector_load_idx %arg6[%iota3A, %broadcast_in_dim3A_1326, %and3A_1300] : memref<16x16x128xf32, #tpu.memory_space<vmem>>[vector<16xi32>, vector<16xi32>, vector<16xi32>], vector<16xf32>,
      %broadcast_in_dim3A_1328 = arith.constant 9 : i32
      %broadcast_in_dim3A_1329 = vector.broadcast %broadcast_in_dim3A_1328 : i32 to vector<16xi32>
      %gather3A_1330 = tpu.vector_load_idx %arg6[%iota3A, %broadcast_in_dim3A_1329, %and3A_1300] : memref<16x16x128xf32, #tpu.memory_space<vmem>>[vector<16xi32>, vector<16xi32>, vector<16xi32>], vector<16xf32>,
      %broadcast_in_dim3A_1331 = arith.constant 10 : i32
      %broadcast_in_dim3A_1332 = vector.broadcast %broadcast_in_dim3A_1331 : i32 to vector<16xi32>
      %gather3A_1333 = tpu.vector_load_idx %arg6[%iota3A, %broadcast_in_dim3A_1332, %and3A_1300] : memref<16x16x128xf32, #tpu.memory_space<vmem>>[vector<16xi32>, vector<16xi32>, vector<16xi32>], vector<16xf32>,
      %broadcast_in_dim3A_1334 = arith.constant 11 : i32
      %broadcast_in_dim3A_1335 = vector.broadcast %broadcast_in_dim3A_1334 : i32 to vector<16xi32>
      %gather3A_1336 = tpu.vector_load_idx %arg6[%iota3A, %broadcast_in_dim3A_1335, %and3A_1300] : memref<16x16x128xf32, #tpu.memory_space<vmem>>[vector<16xi32>, vector<16xi32>, vector<16xi32>], vector<16xf32>,
      %broadcast_in_dim3A_1337 = arith.constant 12 : i32
      %broadcast_in_dim3A_1338 = vector.broadcast %broadcast_in_dim3A_1337 : i32 to vector<16xi32>
      %gather3A_1339 = tpu.vector_load_idx %arg6[%iota3A, %broadcast_in_dim3A_1338, %and3A_1300] : memref<16x16x128xf32, #tpu.memory_space<vmem>>[vector<16xi32>, vector<16xi32>, vector<16xi32>], vector<16xf32>,
      %broadcast_in_dim3A_1340 = arith.constant 13 : i32
      %broadcast_in_dim3A_1341 = vector.broadcast %broadcast_in_dim3A_1340 : i32 to vector<16xi32>
      %gather3A_1342 = tpu.vector_load_idx %arg6[%iota3A, %broadcast_in_dim3A_1341, %and3A_1300] : memref<16x16x128xf32, #tpu.memory_space<vmem>>[vector<16xi32>, vector<16xi32>, vector<16xi32>], vector<16xf32>,
      %broadcast_in_dim3A_1343 = arith.constant 14 : i32
      %broadcast_in_dim3A_1344 = vector.broadcast %broadcast_in_dim3A_1343 : i32 to vector<16xi32>
      %gather3A_1345 = tpu.vector_load_idx %arg6[%iota3A, %broadcast_in_dim3A_1344, %and3A_1300] : memref<16x16x128xf32, #tpu.memory_space<vmem>>[vector<16xi32>, vector<16xi32>, vector<16xi32>], vector<16xf32>,
      %broadcast_in_dim3A_1346 = arith.constant 15 : i32
      %broadcast_in_dim3A_1347 = vector.broadcast %broadcast_in_dim3A_1346 : i32 to vector<16xi32>
      %gather3A_1348 = tpu.vector_load_idx %arg6[%iota3A, %broadcast_in_dim3A_1347, %and3A_1300] : memref<16x16x128xf32, #tpu.memory_space<vmem>>[vector<16xi32>, vector<16xi32>, vector<16xi32>], vector<16xf32>,
      %max3A_1349 = arith.maximumf %gather3A_1303, %gather3A_1306 : vector<16xf32>
      %max3A_1350 = arith.maximumf %max3A_1349, %gather3A_1309 : vector<16xf32>
      %max3A_1351 = arith.maximumf %max3A_1350, %gather3A_1312 : vector<16xf32>
      %max3A_1352 = arith.maximumf %max3A_1351, %gather3A_1315 : vector<16xf32>
      %max3A_1353 = arith.maximumf %max3A_1352, %gather3A_1318 : vector<16xf32>
      %max3A_1354 = arith.maximumf %max3A_1353, %gather3A_1321 : vector<16xf32>
      %max3A_1355 = arith.maximumf %max3A_1354, %gather3A_1324 : vector<16xf32>
      %max3A_1356 = arith.maximumf %max3A_1355, %gather3A_1327 : vector<16xf32>
      %max3A_1357 = arith.maximumf %max3A_1356, %gather3A_1330 : vector<16xf32>
      %max3A_1358 = arith.maximumf %max3A_1357, %gather3A_1333 : vector<16xf32>
      %max3A_1359 = arith.maximumf %max3A_1358, %gather3A_1336 : vector<16xf32>
      %max3A_1360 = arith.maximumf %max3A_1359, %gather3A_1339 : vector<16xf32>
      %max3A_1361 = arith.maximumf %max3A_1360, %gather3A_1342 : vector<16xf32>
      %max3A_1362 = arith.maximumf %max3A_1361, %gather3A_1345 : vector<16xf32>
      %max3A_1363 = arith.maximumf %max3A_1362, %gather3A_1348 : vector<16xf32>
      %sub3A_1364 = arith.subf %gather3A_1303, %max3A_1363 : vector<16xf32>
      %exp3A_1365 = math.exp %sub3A_1364 : vector<16xf32>
      %sub3A_1366 = arith.subf %gather3A_1306, %max3A_1363 : vector<16xf32>
      %exp3A_1367 = math.exp %sub3A_1366 : vector<16xf32>
      %sub3A_1368 = arith.subf %gather3A_1309, %max3A_1363 : vector<16xf32>
      %exp3A_1369 = math.exp %sub3A_1368 : vector<16xf32>
      %sub3A_1370 = arith.subf %gather3A_1312, %max3A_1363 : vector<16xf32>
      %exp3A_1371 = math.exp %sub3A_1370 : vector<16xf32>
      %sub3A_1372 = arith.subf %gather3A_1315, %max3A_1363 : vector<16xf32>
      %exp3A_1373 = math.exp %sub3A_1372 : vector<16xf32>
      %sub3A_1374 = arith.subf %gather3A_1318, %max3A_1363 : vector<16xf32>
      %exp3A_1375 = math.exp %sub3A_1374 : vector<16xf32>
      %sub3A_1376 = arith.subf %gather3A_1321, %max3A_1363 : vector<16xf32>
      %exp3A_1377 = math.exp %sub3A_1376 : vector<16xf32>
      %sub3A_1378 = arith.subf %gather3A_1324, %max3A_1363 : vector<16xf32>
      %exp3A_1379 = math.exp %sub3A_1378 : vector<16xf32>
      %sub3A_1380 = arith.subf %gather3A_1327, %max3A_1363 : vector<16xf32>
      %exp3A_1381 = math.exp %sub3A_1380 : vector<16xf32>
      %sub3A_1382 = arith.subf %gather3A_1330, %max3A_1363 : vector<16xf32>
      %exp3A_1383 = math.exp %sub3A_1382 : vector<16xf32>
      %sub3A_1384 = arith.subf %gather3A_1333, %max3A_1363 : vector<16xf32>
      %exp3A_1385 = math.exp %sub3A_1384 : vector<16xf32>
      %sub3A_1386 = arith.subf %gather3A_1336, %max3A_1363 : vector<16xf32>
      %exp3A_1387 = math.exp %sub3A_1386 : vector<16xf32>
      %sub3A_1388 = arith.subf %gather3A_1339, %max3A_1363 : vector<16xf32>
      %exp3A_1389 = math.exp %sub3A_1388 : vector<16xf32>
      %sub3A_1390 = arith.subf %gather3A_1342, %max3A_1363 : vector<16xf32>
      %exp3A_1391 = math.exp %sub3A_1390 : vector<16xf32>
      %sub3A_1392 = arith.subf %gather3A_1345, %max3A_1363 : vector<16xf32>
      %exp3A_1393 = math.exp %sub3A_1392 : vector<16xf32>
      %sub3A_1394 = arith.subf %gather3A_1348, %max3A_1363 : vector<16xf32>
      %exp3A_1395 = math.exp %sub3A_1394 : vector<16xf32>
      %add3A_1396 = arith.addf %exp3A_1365, %exp3A_1367 : vector<16xf32>
      %add3A_1397 = arith.addf %add3A_1396, %exp3A_1369 : vector<16xf32>
      %add3A_1398 = arith.addf %add3A_1397, %exp3A_1371 : vector<16xf32>
      %add3A_1399 = arith.addf %add3A_1398, %exp3A_1373 : vector<16xf32>
      %add3A_1400 = arith.addf %add3A_1399, %exp3A_1375 : vector<16xf32>
      %add3A_1401 = arith.addf %add3A_1400, %exp3A_1377 : vector<16xf32>
      %add3A_1402 = arith.addf %add3A_1401, %exp3A_1379 : vector<16xf32>
      %add3A_1403 = arith.addf %add3A_1402, %exp3A_1381 : vector<16xf32>
      %add3A_1404 = arith.addf %add3A_1403, %exp3A_1383 : vector<16xf32>
      %add3A_1405 = arith.addf %add3A_1404, %exp3A_1385 : vector<16xf32>
      %add3A_1406 = arith.addf %add3A_1405, %exp3A_1387 : vector<16xf32>
      %add3A_1407 = arith.addf %add3A_1406, %exp3A_1389 : vector<16xf32>
      %add3A_1408 = arith.addf %add3A_1407, %exp3A_1391 : vector<16xf32>
      %add3A_1409 = arith.addf %add3A_1408, %exp3A_1393 : vector<16xf32>
      %add3A_1410 = arith.addf %add3A_1409, %exp3A_1395 : vector<16xf32>
      %div3A_1411 = arith.constant 1.000000e+00 : f32
      %div3A_1412 = vector.broadcast %div3A_1411 : f32 to vector<16xf32>
      %div3A_1413 = arith.divf %div3A_1412, %add3A_1410 : vector<16xf32>
      %mul3A_1414 = arith.constant 16 : i32
      %mul3A_1415 = arith.muli %mul3A_992, %mul3A_1414 : i32
      %mul3A_1416 = arith.mulf %exp3A_1365, %div3A_1413 : vector<16xf32>
      %swap3A_1417 = arith.constant 0 : i32
      %swap3A_1418 = arith.index_cast %swap3A_1417 : i32 to index
      %swap3A_1419 = arith.index_cast %mul3A_1415 : i32 to index
      %swap3A_1420 = tpu.vector_load %arg9[%swap3A_1418, %swap3A_1419] {strides = array<i32>} : memref<16x512xf32, #tpu.memory_space<vmem>>, vector<16xf32>,
      tpu.vector_store %arg9[%swap3A_1418, %swap3A_1419], %mul3A_1416 {strides = array<i32>} : memref<16x512xf32, #tpu.memory_space<vmem>>, vector<16xf32>,
      %mul3A_1421 = arith.mulf %exp3A_1367, %div3A_1413 : vector<16xf32>
      %swap3A_1422 = arith.constant 1 : i32
      %swap3A_1423 = arith.index_cast %swap3A_1422 : i32 to index
      %swap3A_1424 = arith.index_cast %mul3A_1415 : i32 to index
      %swap3A_1425 = tpu.vector_load %arg9[%swap3A_1423, %swap3A_1424] {strides = array<i32>} : memref<16x512xf32, #tpu.memory_space<vmem>>, vector<16xf32>,
      tpu.vector_store %arg9[%swap3A_1423, %swap3A_1424], %mul3A_1421 {strides = array<i32>} : memref<16x512xf32, #tpu.memory_space<vmem>>, vector<16xf32>,
      %mul3A_1426 = arith.mulf %exp3A_1369, %div3A_1413 : vector<16xf32>
      %swap3A_1427 = arith.constant 2 : i32
      %swap3A_1428 = arith.index_cast %swap3A_1427 : i32 to index
      %swap3A_1429 = arith.index_cast %mul3A_1415 : i32 to index
      %swap3A_1430 = tpu.vector_load %arg9[%swap3A_1428, %swap3A_1429] {strides = array<i32>} : memref<16x512xf32, #tpu.memory_space<vmem>>, vector<16xf32>,
      tpu.vector_store %arg9[%swap3A_1428, %swap3A_1429], %mul3A_1426 {strides = array<i32>} : memref<16x512xf32, #tpu.memory_space<vmem>>, vector<16xf32>,
      %mul3A_1431 = arith.mulf %exp3A_1371, %div3A_1413 : vector<16xf32>
      %swap3A_1432 = arith.constant 3 : i32
      %swap3A_1433 = arith.index_cast %swap3A_1432 : i32 to index
      %swap3A_1434 = arith.index_cast %mul3A_1415 : i32 to index
      %swap3A_1435 = tpu.vector_load %arg9[%swap3A_1433, %swap3A_1434] {strides = array<i32>} : memref<16x512xf32, #tpu.memory_space<vmem>>, vector<16xf32>,
      tpu.vector_store %arg9[%swap3A_1433, %swap3A_1434], %mul3A_1431 {strides = array<i32>} : memref<16x512xf32, #tpu.memory_space<vmem>>, vector<16xf32>,
      %mul3A_1436 = arith.mulf %exp3A_1373, %div3A_1413 : vector<16xf32>
      %swap3A_1437 = arith.constant 4 : i32
      %swap3A_1438 = arith.index_cast %swap3A_1437 : i32 to index
      %swap3A_1439 = arith.index_cast %mul3A_1415 : i32 to index
      %swap3A_1440 = tpu.vector_load %arg9[%swap3A_1438, %swap3A_1439] {strides = array<i32>} : memref<16x512xf32, #tpu.memory_space<vmem>>, vector<16xf32>,
      tpu.vector_store %arg9[%swap3A_1438, %swap3A_1439], %mul3A_1436 {strides = array<i32>} : memref<16x512xf32, #tpu.memory_space<vmem>>, vector<16xf32>,
      %mul3A_1441 = arith.mulf %exp3A_1375, %div3A_1413 : vector<16xf32>
      %swap3A_1442 = arith.constant 5 : i32
      %swap3A_1443 = arith.index_cast %swap3A_1442 : i32 to index
      %swap3A_1444 = arith.index_cast %mul3A_1415 : i32 to index
      %swap3A_1445 = tpu.vector_load %arg9[%swap3A_1443, %swap3A_1444] {strides = array<i32>} : memref<16x512xf32, #tpu.memory_space<vmem>>, vector<16xf32>,
      tpu.vector_store %arg9[%swap3A_1443, %swap3A_1444], %mul3A_1441 {strides = array<i32>} : memref<16x512xf32, #tpu.memory_space<vmem>>, vector<16xf32>,
      %mul3A_1446 = arith.mulf %exp3A_1377, %div3A_1413 : vector<16xf32>
      %swap3A_1447 = arith.constant 6 : i32
      %swap3A_1448 = arith.index_cast %swap3A_1447 : i32 to index
      %swap3A_1449 = arith.index_cast %mul3A_1415 : i32 to index
      %swap3A_1450 = tpu.vector_load %arg9[%swap3A_1448, %swap3A_1449] {strides = array<i32>} : memref<16x512xf32, #tpu.memory_space<vmem>>, vector<16xf32>,
      tpu.vector_store %arg9[%swap3A_1448, %swap3A_1449], %mul3A_1446 {strides = array<i32>} : memref<16x512xf32, #tpu.memory_space<vmem>>, vector<16xf32>,
      %mul3A_1451 = arith.mulf %exp3A_1379, %div3A_1413 : vector<16xf32>
      %swap3A_1452 = arith.constant 7 : i32
      %swap3A_1453 = arith.index_cast %swap3A_1452 : i32 to index
      %swap3A_1454 = arith.index_cast %mul3A_1415 : i32 to index
      %swap3A_1455 = tpu.vector_load %arg9[%swap3A_1453, %swap3A_1454] {strides = array<i32>} : memref<16x512xf32, #tpu.memory_space<vmem>>, vector<16xf32>,
      tpu.vector_store %arg9[%swap3A_1453, %swap3A_1454], %mul3A_1451 {strides = array<i32>} : memref<16x512xf32, #tpu.memory_space<vmem>>, vector<16xf32>,
      %mul3A_1456 = arith.mulf %exp3A_1381, %div3A_1413 : vector<16xf32>
      %swap3A_1457 = arith.constant 8 : i32
      %swap3A_1458 = arith.index_cast %swap3A_1457 : i32 to index
      %swap3A_1459 = arith.index_cast %mul3A_1415 : i32 to index
      %swap3A_1460 = tpu.vector_load %arg9[%swap3A_1458, %swap3A_1459] {strides = array<i32>} : memref<16x512xf32, #tpu.memory_space<vmem>>, vector<16xf32>,
      tpu.vector_store %arg9[%swap3A_1458, %swap3A_1459], %mul3A_1456 {strides = array<i32>} : memref<16x512xf32, #tpu.memory_space<vmem>>, vector<16xf32>,
      %mul3A_1461 = arith.mulf %exp3A_1383, %div3A_1413 : vector<16xf32>
      %swap3A_1462 = arith.constant 9 : i32
      %swap3A_1463 = arith.index_cast %swap3A_1462 : i32 to index
      %swap3A_1464 = arith.index_cast %mul3A_1415 : i32 to index
      %swap3A_1465 = tpu.vector_load %arg9[%swap3A_1463, %swap3A_1464] {strides = array<i32>} : memref<16x512xf32, #tpu.memory_space<vmem>>, vector<16xf32>,
      tpu.vector_store %arg9[%swap3A_1463, %swap3A_1464], %mul3A_1461 {strides = array<i32>} : memref<16x512xf32, #tpu.memory_space<vmem>>, vector<16xf32>,
      %mul3A_1466 = arith.mulf %exp3A_1385, %div3A_1413 : vector<16xf32>
      %swap3A_1467 = arith.constant 10 : i32
      %swap3A_1468 = arith.index_cast %swap3A_1467 : i32 to index
      %swap3A_1469 = arith.index_cast %mul3A_1415 : i32 to index
      %swap3A_1470 = tpu.vector_load %arg9[%swap3A_1468, %swap3A_1469] {strides = array<i32>} : memref<16x512xf32, #tpu.memory_space<vmem>>, vector<16xf32>,
      tpu.vector_store %arg9[%swap3A_1468, %swap3A_1469], %mul3A_1466 {strides = array<i32>} : memref<16x512xf32, #tpu.memory_space<vmem>>, vector<16xf32>,
      %mul3A_1471 = arith.mulf %exp3A_1387, %div3A_1413 : vector<16xf32>
      %swap3A_1472 = arith.constant 11 : i32
      %swap3A_1473 = arith.index_cast %swap3A_1472 : i32 to index
      %swap3A_1474 = arith.index_cast %mul3A_1415 : i32 to index
      %swap3A_1475 = tpu.vector_load %arg9[%swap3A_1473, %swap3A_1474] {strides = array<i32>} : memref<16x512xf32, #tpu.memory_space<vmem>>, vector<16xf32>,
      tpu.vector_store %arg9[%swap3A_1473, %swap3A_1474], %mul3A_1471 {strides = array<i32>} : memref<16x512xf32, #tpu.memory_space<vmem>>, vector<16xf32>,
      %mul3A_1476 = arith.mulf %exp3A_1389, %div3A_1413 : vector<16xf32>
      %swap3A_1477 = arith.constant 12 : i32
      %swap3A_1478 = arith.index_cast %swap3A_1477 : i32 to index
      %swap3A_1479 = arith.index_cast %mul3A_1415 : i32 to index
      %swap3A_1480 = tpu.vector_load %arg9[%swap3A_1478, %swap3A_1479] {strides = array<i32>} : memref<16x512xf32, #tpu.memory_space<vmem>>, vector<16xf32>,
      tpu.vector_store %arg9[%swap3A_1478, %swap3A_1479], %mul3A_1476 {strides = array<i32>} : memref<16x512xf32, #tpu.memory_space<vmem>>, vector<16xf32>,
      %mul3A_1481 = arith.mulf %exp3A_1391, %div3A_1413 : vector<16xf32>
      %swap3A_1482 = arith.constant 13 : i32
      %swap3A_1483 = arith.index_cast %swap3A_1482 : i32 to index
      %swap3A_1484 = arith.index_cast %mul3A_1415 : i32 to index
      %swap3A_1485 = tpu.vector_load %arg9[%swap3A_1483, %swap3A_1484] {strides = array<i32>} : memref<16x512xf32, #tpu.memory_space<vmem>>, vector<16xf32>,
      tpu.vector_store %arg9[%swap3A_1483, %swap3A_1484], %mul3A_1481 {strides = array<i32>} : memref<16x512xf32, #tpu.memory_space<vmem>>, vector<16xf32>,
      %mul3A_1486 = arith.mulf %exp3A_1393, %div3A_1413 : vector<16xf32>
      %swap3A_1487 = arith.constant 14 : i32
      %swap3A_1488 = arith.index_cast %swap3A_1487 : i32 to index
      %swap3A_1489 = arith.index_cast %mul3A_1415 : i32 to index
      %swap3A_1490 = tpu.vector_load %arg9[%swap3A_1488, %swap3A_1489] {strides = array<i32>} : memref<16x512xf32, #tpu.memory_space<vmem>>, vector<16xf32>,
      tpu.vector_store %arg9[%swap3A_1488, %swap3A_1489], %mul3A_1486 {strides = array<i32>} : memref<16x512xf32, #tpu.memory_space<vmem>>, vector<16xf32>,
      %mul3A_1491 = arith.mulf %exp3A_1395, %div3A_1413 : vector<16xf32>
      %swap3A_1492 = arith.constant 15 : i32
      %swap3A_1493 = arith.index_cast %swap3A_1492 : i32 to index
      %swap3A_1494 = arith.index_cast %mul3A_1415 : i32 to index
      %swap3A_1495 = tpu.vector_load %arg9[%swap3A_1493, %swap3A_1494] {strides = array<i32>} : memref<16x512xf32, #tpu.memory_space<vmem>>, vector<16xf32>,
      tpu.vector_store %arg9[%swap3A_1493, %swap3A_1494], %mul3A_1491 {strides = array<i32>} : memref<16x512xf32, #tpu.memory_space<vmem>>, vector<16xf32>,
      %add3A_1496 = arith.constant 3 : i32
      %add3A_1497 = arith.addi %mul3A_992, %add3A_1496 : i32
      %lt3A = arith.constant 32 : i32
      %lt3A_1498 = arith.cmpi slt, %add3A_1497, %lt3A : i32
      %convert_element_type3A = arith.extui %lt3A_1498 : i1 to i32
      %cond3A = arith.constant 0 : i32
      %cond3A_1499 = arith.cmpi ne, %convert_element_type3A, %cond3A : i32
      scf.if %cond3A_1499 {
        %add3A_1925 = arith.constant 3 : i32
        %add3A_1926 = arith.addi %mul3A_992, %add3A_1925 : i32
        %mul3A_1927 = arith.constant 16 : i32
        %mul3A_1928 = arith.muli %add3A_1926, %mul3A_1927 : i32
        %get3A_1929 = arith.index_cast %mul3A_1928 : i32 to index
        %get3A_1930 = tpu.vector_load %arg5[%get3A_1929] {strides = array<i32>} : memref<512xi32, #tpu.memory_space<vmem>>, vector<16xi32>,
        %jit3A_1931 = arith.constant 128 : i32
        %div3A_1932 = vector.broadcast %jit3A_1931 : i32 to vector<16xi32>
        %div3A_1933 = arith.divsi %get3A_1930, %div3A_1932 : vector<16xi32>
        %sign3A_1934 = arith.constant 0 : i32
        %sign3A_1935 = vector.broadcast %sign3A_1934 : i32 to vector<16xi32>
        %sign3A_1936 = arith.cmpi sgt, %get3A_1930, %sign3A_1935 : vector<16xi32>
        %sign3A_1937 = arith.extui %sign3A_1936 : vector<16xi1> to vector<16xi32>
        %sign3A_1938 = arith.constant 0 : i32
        %sign3A_1939 = vector.broadcast %sign3A_1938 : i32 to vector<16xi32>
        %sign3A_1940 = arith.cmpi slt, %get3A_1930, %sign3A_1939 : vector<16xi32>
        %sign3A_1941 = arith.extui %sign3A_1940 : vector<16xi1> to vector<16xi32>
        %sign3A_1942 = arith.subi %sign3A_1937, %sign3A_1941 : vector<16xi32>
        %sign3A_1943 = arith.constant 0 : i32
        %sign3A_1944 = arith.cmpi sgt, %jit3A_1931, %sign3A_1943 : i32
        %sign3A_1945 = arith.extui %sign3A_1944 : i1 to i32
        %sign3A_1946 = arith.constant 0 : i32
        %sign3A_1947 = arith.cmpi slt, %jit3A_1931, %sign3A_1946 : i32
        %sign3A_1948 = arith.extui %sign3A_1947 : i1 to i32
        %sign3A_1949 = arith.subi %sign3A_1945, %sign3A_1948 : i32
        %ne3A_1950 = vector.broadcast %sign3A_1949 : i32 to vector<16xi32>
        %ne3A_1951 = arith.cmpi ne, %sign3A_1942, %ne3A_1950 : vector<16xi32>
        %rem3A_1952 = vector.broadcast %jit3A_1931 : i32 to vector<16xi32>
        %rem3A_1953 = arith.remsi %get3A_1930, %rem3A_1952 : vector<16xi32>
        %ne3A_1954 = arith.constant 0 : i32
        %ne3A_1955 = vector.broadcast %ne3A_1954 : i32 to vector<16xi32>
        %ne3A_1956 = arith.cmpi ne, %rem3A_1953, %ne3A_1955 : vector<16xi32>
        %and3A_1957 = arith.andi %ne3A_1951, %ne3A_1956 : vector<16xi1>
        %sub3A_1958 = arith.constant 1 : i32
        %sub3A_1959 = vector.broadcast %sub3A_1958 : i32 to vector<16xi32>
        %sub3A_1960 = arith.subi %div3A_1933, %sub3A_1959 : vector<16xi32>
        %select_n3A_1961 = arith.select %and3A_1957, %sub3A_1960, %div3A_1933 : vector<16xi1>, vector<16xi32>
        %mul3A_1962 = arith.constant 128 : i32
        %mul3A_1963 = vector.broadcast %mul3A_1962 : i32 to vector<16xi32>
        %mul3A_1964 = arith.muli %select_n3A_1961, %mul3A_1963 : vector<16xi32>
        %slice3A_1965 = vector.extract_strided_slice %mul3A_1964 {offsets = [0], sizes = [1], strides = [1]} : vector<16xi32> to vector<1xi32>
        %squeeze3A_1966 = vector.extract %slice3A_1965[0] : i32 from vector<1xi32>
        %multiple_of3A_1967 = tpu.assume_multiple %squeeze3A_1966, 128 : i32
        %dma_start3A_1968 = arith.constant 0 : i32
        %dma_start3A_1969 = arith.constant 0 : i32
        %dma_start3A_1970 = arith.constant 0 : i32
        %dma_start3A_1971 = tpu.memref_slice %arg6[%dma_start3A_1968, %dma_start3A_1969, %dma_start3A_1970] : memref<16x16x128xf32, #tpu.memory_space<vmem>> -> memref<1x16x128xf32, #tpu.memory_space<vmem>>
        %dma_start3A_1972 = tpu.memref_squeeze %dma_start3A_1971 : memref<1x16x128xf32, #tpu.memory_space<vmem>> -> memref<16x128xf32, #tpu.memory_space<vmem>>
        %dma_start3A_1973 = arith.constant 0 : i32
        %dma_start3A_1974 = tpu.memref_slice %arg3[%dma_start3A_1973, %multiple_of3A_1967] : memref<16x1000000xf32, #tpu.memory_space<hbm>> -> memref<16x128xf32, #tpu.memory_space<hbm>>
        %dma_start3A_1975 = arith.constant 0 : i32
        %dma_start3A_1976 = arith.constant 0 : i32
        %dma_start3A_1977 = tpu.memref_slice %arg6[%dma_start3A_1968, %dma_start3A_1975, %dma_start3A_1976] : memref<16x16x128xf32, #tpu.memory_space<vmem>> -> memref<1x16x128xf32, #tpu.memory_space<vmem>>
        %dma_start3A_1978 = tpu.memref_squeeze %dma_start3A_1977 : memref<1x16x128xf32, #tpu.memory_space<vmem>> -> memref<16x128xf32, #tpu.memory_space<vmem>>
        %dma_start3A_1979 = arith.constant 0 : i32
        %dma_start3A_1980 = tpu.memref_slice %arg3[%dma_start3A_1979, %multiple_of3A_1967] : memref<16x1000000xf32, #tpu.memory_space<hbm>> -> memref<16x128xf32, #tpu.memory_space<hbm>>
        tpu.enqueue_dma source(%dma_start3A_1980 : memref<16x128xf32, #tpu.memory_space<hbm>>) target(%dma_start3A_1978 : memref<16x128xf32, #tpu.memory_space<vmem>>) target_semaphore(%arg10 : memref<!tpu.dma_semaphore, #tpu.memory_space<semaphore_mem>>)
        %slice3A_1981 = vector.extract_strided_slice %mul3A_1964 {offsets = [1], sizes = [1], strides = [1]} : vector<16xi32> to vector<1xi32>
        %squeeze3A_1982 = vector.extract %slice3A_1981[0] : i32 from vector<1xi32>
        %multiple_of3A_1983 = tpu.assume_multiple %squeeze3A_1982, 128 : i32
        %dma_start3A_1984 = arith.constant 1 : i32
        %dma_start3A_1985 = arith.constant 0 : i32
        %dma_start3A_1986 = arith.constant 0 : i32
        %dma_start3A_1987 = tpu.memref_slice %arg6[%dma_start3A_1984, %dma_start3A_1985, %dma_start3A_1986] : memref<16x16x128xf32, #tpu.memory_space<vmem>> -> memref<1x16x128xf32, #tpu.memory_space<vmem>>
        %dma_start3A_1988 = tpu.memref_squeeze %dma_start3A_1987 : memref<1x16x128xf32, #tpu.memory_space<vmem>> -> memref<16x128xf32, #tpu.memory_space<vmem>>
        %dma_start3A_1989 = arith.constant 0 : i32
        %dma_start3A_1990 = tpu.memref_slice %arg3[%dma_start3A_1989, %multiple_of3A_1983] : memref<16x1000000xf32, #tpu.memory_space<hbm>> -> memref<16x128xf32, #tpu.memory_space<hbm>>
        %dma_start3A_1991 = arith.constant 0 : i32
        %dma_start3A_1992 = arith.constant 0 : i32
        %dma_start3A_1993 = tpu.memref_slice %arg6[%dma_start3A_1984, %dma_start3A_1991, %dma_start3A_1992] : memref<16x16x128xf32, #tpu.memory_space<vmem>> -> memref<1x16x128xf32, #tpu.memory_space<vmem>>
        %dma_start3A_1994 = tpu.memref_squeeze %dma_start3A_1993 : memref<1x16x128xf32, #tpu.memory_space<vmem>> -> memref<16x128xf32, #tpu.memory_space<vmem>>
        %dma_start3A_1995 = arith.constant 0 : i32
        %dma_start3A_1996 = tpu.memref_slice %arg3[%dma_start3A_1995, %multiple_of3A_1983] : memref<16x1000000xf32, #tpu.memory_space<hbm>> -> memref<16x128xf32, #tpu.memory_space<hbm>>
        tpu.enqueue_dma source(%dma_start3A_1996 : memref<16x128xf32, #tpu.memory_space<hbm>>) target(%dma_start3A_1994 : memref<16x128xf32, #tpu.memory_space<vmem>>) target_semaphore(%arg10 : memref<!tpu.dma_semaphore, #tpu.memory_space<semaphore_mem>>)
        %slice3A_1997 = vector.extract_strided_slice %mul3A_1964 {offsets = [2], sizes = [1], strides = [1]} : vector<16xi32> to vector<1xi32>
        %squeeze3A_1998 = vector.extract %slice3A_1997[0] : i32 from vector<1xi32>
        %multiple_of3A_1999 = tpu.assume_multiple %squeeze3A_1998, 128 : i32
        %dma_start3A_2000 = arith.constant 2 : i32
        %dma_start3A_2001 = arith.constant 0 : i32
        %dma_start3A_2002 = arith.constant 0 : i32
        %dma_start3A_2003 = tpu.memref_slice %arg6[%dma_start3A_2000, %dma_start3A_2001, %dma_start3A_2002] : memref<16x16x128xf32, #tpu.memory_space<vmem>> -> memref<1x16x128xf32, #tpu.memory_space<vmem>>
        %dma_start3A_2004 = tpu.memref_squeeze %dma_start3A_2003 : memref<1x16x128xf32, #tpu.memory_space<vmem>> -> memref<16x128xf32, #tpu.memory_space<vmem>>
        %dma_start3A_2005 = arith.constant 0 : i32
        %dma_start3A_2006 = tpu.memref_slice %arg3[%dma_start3A_2005, %multiple_of3A_1999] : memref<16x1000000xf32, #tpu.memory_space<hbm>> -> memref<16x128xf32, #tpu.memory_space<hbm>>
        %dma_start3A_2007 = arith.constant 0 : i32
        %dma_start3A_2008 = arith.constant 0 : i32
        %dma_start3A_2009 = tpu.memref_slice %arg6[%dma_start3A_2000, %dma_start3A_2007, %dma_start3A_2008] : memref<16x16x128xf32, #tpu.memory_space<vmem>> -> memref<1x16x128xf32, #tpu.memory_space<vmem>>
        %dma_start3A_2010 = tpu.memref_squeeze %dma_start3A_2009 : memref<1x16x128xf32, #tpu.memory_space<vmem>> -> memref<16x128xf32, #tpu.memory_space<vmem>>
        %dma_start3A_2011 = arith.constant 0 : i32
        %dma_start3A_2012 = tpu.memref_slice %arg3[%dma_start3A_2011, %multiple_of3A_1999] : memref<16x1000000xf32, #tpu.memory_space<hbm>> -> memref<16x128xf32, #tpu.memory_space<hbm>>
        tpu.enqueue_dma source(%dma_start3A_2012 : memref<16x128xf32, #tpu.memory_space<hbm>>) target(%dma_start3A_2010 : memref<16x128xf32, #tpu.memory_space<vmem>>) target_semaphore(%arg10 : memref<!tpu.dma_semaphore, #tpu.memory_space<semaphore_mem>>)
        %slice3A_2013 = vector.extract_strided_slice %mul3A_1964 {offsets = [3], sizes = [1], strides = [1]} : vector<16xi32> to vector<1xi32>
        %squeeze3A_2014 = vector.extract %slice3A_2013[0] : i32 from vector<1xi32>
        %multiple_of3A_2015 = tpu.assume_multiple %squeeze3A_2014, 128 : i32
        %dma_start3A_2016 = arith.constant 3 : i32
        %dma_start3A_2017 = arith.constant 0 : i32
        %dma_start3A_2018 = arith.constant 0 : i32
        %dma_start3A_2019 = tpu.memref_slice %arg6[%dma_start3A_2016, %dma_start3A_2017, %dma_start3A_2018] : memref<16x16x128xf32, #tpu.memory_space<vmem>> -> memref<1x16x128xf32, #tpu.memory_space<vmem>>
        %dma_start3A_2020 = tpu.memref_squeeze %dma_start3A_2019 : memref<1x16x128xf32, #tpu.memory_space<vmem>> -> memref<16x128xf32, #tpu.memory_space<vmem>>
        %dma_start3A_2021 = arith.constant 0 : i32
        %dma_start3A_2022 = tpu.memref_slice %arg3[%dma_start3A_2021, %multiple_of3A_2015] : memref<16x1000000xf32, #tpu.memory_space<hbm>> -> memref<16x128xf32, #tpu.memory_space<hbm>>
        %dma_start3A_2023 = arith.constant 0 : i32
        %dma_start3A_2024 = arith.constant 0 : i32
        %dma_start3A_2025 = tpu.memref_slice %arg6[%dma_start3A_2016, %dma_start3A_2023, %dma_start3A_2024] : memref<16x16x128xf32, #tpu.memory_space<vmem>> -> memref<1x16x128xf32, #tpu.memory_space<vmem>>
        %dma_start3A_2026 = tpu.memref_squeeze %dma_start3A_2025 : memref<1x16x128xf32, #tpu.memory_space<vmem>> -> memref<16x128xf32, #tpu.memory_space<vmem>>
        %dma_start3A_2027 = arith.constant 0 : i32
        %dma_start3A_2028 = tpu.memref_slice %arg3[%dma_start3A_2027, %multiple_of3A_2015] : memref<16x1000000xf32, #tpu.memory_space<hbm>> -> memref<16x128xf32, #tpu.memory_space<hbm>>
        tpu.enqueue_dma source(%dma_start3A_2028 : memref<16x128xf32, #tpu.memory_space<hbm>>) target(%dma_start3A_2026 : memref<16x128xf32, #tpu.memory_space<vmem>>) target_semaphore(%arg10 : memref<!tpu.dma_semaphore, #tpu.memory_space<semaphore_mem>>)
        %slice3A_2029 = vector.extract_strided_slice %mul3A_1964 {offsets = [4], sizes = [1], strides = [1]} : vector<16xi32> to vector<1xi32>
        %squeeze3A_2030 = vector.extract %slice3A_2029[0] : i32 from vector<1xi32>
        %multiple_of3A_2031 = tpu.assume_multiple %squeeze3A_2030, 128 : i32
        %dma_start3A_2032 = arith.constant 4 : i32
        %dma_start3A_2033 = arith.constant 0 : i32
        %dma_start3A_2034 = arith.constant 0 : i32
        %dma_start3A_2035 = tpu.memref_slice %arg6[%dma_start3A_2032, %dma_start3A_2033, %dma_start3A_2034] : memref<16x16x128xf32, #tpu.memory_space<vmem>> -> memref<1x16x128xf32, #tpu.memory_space<vmem>>
        %dma_start3A_2036 = tpu.memref_squeeze %dma_start3A_2035 : memref<1x16x128xf32, #tpu.memory_space<vmem>> -> memref<16x128xf32, #tpu.memory_space<vmem>>
        %dma_start3A_2037 = arith.constant 0 : i32
        %dma_start3A_2038 = tpu.memref_slice %arg3[%dma_start3A_2037, %multiple_of3A_2031] : memref<16x1000000xf32, #tpu.memory_space<hbm>> -> memref<16x128xf32, #tpu.memory_space<hbm>>
        %dma_start3A_2039 = arith.constant 0 : i32
        %dma_start3A_2040 = arith.constant 0 : i32
        %dma_start3A_2041 = tpu.memref_slice %arg6[%dma_start3A_2032, %dma_start3A_2039, %dma_start3A_2040] : memref<16x16x128xf32, #tpu.memory_space<vmem>> -> memref<1x16x128xf32, #tpu.memory_space<vmem>>
        %dma_start3A_2042 = tpu.memref_squeeze %dma_start3A_2041 : memref<1x16x128xf32, #tpu.memory_space<vmem>> -> memref<16x128xf32, #tpu.memory_space<vmem>>
        %dma_start3A_2043 = arith.constant 0 : i32
        %dma_start3A_2044 = tpu.memref_slice %arg3[%dma_start3A_2043, %multiple_of3A_2031] : memref<16x1000000xf32, #tpu.memory_space<hbm>> -> memref<16x128xf32, #tpu.memory_space<hbm>>
        tpu.enqueue_dma source(%dma_start3A_2044 : memref<16x128xf32, #tpu.memory_space<hbm>>) target(%dma_start3A_2042 : memref<16x128xf32, #tpu.memory_space<vmem>>) target_semaphore(%arg10 : memref<!tpu.dma_semaphore, #tpu.memory_space<semaphore_mem>>)
        %slice3A_2045 = vector.extract_strided_slice %mul3A_1964 {offsets = [5], sizes = [1], strides = [1]} : vector<16xi32> to vector<1xi32>
        %squeeze3A_2046 = vector.extract %slice3A_2045[0] : i32 from vector<1xi32>
        %multiple_of3A_2047 = tpu.assume_multiple %squeeze3A_2046, 128 : i32
        %dma_start3A_2048 = arith.constant 5 : i32
        %dma_start3A_2049 = arith.constant 0 : i32
        %dma_start3A_2050 = arith.constant 0 : i32
        %dma_start3A_2051 = tpu.memref_slice %arg6[%dma_start3A_2048, %dma_start3A_2049, %dma_start3A_2050] : memref<16x16x128xf32, #tpu.memory_space<vmem>> -> memref<1x16x128xf32, #tpu.memory_space<vmem>>
        %dma_start3A_2052 = tpu.memref_squeeze %dma_start3A_2051 : memref<1x16x128xf32, #tpu.memory_space<vmem>> -> memref<16x128xf32, #tpu.memory_space<vmem>>
        %dma_start3A_2053 = arith.constant 0 : i32
        %dma_start3A_2054 = tpu.memref_slice %arg3[%dma_start3A_2053, %multiple_of3A_2047] : memref<16x1000000xf32, #tpu.memory_space<hbm>> -> memref<16x128xf32, #tpu.memory_space<hbm>>
        %dma_start3A_2055 = arith.constant 0 : i32
        %dma_start3A_2056 = arith.constant 0 : i32
        %dma_start3A_2057 = tpu.memref_slice %arg6[%dma_start3A_2048, %dma_start3A_2055, %dma_start3A_2056] : memref<16x16x128xf32, #tpu.memory_space<vmem>> -> memref<1x16x128xf32, #tpu.memory_space<vmem>>
        %dma_start3A_2058 = tpu.memref_squeeze %dma_start3A_2057 : memref<1x16x128xf32, #tpu.memory_space<vmem>> -> memref<16x128xf32, #tpu.memory_space<vmem>>
        %dma_start3A_2059 = arith.constant 0 : i32
        %dma_start3A_2060 = tpu.memref_slice %arg3[%dma_start3A_2059, %multiple_of3A_2047] : memref<16x1000000xf32, #tpu.memory_space<hbm>> -> memref<16x128xf32, #tpu.memory_space<hbm>>
        tpu.enqueue_dma source(%dma_start3A_2060 : memref<16x128xf32, #tpu.memory_space<hbm>>) target(%dma_start3A_2058 : memref<16x128xf32, #tpu.memory_space<vmem>>) target_semaphore(%arg10 : memref<!tpu.dma_semaphore, #tpu.memory_space<semaphore_mem>>)
        %slice3A_2061 = vector.extract_strided_slice %mul3A_1964 {offsets = [6], sizes = [1], strides = [1]} : vector<16xi32> to vector<1xi32>
        %squeeze3A_2062 = vector.extract %slice3A_2061[0] : i32 from vector<1xi32>
        %multiple_of3A_2063 = tpu.assume_multiple %squeeze3A_2062, 128 : i32
        %dma_start3A_2064 = arith.constant 6 : i32
        %dma_start3A_2065 = arith.constant 0 : i32
        %dma_start3A_2066 = arith.constant 0 : i32
        %dma_start3A_2067 = tpu.memref_slice %arg6[%dma_start3A_2064, %dma_start3A_2065, %dma_start3A_2066] : memref<16x16x128xf32, #tpu.memory_space<vmem>> -> memref<1x16x128xf32, #tpu.memory_space<vmem>>
        %dma_start3A_2068 = tpu.memref_squeeze %dma_start3A_2067 : memref<1x16x128xf32, #tpu.memory_space<vmem>> -> memref<16x128xf32, #tpu.memory_space<vmem>>
        %dma_start3A_2069 = arith.constant 0 : i32
        %dma_start3A_2070 = tpu.memref_slice %arg3[%dma_start3A_2069, %multiple_of3A_2063] : memref<16x1000000xf32, #tpu.memory_space<hbm>> -> memref<16x128xf32, #tpu.memory_space<hbm>>
        %dma_start3A_2071 = arith.constant 0 : i32
        %dma_start3A_2072 = arith.constant 0 : i32
        %dma_start3A_2073 = tpu.memref_slice %arg6[%dma_start3A_2064, %dma_start3A_2071, %dma_start3A_2072] : memref<16x16x128xf32, #tpu.memory_space<vmem>> -> memref<1x16x128xf32, #tpu.memory_space<vmem>>
        %dma_start3A_2074 = tpu.memref_squeeze %dma_start3A_2073 : memref<1x16x128xf32, #tpu.memory_space<vmem>> -> memref<16x128xf32, #tpu.memory_space<vmem>>
        %dma_start3A_2075 = arith.constant 0 : i32
        %dma_start3A_2076 = tpu.memref_slice %arg3[%dma_start3A_2075, %multiple_of3A_2063] : memref<16x1000000xf32, #tpu.memory_space<hbm>> -> memref<16x128xf32, #tpu.memory_space<hbm>>
        tpu.enqueue_dma source(%dma_start3A_2076 : memref<16x128xf32, #tpu.memory_space<hbm>>) target(%dma_start3A_2074 : memref<16x128xf32, #tpu.memory_space<vmem>>) target_semaphore(%arg10 : memref<!tpu.dma_semaphore, #tpu.memory_space<semaphore_mem>>)
        %slice3A_2077 = vector.extract_strided_slice %mul3A_1964 {offsets = [7], sizes = [1], strides = [1]} : vector<16xi32> to vector<1xi32>
        %squeeze3A_2078 = vector.extract %slice3A_2077[0] : i32 from vector<1xi32>
        %multiple_of3A_2079 = tpu.assume_multiple %squeeze3A_2078, 128 : i32
        %dma_start3A_2080 = arith.constant 7 : i32
        %dma_start3A_2081 = arith.constant 0 : i32
        %dma_start3A_2082 = arith.constant 0 : i32
        %dma_start3A_2083 = tpu.memref_slice %arg6[%dma_start3A_2080, %dma_start3A_2081, %dma_start3A_2082] : memref<16x16x128xf32, #tpu.memory_space<vmem>> -> memref<1x16x128xf32, #tpu.memory_space<vmem>>
        %dma_start3A_2084 = tpu.memref_squeeze %dma_start3A_2083 : memref<1x16x128xf32, #tpu.memory_space<vmem>> -> memref<16x128xf32, #tpu.memory_space<vmem>>
        %dma_start3A_2085 = arith.constant 0 : i32
        %dma_start3A_2086 = tpu.memref_slice %arg3[%dma_start3A_2085, %multiple_of3A_2079] : memref<16x1000000xf32, #tpu.memory_space<hbm>> -> memref<16x128xf32, #tpu.memory_space<hbm>>
        %dma_start3A_2087 = arith.constant 0 : i32
        %dma_start3A_2088 = arith.constant 0 : i32
        %dma_start3A_2089 = tpu.memref_slice %arg6[%dma_start3A_2080, %dma_start3A_2087, %dma_start3A_2088] : memref<16x16x128xf32, #tpu.memory_space<vmem>> -> memref<1x16x128xf32, #tpu.memory_space<vmem>>
        %dma_start3A_2090 = tpu.memref_squeeze %dma_start3A_2089 : memref<1x16x128xf32, #tpu.memory_space<vmem>> -> memref<16x128xf32, #tpu.memory_space<vmem>>
        %dma_start3A_2091 = arith.constant 0 : i32
        %dma_start3A_2092 = tpu.memref_slice %arg3[%dma_start3A_2091, %multiple_of3A_2079] : memref<16x1000000xf32, #tpu.memory_space<hbm>> -> memref<16x128xf32, #tpu.memory_space<hbm>>
        tpu.enqueue_dma source(%dma_start3A_2092 : memref<16x128xf32, #tpu.memory_space<hbm>>) target(%dma_start3A_2090 : memref<16x128xf32, #tpu.memory_space<vmem>>) target_semaphore(%arg10 : memref<!tpu.dma_semaphore, #tpu.memory_space<semaphore_mem>>)
        %slice3A_2093 = vector.extract_strided_slice %mul3A_1964 {offsets = [8], sizes = [1], strides = [1]} : vector<16xi32> to vector<1xi32>
        %squeeze3A_2094 = vector.extract %slice3A_2093[0] : i32 from vector<1xi32>
        %multiple_of3A_2095 = tpu.assume_multiple %squeeze3A_2094, 128 : i32
        %dma_start3A_2096 = arith.constant 8 : i32
        %dma_start3A_2097 = arith.constant 0 : i32
        %dma_start3A_2098 = arith.constant 0 : i32
        %dma_start3A_2099 = tpu.memref_slice %arg6[%dma_start3A_2096, %dma_start3A_2097, %dma_start3A_2098] : memref<16x16x128xf32, #tpu.memory_space<vmem>> -> memref<1x16x128xf32, #tpu.memory_space<vmem>>
        %dma_start3A_2100 = tpu.memref_squeeze %dma_start3A_2099 : memref<1x16x128xf32, #tpu.memory_space<vmem>> -> memref<16x128xf32, #tpu.memory_space<vmem>>
        %dma_start3A_2101 = arith.constant 0 : i32
        %dma_start3A_2102 = tpu.memref_slice %arg3[%dma_start3A_2101, %multiple_of3A_2095] : memref<16x1000000xf32, #tpu.memory_space<hbm>> -> memref<16x128xf32, #tpu.memory_space<hbm>>
        %dma_start3A_2103 = arith.constant 0 : i32
        %dma_start3A_2104 = arith.constant 0 : i32
        %dma_start3A_2105 = tpu.memref_slice %arg6[%dma_start3A_2096, %dma_start3A_2103, %dma_start3A_2104] : memref<16x16x128xf32, #tpu.memory_space<vmem>> -> memref<1x16x128xf32, #tpu.memory_space<vmem>>
        %dma_start3A_2106 = tpu.memref_squeeze %dma_start3A_2105 : memref<1x16x128xf32, #tpu.memory_space<vmem>> -> memref<16x128xf32, #tpu.memory_space<vmem>>
        %dma_start3A_2107 = arith.constant 0 : i32
        %dma_start3A_2108 = tpu.memref_slice %arg3[%dma_start3A_2107, %multiple_of3A_2095] : memref<16x1000000xf32, #tpu.memory_space<hbm>> -> memref<16x128xf32, #tpu.memory_space<hbm>>
        tpu.enqueue_dma source(%dma_start3A_2108 : memref<16x128xf32, #tpu.memory_space<hbm>>) target(%dma_start3A_2106 : memref<16x128xf32, #tpu.memory_space<vmem>>) target_semaphore(%arg10 : memref<!tpu.dma_semaphore, #tpu.memory_space<semaphore_mem>>)
        %slice3A_2109 = vector.extract_strided_slice %mul3A_1964 {offsets = [9], sizes = [1], strides = [1]} : vector<16xi32> to vector<1xi32>
        %squeeze3A_2110 = vector.extract %slice3A_2109[0] : i32 from vector<1xi32>
        %multiple_of3A_2111 = tpu.assume_multiple %squeeze3A_2110, 128 : i32
        %dma_start3A_2112 = arith.constant 9 : i32
        %dma_start3A_2113 = arith.constant 0 : i32
        %dma_start3A_2114 = arith.constant 0 : i32
        %dma_start3A_2115 = tpu.memref_slice %arg6[%dma_start3A_2112, %dma_start3A_2113, %dma_start3A_2114] : memref<16x16x128xf32, #tpu.memory_space<vmem>> -> memref<1x16x128xf32, #tpu.memory_space<vmem>>
        %dma_start3A_2116 = tpu.memref_squeeze %dma_start3A_2115 : memref<1x16x128xf32, #tpu.memory_space<vmem>> -> memref<16x128xf32, #tpu.memory_space<vmem>>
        %dma_start3A_2117 = arith.constant 0 : i32
        %dma_start3A_2118 = tpu.memref_slice %arg3[%dma_start3A_2117, %multiple_of3A_2111] : memref<16x1000000xf32, #tpu.memory_space<hbm>> -> memref<16x128xf32, #tpu.memory_space<hbm>>
        %dma_start3A_2119 = arith.constant 0 : i32
        %dma_start3A_2120 = arith.constant 0 : i32
        %dma_start3A_2121 = tpu.memref_slice %arg6[%dma_start3A_2112, %dma_start3A_2119, %dma_start3A_2120] : memref<16x16x128xf32, #tpu.memory_space<vmem>> -> memref<1x16x128xf32, #tpu.memory_space<vmem>>
        %dma_start3A_2122 = tpu.memref_squeeze %dma_start3A_2121 : memref<1x16x128xf32, #tpu.memory_space<vmem>> -> memref<16x128xf32, #tpu.memory_space<vmem>>
        %dma_start3A_2123 = arith.constant 0 : i32
        %dma_start3A_2124 = tpu.memref_slice %arg3[%dma_start3A_2123, %multiple_of3A_2111] : memref<16x1000000xf32, #tpu.memory_space<hbm>> -> memref<16x128xf32, #tpu.memory_space<hbm>>
        tpu.enqueue_dma source(%dma_start3A_2124 : memref<16x128xf32, #tpu.memory_space<hbm>>) target(%dma_start3A_2122 : memref<16x128xf32, #tpu.memory_space<vmem>>) target_semaphore(%arg10 : memref<!tpu.dma_semaphore, #tpu.memory_space<semaphore_mem>>)
        %slice3A_2125 = vector.extract_strided_slice %mul3A_1964 {offsets = [10], sizes = [1], strides = [1]} : vector<16xi32> to vector<1xi32>
        %squeeze3A_2126 = vector.extract %slice3A_2125[0] : i32 from vector<1xi32>
        %multiple_of3A_2127 = tpu.assume_multiple %squeeze3A_2126, 128 : i32
        %dma_start3A_2128 = arith.constant 10 : i32
        %dma_start3A_2129 = arith.constant 0 : i32
        %dma_start3A_2130 = arith.constant 0 : i32
        %dma_start3A_2131 = tpu.memref_slice %arg6[%dma_start3A_2128, %dma_start3A_2129, %dma_start3A_2130] : memref<16x16x128xf32, #tpu.memory_space<vmem>> -> memref<1x16x128xf32, #tpu.memory_space<vmem>>
        %dma_start3A_2132 = tpu.memref_squeeze %dma_start3A_2131 : memref<1x16x128xf32, #tpu.memory_space<vmem>> -> memref<16x128xf32, #tpu.memory_space<vmem>>
        %dma_start3A_2133 = arith.constant 0 : i32
        %dma_start3A_2134 = tpu.memref_slice %arg3[%dma_start3A_2133, %multiple_of3A_2127] : memref<16x1000000xf32, #tpu.memory_space<hbm>> -> memref<16x128xf32, #tpu.memory_space<hbm>>
        %dma_start3A_2135 = arith.constant 0 : i32
        %dma_start3A_2136 = arith.constant 0 : i32
        %dma_start3A_2137 = tpu.memref_slice %arg6[%dma_start3A_2128, %dma_start3A_2135, %dma_start3A_2136] : memref<16x16x128xf32, #tpu.memory_space<vmem>> -> memref<1x16x128xf32, #tpu.memory_space<vmem>>
        %dma_start3A_2138 = tpu.memref_squeeze %dma_start3A_2137 : memref<1x16x128xf32, #tpu.memory_space<vmem>> -> memref<16x128xf32, #tpu.memory_space<vmem>>
        %dma_start3A_2139 = arith.constant 0 : i32
        %dma_start3A_2140 = tpu.memref_slice %arg3[%dma_start3A_2139, %multiple_of3A_2127] : memref<16x1000000xf32, #tpu.memory_space<hbm>> -> memref<16x128xf32, #tpu.memory_space<hbm>>
        tpu.enqueue_dma source(%dma_start3A_2140 : memref<16x128xf32, #tpu.memory_space<hbm>>) target(%dma_start3A_2138 : memref<16x128xf32, #tpu.memory_space<vmem>>) target_semaphore(%arg10 : memref<!tpu.dma_semaphore, #tpu.memory_space<semaphore_mem>>)
        %slice3A_2141 = vector.extract_strided_slice %mul3A_1964 {offsets = [11], sizes = [1], strides = [1]} : vector<16xi32> to vector<1xi32>
        %squeeze3A_2142 = vector.extract %slice3A_2141[0] : i32 from vector<1xi32>
        %multiple_of3A_2143 = tpu.assume_multiple %squeeze3A_2142, 128 : i32
        %dma_start3A_2144 = arith.constant 11 : i32
        %dma_start3A_2145 = arith.constant 0 : i32
        %dma_start3A_2146 = arith.constant 0 : i32
        %dma_start3A_2147 = tpu.memref_slice %arg6[%dma_start3A_2144, %dma_start3A_2145, %dma_start3A_2146] : memref<16x16x128xf32, #tpu.memory_space<vmem>> -> memref<1x16x128xf32, #tpu.memory_space<vmem>>
        %dma_start3A_2148 = tpu.memref_squeeze %dma_start3A_2147 : memref<1x16x128xf32, #tpu.memory_space<vmem>> -> memref<16x128xf32, #tpu.memory_space<vmem>>
        %dma_start3A_2149 = arith.constant 0 : i32
        %dma_start3A_2150 = tpu.memref_slice %arg3[%dma_start3A_2149, %multiple_of3A_2143] : memref<16x1000000xf32, #tpu.memory_space<hbm>> -> memref<16x128xf32, #tpu.memory_space<hbm>>
        %dma_start3A_2151 = arith.constant 0 : i32
        %dma_start3A_2152 = arith.constant 0 : i32
        %dma_start3A_2153 = tpu.memref_slice %arg6[%dma_start3A_2144, %dma_start3A_2151, %dma_start3A_2152] : memref<16x16x128xf32, #tpu.memory_space<vmem>> -> memref<1x16x128xf32, #tpu.memory_space<vmem>>
        %dma_start3A_2154 = tpu.memref_squeeze %dma_start3A_2153 : memref<1x16x128xf32, #tpu.memory_space<vmem>> -> memref<16x128xf32, #tpu.memory_space<vmem>>
        %dma_start3A_2155 = arith.constant 0 : i32
        %dma_start3A_2156 = tpu.memref_slice %arg3[%dma_start3A_2155, %multiple_of3A_2143] : memref<16x1000000xf32, #tpu.memory_space<hbm>> -> memref<16x128xf32, #tpu.memory_space<hbm>>
        tpu.enqueue_dma source(%dma_start3A_2156 : memref<16x128xf32, #tpu.memory_space<hbm>>) target(%dma_start3A_2154 : memref<16x128xf32, #tpu.memory_space<vmem>>) target_semaphore(%arg10 : memref<!tpu.dma_semaphore, #tpu.memory_space<semaphore_mem>>)
        %slice3A_2157 = vector.extract_strided_slice %mul3A_1964 {offsets = [12], sizes = [1], strides = [1]} : vector<16xi32> to vector<1xi32>
        %squeeze3A_2158 = vector.extract %slice3A_2157[0] : i32 from vector<1xi32>
        %multiple_of3A_2159 = tpu.assume_multiple %squeeze3A_2158, 128 : i32
        %dma_start3A_2160 = arith.constant 12 : i32
        %dma_start3A_2161 = arith.constant 0 : i32
        %dma_start3A_2162 = arith.constant 0 : i32
        %dma_start3A_2163 = tpu.memref_slice %arg6[%dma_start3A_2160, %dma_start3A_2161, %dma_start3A_2162] : memref<16x16x128xf32, #tpu.memory_space<vmem>> -> memref<1x16x128xf32, #tpu.memory_space<vmem>>
        %dma_start3A_2164 = tpu.memref_squeeze %dma_start3A_2163 : memref<1x16x128xf32, #tpu.memory_space<vmem>> -> memref<16x128xf32, #tpu.memory_space<vmem>>
        %dma_start3A_2165 = arith.constant 0 : i32
        %dma_start3A_2166 = tpu.memref_slice %arg3[%dma_start3A_2165, %multiple_of3A_2159] : memref<16x1000000xf32, #tpu.memory_space<hbm>> -> memref<16x128xf32, #tpu.memory_space<hbm>>
        %dma_start3A_2167 = arith.constant 0 : i32
        %dma_start3A_2168 = arith.constant 0 : i32
        %dma_start3A_2169 = tpu.memref_slice %arg6[%dma_start3A_2160, %dma_start3A_2167, %dma_start3A_2168] : memref<16x16x128xf32, #tpu.memory_space<vmem>> -> memref<1x16x128xf32, #tpu.memory_space<vmem>>
        %dma_start3A_2170 = tpu.memref_squeeze %dma_start3A_2169 : memref<1x16x128xf32, #tpu.memory_space<vmem>> -> memref<16x128xf32, #tpu.memory_space<vmem>>
        %dma_start3A_2171 = arith.constant 0 : i32
        %dma_start3A_2172 = tpu.memref_slice %arg3[%dma_start3A_2171, %multiple_of3A_2159] : memref<16x1000000xf32, #tpu.memory_space<hbm>> -> memref<16x128xf32, #tpu.memory_space<hbm>>
        tpu.enqueue_dma source(%dma_start3A_2172 : memref<16x128xf32, #tpu.memory_space<hbm>>) target(%dma_start3A_2170 : memref<16x128xf32, #tpu.memory_space<vmem>>) target_semaphore(%arg10 : memref<!tpu.dma_semaphore, #tpu.memory_space<semaphore_mem>>)
        %slice3A_2173 = vector.extract_strided_slice %mul3A_1964 {offsets = [13], sizes = [1], strides = [1]} : vector<16xi32> to vector<1xi32>
        %squeeze3A_2174 = vector.extract %slice3A_2173[0] : i32 from vector<1xi32>
        %multiple_of3A_2175 = tpu.assume_multiple %squeeze3A_2174, 128 : i32
        %dma_start3A_2176 = arith.constant 13 : i32
        %dma_start3A_2177 = arith.constant 0 : i32
        %dma_start3A_2178 = arith.constant 0 : i32
        %dma_start3A_2179 = tpu.memref_slice %arg6[%dma_start3A_2176, %dma_start3A_2177, %dma_start3A_2178] : memref<16x16x128xf32, #tpu.memory_space<vmem>> -> memref<1x16x128xf32, #tpu.memory_space<vmem>>
        %dma_start3A_2180 = tpu.memref_squeeze %dma_start3A_2179 : memref<1x16x128xf32, #tpu.memory_space<vmem>> -> memref<16x128xf32, #tpu.memory_space<vmem>>
        %dma_start3A_2181 = arith.constant 0 : i32
        %dma_start3A_2182 = tpu.memref_slice %arg3[%dma_start3A_2181, %multiple_of3A_2175] : memref<16x1000000xf32, #tpu.memory_space<hbm>> -> memref<16x128xf32, #tpu.memory_space<hbm>>
        %dma_start3A_2183 = arith.constant 0 : i32
        %dma_start3A_2184 = arith.constant 0 : i32
        %dma_start3A_2185 = tpu.memref_slice %arg6[%dma_start3A_2176, %dma_start3A_2183, %dma_start3A_2184] : memref<16x16x128xf32, #tpu.memory_space<vmem>> -> memref<1x16x128xf32, #tpu.memory_space<vmem>>
        %dma_start3A_2186 = tpu.memref_squeeze %dma_start3A_2185 : memref<1x16x128xf32, #tpu.memory_space<vmem>> -> memref<16x128xf32, #tpu.memory_space<vmem>>
        %dma_start3A_2187 = arith.constant 0 : i32
        %dma_start3A_2188 = tpu.memref_slice %arg3[%dma_start3A_2187, %multiple_of3A_2175] : memref<16x1000000xf32, #tpu.memory_space<hbm>> -> memref<16x128xf32, #tpu.memory_space<hbm>>
        tpu.enqueue_dma source(%dma_start3A_2188 : memref<16x128xf32, #tpu.memory_space<hbm>>) target(%dma_start3A_2186 : memref<16x128xf32, #tpu.memory_space<vmem>>) target_semaphore(%arg10 : memref<!tpu.dma_semaphore, #tpu.memory_space<semaphore_mem>>)
        %slice3A_2189 = vector.extract_strided_slice %mul3A_1964 {offsets = [14], sizes = [1], strides = [1]} : vector<16xi32> to vector<1xi32>
        %squeeze3A_2190 = vector.extract %slice3A_2189[0] : i32 from vector<1xi32>
        %multiple_of3A_2191 = tpu.assume_multiple %squeeze3A_2190, 128 : i32
        %dma_start3A_2192 = arith.constant 14 : i32
        %dma_start3A_2193 = arith.constant 0 : i32
        %dma_start3A_2194 = arith.constant 0 : i32
        %dma_start3A_2195 = tpu.memref_slice %arg6[%dma_start3A_2192, %dma_start3A_2193, %dma_start3A_2194] : memref<16x16x128xf32, #tpu.memory_space<vmem>> -> memref<1x16x128xf32, #tpu.memory_space<vmem>>
        %dma_start3A_2196 = tpu.memref_squeeze %dma_start3A_2195 : memref<1x16x128xf32, #tpu.memory_space<vmem>> -> memref<16x128xf32, #tpu.memory_space<vmem>>
        %dma_start3A_2197 = arith.constant 0 : i32
        %dma_start3A_2198 = tpu.memref_slice %arg3[%dma_start3A_2197, %multiple_of3A_2191] : memref<16x1000000xf32, #tpu.memory_space<hbm>> -> memref<16x128xf32, #tpu.memory_space<hbm>>
        %dma_start3A_2199 = arith.constant 0 : i32
        %dma_start3A_2200 = arith.constant 0 : i32
        %dma_start3A_2201 = tpu.memref_slice %arg6[%dma_start3A_2192, %dma_start3A_2199, %dma_start3A_2200] : memref<16x16x128xf32, #tpu.memory_space<vmem>> -> memref<1x16x128xf32, #tpu.memory_space<vmem>>
        %dma_start3A_2202 = tpu.memref_squeeze %dma_start3A_2201 : memref<1x16x128xf32, #tpu.memory_space<vmem>> -> memref<16x128xf32, #tpu.memory_space<vmem>>
        %dma_start3A_2203 = arith.constant 0 : i32
        %dma_start3A_2204 = tpu.memref_slice %arg3[%dma_start3A_2203, %multiple_of3A_2191] : memref<16x1000000xf32, #tpu.memory_space<hbm>> -> memref<16x128xf32, #tpu.memory_space<hbm>>
        tpu.enqueue_dma source(%dma_start3A_2204 : memref<16x128xf32, #tpu.memory_space<hbm>>) target(%dma_start3A_2202 : memref<16x128xf32, #tpu.memory_space<vmem>>) target_semaphore(%arg10 : memref<!tpu.dma_semaphore, #tpu.memory_space<semaphore_mem>>)
        %slice3A_2205 = vector.extract_strided_slice %mul3A_1964 {offsets = [15], sizes = [1], strides = [1]} : vector<16xi32> to vector<1xi32>
        %squeeze3A_2206 = vector.extract %slice3A_2205[0] : i32 from vector<1xi32>
        %multiple_of3A_2207 = tpu.assume_multiple %squeeze3A_2206, 128 : i32
        %dma_start3A_2208 = arith.constant 15 : i32
        %dma_start3A_2209 = arith.constant 0 : i32
        %dma_start3A_2210 = arith.constant 0 : i32
        %dma_start3A_2211 = tpu.memref_slice %arg6[%dma_start3A_2208, %dma_start3A_2209, %dma_start3A_2210] : memref<16x16x128xf32, #tpu.memory_space<vmem>> -> memref<1x16x128xf32, #tpu.memory_space<vmem>>
        %dma_start3A_2212 = tpu.memref_squeeze %dma_start3A_2211 : memref<1x16x128xf32, #tpu.memory_space<vmem>> -> memref<16x128xf32, #tpu.memory_space<vmem>>
        %dma_start3A_2213 = arith.constant 0 : i32
        %dma_start3A_2214 = tpu.memref_slice %arg3[%dma_start3A_2213, %multiple_of3A_2207] : memref<16x1000000xf32, #tpu.memory_space<hbm>> -> memref<16x128xf32, #tpu.memory_space<hbm>>
        %dma_start3A_2215 = arith.constant 0 : i32
        %dma_start3A_2216 = arith.constant 0 : i32
        %dma_start3A_2217 = tpu.memref_slice %arg6[%dma_start3A_2208, %dma_start3A_2215, %dma_start3A_2216] : memref<16x16x128xf32, #tpu.memory_space<vmem>> -> memref<1x16x128xf32, #tpu.memory_space<vmem>>
        %dma_start3A_2218 = tpu.memref_squeeze %dma_start3A_2217 : memref<1x16x128xf32, #tpu.memory_space<vmem>> -> memref<16x128xf32, #tpu.memory_space<vmem>>
        %dma_start3A_2219 = arith.constant 0 : i32
        %dma_start3A_2220 = tpu.memref_slice %arg3[%dma_start3A_2219, %multiple_of3A_2207] : memref<16x1000000xf32, #tpu.memory_space<hbm>> -> memref<16x128xf32, #tpu.memory_space<hbm>>
        tpu.enqueue_dma source(%dma_start3A_2220 : memref<16x128xf32, #tpu.memory_space<hbm>>) target(%dma_start3A_2218 : memref<16x128xf32, #tpu.memory_space<vmem>>) target_semaphore(%arg10 : memref<!tpu.dma_semaphore, #tpu.memory_space<semaphore_mem>>)
      } else {
      }
      %scan3A_1500 = arith.constant 0 : i32
      %scan3A_1501 = arith.constant 16 : i32
      %scan3A_1502 = arith.addi %scan3A_1500, %scan3A_1501 : i32
      %scan3A_1503 = arith.constant 1 : i32
      scf.for %scan3A_1925 = %scan3A_1500 to %scan3A_1502 step %scan3A_1503  : i32 {
        %mul3A_1926 = arith.constant 1 : i32
        %mul3A_1927 = arith.muli %scan3A_1925, %mul3A_1926 : i32
        %add3A_1928 = arith.constant 0 : i32
        %add3A_1929 = arith.addi %add3A_1928, %mul3A_1927 : i32
        %dma_wait3A_1930 = arith.constant 0 : i32
        %dma_wait3A_1931 = arith.constant 0 : i32
        %dma_wait3A_1932 = tpu.memref_slice %arg7[%add3A_1929, %dma_wait3A_1930, %dma_wait3A_1931] : memref<16x16x128xf32, #tpu.memory_space<vmem>> -> memref<1x16x128xf32, #tpu.memory_space<vmem>>
        %dma_wait3A_1933 = tpu.memref_squeeze %dma_wait3A_1932 : memref<1x16x128xf32, #tpu.memory_space<vmem>> -> memref<16x128xf32, #tpu.memory_space<vmem>>
        %dma_wait3A_1934 = arith.constant 0 : i32
        %dma_wait3A_1935 = arith.constant 0 : i32
        %dma_wait3A_1936 = tpu.memref_slice %arg3[%dma_wait3A_1934, %dma_wait3A_1935] : memref<16x1000000xf32, #tpu.memory_space<hbm>> -> memref<16x128xf32, #tpu.memory_space<hbm>>
        %dma_wait3A_1937 = arith.constant 0 : i32
        %dma_wait3A_1938 = arith.constant 0 : i32
        %dma_wait3A_1939 = tpu.memref_slice %arg7[%add3A_1929, %dma_wait3A_1937, %dma_wait3A_1938] : memref<16x16x128xf32, #tpu.memory_space<vmem>> -> memref<1x16x128xf32, #tpu.memory_space<vmem>>
        %dma_wait3A_1940 = tpu.memref_squeeze %dma_wait3A_1939 : memref<1x16x128xf32, #tpu.memory_space<vmem>> -> memref<16x128xf32, #tpu.memory_space<vmem>>
        %dma_wait3A_1941 = arith.constant 0 : i32
        %dma_wait3A_1942 = arith.constant 0 : i32
        %dma_wait3A_1943 = tpu.memref_slice %arg3[%dma_wait3A_1941, %dma_wait3A_1942] : memref<16x1000000xf32, #tpu.memory_space<hbm>> -> memref<16x128xf32, #tpu.memory_space<hbm>>
        tpu.wait_dma2 semaphore(%arg11 : memref<!tpu.dma_semaphore, #tpu.memory_space<semaphore_mem>>) src(%dma_wait3A_1943 : memref<16x128xf32, #tpu.memory_space<hbm>>) dst(%dma_wait3A_1940 : memref<16x128xf32, #tpu.memory_space<vmem>>)
      }
      %scan3A_1504 = arith.constant 16 : i32
      %add3A_1505 = arith.constant 1 : i32
      %add3A_1506 = arith.addi %mul3A_992, %add3A_1505 : i32
      %mul3A_1507 = arith.constant 16 : i32
      %mul3A_1508 = arith.muli %add3A_1506, %mul3A_1507 : i32
      %get3A_1509 = arith.index_cast %mul3A_1508 : i32 to index
      %get3A_1510 = tpu.vector_load %arg5[%get3A_1509] {strides = array<i32>} : memref<512xi32, #tpu.memory_space<vmem>>, vector<16xi32>,
      %and3A_1511 = arith.constant 127 : i32
      %and3A_1512 = vector.broadcast %and3A_1511 : i32 to vector<16xi32>
      %and3A_1513 = arith.andi %get3A_1510, %and3A_1512 : vector<16xi32>
      %broadcast_in_dim3A_1514 = arith.constant 0 : i32
      %broadcast_in_dim3A_1515 = vector.broadcast %broadcast_in_dim3A_1514 : i32 to vector<16xi32>
      %gather3A_1516 = tpu.vector_load_idx %arg7[%iota3A, %broadcast_in_dim3A_1515, %and3A_1513] : memref<16x16x128xf32, #tpu.memory_space<vmem>>[vector<16xi32>, vector<16xi32>, vector<16xi32>], vector<16xf32>,
      %broadcast_in_dim3A_1517 = arith.constant 1 : i32
      %broadcast_in_dim3A_1518 = vector.broadcast %broadcast_in_dim3A_1517 : i32 to vector<16xi32>
      %gather3A_1519 = tpu.vector_load_idx %arg7[%iota3A, %broadcast_in_dim3A_1518, %and3A_1513] : memref<16x16x128xf32, #tpu.memory_space<vmem>>[vector<16xi32>, vector<16xi32>, vector<16xi32>], vector<16xf32>,
      %broadcast_in_dim3A_1520 = arith.constant 2 : i32
      %broadcast_in_dim3A_1521 = vector.broadcast %broadcast_in_dim3A_1520 : i32 to vector<16xi32>
      %gather3A_1522 = tpu.vector_load_idx %arg7[%iota3A, %broadcast_in_dim3A_1521, %and3A_1513] : memref<16x16x128xf32, #tpu.memory_space<vmem>>[vector<16xi32>, vector<16xi32>, vector<16xi32>], vector<16xf32>,
      %broadcast_in_dim3A_1523 = arith.constant 3 : i32
      %broadcast_in_dim3A_1524 = vector.broadcast %broadcast_in_dim3A_1523 : i32 to vector<16xi32>
      %gather3A_1525 = tpu.vector_load_idx %arg7[%iota3A, %broadcast_in_dim3A_1524, %and3A_1513] : memref<16x16x128xf32, #tpu.memory_space<vmem>>[vector<16xi32>, vector<16xi32>, vector<16xi32>], vector<16xf32>,
      %broadcast_in_dim3A_1526 = arith.constant 4 : i32
      %broadcast_in_dim3A_1527 = vector.broadcast %broadcast_in_dim3A_1526 : i32 to vector<16xi32>
      %gather3A_1528 = tpu.vector_load_idx %arg7[%iota3A, %broadcast_in_dim3A_1527, %and3A_1513] : memref<16x16x128xf32, #tpu.memory_space<vmem>>[vector<16xi32>, vector<16xi32>, vector<16xi32>], vector<16xf32>,
      %broadcast_in_dim3A_1529 = arith.constant 5 : i32
      %broadcast_in_dim3A_1530 = vector.broadcast %broadcast_in_dim3A_1529 : i32 to vector<16xi32>
      %gather3A_1531 = tpu.vector_load_idx %arg7[%iota3A, %broadcast_in_dim3A_1530, %and3A_1513] : memref<16x16x128xf32, #tpu.memory_space<vmem>>[vector<16xi32>, vector<16xi32>, vector<16xi32>], vector<16xf32>,
      %broadcast_in_dim3A_1532 = arith.constant 6 : i32
      %broadcast_in_dim3A_1533 = vector.broadcast %broadcast_in_dim3A_1532 : i32 to vector<16xi32>
      %gather3A_1534 = tpu.vector_load_idx %arg7[%iota3A, %broadcast_in_dim3A_1533, %and3A_1513] : memref<16x16x128xf32, #tpu.memory_space<vmem>>[vector<16xi32>, vector<16xi32>, vector<16xi32>], vector<16xf32>,
      %broadcast_in_dim3A_1535 = arith.constant 7 : i32
      %broadcast_in_dim3A_1536 = vector.broadcast %broadcast_in_dim3A_1535 : i32 to vector<16xi32>
      %gather3A_1537 = tpu.vector_load_idx %arg7[%iota3A, %broadcast_in_dim3A_1536, %and3A_1513] : memref<16x16x128xf32, #tpu.memory_space<vmem>>[vector<16xi32>, vector<16xi32>, vector<16xi32>], vector<16xf32>,
      %broadcast_in_dim3A_1538 = arith.constant 8 : i32
      %broadcast_in_dim3A_1539 = vector.broadcast %broadcast_in_dim3A_1538 : i32 to vector<16xi32>
      %gather3A_1540 = tpu.vector_load_idx %arg7[%iota3A, %broadcast_in_dim3A_1539, %and3A_1513] : memref<16x16x128xf32, #tpu.memory_space<vmem>>[vector<16xi32>, vector<16xi32>, vector<16xi32>], vector<16xf32>,
      %broadcast_in_dim3A_1541 = arith.constant 9 : i32
      %broadcast_in_dim3A_1542 = vector.broadcast %broadcast_in_dim3A_1541 : i32 to vector<16xi32>
      %gather3A_1543 = tpu.vector_load_idx %arg7[%iota3A, %broadcast_in_dim3A_1542, %and3A_1513] : memref<16x16x128xf32, #tpu.memory_space<vmem>>[vector<16xi32>, vector<16xi32>, vector<16xi32>], vector<16xf32>,
      %broadcast_in_dim3A_1544 = arith.constant 10 : i32
      %broadcast_in_dim3A_1545 = vector.broadcast %broadcast_in_dim3A_1544 : i32 to vector<16xi32>
      %gather3A_1546 = tpu.vector_load_idx %arg7[%iota3A, %broadcast_in_dim3A_1545, %and3A_1513] : memref<16x16x128xf32, #tpu.memory_space<vmem>>[vector<16xi32>, vector<16xi32>, vector<16xi32>], vector<16xf32>,
      %broadcast_in_dim3A_1547 = arith.constant 11 : i32
      %broadcast_in_dim3A_1548 = vector.broadcast %broadcast_in_dim3A_1547 : i32 to vector<16xi32>
      %gather3A_1549 = tpu.vector_load_idx %arg7[%iota3A, %broadcast_in_dim3A_1548, %and3A_1513] : memref<16x16x128xf32, #tpu.memory_space<vmem>>[vector<16xi32>, vector<16xi32>, vector<16xi32>], vector<16xf32>,
      %broadcast_in_dim3A_1550 = arith.constant 12 : i32
      %broadcast_in_dim3A_1551 = vector.broadcast %broadcast_in_dim3A_1550 : i32 to vector<16xi32>
      %gather3A_1552 = tpu.vector_load_idx %arg7[%iota3A, %broadcast_in_dim3A_1551, %and3A_1513] : memref<16x16x128xf32, #tpu.memory_space<vmem>>[vector<16xi32>, vector<16xi32>, vector<16xi32>], vector<16xf32>,
      %broadcast_in_dim3A_1553 = arith.constant 13 : i32
      %broadcast_in_dim3A_1554 = vector.broadcast %broadcast_in_dim3A_1553 : i32 to vector<16xi32>
      %gather3A_1555 = tpu.vector_load_idx %arg7[%iota3A, %broadcast_in_dim3A_1554, %and3A_1513] : memref<16x16x128xf32, #tpu.memory_space<vmem>>[vector<16xi32>, vector<16xi32>, vector<16xi32>], vector<16xf32>,
      %broadcast_in_dim3A_1556 = arith.constant 14 : i32
      %broadcast_in_dim3A_1557 = vector.broadcast %broadcast_in_dim3A_1556 : i32 to vector<16xi32>
      %gather3A_1558 = tpu.vector_load_idx %arg7[%iota3A, %broadcast_in_dim3A_1557, %and3A_1513] : memref<16x16x128xf32, #tpu.memory_space<vmem>>[vector<16xi32>, vector<16xi32>, vector<16xi32>], vector<16xf32>,
      %broadcast_in_dim3A_1559 = arith.constant 15 : i32
      %broadcast_in_dim3A_1560 = vector.broadcast %broadcast_in_dim3A_1559 : i32 to vector<16xi32>
      %gather3A_1561 = tpu.vector_load_idx %arg7[%iota3A, %broadcast_in_dim3A_1560, %and3A_1513] : memref<16x16x128xf32, #tpu.memory_space<vmem>>[vector<16xi32>, vector<16xi32>, vector<16xi32>], vector<16xf32>,
      %max3A_1562 = arith.maximumf %gather3A_1516, %gather3A_1519 : vector<16xf32>
      %max3A_1563 = arith.maximumf %max3A_1562, %gather3A_1522 : vector<16xf32>
      %max3A_1564 = arith.maximumf %max3A_1563, %gather3A_1525 : vector<16xf32>
      %max3A_1565 = arith.maximumf %max3A_1564, %gather3A_1528 : vector<16xf32>
      %max3A_1566 = arith.maximumf %max3A_1565, %gather3A_1531 : vector<16xf32>
      %max3A_1567 = arith.maximumf %max3A_1566, %gather3A_1534 : vector<16xf32>
      %max3A_1568 = arith.maximumf %max3A_1567, %gather3A_1537 : vector<16xf32>
      %max3A_1569 = arith.maximumf %max3A_1568, %gather3A_1540 : vector<16xf32>
      %max3A_1570 = arith.maximumf %max3A_1569, %gather3A_1543 : vector<16xf32>
      %max3A_1571 = arith.maximumf %max3A_1570, %gather3A_1546 : vector<16xf32>
      %max3A_1572 = arith.maximumf %max3A_1571, %gather3A_1549 : vector<16xf32>
      %max3A_1573 = arith.maximumf %max3A_1572, %gather3A_1552 : vector<16xf32>
      %max3A_1574 = arith.maximumf %max3A_1573, %gather3A_1555 : vector<16xf32>
      %max3A_1575 = arith.maximumf %max3A_1574, %gather3A_1558 : vector<16xf32>
      %max3A_1576 = arith.maximumf %max3A_1575, %gather3A_1561 : vector<16xf32>
      %sub3A_1577 = arith.subf %gather3A_1516, %max3A_1576 : vector<16xf32>
      %exp3A_1578 = math.exp %sub3A_1577 : vector<16xf32>
      %sub3A_1579 = arith.subf %gather3A_1519, %max3A_1576 : vector<16xf32>
      %exp3A_1580 = math.exp %sub3A_1579 : vector<16xf32>
      %sub3A_1581 = arith.subf %gather3A_1522, %max3A_1576 : vector<16xf32>
      %exp3A_1582 = math.exp %sub3A_1581 : vector<16xf32>
      %sub3A_1583 = arith.subf %gather3A_1525, %max3A_1576 : vector<16xf32>
      %exp3A_1584 = math.exp %sub3A_1583 : vector<16xf32>
      %sub3A_1585 = arith.subf %gather3A_1528, %max3A_1576 : vector<16xf32>
      %exp3A_1586 = math.exp %sub3A_1585 : vector<16xf32>
      %sub3A_1587 = arith.subf %gather3A_1531, %max3A_1576 : vector<16xf32>
      %exp3A_1588 = math.exp %sub3A_1587 : vector<16xf32>
      %sub3A_1589 = arith.subf %gather3A_1534, %max3A_1576 : vector<16xf32>
      %exp3A_1590 = math.exp %sub3A_1589 : vector<16xf32>
      %sub3A_1591 = arith.subf %gather3A_1537, %max3A_1576 : vector<16xf32>
      %exp3A_1592 = math.exp %sub3A_1591 : vector<16xf32>
      %sub3A_1593 = arith.subf %gather3A_1540, %max3A_1576 : vector<16xf32>
      %exp3A_1594 = math.exp %sub3A_1593 : vector<16xf32>
      %sub3A_1595 = arith.subf %gather3A_1543, %max3A_1576 : vector<16xf32>
      %exp3A_1596 = math.exp %sub3A_1595 : vector<16xf32>
      %sub3A_1597 = arith.subf %gather3A_1546, %max3A_1576 : vector<16xf32>
      %exp3A_1598 = math.exp %sub3A_1597 : vector<16xf32>
      %sub3A_1599 = arith.subf %gather3A_1549, %max3A_1576 : vector<16xf32>
      %exp3A_1600 = math.exp %sub3A_1599 : vector<16xf32>
      %sub3A_1601 = arith.subf %gather3A_1552, %max3A_1576 : vector<16xf32>
      %exp3A_1602 = math.exp %sub3A_1601 : vector<16xf32>
      %sub3A_1603 = arith.subf %gather3A_1555, %max3A_1576 : vector<16xf32>
      %exp3A_1604 = math.exp %sub3A_1603 : vector<16xf32>
      %sub3A_1605 = arith.subf %gather3A_1558, %max3A_1576 : vector<16xf32>
      %exp3A_1606 = math.exp %sub3A_1605 : vector<16xf32>
      %sub3A_1607 = arith.subf %gather3A_1561, %max3A_1576 : vector<16xf32>
      %exp3A_1608 = math.exp %sub3A_1607 : vector<16xf32>
      %add3A_1609 = arith.addf %exp3A_1578, %exp3A_1580 : vector<16xf32>
      %add3A_1610 = arith.addf %add3A_1609, %exp3A_1582 : vector<16xf32>
      %add3A_1611 = arith.addf %add3A_1610, %exp3A_1584 : vector<16xf32>
      %add3A_1612 = arith.addf %add3A_1611, %exp3A_1586 : vector<16xf32>
      %add3A_1613 = arith.addf %add3A_1612, %exp3A_1588 : vector<16xf32>
      %add3A_1614 = arith.addf %add3A_1613, %exp3A_1590 : vector<16xf32>
      %add3A_1615 = arith.addf %add3A_1614, %exp3A_1592 : vector<16xf32>
      %add3A_1616 = arith.addf %add3A_1615, %exp3A_1594 : vector<16xf32>
      %add3A_1617 = arith.addf %add3A_1616, %exp3A_1596 : vector<16xf32>
      %add3A_1618 = arith.addf %add3A_1617, %exp3A_1598 : vector<16xf32>
      %add3A_1619 = arith.addf %add3A_1618, %exp3A_1600 : vector<16xf32>
      %add3A_1620 = arith.addf %add3A_1619, %exp3A_1602 : vector<16xf32>
      %add3A_1621 = arith.addf %add3A_1620, %exp3A_1604 : vector<16xf32>
      %add3A_1622 = arith.addf %add3A_1621, %exp3A_1606 : vector<16xf32>
      %add3A_1623 = arith.addf %add3A_1622, %exp3A_1608 : vector<16xf32>
      %div3A_1624 = arith.constant 1.000000e+00 : f32
      %div3A_1625 = vector.broadcast %div3A_1624 : f32 to vector<16xf32>
      %div3A_1626 = arith.divf %div3A_1625, %add3A_1623 : vector<16xf32>
      %mul3A_1627 = arith.constant 16 : i32
      %mul3A_1628 = arith.muli %add3A_1506, %mul3A_1627 : i32
      %mul3A_1629 = arith.mulf %exp3A_1578, %div3A_1626 : vector<16xf32>
      %swap3A_1630 = arith.constant 0 : i32
      %swap3A_1631 = arith.index_cast %swap3A_1630 : i32 to index
      %swap3A_1632 = arith.index_cast %mul3A_1628 : i32 to index
      %swap3A_1633 = tpu.vector_load %arg9[%swap3A_1631, %swap3A_1632] {strides = array<i32>} : memref<16x512xf32, #tpu.memory_space<vmem>>, vector<16xf32>,
      tpu.vector_store %arg9[%swap3A_1631, %swap3A_1632], %mul3A_1629 {strides = array<i32>} : memref<16x512xf32, #tpu.memory_space<vmem>>, vector<16xf32>,
      %mul3A_1634 = arith.mulf %exp3A_1580, %div3A_1626 : vector<16xf32>
      %swap3A_1635 = arith.constant 1 : i32
      %swap3A_1636 = arith.index_cast %swap3A_1635 : i32 to index
      %swap3A_1637 = arith.index_cast %mul3A_1628 : i32 to index
      %swap3A_1638 = tpu.vector_load %arg9[%swap3A_1636, %swap3A_1637] {strides = array<i32>} : memref<16x512xf32, #tpu.memory_space<vmem>>, vector<16xf32>,
      tpu.vector_store %arg9[%swap3A_1636, %swap3A_1637], %mul3A_1634 {strides = array<i32>} : memref<16x512xf32, #tpu.memory_space<vmem>>, vector<16xf32>,
      %mul3A_1639 = arith.mulf %exp3A_1582, %div3A_1626 : vector<16xf32>
      %swap3A_1640 = arith.constant 2 : i32
      %swap3A_1641 = arith.index_cast %swap3A_1640 : i32 to index
      %swap3A_1642 = arith.index_cast %mul3A_1628 : i32 to index
      %swap3A_1643 = tpu.vector_load %arg9[%swap3A_1641, %swap3A_1642] {strides = array<i32>} : memref<16x512xf32, #tpu.memory_space<vmem>>, vector<16xf32>,
      tpu.vector_store %arg9[%swap3A_1641, %swap3A_1642], %mul3A_1639 {strides = array<i32>} : memref<16x512xf32, #tpu.memory_space<vmem>>, vector<16xf32>,
      %mul3A_1644 = arith.mulf %exp3A_1584, %div3A_1626 : vector<16xf32>
      %swap3A_1645 = arith.constant 3 : i32
      %swap3A_1646 = arith.index_cast %swap3A_1645 : i32 to index
      %swap3A_1647 = arith.index_cast %mul3A_1628 : i32 to index
      %swap3A_1648 = tpu.vector_load %arg9[%swap3A_1646, %swap3A_1647] {strides = array<i32>} : memref<16x512xf32, #tpu.memory_space<vmem>>, vector<16xf32>,
      tpu.vector_store %arg9[%swap3A_1646, %swap3A_1647], %mul3A_1644 {strides = array<i32>} : memref<16x512xf32, #tpu.memory_space<vmem>>, vector<16xf32>,
      %mul3A_1649 = arith.mulf %exp3A_1586, %div3A_1626 : vector<16xf32>
      %swap3A_1650 = arith.constant 4 : i32
      %swap3A_1651 = arith.index_cast %swap3A_1650 : i32 to index
      %swap3A_1652 = arith.index_cast %mul3A_1628 : i32 to index
      %swap3A_1653 = tpu.vector_load %arg9[%swap3A_1651, %swap3A_1652] {strides = array<i32>} : memref<16x512xf32, #tpu.memory_space<vmem>>, vector<16xf32>,
      tpu.vector_store %arg9[%swap3A_1651, %swap3A_1652], %mul3A_1649 {strides = array<i32>} : memref<16x512xf32, #tpu.memory_space<vmem>>, vector<16xf32>,
      %mul3A_1654 = arith.mulf %exp3A_1588, %div3A_1626 : vector<16xf32>
      %swap3A_1655 = arith.constant 5 : i32
      %swap3A_1656 = arith.index_cast %swap3A_1655 : i32 to index
      %swap3A_1657 = arith.index_cast %mul3A_1628 : i32 to index
      %swap3A_1658 = tpu.vector_load %arg9[%swap3A_1656, %swap3A_1657] {strides = array<i32>} : memref<16x512xf32, #tpu.memory_space<vmem>>, vector<16xf32>,
      tpu.vector_store %arg9[%swap3A_1656, %swap3A_1657], %mul3A_1654 {strides = array<i32>} : memref<16x512xf32, #tpu.memory_space<vmem>>, vector<16xf32>,
      %mul3A_1659 = arith.mulf %exp3A_1590, %div3A_1626 : vector<16xf32>
      %swap3A_1660 = arith.constant 6 : i32
      %swap3A_1661 = arith.index_cast %swap3A_1660 : i32 to index
      %swap3A_1662 = arith.index_cast %mul3A_1628 : i32 to index
      %swap3A_1663 = tpu.vector_load %arg9[%swap3A_1661, %swap3A_1662] {strides = array<i32>} : memref<16x512xf32, #tpu.memory_space<vmem>>, vector<16xf32>,
      tpu.vector_store %arg9[%swap3A_1661, %swap3A_1662], %mul3A_1659 {strides = array<i32>} : memref<16x512xf32, #tpu.memory_space<vmem>>, vector<16xf32>,
      %mul3A_1664 = arith.mulf %exp3A_1592, %div3A_1626 : vector<16xf32>
      %swap3A_1665 = arith.constant 7 : i32
      %swap3A_1666 = arith.index_cast %swap3A_1665 : i32 to index
      %swap3A_1667 = arith.index_cast %mul3A_1628 : i32 to index
      %swap3A_1668 = tpu.vector_load %arg9[%swap3A_1666, %swap3A_1667] {strides = array<i32>} : memref<16x512xf32, #tpu.memory_space<vmem>>, vector<16xf32>,
      tpu.vector_store %arg9[%swap3A_1666, %swap3A_1667], %mul3A_1664 {strides = array<i32>} : memref<16x512xf32, #tpu.memory_space<vmem>>, vector<16xf32>,
      %mul3A_1669 = arith.mulf %exp3A_1594, %div3A_1626 : vector<16xf32>
      %swap3A_1670 = arith.constant 8 : i32
      %swap3A_1671 = arith.index_cast %swap3A_1670 : i32 to index
      %swap3A_1672 = arith.index_cast %mul3A_1628 : i32 to index
      %swap3A_1673 = tpu.vector_load %arg9[%swap3A_1671, %swap3A_1672] {strides = array<i32>} : memref<16x512xf32, #tpu.memory_space<vmem>>, vector<16xf32>,
      tpu.vector_store %arg9[%swap3A_1671, %swap3A_1672], %mul3A_1669 {strides = array<i32>} : memref<16x512xf32, #tpu.memory_space<vmem>>, vector<16xf32>,
      %mul3A_1674 = arith.mulf %exp3A_1596, %div3A_1626 : vector<16xf32>
      %swap3A_1675 = arith.constant 9 : i32
      %swap3A_1676 = arith.index_cast %swap3A_1675 : i32 to index
      %swap3A_1677 = arith.index_cast %mul3A_1628 : i32 to index
      %swap3A_1678 = tpu.vector_load %arg9[%swap3A_1676, %swap3A_1677] {strides = array<i32>} : memref<16x512xf32, #tpu.memory_space<vmem>>, vector<16xf32>,
      tpu.vector_store %arg9[%swap3A_1676, %swap3A_1677], %mul3A_1674 {strides = array<i32>} : memref<16x512xf32, #tpu.memory_space<vmem>>, vector<16xf32>,
      %mul3A_1679 = arith.mulf %exp3A_1598, %div3A_1626 : vector<16xf32>
      %swap3A_1680 = arith.constant 10 : i32
      %swap3A_1681 = arith.index_cast %swap3A_1680 : i32 to index
      %swap3A_1682 = arith.index_cast %mul3A_1628 : i32 to index
      %swap3A_1683 = tpu.vector_load %arg9[%swap3A_1681, %swap3A_1682] {strides = array<i32>} : memref<16x512xf32, #tpu.memory_space<vmem>>, vector<16xf32>,
      tpu.vector_store %arg9[%swap3A_1681, %swap3A_1682], %mul3A_1679 {strides = array<i32>} : memref<16x512xf32, #tpu.memory_space<vmem>>, vector<16xf32>,
      %mul3A_1684 = arith.mulf %exp3A_1600, %div3A_1626 : vector<16xf32>
      %swap3A_1685 = arith.constant 11 : i32
      %swap3A_1686 = arith.index_cast %swap3A_1685 : i32 to index
      %swap3A_1687 = arith.index_cast %mul3A_1628 : i32 to index
      %swap3A_1688 = tpu.vector_load %arg9[%swap3A_1686, %swap3A_1687] {strides = array<i32>} : memref<16x512xf32, #tpu.memory_space<vmem>>, vector<16xf32>,
      tpu.vector_store %arg9[%swap3A_1686, %swap3A_1687], %mul3A_1684 {strides = array<i32>} : memref<16x512xf32, #tpu.memory_space<vmem>>, vector<16xf32>,
      %mul3A_1689 = arith.mulf %exp3A_1602, %div3A_1626 : vector<16xf32>
      %swap3A_1690 = arith.constant 12 : i32
      %swap3A_1691 = arith.index_cast %swap3A_1690 : i32 to index
      %swap3A_1692 = arith.index_cast %mul3A_1628 : i32 to index
      %swap3A_1693 = tpu.vector_load %arg9[%swap3A_1691, %swap3A_1692] {strides = array<i32>} : memref<16x512xf32, #tpu.memory_space<vmem>>, vector<16xf32>,
      tpu.vector_store %arg9[%swap3A_1691, %swap3A_1692], %mul3A_1689 {strides = array<i32>} : memref<16x512xf32, #tpu.memory_space<vmem>>, vector<16xf32>,
      %mul3A_1694 = arith.mulf %exp3A_1604, %div3A_1626 : vector<16xf32>
      %swap3A_1695 = arith.constant 13 : i32
      %swap3A_1696 = arith.index_cast %swap3A_1695 : i32 to index
      %swap3A_1697 = arith.index_cast %mul3A_1628 : i32 to index
      %swap3A_1698 = tpu.vector_load %arg9[%swap3A_1696, %swap3A_1697] {strides = array<i32>} : memref<16x512xf32, #tpu.memory_space<vmem>>, vector<16xf32>,
      tpu.vector_store %arg9[%swap3A_1696, %swap3A_1697], %mul3A_1694 {strides = array<i32>} : memref<16x512xf32, #tpu.memory_space<vmem>>, vector<16xf32>,
      %mul3A_1699 = arith.mulf %exp3A_1606, %div3A_1626 : vector<16xf32>
      %swap3A_1700 = arith.constant 14 : i32
      %swap3A_1701 = arith.index_cast %swap3A_1700 : i32 to index
      %swap3A_1702 = arith.index_cast %mul3A_1628 : i32 to index
      %swap3A_1703 = tpu.vector_load %arg9[%swap3A_1701, %swap3A_1702] {strides = array<i32>} : memref<16x512xf32, #tpu.memory_space<vmem>>, vector<16xf32>,
      tpu.vector_store %arg9[%swap3A_1701, %swap3A_1702], %mul3A_1699 {strides = array<i32>} : memref<16x512xf32, #tpu.memory_space<vmem>>, vector<16xf32>,
      %mul3A_1704 = arith.mulf %exp3A_1608, %div3A_1626 : vector<16xf32>
      %swap3A_1705 = arith.constant 15 : i32
      %swap3A_1706 = arith.index_cast %swap3A_1705 : i32 to index
      %swap3A_1707 = arith.index_cast %mul3A_1628 : i32 to index
      %swap3A_1708 = tpu.vector_load %arg9[%swap3A_1706, %swap3A_1707] {strides = array<i32>} : memref<16x512xf32, #tpu.memory_space<vmem>>, vector<16xf32>,
      tpu.vector_store %arg9[%swap3A_1706, %swap3A_1707], %mul3A_1704 {strides = array<i32>} : memref<16x512xf32, #tpu.memory_space<vmem>>, vector<16xf32>,
      %add3A_1709 = arith.constant 4 : i32
      %add3A_1710 = arith.addi %mul3A_992, %add3A_1709 : i32
      %lt3A_1711 = arith.constant 32 : i32
      %lt3A_1712 = arith.cmpi slt, %add3A_1710, %lt3A_1711 : i32
      %convert_element_type3A_1713 = arith.extui %lt3A_1712 : i1 to i32
      %cond3A_1714 = arith.constant 0 : i32
      %cond3A_1715 = arith.cmpi ne, %convert_element_type3A_1713, %cond3A_1714 : i32
      scf.if %cond3A_1715 {
        %add3A_1925 = arith.constant 4 : i32
        %add3A_1926 = arith.addi %mul3A_992, %add3A_1925 : i32
        %mul3A_1927 = arith.constant 16 : i32
        %mul3A_1928 = arith.muli %add3A_1926, %mul3A_1927 : i32
        %get3A_1929 = arith.index_cast %mul3A_1928 : i32 to index
        %get3A_1930 = tpu.vector_load %arg5[%get3A_1929] {strides = array<i32>} : memref<512xi32, #tpu.memory_space<vmem>>, vector<16xi32>,
        %jit3A_1931 = arith.constant 128 : i32
        %div3A_1932 = vector.broadcast %jit3A_1931 : i32 to vector<16xi32>
        %div3A_1933 = arith.divsi %get3A_1930, %div3A_1932 : vector<16xi32>
        %sign3A_1934 = arith.constant 0 : i32
        %sign3A_1935 = vector.broadcast %sign3A_1934 : i32 to vector<16xi32>
        %sign3A_1936 = arith.cmpi sgt, %get3A_1930, %sign3A_1935 : vector<16xi32>
        %sign3A_1937 = arith.extui %sign3A_1936 : vector<16xi1> to vector<16xi32>
        %sign3A_1938 = arith.constant 0 : i32
        %sign3A_1939 = vector.broadcast %sign3A_1938 : i32 to vector<16xi32>
        %sign3A_1940 = arith.cmpi slt, %get3A_1930, %sign3A_1939 : vector<16xi32>
        %sign3A_1941 = arith.extui %sign3A_1940 : vector<16xi1> to vector<16xi32>
        %sign3A_1942 = arith.subi %sign3A_1937, %sign3A_1941 : vector<16xi32>
        %sign3A_1943 = arith.constant 0 : i32
        %sign3A_1944 = arith.cmpi sgt, %jit3A_1931, %sign3A_1943 : i32
        %sign3A_1945 = arith.extui %sign3A_1944 : i1 to i32
        %sign3A_1946 = arith.constant 0 : i32
        %sign3A_1947 = arith.cmpi slt, %jit3A_1931, %sign3A_1946 : i32
        %sign3A_1948 = arith.extui %sign3A_1947 : i1 to i32
        %sign3A_1949 = arith.subi %sign3A_1945, %sign3A_1948 : i32
        %ne3A_1950 = vector.broadcast %sign3A_1949 : i32 to vector<16xi32>
        %ne3A_1951 = arith.cmpi ne, %sign3A_1942, %ne3A_1950 : vector<16xi32>
        %rem3A_1952 = vector.broadcast %jit3A_1931 : i32 to vector<16xi32>
        %rem3A_1953 = arith.remsi %get3A_1930, %rem3A_1952 : vector<16xi32>
        %ne3A_1954 = arith.constant 0 : i32
        %ne3A_1955 = vector.broadcast %ne3A_1954 : i32 to vector<16xi32>
        %ne3A_1956 = arith.cmpi ne, %rem3A_1953, %ne3A_1955 : vector<16xi32>
        %and3A_1957 = arith.andi %ne3A_1951, %ne3A_1956 : vector<16xi1>
        %sub3A_1958 = arith.constant 1 : i32
        %sub3A_1959 = vector.broadcast %sub3A_1958 : i32 to vector<16xi32>
        %sub3A_1960 = arith.subi %div3A_1933, %sub3A_1959 : vector<16xi32>
        %select_n3A_1961 = arith.select %and3A_1957, %sub3A_1960, %div3A_1933 : vector<16xi1>, vector<16xi32>
        %mul3A_1962 = arith.constant 128 : i32
        %mul3A_1963 = vector.broadcast %mul3A_1962 : i32 to vector<16xi32>
        %mul3A_1964 = arith.muli %select_n3A_1961, %mul3A_1963 : vector<16xi32>
        %slice3A_1965 = vector.extract_strided_slice %mul3A_1964 {offsets = [0], sizes = [1], strides = [1]} : vector<16xi32> to vector<1xi32>
        %squeeze3A_1966 = vector.extract %slice3A_1965[0] : i32 from vector<1xi32>
        %multiple_of3A_1967 = tpu.assume_multiple %squeeze3A_1966, 128 : i32
        %dma_start3A_1968 = arith.constant 0 : i32
        %dma_start3A_1969 = arith.constant 0 : i32
        %dma_start3A_1970 = arith.constant 0 : i32
        %dma_start3A_1971 = tpu.memref_slice %arg7[%dma_start3A_1968, %dma_start3A_1969, %dma_start3A_1970] : memref<16x16x128xf32, #tpu.memory_space<vmem>> -> memref<1x16x128xf32, #tpu.memory_space<vmem>>
        %dma_start3A_1972 = tpu.memref_squeeze %dma_start3A_1971 : memref<1x16x128xf32, #tpu.memory_space<vmem>> -> memref<16x128xf32, #tpu.memory_space<vmem>>
        %dma_start3A_1973 = arith.constant 0 : i32
        %dma_start3A_1974 = tpu.memref_slice %arg3[%dma_start3A_1973, %multiple_of3A_1967] : memref<16x1000000xf32, #tpu.memory_space<hbm>> -> memref<16x128xf32, #tpu.memory_space<hbm>>
        %dma_start3A_1975 = arith.constant 0 : i32
        %dma_start3A_1976 = arith.constant 0 : i32
        %dma_start3A_1977 = tpu.memref_slice %arg7[%dma_start3A_1968, %dma_start3A_1975, %dma_start3A_1976] : memref<16x16x128xf32, #tpu.memory_space<vmem>> -> memref<1x16x128xf32, #tpu.memory_space<vmem>>
        %dma_start3A_1978 = tpu.memref_squeeze %dma_start3A_1977 : memref<1x16x128xf32, #tpu.memory_space<vmem>> -> memref<16x128xf32, #tpu.memory_space<vmem>>
        %dma_start3A_1979 = arith.constant 0 : i32
        %dma_start3A_1980 = tpu.memref_slice %arg3[%dma_start3A_1979, %multiple_of3A_1967] : memref<16x1000000xf32, #tpu.memory_space<hbm>> -> memref<16x128xf32, #tpu.memory_space<hbm>>
        tpu.enqueue_dma source(%dma_start3A_1980 : memref<16x128xf32, #tpu.memory_space<hbm>>) target(%dma_start3A_1978 : memref<16x128xf32, #tpu.memory_space<vmem>>) target_semaphore(%arg11 : memref<!tpu.dma_semaphore, #tpu.memory_space<semaphore_mem>>)
        %slice3A_1981 = vector.extract_strided_slice %mul3A_1964 {offsets = [1], sizes = [1], strides = [1]} : vector<16xi32> to vector<1xi32>
        %squeeze3A_1982 = vector.extract %slice3A_1981[0] : i32 from vector<1xi32>
        %multiple_of3A_1983 = tpu.assume_multiple %squeeze3A_1982, 128 : i32
        %dma_start3A_1984 = arith.constant 1 : i32
        %dma_start3A_1985 = arith.constant 0 : i32
        %dma_start3A_1986 = arith.constant 0 : i32
        %dma_start3A_1987 = tpu.memref_slice %arg7[%dma_start3A_1984, %dma_start3A_1985, %dma_start3A_1986] : memref<16x16x128xf32, #tpu.memory_space<vmem>> -> memref<1x16x128xf32, #tpu.memory_space<vmem>>
        %dma_start3A_1988 = tpu.memref_squeeze %dma_start3A_1987 : memref<1x16x128xf32, #tpu.memory_space<vmem>> -> memref<16x128xf32, #tpu.memory_space<vmem>>
        %dma_start3A_1989 = arith.constant 0 : i32
        %dma_start3A_1990 = tpu.memref_slice %arg3[%dma_start3A_1989, %multiple_of3A_1983] : memref<16x1000000xf32, #tpu.memory_space<hbm>> -> memref<16x128xf32, #tpu.memory_space<hbm>>
        %dma_start3A_1991 = arith.constant 0 : i32
        %dma_start3A_1992 = arith.constant 0 : i32
        %dma_start3A_1993 = tpu.memref_slice %arg7[%dma_start3A_1984, %dma_start3A_1991, %dma_start3A_1992] : memref<16x16x128xf32, #tpu.memory_space<vmem>> -> memref<1x16x128xf32, #tpu.memory_space<vmem>>
        %dma_start3A_1994 = tpu.memref_squeeze %dma_start3A_1993 : memref<1x16x128xf32, #tpu.memory_space<vmem>> -> memref<16x128xf32, #tpu.memory_space<vmem>>
        %dma_start3A_1995 = arith.constant 0 : i32
        %dma_start3A_1996 = tpu.memref_slice %arg3[%dma_start3A_1995, %multiple_of3A_1983] : memref<16x1000000xf32, #tpu.memory_space<hbm>> -> memref<16x128xf32, #tpu.memory_space<hbm>>
        tpu.enqueue_dma source(%dma_start3A_1996 : memref<16x128xf32, #tpu.memory_space<hbm>>) target(%dma_start3A_1994 : memref<16x128xf32, #tpu.memory_space<vmem>>) target_semaphore(%arg11 : memref<!tpu.dma_semaphore, #tpu.memory_space<semaphore_mem>>)
        %slice3A_1997 = vector.extract_strided_slice %mul3A_1964 {offsets = [2], sizes = [1], strides = [1]} : vector<16xi32> to vector<1xi32>
        %squeeze3A_1998 = vector.extract %slice3A_1997[0] : i32 from vector<1xi32>
        %multiple_of3A_1999 = tpu.assume_multiple %squeeze3A_1998, 128 : i32
        %dma_start3A_2000 = arith.constant 2 : i32
        %dma_start3A_2001 = arith.constant 0 : i32
        %dma_start3A_2002 = arith.constant 0 : i32
        %dma_start3A_2003 = tpu.memref_slice %arg7[%dma_start3A_2000, %dma_start3A_2001, %dma_start3A_2002] : memref<16x16x128xf32, #tpu.memory_space<vmem>> -> memref<1x16x128xf32, #tpu.memory_space<vmem>>
        %dma_start3A_2004 = tpu.memref_squeeze %dma_start3A_2003 : memref<1x16x128xf32, #tpu.memory_space<vmem>> -> memref<16x128xf32, #tpu.memory_space<vmem>>
        %dma_start3A_2005 = arith.constant 0 : i32
        %dma_start3A_2006 = tpu.memref_slice %arg3[%dma_start3A_2005, %multiple_of3A_1999] : memref<16x1000000xf32, #tpu.memory_space<hbm>> -> memref<16x128xf32, #tpu.memory_space<hbm>>
        %dma_start3A_2007 = arith.constant 0 : i32
        %dma_start3A_2008 = arith.constant 0 : i32
        %dma_start3A_2009 = tpu.memref_slice %arg7[%dma_start3A_2000, %dma_start3A_2007, %dma_start3A_2008] : memref<16x16x128xf32, #tpu.memory_space<vmem>> -> memref<1x16x128xf32, #tpu.memory_space<vmem>>
        %dma_start3A_2010 = tpu.memref_squeeze %dma_start3A_2009 : memref<1x16x128xf32, #tpu.memory_space<vmem>> -> memref<16x128xf32, #tpu.memory_space<vmem>>
        %dma_start3A_2011 = arith.constant 0 : i32
        %dma_start3A_2012 = tpu.memref_slice %arg3[%dma_start3A_2011, %multiple_of3A_1999] : memref<16x1000000xf32, #tpu.memory_space<hbm>> -> memref<16x128xf32, #tpu.memory_space<hbm>>
        tpu.enqueue_dma source(%dma_start3A_2012 : memref<16x128xf32, #tpu.memory_space<hbm>>) target(%dma_start3A_2010 : memref<16x128xf32, #tpu.memory_space<vmem>>) target_semaphore(%arg11 : memref<!tpu.dma_semaphore, #tpu.memory_space<semaphore_mem>>)
        %slice3A_2013 = vector.extract_strided_slice %mul3A_1964 {offsets = [3], sizes = [1], strides = [1]} : vector<16xi32> to vector<1xi32>
        %squeeze3A_2014 = vector.extract %slice3A_2013[0] : i32 from vector<1xi32>
        %multiple_of3A_2015 = tpu.assume_multiple %squeeze3A_2014, 128 : i32
        %dma_start3A_2016 = arith.constant 3 : i32
        %dma_start3A_2017 = arith.constant 0 : i32
        %dma_start3A_2018 = arith.constant 0 : i32
        %dma_start3A_2019 = tpu.memref_slice %arg7[%dma_start3A_2016, %dma_start3A_2017, %dma_start3A_2018] : memref<16x16x128xf32, #tpu.memory_space<vmem>> -> memref<1x16x128xf32, #tpu.memory_space<vmem>>
        %dma_start3A_2020 = tpu.memref_squeeze %dma_start3A_2019 : memref<1x16x128xf32, #tpu.memory_space<vmem>> -> memref<16x128xf32, #tpu.memory_space<vmem>>
        %dma_start3A_2021 = arith.constant 0 : i32
        %dma_start3A_2022 = tpu.memref_slice %arg3[%dma_start3A_2021, %multiple_of3A_2015] : memref<16x1000000xf32, #tpu.memory_space<hbm>> -> memref<16x128xf32, #tpu.memory_space<hbm>>
        %dma_start3A_2023 = arith.constant 0 : i32
        %dma_start3A_2024 = arith.constant 0 : i32
        %dma_start3A_2025 = tpu.memref_slice %arg7[%dma_start3A_2016, %dma_start3A_2023, %dma_start3A_2024] : memref<16x16x128xf32, #tpu.memory_space<vmem>> -> memref<1x16x128xf32, #tpu.memory_space<vmem>>
        %dma_start3A_2026 = tpu.memref_squeeze %dma_start3A_2025 : memref<1x16x128xf32, #tpu.memory_space<vmem>> -> memref<16x128xf32, #tpu.memory_space<vmem>>
        %dma_start3A_2027 = arith.constant 0 : i32
        %dma_start3A_2028 = tpu.memref_slice %arg3[%dma_start3A_2027, %multiple_of3A_2015] : memref<16x1000000xf32, #tpu.memory_space<hbm>> -> memref<16x128xf32, #tpu.memory_space<hbm>>
        tpu.enqueue_dma source(%dma_start3A_2028 : memref<16x128xf32, #tpu.memory_space<hbm>>) target(%dma_start3A_2026 : memref<16x128xf32, #tpu.memory_space<vmem>>) target_semaphore(%arg11 : memref<!tpu.dma_semaphore, #tpu.memory_space<semaphore_mem>>)
        %slice3A_2029 = vector.extract_strided_slice %mul3A_1964 {offsets = [4], sizes = [1], strides = [1]} : vector<16xi32> to vector<1xi32>
        %squeeze3A_2030 = vector.extract %slice3A_2029[0] : i32 from vector<1xi32>
        %multiple_of3A_2031 = tpu.assume_multiple %squeeze3A_2030, 128 : i32
        %dma_start3A_2032 = arith.constant 4 : i32
        %dma_start3A_2033 = arith.constant 0 : i32
        %dma_start3A_2034 = arith.constant 0 : i32
        %dma_start3A_2035 = tpu.memref_slice %arg7[%dma_start3A_2032, %dma_start3A_2033, %dma_start3A_2034] : memref<16x16x128xf32, #tpu.memory_space<vmem>> -> memref<1x16x128xf32, #tpu.memory_space<vmem>>
        %dma_start3A_2036 = tpu.memref_squeeze %dma_start3A_2035 : memref<1x16x128xf32, #tpu.memory_space<vmem>> -> memref<16x128xf32, #tpu.memory_space<vmem>>
        %dma_start3A_2037 = arith.constant 0 : i32
        %dma_start3A_2038 = tpu.memref_slice %arg3[%dma_start3A_2037, %multiple_of3A_2031] : memref<16x1000000xf32, #tpu.memory_space<hbm>> -> memref<16x128xf32, #tpu.memory_space<hbm>>
        %dma_start3A_2039 = arith.constant 0 : i32
        %dma_start3A_2040 = arith.constant 0 : i32
        %dma_start3A_2041 = tpu.memref_slice %arg7[%dma_start3A_2032, %dma_start3A_2039, %dma_start3A_2040] : memref<16x16x128xf32, #tpu.memory_space<vmem>> -> memref<1x16x128xf32, #tpu.memory_space<vmem>>
        %dma_start3A_2042 = tpu.memref_squeeze %dma_start3A_2041 : memref<1x16x128xf32, #tpu.memory_space<vmem>> -> memref<16x128xf32, #tpu.memory_space<vmem>>
        %dma_start3A_2043 = arith.constant 0 : i32
        %dma_start3A_2044 = tpu.memref_slice %arg3[%dma_start3A_2043, %multiple_of3A_2031] : memref<16x1000000xf32, #tpu.memory_space<hbm>> -> memref<16x128xf32, #tpu.memory_space<hbm>>
        tpu.enqueue_dma source(%dma_start3A_2044 : memref<16x128xf32, #tpu.memory_space<hbm>>) target(%dma_start3A_2042 : memref<16x128xf32, #tpu.memory_space<vmem>>) target_semaphore(%arg11 : memref<!tpu.dma_semaphore, #tpu.memory_space<semaphore_mem>>)
        %slice3A_2045 = vector.extract_strided_slice %mul3A_1964 {offsets = [5], sizes = [1], strides = [1]} : vector<16xi32> to vector<1xi32>
        %squeeze3A_2046 = vector.extract %slice3A_2045[0] : i32 from vector<1xi32>
        %multiple_of3A_2047 = tpu.assume_multiple %squeeze3A_2046, 128 : i32
        %dma_start3A_2048 = arith.constant 5 : i32
        %dma_start3A_2049 = arith.constant 0 : i32
        %dma_start3A_2050 = arith.constant 0 : i32
        %dma_start3A_2051 = tpu.memref_slice %arg7[%dma_start3A_2048, %dma_start3A_2049, %dma_start3A_2050] : memref<16x16x128xf32, #tpu.memory_space<vmem>> -> memref<1x16x128xf32, #tpu.memory_space<vmem>>
        %dma_start3A_2052 = tpu.memref_squeeze %dma_start3A_2051 : memref<1x16x128xf32, #tpu.memory_space<vmem>> -> memref<16x128xf32, #tpu.memory_space<vmem>>
        %dma_start3A_2053 = arith.constant 0 : i32
        %dma_start3A_2054 = tpu.memref_slice %arg3[%dma_start3A_2053, %multiple_of3A_2047] : memref<16x1000000xf32, #tpu.memory_space<hbm>> -> memref<16x128xf32, #tpu.memory_space<hbm>>
        %dma_start3A_2055 = arith.constant 0 : i32
        %dma_start3A_2056 = arith.constant 0 : i32
        %dma_start3A_2057 = tpu.memref_slice %arg7[%dma_start3A_2048, %dma_start3A_2055, %dma_start3A_2056] : memref<16x16x128xf32, #tpu.memory_space<vmem>> -> memref<1x16x128xf32, #tpu.memory_space<vmem>>
        %dma_start3A_2058 = tpu.memref_squeeze %dma_start3A_2057 : memref<1x16x128xf32, #tpu.memory_space<vmem>> -> memref<16x128xf32, #tpu.memory_space<vmem>>
        %dma_start3A_2059 = arith.constant 0 : i32
        %dma_start3A_2060 = tpu.memref_slice %arg3[%dma_start3A_2059, %multiple_of3A_2047] : memref<16x1000000xf32, #tpu.memory_space<hbm>> -> memref<16x128xf32, #tpu.memory_space<hbm>>
        tpu.enqueue_dma source(%dma_start3A_2060 : memref<16x128xf32, #tpu.memory_space<hbm>>) target(%dma_start3A_2058 : memref<16x128xf32, #tpu.memory_space<vmem>>) target_semaphore(%arg11 : memref<!tpu.dma_semaphore, #tpu.memory_space<semaphore_mem>>)
        %slice3A_2061 = vector.extract_strided_slice %mul3A_1964 {offsets = [6], sizes = [1], strides = [1]} : vector<16xi32> to vector<1xi32>
        %squeeze3A_2062 = vector.extract %slice3A_2061[0] : i32 from vector<1xi32>
        %multiple_of3A_2063 = tpu.assume_multiple %squeeze3A_2062, 128 : i32
        %dma_start3A_2064 = arith.constant 6 : i32
        %dma_start3A_2065 = arith.constant 0 : i32
        %dma_start3A_2066 = arith.constant 0 : i32
        %dma_start3A_2067 = tpu.memref_slice %arg7[%dma_start3A_2064, %dma_start3A_2065, %dma_start3A_2066] : memref<16x16x128xf32, #tpu.memory_space<vmem>> -> memref<1x16x128xf32, #tpu.memory_space<vmem>>
        %dma_start3A_2068 = tpu.memref_squeeze %dma_start3A_2067 : memref<1x16x128xf32, #tpu.memory_space<vmem>> -> memref<16x128xf32, #tpu.memory_space<vmem>>
        %dma_start3A_2069 = arith.constant 0 : i32
        %dma_start3A_2070 = tpu.memref_slice %arg3[%dma_start3A_2069, %multiple_of3A_2063] : memref<16x1000000xf32, #tpu.memory_space<hbm>> -> memref<16x128xf32, #tpu.memory_space<hbm>>
        %dma_start3A_2071 = arith.constant 0 : i32
        %dma_start3A_2072 = arith.constant 0 : i32
        %dma_start3A_2073 = tpu.memref_slice %arg7[%dma_start3A_2064, %dma_start3A_2071, %dma_start3A_2072] : memref<16x16x128xf32, #tpu.memory_space<vmem>> -> memref<1x16x128xf32, #tpu.memory_space<vmem>>
        %dma_start3A_2074 = tpu.memref_squeeze %dma_start3A_2073 : memref<1x16x128xf32, #tpu.memory_space<vmem>> -> memref<16x128xf32, #tpu.memory_space<vmem>>
        %dma_start3A_2075 = arith.constant 0 : i32
        %dma_start3A_2076 = tpu.memref_slice %arg3[%dma_start3A_2075, %multiple_of3A_2063] : memref<16x1000000xf32, #tpu.memory_space<hbm>> -> memref<16x128xf32, #tpu.memory_space<hbm>>
        tpu.enqueue_dma source(%dma_start3A_2076 : memref<16x128xf32, #tpu.memory_space<hbm>>) target(%dma_start3A_2074 : memref<16x128xf32, #tpu.memory_space<vmem>>) target_semaphore(%arg11 : memref<!tpu.dma_semaphore, #tpu.memory_space<semaphore_mem>>)
        %slice3A_2077 = vector.extract_strided_slice %mul3A_1964 {offsets = [7], sizes = [1], strides = [1]} : vector<16xi32> to vector<1xi32>
        %squeeze3A_2078 = vector.extract %slice3A_2077[0] : i32 from vector<1xi32>
        %multiple_of3A_2079 = tpu.assume_multiple %squeeze3A_2078, 128 : i32
        %dma_start3A_2080 = arith.constant 7 : i32
        %dma_start3A_2081 = arith.constant 0 : i32
        %dma_start3A_2082 = arith.constant 0 : i32
        %dma_start3A_2083 = tpu.memref_slice %arg7[%dma_start3A_2080, %dma_start3A_2081, %dma_start3A_2082] : memref<16x16x128xf32, #tpu.memory_space<vmem>> -> memref<1x16x128xf32, #tpu.memory_space<vmem>>
        %dma_start3A_2084 = tpu.memref_squeeze %dma_start3A_2083 : memref<1x16x128xf32, #tpu.memory_space<vmem>> -> memref<16x128xf32, #tpu.memory_space<vmem>>
        %dma_start3A_2085 = arith.constant 0 : i32
        %dma_start3A_2086 = tpu.memref_slice %arg3[%dma_start3A_2085, %multiple_of3A_2079] : memref<16x1000000xf32, #tpu.memory_space<hbm>> -> memref<16x128xf32, #tpu.memory_space<hbm>>
        %dma_start3A_2087 = arith.constant 0 : i32
        %dma_start3A_2088 = arith.constant 0 : i32
        %dma_start3A_2089 = tpu.memref_slice %arg7[%dma_start3A_2080, %dma_start3A_2087, %dma_start3A_2088] : memref<16x16x128xf32, #tpu.memory_space<vmem>> -> memref<1x16x128xf32, #tpu.memory_space<vmem>>
        %dma_start3A_2090 = tpu.memref_squeeze %dma_start3A_2089 : memref<1x16x128xf32, #tpu.memory_space<vmem>> -> memref<16x128xf32, #tpu.memory_space<vmem>>
        %dma_start3A_2091 = arith.constant 0 : i32
        %dma_start3A_2092 = tpu.memref_slice %arg3[%dma_start3A_2091, %multiple_of3A_2079] : memref<16x1000000xf32, #tpu.memory_space<hbm>> -> memref<16x128xf32, #tpu.memory_space<hbm>>
        tpu.enqueue_dma source(%dma_start3A_2092 : memref<16x128xf32, #tpu.memory_space<hbm>>) target(%dma_start3A_2090 : memref<16x128xf32, #tpu.memory_space<vmem>>) target_semaphore(%arg11 : memref<!tpu.dma_semaphore, #tpu.memory_space<semaphore_mem>>)
        %slice3A_2093 = vector.extract_strided_slice %mul3A_1964 {offsets = [8], sizes = [1], strides = [1]} : vector<16xi32> to vector<1xi32>
        %squeeze3A_2094 = vector.extract %slice3A_2093[0] : i32 from vector<1xi32>
        %multiple_of3A_2095 = tpu.assume_multiple %squeeze3A_2094, 128 : i32
        %dma_start3A_2096 = arith.constant 8 : i32
        %dma_start3A_2097 = arith.constant 0 : i32
        %dma_start3A_2098 = arith.constant 0 : i32
        %dma_start3A_2099 = tpu.memref_slice %arg7[%dma_start3A_2096, %dma_start3A_2097, %dma_start3A_2098] : memref<16x16x128xf32, #tpu.memory_space<vmem>> -> memref<1x16x128xf32, #tpu.memory_space<vmem>>
        %dma_start3A_2100 = tpu.memref_squeeze %dma_start3A_2099 : memref<1x16x128xf32, #tpu.memory_space<vmem>> -> memref<16x128xf32, #tpu.memory_space<vmem>>
        %dma_start3A_2101 = arith.constant 0 : i32
        %dma_start3A_2102 = tpu.memref_slice %arg3[%dma_start3A_2101, %multiple_of3A_2095] : memref<16x1000000xf32, #tpu.memory_space<hbm>> -> memref<16x128xf32, #tpu.memory_space<hbm>>
        %dma_start3A_2103 = arith.constant 0 : i32
        %dma_start3A_2104 = arith.constant 0 : i32
        %dma_start3A_2105 = tpu.memref_slice %arg7[%dma_start3A_2096, %dma_start3A_2103, %dma_start3A_2104] : memref<16x16x128xf32, #tpu.memory_space<vmem>> -> memref<1x16x128xf32, #tpu.memory_space<vmem>>
        %dma_start3A_2106 = tpu.memref_squeeze %dma_start3A_2105 : memref<1x16x128xf32, #tpu.memory_space<vmem>> -> memref<16x128xf32, #tpu.memory_space<vmem>>
        %dma_start3A_2107 = arith.constant 0 : i32
        %dma_start3A_2108 = tpu.memref_slice %arg3[%dma_start3A_2107, %multiple_of3A_2095] : memref<16x1000000xf32, #tpu.memory_space<hbm>> -> memref<16x128xf32, #tpu.memory_space<hbm>>
        tpu.enqueue_dma source(%dma_start3A_2108 : memref<16x128xf32, #tpu.memory_space<hbm>>) target(%dma_start3A_2106 : memref<16x128xf32, #tpu.memory_space<vmem>>) target_semaphore(%arg11 : memref<!tpu.dma_semaphore, #tpu.memory_space<semaphore_mem>>)
        %slice3A_2109 = vector.extract_strided_slice %mul3A_1964 {offsets = [9], sizes = [1], strides = [1]} : vector<16xi32> to vector<1xi32>
        %squeeze3A_2110 = vector.extract %slice3A_2109[0] : i32 from vector<1xi32>
        %multiple_of3A_2111 = tpu.assume_multiple %squeeze3A_2110, 128 : i32
        %dma_start3A_2112 = arith.constant 9 : i32
        %dma_start3A_2113 = arith.constant 0 : i32
        %dma_start3A_2114 = arith.constant 0 : i32
        %dma_start3A_2115 = tpu.memref_slice %arg7[%dma_start3A_2112, %dma_start3A_2113, %dma_start3A_2114] : memref<16x16x128xf32, #tpu.memory_space<vmem>> -> memref<1x16x128xf32, #tpu.memory_space<vmem>>
        %dma_start3A_2116 = tpu.memref_squeeze %dma_start3A_2115 : memref<1x16x128xf32, #tpu.memory_space<vmem>> -> memref<16x128xf32, #tpu.memory_space<vmem>>
        %dma_start3A_2117 = arith.constant 0 : i32
        %dma_start3A_2118 = tpu.memref_slice %arg3[%dma_start3A_2117, %multiple_of3A_2111] : memref<16x1000000xf32, #tpu.memory_space<hbm>> -> memref<16x128xf32, #tpu.memory_space<hbm>>
        %dma_start3A_2119 = arith.constant 0 : i32
        %dma_start3A_2120 = arith.constant 0 : i32
        %dma_start3A_2121 = tpu.memref_slice %arg7[%dma_start3A_2112, %dma_start3A_2119, %dma_start3A_2120] : memref<16x16x128xf32, #tpu.memory_space<vmem>> -> memref<1x16x128xf32, #tpu.memory_space<vmem>>
        %dma_start3A_2122 = tpu.memref_squeeze %dma_start3A_2121 : memref<1x16x128xf32, #tpu.memory_space<vmem>> -> memref<16x128xf32, #tpu.memory_space<vmem>>
        %dma_start3A_2123 = arith.constant 0 : i32
        %dma_start3A_2124 = tpu.memref_slice %arg3[%dma_start3A_2123, %multiple_of3A_2111] : memref<16x1000000xf32, #tpu.memory_space<hbm>> -> memref<16x128xf32, #tpu.memory_space<hbm>>
        tpu.enqueue_dma source(%dma_start3A_2124 : memref<16x128xf32, #tpu.memory_space<hbm>>) target(%dma_start3A_2122 : memref<16x128xf32, #tpu.memory_space<vmem>>) target_semaphore(%arg11 : memref<!tpu.dma_semaphore, #tpu.memory_space<semaphore_mem>>)
        %slice3A_2125 = vector.extract_strided_slice %mul3A_1964 {offsets = [10], sizes = [1], strides = [1]} : vector<16xi32> to vector<1xi32>
        %squeeze3A_2126 = vector.extract %slice3A_2125[0] : i32 from vector<1xi32>
        %multiple_of3A_2127 = tpu.assume_multiple %squeeze3A_2126, 128 : i32
        %dma_start3A_2128 = arith.constant 10 : i32
        %dma_start3A_2129 = arith.constant 0 : i32
        %dma_start3A_2130 = arith.constant 0 : i32
        %dma_start3A_2131 = tpu.memref_slice %arg7[%dma_start3A_2128, %dma_start3A_2129, %dma_start3A_2130] : memref<16x16x128xf32, #tpu.memory_space<vmem>> -> memref<1x16x128xf32, #tpu.memory_space<vmem>>
        %dma_start3A_2132 = tpu.memref_squeeze %dma_start3A_2131 : memref<1x16x128xf32, #tpu.memory_space<vmem>> -> memref<16x128xf32, #tpu.memory_space<vmem>>
        %dma_start3A_2133 = arith.constant 0 : i32
        %dma_start3A_2134 = tpu.memref_slice %arg3[%dma_start3A_2133, %multiple_of3A_2127] : memref<16x1000000xf32, #tpu.memory_space<hbm>> -> memref<16x128xf32, #tpu.memory_space<hbm>>
        %dma_start3A_2135 = arith.constant 0 : i32
        %dma_start3A_2136 = arith.constant 0 : i32
        %dma_start3A_2137 = tpu.memref_slice %arg7[%dma_start3A_2128, %dma_start3A_2135, %dma_start3A_2136] : memref<16x16x128xf32, #tpu.memory_space<vmem>> -> memref<1x16x128xf32, #tpu.memory_space<vmem>>
        %dma_start3A_2138 = tpu.memref_squeeze %dma_start3A_2137 : memref<1x16x128xf32, #tpu.memory_space<vmem>> -> memref<16x128xf32, #tpu.memory_space<vmem>>
        %dma_start3A_2139 = arith.constant 0 : i32
        %dma_start3A_2140 = tpu.memref_slice %arg3[%dma_start3A_2139, %multiple_of3A_2127] : memref<16x1000000xf32, #tpu.memory_space<hbm>> -> memref<16x128xf32, #tpu.memory_space<hbm>>
        tpu.enqueue_dma source(%dma_start3A_2140 : memref<16x128xf32, #tpu.memory_space<hbm>>) target(%dma_start3A_2138 : memref<16x128xf32, #tpu.memory_space<vmem>>) target_semaphore(%arg11 : memref<!tpu.dma_semaphore, #tpu.memory_space<semaphore_mem>>)
        %slice3A_2141 = vector.extract_strided_slice %mul3A_1964 {offsets = [11], sizes = [1], strides = [1]} : vector<16xi32> to vector<1xi32>
        %squeeze3A_2142 = vector.extract %slice3A_2141[0] : i32 from vector<1xi32>
        %multiple_of3A_2143 = tpu.assume_multiple %squeeze3A_2142, 128 : i32
        %dma_start3A_2144 = arith.constant 11 : i32
        %dma_start3A_2145 = arith.constant 0 : i32
        %dma_start3A_2146 = arith.constant 0 : i32
        %dma_start3A_2147 = tpu.memref_slice %arg7[%dma_start3A_2144, %dma_start3A_2145, %dma_start3A_2146] : memref<16x16x128xf32, #tpu.memory_space<vmem>> -> memref<1x16x128xf32, #tpu.memory_space<vmem>>
        %dma_start3A_2148 = tpu.memref_squeeze %dma_start3A_2147 : memref<1x16x128xf32, #tpu.memory_space<vmem>> -> memref<16x128xf32, #tpu.memory_space<vmem>>
        %dma_start3A_2149 = arith.constant 0 : i32
        %dma_start3A_2150 = tpu.memref_slice %arg3[%dma_start3A_2149, %multiple_of3A_2143] : memref<16x1000000xf32, #tpu.memory_space<hbm>> -> memref<16x128xf32, #tpu.memory_space<hbm>>
        %dma_start3A_2151 = arith.constant 0 : i32
        %dma_start3A_2152 = arith.constant 0 : i32
        %dma_start3A_2153 = tpu.memref_slice %arg7[%dma_start3A_2144, %dma_start3A_2151, %dma_start3A_2152] : memref<16x16x128xf32, #tpu.memory_space<vmem>> -> memref<1x16x128xf32, #tpu.memory_space<vmem>>
        %dma_start3A_2154 = tpu.memref_squeeze %dma_start3A_2153 : memref<1x16x128xf32, #tpu.memory_space<vmem>> -> memref<16x128xf32, #tpu.memory_space<vmem>>
        %dma_start3A_2155 = arith.constant 0 : i32
        %dma_start3A_2156 = tpu.memref_slice %arg3[%dma_start3A_2155, %multiple_of3A_2143] : memref<16x1000000xf32, #tpu.memory_space<hbm>> -> memref<16x128xf32, #tpu.memory_space<hbm>>
        tpu.enqueue_dma source(%dma_start3A_2156 : memref<16x128xf32, #tpu.memory_space<hbm>>) target(%dma_start3A_2154 : memref<16x128xf32, #tpu.memory_space<vmem>>) target_semaphore(%arg11 : memref<!tpu.dma_semaphore, #tpu.memory_space<semaphore_mem>>)
        %slice3A_2157 = vector.extract_strided_slice %mul3A_1964 {offsets = [12], sizes = [1], strides = [1]} : vector<16xi32> to vector<1xi32>
        %squeeze3A_2158 = vector.extract %slice3A_2157[0] : i32 from vector<1xi32>
        %multiple_of3A_2159 = tpu.assume_multiple %squeeze3A_2158, 128 : i32
        %dma_start3A_2160 = arith.constant 12 : i32
        %dma_start3A_2161 = arith.constant 0 : i32
        %dma_start3A_2162 = arith.constant 0 : i32
        %dma_start3A_2163 = tpu.memref_slice %arg7[%dma_start3A_2160, %dma_start3A_2161, %dma_start3A_2162] : memref<16x16x128xf32, #tpu.memory_space<vmem>> -> memref<1x16x128xf32, #tpu.memory_space<vmem>>
        %dma_start3A_2164 = tpu.memref_squeeze %dma_start3A_2163 : memref<1x16x128xf32, #tpu.memory_space<vmem>> -> memref<16x128xf32, #tpu.memory_space<vmem>>
        %dma_start3A_2165 = arith.constant 0 : i32
        %dma_start3A_2166 = tpu.memref_slice %arg3[%dma_start3A_2165, %multiple_of3A_2159] : memref<16x1000000xf32, #tpu.memory_space<hbm>> -> memref<16x128xf32, #tpu.memory_space<hbm>>
        %dma_start3A_2167 = arith.constant 0 : i32
        %dma_start3A_2168 = arith.constant 0 : i32
        %dma_start3A_2169 = tpu.memref_slice %arg7[%dma_start3A_2160, %dma_start3A_2167, %dma_start3A_2168] : memref<16x16x128xf32, #tpu.memory_space<vmem>> -> memref<1x16x128xf32, #tpu.memory_space<vmem>>
        %dma_start3A_2170 = tpu.memref_squeeze %dma_start3A_2169 : memref<1x16x128xf32, #tpu.memory_space<vmem>> -> memref<16x128xf32, #tpu.memory_space<vmem>>
        %dma_start3A_2171 = arith.constant 0 : i32
        %dma_start3A_2172 = tpu.memref_slice %arg3[%dma_start3A_2171, %multiple_of3A_2159] : memref<16x1000000xf32, #tpu.memory_space<hbm>> -> memref<16x128xf32, #tpu.memory_space<hbm>>
        tpu.enqueue_dma source(%dma_start3A_2172 : memref<16x128xf32, #tpu.memory_space<hbm>>) target(%dma_start3A_2170 : memref<16x128xf32, #tpu.memory_space<vmem>>) target_semaphore(%arg11 : memref<!tpu.dma_semaphore, #tpu.memory_space<semaphore_mem>>)
        %slice3A_2173 = vector.extract_strided_slice %mul3A_1964 {offsets = [13], sizes = [1], strides = [1]} : vector<16xi32> to vector<1xi32>
        %squeeze3A_2174 = vector.extract %slice3A_2173[0] : i32 from vector<1xi32>
        %multiple_of3A_2175 = tpu.assume_multiple %squeeze3A_2174, 128 : i32
        %dma_start3A_2176 = arith.constant 13 : i32
        %dma_start3A_2177 = arith.constant 0 : i32
        %dma_start3A_2178 = arith.constant 0 : i32
        %dma_start3A_2179 = tpu.memref_slice %arg7[%dma_start3A_2176, %dma_start3A_2177, %dma_start3A_2178] : memref<16x16x128xf32, #tpu.memory_space<vmem>> -> memref<1x16x128xf32, #tpu.memory_space<vmem>>
        %dma_start3A_2180 = tpu.memref_squeeze %dma_start3A_2179 : memref<1x16x128xf32, #tpu.memory_space<vmem>> -> memref<16x128xf32, #tpu.memory_space<vmem>>
        %dma_start3A_2181 = arith.constant 0 : i32
        %dma_start3A_2182 = tpu.memref_slice %arg3[%dma_start3A_2181, %multiple_of3A_2175] : memref<16x1000000xf32, #tpu.memory_space<hbm>> -> memref<16x128xf32, #tpu.memory_space<hbm>>
        %dma_start3A_2183 = arith.constant 0 : i32
        %dma_start3A_2184 = arith.constant 0 : i32
        %dma_start3A_2185 = tpu.memref_slice %arg7[%dma_start3A_2176, %dma_start3A_2183, %dma_start3A_2184] : memref<16x16x128xf32, #tpu.memory_space<vmem>> -> memref<1x16x128xf32, #tpu.memory_space<vmem>>
        %dma_start3A_2186 = tpu.memref_squeeze %dma_start3A_2185 : memref<1x16x128xf32, #tpu.memory_space<vmem>> -> memref<16x128xf32, #tpu.memory_space<vmem>>
        %dma_start3A_2187 = arith.constant 0 : i32
        %dma_start3A_2188 = tpu.memref_slice %arg3[%dma_start3A_2187, %multiple_of3A_2175] : memref<16x1000000xf32, #tpu.memory_space<hbm>> -> memref<16x128xf32, #tpu.memory_space<hbm>>
        tpu.enqueue_dma source(%dma_start3A_2188 : memref<16x128xf32, #tpu.memory_space<hbm>>) target(%dma_start3A_2186 : memref<16x128xf32, #tpu.memory_space<vmem>>) target_semaphore(%arg11 : memref<!tpu.dma_semaphore, #tpu.memory_space<semaphore_mem>>)
        %slice3A_2189 = vector.extract_strided_slice %mul3A_1964 {offsets = [14], sizes = [1], strides = [1]} : vector<16xi32> to vector<1xi32>
        %squeeze3A_2190 = vector.extract %slice3A_2189[0] : i32 from vector<1xi32>
        %multiple_of3A_2191 = tpu.assume_multiple %squeeze3A_2190, 128 : i32
        %dma_start3A_2192 = arith.constant 14 : i32
        %dma_start3A_2193 = arith.constant 0 : i32
        %dma_start3A_2194 = arith.constant 0 : i32
        %dma_start3A_2195 = tpu.memref_slice %arg7[%dma_start3A_2192, %dma_start3A_2193, %dma_start3A_2194] : memref<16x16x128xf32, #tpu.memory_space<vmem>> -> memref<1x16x128xf32, #tpu.memory_space<vmem>>
        %dma_start3A_2196 = tpu.memref_squeeze %dma_start3A_2195 : memref<1x16x128xf32, #tpu.memory_space<vmem>> -> memref<16x128xf32, #tpu.memory_space<vmem>>
        %dma_start3A_2197 = arith.constant 0 : i32
        %dma_start3A_2198 = tpu.memref_slice %arg3[%dma_start3A_2197, %multiple_of3A_2191] : memref<16x1000000xf32, #tpu.memory_space<hbm>> -> memref<16x128xf32, #tpu.memory_space<hbm>>
        %dma_start3A_2199 = arith.constant 0 : i32
        %dma_start3A_2200 = arith.constant 0 : i32
        %dma_start3A_2201 = tpu.memref_slice %arg7[%dma_start3A_2192, %dma_start3A_2199, %dma_start3A_2200] : memref<16x16x128xf32, #tpu.memory_space<vmem>> -> memref<1x16x128xf32, #tpu.memory_space<vmem>>
        %dma_start3A_2202 = tpu.memref_squeeze %dma_start3A_2201 : memref<1x16x128xf32, #tpu.memory_space<vmem>> -> memref<16x128xf32, #tpu.memory_space<vmem>>
        %dma_start3A_2203 = arith.constant 0 : i32
        %dma_start3A_2204 = tpu.memref_slice %arg3[%dma_start3A_2203, %multiple_of3A_2191] : memref<16x1000000xf32, #tpu.memory_space<hbm>> -> memref<16x128xf32, #tpu.memory_space<hbm>>
        tpu.enqueue_dma source(%dma_start3A_2204 : memref<16x128xf32, #tpu.memory_space<hbm>>) target(%dma_start3A_2202 : memref<16x128xf32, #tpu.memory_space<vmem>>) target_semaphore(%arg11 : memref<!tpu.dma_semaphore, #tpu.memory_space<semaphore_mem>>)
        %slice3A_2205 = vector.extract_strided_slice %mul3A_1964 {offsets = [15], sizes = [1], strides = [1]} : vector<16xi32> to vector<1xi32>
        %squeeze3A_2206 = vector.extract %slice3A_2205[0] : i32 from vector<1xi32>
        %multiple_of3A_2207 = tpu.assume_multiple %squeeze3A_2206, 128 : i32
        %dma_start3A_2208 = arith.constant 15 : i32
        %dma_start3A_2209 = arith.constant 0 : i32
        %dma_start3A_2210 = arith.constant 0 : i32
        %dma_start3A_2211 = tpu.memref_slice %arg7[%dma_start3A_2208, %dma_start3A_2209, %dma_start3A_2210] : memref<16x16x128xf32, #tpu.memory_space<vmem>> -> memref<1x16x128xf32, #tpu.memory_space<vmem>>
        %dma_start3A_2212 = tpu.memref_squeeze %dma_start3A_2211 : memref<1x16x128xf32, #tpu.memory_space<vmem>> -> memref<16x128xf32, #tpu.memory_space<vmem>>
        %dma_start3A_2213 = arith.constant 0 : i32
        %dma_start3A_2214 = tpu.memref_slice %arg3[%dma_start3A_2213, %multiple_of3A_2207] : memref<16x1000000xf32, #tpu.memory_space<hbm>> -> memref<16x128xf32, #tpu.memory_space<hbm>>
        %dma_start3A_2215 = arith.constant 0 : i32
        %dma_start3A_2216 = arith.constant 0 : i32
        %dma_start3A_2217 = tpu.memref_slice %arg7[%dma_start3A_2208, %dma_start3A_2215, %dma_start3A_2216] : memref<16x16x128xf32, #tpu.memory_space<vmem>> -> memref<1x16x128xf32, #tpu.memory_space<vmem>>
        %dma_start3A_2218 = tpu.memref_squeeze %dma_start3A_2217 : memref<1x16x128xf32, #tpu.memory_space<vmem>> -> memref<16x128xf32, #tpu.memory_space<vmem>>
        %dma_start3A_2219 = arith.constant 0 : i32
        %dma_start3A_2220 = tpu.memref_slice %arg3[%dma_start3A_2219, %multiple_of3A_2207] : memref<16x1000000xf32, #tpu.memory_space<hbm>> -> memref<16x128xf32, #tpu.memory_space<hbm>>
        tpu.enqueue_dma source(%dma_start3A_2220 : memref<16x128xf32, #tpu.memory_space<hbm>>) target(%dma_start3A_2218 : memref<16x128xf32, #tpu.memory_space<vmem>>) target_semaphore(%arg11 : memref<!tpu.dma_semaphore, #tpu.memory_space<semaphore_mem>>)
      } else {
      }
      %scan3A_1716 = arith.constant 0 : i32
      %scan3A_1717 = arith.constant 16 : i32
      %scan3A_1718 = arith.addi %scan3A_1716, %scan3A_1717 : i32
      %scan3A_1719 = arith.constant 1 : i32
      scf.for %scan3A_1925 = %scan3A_1716 to %scan3A_1718 step %scan3A_1719  : i32 {
        %mul3A_1926 = arith.constant 1 : i32
        %mul3A_1927 = arith.muli %scan3A_1925, %mul3A_1926 : i32
        %add3A_1928 = arith.constant 0 : i32
        %add3A_1929 = arith.addi %add3A_1928, %mul3A_1927 : i32
        %dma_wait3A_1930 = arith.constant 0 : i32
        %dma_wait3A_1931 = arith.constant 0 : i32
        %dma_wait3A_1932 = tpu.memref_slice %arg8[%add3A_1929, %dma_wait3A_1930, %dma_wait3A_1931] : memref<16x16x128xf32, #tpu.memory_space<vmem>> -> memref<1x16x128xf32, #tpu.memory_space<vmem>>
        %dma_wait3A_1933 = tpu.memref_squeeze %dma_wait3A_1932 : memref<1x16x128xf32, #tpu.memory_space<vmem>> -> memref<16x128xf32, #tpu.memory_space<vmem>>
        %dma_wait3A_1934 = arith.constant 0 : i32
        %dma_wait3A_1935 = arith.constant 0 : i32
        %dma_wait3A_1936 = tpu.memref_slice %arg3[%dma_wait3A_1934, %dma_wait3A_1935] : memref<16x1000000xf32, #tpu.memory_space<hbm>> -> memref<16x128xf32, #tpu.memory_space<hbm>>
        %dma_wait3A_1937 = arith.constant 0 : i32
        %dma_wait3A_1938 = arith.constant 0 : i32
        %dma_wait3A_1939 = tpu.memref_slice %arg8[%add3A_1929, %dma_wait3A_1937, %dma_wait3A_1938] : memref<16x16x128xf32, #tpu.memory_space<vmem>> -> memref<1x16x128xf32, #tpu.memory_space<vmem>>
        %dma_wait3A_1940 = tpu.memref_squeeze %dma_wait3A_1939 : memref<1x16x128xf32, #tpu.memory_space<vmem>> -> memref<16x128xf32, #tpu.memory_space<vmem>>
        %dma_wait3A_1941 = arith.constant 0 : i32
        %dma_wait3A_1942 = arith.constant 0 : i32
        %dma_wait3A_1943 = tpu.memref_slice %arg3[%dma_wait3A_1941, %dma_wait3A_1942] : memref<16x1000000xf32, #tpu.memory_space<hbm>> -> memref<16x128xf32, #tpu.memory_space<hbm>>
        tpu.wait_dma2 semaphore(%arg12 : memref<!tpu.dma_semaphore, #tpu.memory_space<semaphore_mem>>) src(%dma_wait3A_1943 : memref<16x128xf32, #tpu.memory_space<hbm>>) dst(%dma_wait3A_1940 : memref<16x128xf32, #tpu.memory_space<vmem>>)
      }
      %scan3A_1720 = arith.constant 16 : i32
      %add3A_1721 = arith.constant 2 : i32
      %add3A_1722 = arith.addi %mul3A_992, %add3A_1721 : i32
      %mul3A_1723 = arith.constant 16 : i32
      %mul3A_1724 = arith.muli %add3A_1722, %mul3A_1723 : i32
      %get3A_1725 = arith.index_cast %mul3A_1724 : i32 to index
      %get3A_1726 = tpu.vector_load %arg5[%get3A_1725] {strides = array<i32>} : memref<512xi32, #tpu.memory_space<vmem>>, vector<16xi32>,
      %and3A_1727 = arith.constant 127 : i32
      %and3A_1728 = vector.broadcast %and3A_1727 : i32 to vector<16xi32>
      %and3A_1729 = arith.andi %get3A_1726, %and3A_1728 : vector<16xi32>
      %broadcast_in_dim3A_1730 = arith.constant 0 : i32
      %broadcast_in_dim3A_1731 = vector.broadcast %broadcast_in_dim3A_1730 : i32 to vector<16xi32>
      %gather3A_1732 = tpu.vector_load_idx %arg8[%iota3A, %broadcast_in_dim3A_1731, %and3A_1729] : memref<16x16x128xf32, #tpu.memory_space<vmem>>[vector<16xi32>, vector<16xi32>, vector<16xi32>], vector<16xf32>,
      %broadcast_in_dim3A_1733 = arith.constant 1 : i32
      %broadcast_in_dim3A_1734 = vector.broadcast %broadcast_in_dim3A_1733 : i32 to vector<16xi32>
      %gather3A_1735 = tpu.vector_load_idx %arg8[%iota3A, %broadcast_in_dim3A_1734, %and3A_1729] : memref<16x16x128xf32, #tpu.memory_space<vmem>>[vector<16xi32>, vector<16xi32>, vector<16xi32>], vector<16xf32>,
      %broadcast_in_dim3A_1736 = arith.constant 2 : i32
      %broadcast_in_dim3A_1737 = vector.broadcast %broadcast_in_dim3A_1736 : i32 to vector<16xi32>
      %gather3A_1738 = tpu.vector_load_idx %arg8[%iota3A, %broadcast_in_dim3A_1737, %and3A_1729] : memref<16x16x128xf32, #tpu.memory_space<vmem>>[vector<16xi32>, vector<16xi32>, vector<16xi32>], vector<16xf32>,
      %broadcast_in_dim3A_1739 = arith.constant 3 : i32
      %broadcast_in_dim3A_1740 = vector.broadcast %broadcast_in_dim3A_1739 : i32 to vector<16xi32>
      %gather3A_1741 = tpu.vector_load_idx %arg8[%iota3A, %broadcast_in_dim3A_1740, %and3A_1729] : memref<16x16x128xf32, #tpu.memory_space<vmem>>[vector<16xi32>, vector<16xi32>, vector<16xi32>], vector<16xf32>,
      %broadcast_in_dim3A_1742 = arith.constant 4 : i32
      %broadcast_in_dim3A_1743 = vector.broadcast %broadcast_in_dim3A_1742 : i32 to vector<16xi32>
      %gather3A_1744 = tpu.vector_load_idx %arg8[%iota3A, %broadcast_in_dim3A_1743, %and3A_1729] : memref<16x16x128xf32, #tpu.memory_space<vmem>>[vector<16xi32>, vector<16xi32>, vector<16xi32>], vector<16xf32>,
      %broadcast_in_dim3A_1745 = arith.constant 5 : i32
      %broadcast_in_dim3A_1746 = vector.broadcast %broadcast_in_dim3A_1745 : i32 to vector<16xi32>
      %gather3A_1747 = tpu.vector_load_idx %arg8[%iota3A, %broadcast_in_dim3A_1746, %and3A_1729] : memref<16x16x128xf32, #tpu.memory_space<vmem>>[vector<16xi32>, vector<16xi32>, vector<16xi32>], vector<16xf32>,
      %broadcast_in_dim3A_1748 = arith.constant 6 : i32
      %broadcast_in_dim3A_1749 = vector.broadcast %broadcast_in_dim3A_1748 : i32 to vector<16xi32>
      %gather3A_1750 = tpu.vector_load_idx %arg8[%iota3A, %broadcast_in_dim3A_1749, %and3A_1729] : memref<16x16x128xf32, #tpu.memory_space<vmem>>[vector<16xi32>, vector<16xi32>, vector<16xi32>], vector<16xf32>,
      %broadcast_in_dim3A_1751 = arith.constant 7 : i32
      %broadcast_in_dim3A_1752 = vector.broadcast %broadcast_in_dim3A_1751 : i32 to vector<16xi32>
      %gather3A_1753 = tpu.vector_load_idx %arg8[%iota3A, %broadcast_in_dim3A_1752, %and3A_1729] : memref<16x16x128xf32, #tpu.memory_space<vmem>>[vector<16xi32>, vector<16xi32>, vector<16xi32>], vector<16xf32>,
      %broadcast_in_dim3A_1754 = arith.constant 8 : i32
      %broadcast_in_dim3A_1755 = vector.broadcast %broadcast_in_dim3A_1754 : i32 to vector<16xi32>
      %gather3A_1756 = tpu.vector_load_idx %arg8[%iota3A, %broadcast_in_dim3A_1755, %and3A_1729] : memref<16x16x128xf32, #tpu.memory_space<vmem>>[vector<16xi32>, vector<16xi32>, vector<16xi32>], vector<16xf32>,
      %broadcast_in_dim3A_1757 = arith.constant 9 : i32
      %broadcast_in_dim3A_1758 = vector.broadcast %broadcast_in_dim3A_1757 : i32 to vector<16xi32>
      %gather3A_1759 = tpu.vector_load_idx %arg8[%iota3A, %broadcast_in_dim3A_1758, %and3A_1729] : memref<16x16x128xf32, #tpu.memory_space<vmem>>[vector<16xi32>, vector<16xi32>, vector<16xi32>], vector<16xf32>,
      %broadcast_in_dim3A_1760 = arith.constant 10 : i32
      %broadcast_in_dim3A_1761 = vector.broadcast %broadcast_in_dim3A_1760 : i32 to vector<16xi32>
      %gather3A_1762 = tpu.vector_load_idx %arg8[%iota3A, %broadcast_in_dim3A_1761, %and3A_1729] : memref<16x16x128xf32, #tpu.memory_space<vmem>>[vector<16xi32>, vector<16xi32>, vector<16xi32>], vector<16xf32>,
      %broadcast_in_dim3A_1763 = arith.constant 11 : i32
      %broadcast_in_dim3A_1764 = vector.broadcast %broadcast_in_dim3A_1763 : i32 to vector<16xi32>
      %gather3A_1765 = tpu.vector_load_idx %arg8[%iota3A, %broadcast_in_dim3A_1764, %and3A_1729] : memref<16x16x128xf32, #tpu.memory_space<vmem>>[vector<16xi32>, vector<16xi32>, vector<16xi32>], vector<16xf32>,
      %broadcast_in_dim3A_1766 = arith.constant 12 : i32
      %broadcast_in_dim3A_1767 = vector.broadcast %broadcast_in_dim3A_1766 : i32 to vector<16xi32>
      %gather3A_1768 = tpu.vector_load_idx %arg8[%iota3A, %broadcast_in_dim3A_1767, %and3A_1729] : memref<16x16x128xf32, #tpu.memory_space<vmem>>[vector<16xi32>, vector<16xi32>, vector<16xi32>], vector<16xf32>,
      %broadcast_in_dim3A_1769 = arith.constant 13 : i32
      %broadcast_in_dim3A_1770 = vector.broadcast %broadcast_in_dim3A_1769 : i32 to vector<16xi32>
      %gather3A_1771 = tpu.vector_load_idx %arg8[%iota3A, %broadcast_in_dim3A_1770, %and3A_1729] : memref<16x16x128xf32, #tpu.memory_space<vmem>>[vector<16xi32>, vector<16xi32>, vector<16xi32>], vector<16xf32>,
      %broadcast_in_dim3A_1772 = arith.constant 14 : i32
      %broadcast_in_dim3A_1773 = vector.broadcast %broadcast_in_dim3A_1772 : i32 to vector<16xi32>
      %gather3A_1774 = tpu.vector_load_idx %arg8[%iota3A, %broadcast_in_dim3A_1773, %and3A_1729] : memref<16x16x128xf32, #tpu.memory_space<vmem>>[vector<16xi32>, vector<16xi32>, vector<16xi32>], vector<16xf32>,
      %broadcast_in_dim3A_1775 = arith.constant 15 : i32
      %broadcast_in_dim3A_1776 = vector.broadcast %broadcast_in_dim3A_1775 : i32 to vector<16xi32>
      %gather3A_1777 = tpu.vector_load_idx %arg8[%iota3A, %broadcast_in_dim3A_1776, %and3A_1729] : memref<16x16x128xf32, #tpu.memory_space<vmem>>[vector<16xi32>, vector<16xi32>, vector<16xi32>], vector<16xf32>,
      %max3A_1778 = arith.maximumf %gather3A_1732, %gather3A_1735 : vector<16xf32>
      %max3A_1779 = arith.maximumf %max3A_1778, %gather3A_1738 : vector<16xf32>
      %max3A_1780 = arith.maximumf %max3A_1779, %gather3A_1741 : vector<16xf32>
      %max3A_1781 = arith.maximumf %max3A_1780, %gather3A_1744 : vector<16xf32>
      %max3A_1782 = arith.maximumf %max3A_1781, %gather3A_1747 : vector<16xf32>
      %max3A_1783 = arith.maximumf %max3A_1782, %gather3A_1750 : vector<16xf32>
      %max3A_1784 = arith.maximumf %max3A_1783, %gather3A_1753 : vector<16xf32>
      %max3A_1785 = arith.maximumf %max3A_1784, %gather3A_1756 : vector<16xf32>
      %max3A_1786 = arith.maximumf %max3A_1785, %gather3A_1759 : vector<16xf32>
      %max3A_1787 = arith.maximumf %max3A_1786, %gather3A_1762 : vector<16xf32>
      %max3A_1788 = arith.maximumf %max3A_1787, %gather3A_1765 : vector<16xf32>
      %max3A_1789 = arith.maximumf %max3A_1788, %gather3A_1768 : vector<16xf32>
      %max3A_1790 = arith.maximumf %max3A_1789, %gather3A_1771 : vector<16xf32>
      %max3A_1791 = arith.maximumf %max3A_1790, %gather3A_1774 : vector<16xf32>
      %max3A_1792 = arith.maximumf %max3A_1791, %gather3A_1777 : vector<16xf32>
      %sub3A_1793 = arith.subf %gather3A_1732, %max3A_1792 : vector<16xf32>
      %exp3A_1794 = math.exp %sub3A_1793 : vector<16xf32>
      %sub3A_1795 = arith.subf %gather3A_1735, %max3A_1792 : vector<16xf32>
      %exp3A_1796 = math.exp %sub3A_1795 : vector<16xf32>
      %sub3A_1797 = arith.subf %gather3A_1738, %max3A_1792 : vector<16xf32>
      %exp3A_1798 = math.exp %sub3A_1797 : vector<16xf32>
      %sub3A_1799 = arith.subf %gather3A_1741, %max3A_1792 : vector<16xf32>
      %exp3A_1800 = math.exp %sub3A_1799 : vector<16xf32>
      %sub3A_1801 = arith.subf %gather3A_1744, %max3A_1792 : vector<16xf32>
      %exp3A_1802 = math.exp %sub3A_1801 : vector<16xf32>
      %sub3A_1803 = arith.subf %gather3A_1747, %max3A_1792 : vector<16xf32>
      %exp3A_1804 = math.exp %sub3A_1803 : vector<16xf32>
      %sub3A_1805 = arith.subf %gather3A_1750, %max3A_1792 : vector<16xf32>
      %exp3A_1806 = math.exp %sub3A_1805 : vector<16xf32>
      %sub3A_1807 = arith.subf %gather3A_1753, %max3A_1792 : vector<16xf32>
      %exp3A_1808 = math.exp %sub3A_1807 : vector<16xf32>
      %sub3A_1809 = arith.subf %gather3A_1756, %max3A_1792 : vector<16xf32>
      %exp3A_1810 = math.exp %sub3A_1809 : vector<16xf32>
      %sub3A_1811 = arith.subf %gather3A_1759, %max3A_1792 : vector<16xf32>
      %exp3A_1812 = math.exp %sub3A_1811 : vector<16xf32>
      %sub3A_1813 = arith.subf %gather3A_1762, %max3A_1792 : vector<16xf32>
      %exp3A_1814 = math.exp %sub3A_1813 : vector<16xf32>
      %sub3A_1815 = arith.subf %gather3A_1765, %max3A_1792 : vector<16xf32>
      %exp3A_1816 = math.exp %sub3A_1815 : vector<16xf32>
      %sub3A_1817 = arith.subf %gather3A_1768, %max3A_1792 : vector<16xf32>
      %exp3A_1818 = math.exp %sub3A_1817 : vector<16xf32>
      %sub3A_1819 = arith.subf %gather3A_1771, %max3A_1792 : vector<16xf32>
      %exp3A_1820 = math.exp %sub3A_1819 : vector<16xf32>
      %sub3A_1821 = arith.subf %gather3A_1774, %max3A_1792 : vector<16xf32>
      %exp3A_1822 = math.exp %sub3A_1821 : vector<16xf32>
      %sub3A_1823 = arith.subf %gather3A_1777, %max3A_1792 : vector<16xf32>
      %exp3A_1824 = math.exp %sub3A_1823 : vector<16xf32>
      %add3A_1825 = arith.addf %exp3A_1794, %exp3A_1796 : vector<16xf32>
      %add3A_1826 = arith.addf %add3A_1825, %exp3A_1798 : vector<16xf32>
      %add3A_1827 = arith.addf %add3A_1826, %exp3A_1800 : vector<16xf32>
      %add3A_1828 = arith.addf %add3A_1827, %exp3A_1802 : vector<16xf32>
      %add3A_1829 = arith.addf %add3A_1828, %exp3A_1804 : vector<16xf32>
      %add3A_1830 = arith.addf %add3A_1829, %exp3A_1806 : vector<16xf32>
      %add3A_1831 = arith.addf %add3A_1830, %exp3A_1808 : vector<16xf32>
      %add3A_1832 = arith.addf %add3A_1831, %exp3A_1810 : vector<16xf32>
      %add3A_1833 = arith.addf %add3A_1832, %exp3A_1812 : vector<16xf32>
      %add3A_1834 = arith.addf %add3A_1833, %exp3A_1814 : vector<16xf32>
      %add3A_1835 = arith.addf %add3A_1834, %exp3A_1816 : vector<16xf32>
      %add3A_1836 = arith.addf %add3A_1835, %exp3A_1818 : vector<16xf32>
      %add3A_1837 = arith.addf %add3A_1836, %exp3A_1820 : vector<16xf32>
      %add3A_1838 = arith.addf %add3A_1837, %exp3A_1822 : vector<16xf32>
      %add3A_1839 = arith.addf %add3A_1838, %exp3A_1824 : vector<16xf32>
      %div3A_1840 = arith.constant 1.000000e+00 : f32
      %div3A_1841 = vector.broadcast %div3A_1840 : f32 to vector<16xf32>
      %div3A_1842 = arith.divf %div3A_1841, %add3A_1839 : vector<16xf32>
      %mul3A_1843 = arith.constant 16 : i32
      %mul3A_1844 = arith.muli %add3A_1722, %mul3A_1843 : i32
      %mul3A_1845 = arith.mulf %exp3A_1794, %div3A_1842 : vector<16xf32>
      %swap3A_1846 = arith.constant 0 : i32
      %swap3A_1847 = arith.index_cast %swap3A_1846 : i32 to index
      %swap3A_1848 = arith.index_cast %mul3A_1844 : i32 to index
      %swap3A_1849 = tpu.vector_load %arg9[%swap3A_1847, %swap3A_1848] {strides = array<i32>} : memref<16x512xf32, #tpu.memory_space<vmem>>, vector<16xf32>,
      tpu.vector_store %arg9[%swap3A_1847, %swap3A_1848], %mul3A_1845 {strides = array<i32>} : memref<16x512xf32, #tpu.memory_space<vmem>>, vector<16xf32>,
      %mul3A_1850 = arith.mulf %exp3A_1796, %div3A_1842 : vector<16xf32>
      %swap3A_1851 = arith.constant 1 : i32
      %swap3A_1852 = arith.index_cast %swap3A_1851 : i32 to index
      %swap3A_1853 = arith.index_cast %mul3A_1844 : i32 to index
      %swap3A_1854 = tpu.vector_load %arg9[%swap3A_1852, %swap3A_1853] {strides = array<i32>} : memref<16x512xf32, #tpu.memory_space<vmem>>, vector<16xf32>,
      tpu.vector_store %arg9[%swap3A_1852, %swap3A_1853], %mul3A_1850 {strides = array<i32>} : memref<16x512xf32, #tpu.memory_space<vmem>>, vector<16xf32>,
      %mul3A_1855 = arith.mulf %exp3A_1798, %div3A_1842 : vector<16xf32>
      %swap3A_1856 = arith.constant 2 : i32
      %swap3A_1857 = arith.index_cast %swap3A_1856 : i32 to index
      %swap3A_1858 = arith.index_cast %mul3A_1844 : i32 to index
      %swap3A_1859 = tpu.vector_load %arg9[%swap3A_1857, %swap3A_1858] {strides = array<i32>} : memref<16x512xf32, #tpu.memory_space<vmem>>, vector<16xf32>,
      tpu.vector_store %arg9[%swap3A_1857, %swap3A_1858], %mul3A_1855 {strides = array<i32>} : memref<16x512xf32, #tpu.memory_space<vmem>>, vector<16xf32>,
      %mul3A_1860 = arith.mulf %exp3A_1800, %div3A_1842 : vector<16xf32>
      %swap3A_1861 = arith.constant 3 : i32
      %swap3A_1862 = arith.index_cast %swap3A_1861 : i32 to index
      %swap3A_1863 = arith.index_cast %mul3A_1844 : i32 to index
      %swap3A_1864 = tpu.vector_load %arg9[%swap3A_1862, %swap3A_1863] {strides = array<i32>} : memref<16x512xf32, #tpu.memory_space<vmem>>, vector<16xf32>,
      tpu.vector_store %arg9[%swap3A_1862, %swap3A_1863], %mul3A_1860 {strides = array<i32>} : memref<16x512xf32, #tpu.memory_space<vmem>>, vector<16xf32>,
      %mul3A_1865 = arith.mulf %exp3A_1802, %div3A_1842 : vector<16xf32>
      %swap3A_1866 = arith.constant 4 : i32
      %swap3A_1867 = arith.index_cast %swap3A_1866 : i32 to index
      %swap3A_1868 = arith.index_cast %mul3A_1844 : i32 to index
      %swap3A_1869 = tpu.vector_load %arg9[%swap3A_1867, %swap3A_1868] {strides = array<i32>} : memref<16x512xf32, #tpu.memory_space<vmem>>, vector<16xf32>,
      tpu.vector_store %arg9[%swap3A_1867, %swap3A_1868], %mul3A_1865 {strides = array<i32>} : memref<16x512xf32, #tpu.memory_space<vmem>>, vector<16xf32>,
      %mul3A_1870 = arith.mulf %exp3A_1804, %div3A_1842 : vector<16xf32>
      %swap3A_1871 = arith.constant 5 : i32
      %swap3A_1872 = arith.index_cast %swap3A_1871 : i32 to index
      %swap3A_1873 = arith.index_cast %mul3A_1844 : i32 to index
      %swap3A_1874 = tpu.vector_load %arg9[%swap3A_1872, %swap3A_1873] {strides = array<i32>} : memref<16x512xf32, #tpu.memory_space<vmem>>, vector<16xf32>,
      tpu.vector_store %arg9[%swap3A_1872, %swap3A_1873], %mul3A_1870 {strides = array<i32>} : memref<16x512xf32, #tpu.memory_space<vmem>>, vector<16xf32>,
      %mul3A_1875 = arith.mulf %exp3A_1806, %div3A_1842 : vector<16xf32>
      %swap3A_1876 = arith.constant 6 : i32
      %swap3A_1877 = arith.index_cast %swap3A_1876 : i32 to index
      %swap3A_1878 = arith.index_cast %mul3A_1844 : i32 to index
      %swap3A_1879 = tpu.vector_load %arg9[%swap3A_1877, %swap3A_1878] {strides = array<i32>} : memref<16x512xf32, #tpu.memory_space<vmem>>, vector<16xf32>,
      tpu.vector_store %arg9[%swap3A_1877, %swap3A_1878], %mul3A_1875 {strides = array<i32>} : memref<16x512xf32, #tpu.memory_space<vmem>>, vector<16xf32>,
      %mul3A_1880 = arith.mulf %exp3A_1808, %div3A_1842 : vector<16xf32>
      %swap3A_1881 = arith.constant 7 : i32
      %swap3A_1882 = arith.index_cast %swap3A_1881 : i32 to index
      %swap3A_1883 = arith.index_cast %mul3A_1844 : i32 to index
      %swap3A_1884 = tpu.vector_load %arg9[%swap3A_1882, %swap3A_1883] {strides = array<i32>} : memref<16x512xf32, #tpu.memory_space<vmem>>, vector<16xf32>,
      tpu.vector_store %arg9[%swap3A_1882, %swap3A_1883], %mul3A_1880 {strides = array<i32>} : memref<16x512xf32, #tpu.memory_space<vmem>>, vector<16xf32>,
      %mul3A_1885 = arith.mulf %exp3A_1810, %div3A_1842 : vector<16xf32>
      %swap3A_1886 = arith.constant 8 : i32
      %swap3A_1887 = arith.index_cast %swap3A_1886 : i32 to index
      %swap3A_1888 = arith.index_cast %mul3A_1844 : i32 to index
      %swap3A_1889 = tpu.vector_load %arg9[%swap3A_1887, %swap3A_1888] {strides = array<i32>} : memref<16x512xf32, #tpu.memory_space<vmem>>, vector<16xf32>,
      tpu.vector_store %arg9[%swap3A_1887, %swap3A_1888], %mul3A_1885 {strides = array<i32>} : memref<16x512xf32, #tpu.memory_space<vmem>>, vector<16xf32>,
      %mul3A_1890 = arith.mulf %exp3A_1812, %div3A_1842 : vector<16xf32>
      %swap3A_1891 = arith.constant 9 : i32
      %swap3A_1892 = arith.index_cast %swap3A_1891 : i32 to index
      %swap3A_1893 = arith.index_cast %mul3A_1844 : i32 to index
      %swap3A_1894 = tpu.vector_load %arg9[%swap3A_1892, %swap3A_1893] {strides = array<i32>} : memref<16x512xf32, #tpu.memory_space<vmem>>, vector<16xf32>,
      tpu.vector_store %arg9[%swap3A_1892, %swap3A_1893], %mul3A_1890 {strides = array<i32>} : memref<16x512xf32, #tpu.memory_space<vmem>>, vector<16xf32>,
      %mul3A_1895 = arith.mulf %exp3A_1814, %div3A_1842 : vector<16xf32>
      %swap3A_1896 = arith.constant 10 : i32
      %swap3A_1897 = arith.index_cast %swap3A_1896 : i32 to index
      %swap3A_1898 = arith.index_cast %mul3A_1844 : i32 to index
      %swap3A_1899 = tpu.vector_load %arg9[%swap3A_1897, %swap3A_1898] {strides = array<i32>} : memref<16x512xf32, #tpu.memory_space<vmem>>, vector<16xf32>,
      tpu.vector_store %arg9[%swap3A_1897, %swap3A_1898], %mul3A_1895 {strides = array<i32>} : memref<16x512xf32, #tpu.memory_space<vmem>>, vector<16xf32>,
      %mul3A_1900 = arith.mulf %exp3A_1816, %div3A_1842 : vector<16xf32>
      %swap3A_1901 = arith.constant 11 : i32
      %swap3A_1902 = arith.index_cast %swap3A_1901 : i32 to index
      %swap3A_1903 = arith.index_cast %mul3A_1844 : i32 to index
      %swap3A_1904 = tpu.vector_load %arg9[%swap3A_1902, %swap3A_1903] {strides = array<i32>} : memref<16x512xf32, #tpu.memory_space<vmem>>, vector<16xf32>,
      tpu.vector_store %arg9[%swap3A_1902, %swap3A_1903], %mul3A_1900 {strides = array<i32>} : memref<16x512xf32, #tpu.memory_space<vmem>>, vector<16xf32>,
      %mul3A_1905 = arith.mulf %exp3A_1818, %div3A_1842 : vector<16xf32>
      %swap3A_1906 = arith.constant 12 : i32
      %swap3A_1907 = arith.index_cast %swap3A_1906 : i32 to index
      %swap3A_1908 = arith.index_cast %mul3A_1844 : i32 to index
      %swap3A_1909 = tpu.vector_load %arg9[%swap3A_1907, %swap3A_1908] {strides = array<i32>} : memref<16x512xf32, #tpu.memory_space<vmem>>, vector<16xf32>,
      tpu.vector_store %arg9[%swap3A_1907, %swap3A_1908], %mul3A_1905 {strides = array<i32>} : memref<16x512xf32, #tpu.memory_space<vmem>>, vector<16xf32>,
      %mul3A_1910 = arith.mulf %exp3A_1820, %div3A_1842 : vector<16xf32>
      %swap3A_1911 = arith.constant 13 : i32
      %swap3A_1912 = arith.index_cast %swap3A_1911 : i32 to index
      %swap3A_1913 = arith.index_cast %mul3A_1844 : i32 to index
      %swap3A_1914 = tpu.vector_load %arg9[%swap3A_1912, %swap3A_1913] {strides = array<i32>} : memref<16x512xf32, #tpu.memory_space<vmem>>, vector<16xf32>,
      tpu.vector_store %arg9[%swap3A_1912, %swap3A_1913], %mul3A_1910 {strides = array<i32>} : memref<16x512xf32, #tpu.memory_space<vmem>>, vector<16xf32>,
      %mul3A_1915 = arith.mulf %exp3A_1822, %div3A_1842 : vector<16xf32>
      %swap3A_1916 = arith.constant 14 : i32
      %swap3A_1917 = arith.index_cast %swap3A_1916 : i32 to index
      %swap3A_1918 = arith.index_cast %mul3A_1844 : i32 to index
      %swap3A_1919 = tpu.vector_load %arg9[%swap3A_1917, %swap3A_1918] {strides = array<i32>} : memref<16x512xf32, #tpu.memory_space<vmem>>, vector<16xf32>,
      tpu.vector_store %arg9[%swap3A_1917, %swap3A_1918], %mul3A_1915 {strides = array<i32>} : memref<16x512xf32, #tpu.memory_space<vmem>>, vector<16xf32>,
      %mul3A_1920 = arith.mulf %exp3A_1824, %div3A_1842 : vector<16xf32>
      %swap3A_1921 = arith.constant 15 : i32
      %swap3A_1922 = arith.index_cast %swap3A_1921 : i32 to index
      %swap3A_1923 = arith.index_cast %mul3A_1844 : i32 to index
      %swap3A_1924 = tpu.vector_load %arg9[%swap3A_1922, %swap3A_1923] {strides = array<i32>} : memref<16x512xf32, #tpu.memory_space<vmem>>, vector<16xf32>,
      tpu.vector_store %arg9[%swap3A_1922, %swap3A_1923], %mul3A_1920 {strides = array<i32>} : memref<16x512xf32, #tpu.memory_space<vmem>>, vector<16xf32>,
    }
    %scan3A_577 = arith.constant 10 : i32
    %scan3A_578 = arith.constant 0 : i32
    %scan3A_579 = arith.constant 16 : i32
    %scan3A_580 = arith.addi %scan3A_578, %scan3A_579 : i32
    %scan3A_581 = arith.constant 1 : i32
    scf.for %scan3A_986 = %scan3A_578 to %scan3A_580 step %scan3A_581  : i32 {
      %mul3A_987 = arith.constant 1 : i32
      %mul3A_988 = arith.muli %scan3A_986, %mul3A_987 : i32
      %add3A_989 = arith.constant 0 : i32
      %add3A_990 = arith.addi %add3A_989, %mul3A_988 : i32
      %dma_wait3A_991 = arith.constant 0 : i32
      %dma_wait3A_992 = arith.constant 0 : i32
      %dma_wait3A_993 = tpu.memref_slice %arg6[%add3A_990, %dma_wait3A_991, %dma_wait3A_992] : memref<16x16x128xf32, #tpu.memory_space<vmem>> -> memref<1x16x128xf32, #tpu.memory_space<vmem>>
      %dma_wait3A_994 = tpu.memref_squeeze %dma_wait3A_993 : memref<1x16x128xf32, #tpu.memory_space<vmem>> -> memref<16x128xf32, #tpu.memory_space<vmem>>
      %dma_wait3A_995 = arith.constant 0 : i32
      %dma_wait3A_996 = arith.constant 0 : i32
      %dma_wait3A_997 = tpu.memref_slice %arg3[%dma_wait3A_995, %dma_wait3A_996] : memref<16x1000000xf32, #tpu.memory_space<hbm>> -> memref<16x128xf32, #tpu.memory_space<hbm>>
      %dma_wait3A_998 = arith.constant 0 : i32
      %dma_wait3A_999 = arith.constant 0 : i32
      %dma_wait3A_1000 = tpu.memref_slice %arg6[%add3A_990, %dma_wait3A_998, %dma_wait3A_999] : memref<16x16x128xf32, #tpu.memory_space<vmem>> -> memref<1x16x128xf32, #tpu.memory_space<vmem>>
      %dma_wait3A_1001 = tpu.memref_squeeze %dma_wait3A_1000 : memref<1x16x128xf32, #tpu.memory_space<vmem>> -> memref<16x128xf32, #tpu.memory_space<vmem>>
      %dma_wait3A_1002 = arith.constant 0 : i32
      %dma_wait3A_1003 = arith.constant 0 : i32
      %dma_wait3A_1004 = tpu.memref_slice %arg3[%dma_wait3A_1002, %dma_wait3A_1003] : memref<16x1000000xf32, #tpu.memory_space<hbm>> -> memref<16x128xf32, #tpu.memory_space<hbm>>
      tpu.wait_dma2 semaphore(%arg10 : memref<!tpu.dma_semaphore, #tpu.memory_space<semaphore_mem>>) src(%dma_wait3A_1004 : memref<16x128xf32, #tpu.memory_space<hbm>>) dst(%dma_wait3A_1001 : memref<16x128xf32, #tpu.memory_space<vmem>>)
    }
    %scan3A_582 = arith.constant 16 : i32
    %get3A_583 = arith.constant 480 : index
    %get3A_584 = tpu.vector_load %arg5[%get3A_583] {strides = array<i32>} : memref<512xi32, #tpu.memory_space<vmem>>, vector<16xi32>,
    %and3A_585 = arith.constant 127 : i32
    %and3A_586 = vector.broadcast %and3A_585 : i32 to vector<16xi32>
    %and3A_587 = arith.andi %get3A_584, %and3A_586 : vector<16xi32>
    %broadcast_in_dim3A = arith.constant 0 : i32
    %broadcast_in_dim3A_588 = vector.broadcast %broadcast_in_dim3A : i32 to vector<16xi32>
    %gather3A = tpu.vector_load_idx %arg6[%iota3A, %broadcast_in_dim3A_588, %and3A_587] : memref<16x16x128xf32, #tpu.memory_space<vmem>>[vector<16xi32>, vector<16xi32>, vector<16xi32>], vector<16xf32>,
    %broadcast_in_dim3A_589 = arith.constant 1 : i32
    %broadcast_in_dim3A_590 = vector.broadcast %broadcast_in_dim3A_589 : i32 to vector<16xi32>
    %gather3A_591 = tpu.vector_load_idx %arg6[%iota3A, %broadcast_in_dim3A_590, %and3A_587] : memref<16x16x128xf32, #tpu.memory_space<vmem>>[vector<16xi32>, vector<16xi32>, vector<16xi32>], vector<16xf32>,
    %broadcast_in_dim3A_592 = arith.constant 2 : i32
    %broadcast_in_dim3A_593 = vector.broadcast %broadcast_in_dim3A_592 : i32 to vector<16xi32>
    %gather3A_594 = tpu.vector_load_idx %arg6[%iota3A, %broadcast_in_dim3A_593, %and3A_587] : memref<16x16x128xf32, #tpu.memory_space<vmem>>[vector<16xi32>, vector<16xi32>, vector<16xi32>], vector<16xf32>,
    %broadcast_in_dim3A_595 = arith.constant 3 : i32
    %broadcast_in_dim3A_596 = vector.broadcast %broadcast_in_dim3A_595 : i32 to vector<16xi32>
    %gather3A_597 = tpu.vector_load_idx %arg6[%iota3A, %broadcast_in_dim3A_596, %and3A_587] : memref<16x16x128xf32, #tpu.memory_space<vmem>>[vector<16xi32>, vector<16xi32>, vector<16xi32>], vector<16xf32>,
    %broadcast_in_dim3A_598 = arith.constant 4 : i32
    %broadcast_in_dim3A_599 = vector.broadcast %broadcast_in_dim3A_598 : i32 to vector<16xi32>
    %gather3A_600 = tpu.vector_load_idx %arg6[%iota3A, %broadcast_in_dim3A_599, %and3A_587] : memref<16x16x128xf32, #tpu.memory_space<vmem>>[vector<16xi32>, vector<16xi32>, vector<16xi32>], vector<16xf32>,
    %broadcast_in_dim3A_601 = arith.constant 5 : i32
    %broadcast_in_dim3A_602 = vector.broadcast %broadcast_in_dim3A_601 : i32 to vector<16xi32>
    %gather3A_603 = tpu.vector_load_idx %arg6[%iota3A, %broadcast_in_dim3A_602, %and3A_587] : memref<16x16x128xf32, #tpu.memory_space<vmem>>[vector<16xi32>, vector<16xi32>, vector<16xi32>], vector<16xf32>,
    %broadcast_in_dim3A_604 = arith.constant 6 : i32
    %broadcast_in_dim3A_605 = vector.broadcast %broadcast_in_dim3A_604 : i32 to vector<16xi32>
    %gather3A_606 = tpu.vector_load_idx %arg6[%iota3A, %broadcast_in_dim3A_605, %and3A_587] : memref<16x16x128xf32, #tpu.memory_space<vmem>>[vector<16xi32>, vector<16xi32>, vector<16xi32>], vector<16xf32>,
    %broadcast_in_dim3A_607 = arith.constant 7 : i32
    %broadcast_in_dim3A_608 = vector.broadcast %broadcast_in_dim3A_607 : i32 to vector<16xi32>
    %gather3A_609 = tpu.vector_load_idx %arg6[%iota3A, %broadcast_in_dim3A_608, %and3A_587] : memref<16x16x128xf32, #tpu.memory_space<vmem>>[vector<16xi32>, vector<16xi32>, vector<16xi32>], vector<16xf32>,
    %broadcast_in_dim3A_610 = arith.constant 8 : i32
    %broadcast_in_dim3A_611 = vector.broadcast %broadcast_in_dim3A_610 : i32 to vector<16xi32>
    %gather3A_612 = tpu.vector_load_idx %arg6[%iota3A, %broadcast_in_dim3A_611, %and3A_587] : memref<16x16x128xf32, #tpu.memory_space<vmem>>[vector<16xi32>, vector<16xi32>, vector<16xi32>], vector<16xf32>,
    %broadcast_in_dim3A_613 = arith.constant 9 : i32
    %broadcast_in_dim3A_614 = vector.broadcast %broadcast_in_dim3A_613 : i32 to vector<16xi32>
    %gather3A_615 = tpu.vector_load_idx %arg6[%iota3A, %broadcast_in_dim3A_614, %and3A_587] : memref<16x16x128xf32, #tpu.memory_space<vmem>>[vector<16xi32>, vector<16xi32>, vector<16xi32>], vector<16xf32>,
    %broadcast_in_dim3A_616 = arith.constant 10 : i32
    %broadcast_in_dim3A_617 = vector.broadcast %broadcast_in_dim3A_616 : i32 to vector<16xi32>
    %gather3A_618 = tpu.vector_load_idx %arg6[%iota3A, %broadcast_in_dim3A_617, %and3A_587] : memref<16x16x128xf32, #tpu.memory_space<vmem>>[vector<16xi32>, vector<16xi32>, vector<16xi32>], vector<16xf32>,
    %broadcast_in_dim3A_619 = arith.constant 11 : i32
    %broadcast_in_dim3A_620 = vector.broadcast %broadcast_in_dim3A_619 : i32 to vector<16xi32>
    %gather3A_621 = tpu.vector_load_idx %arg6[%iota3A, %broadcast_in_dim3A_620, %and3A_587] : memref<16x16x128xf32, #tpu.memory_space<vmem>>[vector<16xi32>, vector<16xi32>, vector<16xi32>], vector<16xf32>,
    %broadcast_in_dim3A_622 = arith.constant 12 : i32
    %broadcast_in_dim3A_623 = vector.broadcast %broadcast_in_dim3A_622 : i32 to vector<16xi32>
    %gather3A_624 = tpu.vector_load_idx %arg6[%iota3A, %broadcast_in_dim3A_623, %and3A_587] : memref<16x16x128xf32, #tpu.memory_space<vmem>>[vector<16xi32>, vector<16xi32>, vector<16xi32>], vector<16xf32>,
    %broadcast_in_dim3A_625 = arith.constant 13 : i32
    %broadcast_in_dim3A_626 = vector.broadcast %broadcast_in_dim3A_625 : i32 to vector<16xi32>
    %gather3A_627 = tpu.vector_load_idx %arg6[%iota3A, %broadcast_in_dim3A_626, %and3A_587] : memref<16x16x128xf32, #tpu.memory_space<vmem>>[vector<16xi32>, vector<16xi32>, vector<16xi32>], vector<16xf32>,
    %broadcast_in_dim3A_628 = arith.constant 14 : i32
    %broadcast_in_dim3A_629 = vector.broadcast %broadcast_in_dim3A_628 : i32 to vector<16xi32>
    %gather3A_630 = tpu.vector_load_idx %arg6[%iota3A, %broadcast_in_dim3A_629, %and3A_587] : memref<16x16x128xf32, #tpu.memory_space<vmem>>[vector<16xi32>, vector<16xi32>, vector<16xi32>], vector<16xf32>,
    %broadcast_in_dim3A_631 = arith.constant 15 : i32
    %broadcast_in_dim3A_632 = vector.broadcast %broadcast_in_dim3A_631 : i32 to vector<16xi32>
    %gather3A_633 = tpu.vector_load_idx %arg6[%iota3A, %broadcast_in_dim3A_632, %and3A_587] : memref<16x16x128xf32, #tpu.memory_space<vmem>>[vector<16xi32>, vector<16xi32>, vector<16xi32>], vector<16xf32>,
    %max3A = arith.maximumf %gather3A, %gather3A_591 : vector<16xf32>
    %max3A_634 = arith.maximumf %max3A, %gather3A_594 : vector<16xf32>
    %max3A_635 = arith.maximumf %max3A_634, %gather3A_597 : vector<16xf32>
    %max3A_636 = arith.maximumf %max3A_635, %gather3A_600 : vector<16xf32>
    %max3A_637 = arith.maximumf %max3A_636, %gather3A_603 : vector<16xf32>
    %max3A_638 = arith.maximumf %max3A_637, %gather3A_606 : vector<16xf32>
    %max3A_639 = arith.maximumf %max3A_638, %gather3A_609 : vector<16xf32>
    %max3A_640 = arith.maximumf %max3A_639, %gather3A_612 : vector<16xf32>
    %max3A_641 = arith.maximumf %max3A_640, %gather3A_615 : vector<16xf32>
    %max3A_642 = arith.maximumf %max3A_641, %gather3A_618 : vector<16xf32>
    %max3A_643 = arith.maximumf %max3A_642, %gather3A_621 : vector<16xf32>
    %max3A_644 = arith.maximumf %max3A_643, %gather3A_624 : vector<16xf32>
    %max3A_645 = arith.maximumf %max3A_644, %gather3A_627 : vector<16xf32>
    %max3A_646 = arith.maximumf %max3A_645, %gather3A_630 : vector<16xf32>
    %max3A_647 = arith.maximumf %max3A_646, %gather3A_633 : vector<16xf32>
    %sub3A_648 = arith.subf %gather3A, %max3A_647 : vector<16xf32>
    %exp3A = math.exp %sub3A_648 : vector<16xf32>
    %sub3A_649 = arith.subf %gather3A_591, %max3A_647 : vector<16xf32>
    %exp3A_650 = math.exp %sub3A_649 : vector<16xf32>
    %sub3A_651 = arith.subf %gather3A_594, %max3A_647 : vector<16xf32>
    %exp3A_652 = math.exp %sub3A_651 : vector<16xf32>
    %sub3A_653 = arith.subf %gather3A_597, %max3A_647 : vector<16xf32>
    %exp3A_654 = math.exp %sub3A_653 : vector<16xf32>
    %sub3A_655 = arith.subf %gather3A_600, %max3A_647 : vector<16xf32>
    %exp3A_656 = math.exp %sub3A_655 : vector<16xf32>
    %sub3A_657 = arith.subf %gather3A_603, %max3A_647 : vector<16xf32>
    %exp3A_658 = math.exp %sub3A_657 : vector<16xf32>
    %sub3A_659 = arith.subf %gather3A_606, %max3A_647 : vector<16xf32>
    %exp3A_660 = math.exp %sub3A_659 : vector<16xf32>
    %sub3A_661 = arith.subf %gather3A_609, %max3A_647 : vector<16xf32>
    %exp3A_662 = math.exp %sub3A_661 : vector<16xf32>
    %sub3A_663 = arith.subf %gather3A_612, %max3A_647 : vector<16xf32>
    %exp3A_664 = math.exp %sub3A_663 : vector<16xf32>
    %sub3A_665 = arith.subf %gather3A_615, %max3A_647 : vector<16xf32>
    %exp3A_666 = math.exp %sub3A_665 : vector<16xf32>
    %sub3A_667 = arith.subf %gather3A_618, %max3A_647 : vector<16xf32>
    %exp3A_668 = math.exp %sub3A_667 : vector<16xf32>
    %sub3A_669 = arith.subf %gather3A_621, %max3A_647 : vector<16xf32>
    %exp3A_670 = math.exp %sub3A_669 : vector<16xf32>
    %sub3A_671 = arith.subf %gather3A_624, %max3A_647 : vector<16xf32>
    %exp3A_672 = math.exp %sub3A_671 : vector<16xf32>
    %sub3A_673 = arith.subf %gather3A_627, %max3A_647 : vector<16xf32>
    %exp3A_674 = math.exp %sub3A_673 : vector<16xf32>
    %sub3A_675 = arith.subf %gather3A_630, %max3A_647 : vector<16xf32>
    %exp3A_676 = math.exp %sub3A_675 : vector<16xf32>
    %sub3A_677 = arith.subf %gather3A_633, %max3A_647 : vector<16xf32>
    %exp3A_678 = math.exp %sub3A_677 : vector<16xf32>
    %add3A_679 = arith.addf %exp3A, %exp3A_650 : vector<16xf32>
    %add3A_680 = arith.addf %add3A_679, %exp3A_652 : vector<16xf32>
    %add3A_681 = arith.addf %add3A_680, %exp3A_654 : vector<16xf32>
    %add3A_682 = arith.addf %add3A_681, %exp3A_656 : vector<16xf32>
    %add3A_683 = arith.addf %add3A_682, %exp3A_658 : vector<16xf32>
    %add3A_684 = arith.addf %add3A_683, %exp3A_660 : vector<16xf32>
    %add3A_685 = arith.addf %add3A_684, %exp3A_662 : vector<16xf32>
    %add3A_686 = arith.addf %add3A_685, %exp3A_664 : vector<16xf32>
    %add3A_687 = arith.addf %add3A_686, %exp3A_666 : vector<16xf32>
    %add3A_688 = arith.addf %add3A_687, %exp3A_668 : vector<16xf32>
    %add3A_689 = arith.addf %add3A_688, %exp3A_670 : vector<16xf32>
    %add3A_690 = arith.addf %add3A_689, %exp3A_672 : vector<16xf32>
    %add3A_691 = arith.addf %add3A_690, %exp3A_674 : vector<16xf32>
    %add3A_692 = arith.addf %add3A_691, %exp3A_676 : vector<16xf32>
    %add3A_693 = arith.addf %add3A_692, %exp3A_678 : vector<16xf32>
    %div3A_694 = arith.constant 1.000000e+00 : f32
    %div3A_695 = vector.broadcast %div3A_694 : f32 to vector<16xf32>
    %div3A_696 = arith.divf %div3A_695, %add3A_693 : vector<16xf32>
    %mul3A_697 = arith.mulf %exp3A, %div3A_696 : vector<16xf32>
    %swap3A = arith.constant 0 : i32
    %swap3A_698 = arith.index_cast %swap3A : i32 to index
    %swap3A_699 = arith.constant 480 : index
    %swap3A_700 = tpu.vector_load %arg9[%swap3A_698, %swap3A_699] {strides = array<i32>} : memref<16x512xf32, #tpu.memory_space<vmem>>, vector<16xf32>,
    tpu.vector_store %arg9[%swap3A_698, %swap3A_699], %mul3A_697 {strides = array<i32>} : memref<16x512xf32, #tpu.memory_space<vmem>>, vector<16xf32>,
    %mul3A_701 = arith.mulf %exp3A_650, %div3A_696 : vector<16xf32>
    %swap3A_702 = arith.constant 1 : i32
    %swap3A_703 = arith.index_cast %swap3A_702 : i32 to index
    %swap3A_704 = arith.constant 480 : index
    %swap3A_705 = tpu.vector_load %arg9[%swap3A_703, %swap3A_704] {strides = array<i32>} : memref<16x512xf32, #tpu.memory_space<vmem>>, vector<16xf32>,
    tpu.vector_store %arg9[%swap3A_703, %swap3A_704], %mul3A_701 {strides = array<i32>} : memref<16x512xf32, #tpu.memory_space<vmem>>, vector<16xf32>,
    %mul3A_706 = arith.mulf %exp3A_652, %div3A_696 : vector<16xf32>
    %swap3A_707 = arith.constant 2 : i32
    %swap3A_708 = arith.index_cast %swap3A_707 : i32 to index
    %swap3A_709 = arith.constant 480 : index
    %swap3A_710 = tpu.vector_load %arg9[%swap3A_708, %swap3A_709] {strides = array<i32>} : memref<16x512xf32, #tpu.memory_space<vmem>>, vector<16xf32>,
    tpu.vector_store %arg9[%swap3A_708, %swap3A_709], %mul3A_706 {strides = array<i32>} : memref<16x512xf32, #tpu.memory_space<vmem>>, vector<16xf32>,
    %mul3A_711 = arith.mulf %exp3A_654, %div3A_696 : vector<16xf32>
    %swap3A_712 = arith.constant 3 : i32
    %swap3A_713 = arith.index_cast %swap3A_712 : i32 to index
    %swap3A_714 = arith.constant 480 : index
    %swap3A_715 = tpu.vector_load %arg9[%swap3A_713, %swap3A_714] {strides = array<i32>} : memref<16x512xf32, #tpu.memory_space<vmem>>, vector<16xf32>,
    tpu.vector_store %arg9[%swap3A_713, %swap3A_714], %mul3A_711 {strides = array<i32>} : memref<16x512xf32, #tpu.memory_space<vmem>>, vector<16xf32>,
    %mul3A_716 = arith.mulf %exp3A_656, %div3A_696 : vector<16xf32>
    %swap3A_717 = arith.constant 4 : i32
    %swap3A_718 = arith.index_cast %swap3A_717 : i32 to index
    %swap3A_719 = arith.constant 480 : index
    %swap3A_720 = tpu.vector_load %arg9[%swap3A_718, %swap3A_719] {strides = array<i32>} : memref<16x512xf32, #tpu.memory_space<vmem>>, vector<16xf32>,
    tpu.vector_store %arg9[%swap3A_718, %swap3A_719], %mul3A_716 {strides = array<i32>} : memref<16x512xf32, #tpu.memory_space<vmem>>, vector<16xf32>,
    %mul3A_721 = arith.mulf %exp3A_658, %div3A_696 : vector<16xf32>
    %swap3A_722 = arith.constant 5 : i32
    %swap3A_723 = arith.index_cast %swap3A_722 : i32 to index
    %swap3A_724 = arith.constant 480 : index
    %swap3A_725 = tpu.vector_load %arg9[%swap3A_723, %swap3A_724] {strides = array<i32>} : memref<16x512xf32, #tpu.memory_space<vmem>>, vector<16xf32>,
    tpu.vector_store %arg9[%swap3A_723, %swap3A_724], %mul3A_721 {strides = array<i32>} : memref<16x512xf32, #tpu.memory_space<vmem>>, vector<16xf32>,
    %mul3A_726 = arith.mulf %exp3A_660, %div3A_696 : vector<16xf32>
    %swap3A_727 = arith.constant 6 : i32
    %swap3A_728 = arith.index_cast %swap3A_727 : i32 to index
    %swap3A_729 = arith.constant 480 : index
    %swap3A_730 = tpu.vector_load %arg9[%swap3A_728, %swap3A_729] {strides = array<i32>} : memref<16x512xf32, #tpu.memory_space<vmem>>, vector<16xf32>,
    tpu.vector_store %arg9[%swap3A_728, %swap3A_729], %mul3A_726 {strides = array<i32>} : memref<16x512xf32, #tpu.memory_space<vmem>>, vector<16xf32>,
    %mul3A_731 = arith.mulf %exp3A_662, %div3A_696 : vector<16xf32>
    %swap3A_732 = arith.constant 7 : i32
    %swap3A_733 = arith.index_cast %swap3A_732 : i32 to index
    %swap3A_734 = arith.constant 480 : index
    %swap3A_735 = tpu.vector_load %arg9[%swap3A_733, %swap3A_734] {strides = array<i32>} : memref<16x512xf32, #tpu.memory_space<vmem>>, vector<16xf32>,
    tpu.vector_store %arg9[%swap3A_733, %swap3A_734], %mul3A_731 {strides = array<i32>} : memref<16x512xf32, #tpu.memory_space<vmem>>, vector<16xf32>,
    %mul3A_736 = arith.mulf %exp3A_664, %div3A_696 : vector<16xf32>
    %swap3A_737 = arith.constant 8 : i32
    %swap3A_738 = arith.index_cast %swap3A_737 : i32 to index
    %swap3A_739 = arith.constant 480 : index
    %swap3A_740 = tpu.vector_load %arg9[%swap3A_738, %swap3A_739] {strides = array<i32>} : memref<16x512xf32, #tpu.memory_space<vmem>>, vector<16xf32>,
    tpu.vector_store %arg9[%swap3A_738, %swap3A_739], %mul3A_736 {strides = array<i32>} : memref<16x512xf32, #tpu.memory_space<vmem>>, vector<16xf32>,
    %mul3A_741 = arith.mulf %exp3A_666, %div3A_696 : vector<16xf32>
    %swap3A_742 = arith.constant 9 : i32
    %swap3A_743 = arith.index_cast %swap3A_742 : i32 to index
    %swap3A_744 = arith.constant 480 : index
    %swap3A_745 = tpu.vector_load %arg9[%swap3A_743, %swap3A_744] {strides = array<i32>} : memref<16x512xf32, #tpu.memory_space<vmem>>, vector<16xf32>,
    tpu.vector_store %arg9[%swap3A_743, %swap3A_744], %mul3A_741 {strides = array<i32>} : memref<16x512xf32, #tpu.memory_space<vmem>>, vector<16xf32>,
    %mul3A_746 = arith.mulf %exp3A_668, %div3A_696 : vector<16xf32>
    %swap3A_747 = arith.constant 10 : i32
    %swap3A_748 = arith.index_cast %swap3A_747 : i32 to index
    %swap3A_749 = arith.constant 480 : index
    %swap3A_750 = tpu.vector_load %arg9[%swap3A_748, %swap3A_749] {strides = array<i32>} : memref<16x512xf32, #tpu.memory_space<vmem>>, vector<16xf32>,
    tpu.vector_store %arg9[%swap3A_748, %swap3A_749], %mul3A_746 {strides = array<i32>} : memref<16x512xf32, #tpu.memory_space<vmem>>, vector<16xf32>,
    %mul3A_751 = arith.mulf %exp3A_670, %div3A_696 : vector<16xf32>
    %swap3A_752 = arith.constant 11 : i32
    %swap3A_753 = arith.index_cast %swap3A_752 : i32 to index
    %swap3A_754 = arith.constant 480 : index
    %swap3A_755 = tpu.vector_load %arg9[%swap3A_753, %swap3A_754] {strides = array<i32>} : memref<16x512xf32, #tpu.memory_space<vmem>>, vector<16xf32>,
    tpu.vector_store %arg9[%swap3A_753, %swap3A_754], %mul3A_751 {strides = array<i32>} : memref<16x512xf32, #tpu.memory_space<vmem>>, vector<16xf32>,
    %mul3A_756 = arith.mulf %exp3A_672, %div3A_696 : vector<16xf32>
    %swap3A_757 = arith.constant 12 : i32
    %swap3A_758 = arith.index_cast %swap3A_757 : i32 to index
    %swap3A_759 = arith.constant 480 : index
    %swap3A_760 = tpu.vector_load %arg9[%swap3A_758, %swap3A_759] {strides = array<i32>} : memref<16x512xf32, #tpu.memory_space<vmem>>, vector<16xf32>,
    tpu.vector_store %arg9[%swap3A_758, %swap3A_759], %mul3A_756 {strides = array<i32>} : memref<16x512xf32, #tpu.memory_space<vmem>>, vector<16xf32>,
    %mul3A_761 = arith.mulf %exp3A_674, %div3A_696 : vector<16xf32>
    %swap3A_762 = arith.constant 13 : i32
    %swap3A_763 = arith.index_cast %swap3A_762 : i32 to index
    %swap3A_764 = arith.constant 480 : index
    %swap3A_765 = tpu.vector_load %arg9[%swap3A_763, %swap3A_764] {strides = array<i32>} : memref<16x512xf32, #tpu.memory_space<vmem>>, vector<16xf32>,
    tpu.vector_store %arg9[%swap3A_763, %swap3A_764], %mul3A_761 {strides = array<i32>} : memref<16x512xf32, #tpu.memory_space<vmem>>, vector<16xf32>,
    %mul3A_766 = arith.mulf %exp3A_676, %div3A_696 : vector<16xf32>
    %swap3A_767 = arith.constant 14 : i32
    %swap3A_768 = arith.index_cast %swap3A_767 : i32 to index
    %swap3A_769 = arith.constant 480 : index
    %swap3A_770 = tpu.vector_load %arg9[%swap3A_768, %swap3A_769] {strides = array<i32>} : memref<16x512xf32, #tpu.memory_space<vmem>>, vector<16xf32>,
    tpu.vector_store %arg9[%swap3A_768, %swap3A_769], %mul3A_766 {strides = array<i32>} : memref<16x512xf32, #tpu.memory_space<vmem>>, vector<16xf32>,
    %mul3A_771 = arith.mulf %exp3A_678, %div3A_696 : vector<16xf32>
    %swap3A_772 = arith.constant 15 : i32
    %swap3A_773 = arith.index_cast %swap3A_772 : i32 to index
    %swap3A_774 = arith.constant 480 : index
    %swap3A_775 = tpu.vector_load %arg9[%swap3A_773, %swap3A_774] {strides = array<i32>} : memref<16x512xf32, #tpu.memory_space<vmem>>, vector<16xf32>,
    tpu.vector_store %arg9[%swap3A_773, %swap3A_774], %mul3A_771 {strides = array<i32>} : memref<16x512xf32, #tpu.memory_space<vmem>>, vector<16xf32>,
    %scan3A_776 = arith.constant 0 : i32
    %scan3A_777 = arith.constant 16 : i32
    %scan3A_778 = arith.addi %scan3A_776, %scan3A_777 : i32
    %scan3A_779 = arith.constant 1 : i32
    scf.for %scan3A_986 = %scan3A_776 to %scan3A_778 step %scan3A_779  : i32 {
      %mul3A_987 = arith.constant 1 : i32
      %mul3A_988 = arith.muli %scan3A_986, %mul3A_987 : i32
      %add3A_989 = arith.constant 0 : i32
      %add3A_990 = arith.addi %add3A_989, %mul3A_988 : i32
      %dma_wait3A_991 = arith.constant 0 : i32
      %dma_wait3A_992 = arith.constant 0 : i32
      %dma_wait3A_993 = tpu.memref_slice %arg7[%add3A_990, %dma_wait3A_991, %dma_wait3A_992] : memref<16x16x128xf32, #tpu.memory_space<vmem>> -> memref<1x16x128xf32, #tpu.memory_space<vmem>>
      %dma_wait3A_994 = tpu.memref_squeeze %dma_wait3A_993 : memref<1x16x128xf32, #tpu.memory_space<vmem>> -> memref<16x128xf32, #tpu.memory_space<vmem>>
      %dma_wait3A_995 = arith.constant 0 : i32
      %dma_wait3A_996 = arith.constant 0 : i32
      %dma_wait3A_997 = tpu.memref_slice %arg3[%dma_wait3A_995, %dma_wait3A_996] : memref<16x1000000xf32, #tpu.memory_space<hbm>> -> memref<16x128xf32, #tpu.memory_space<hbm>>
      %dma_wait3A_998 = arith.constant 0 : i32
      %dma_wait3A_999 = arith.constant 0 : i32
      %dma_wait3A_1000 = tpu.memref_slice %arg7[%add3A_990, %dma_wait3A_998, %dma_wait3A_999] : memref<16x16x128xf32, #tpu.memory_space<vmem>> -> memref<1x16x128xf32, #tpu.memory_space<vmem>>
      %dma_wait3A_1001 = tpu.memref_squeeze %dma_wait3A_1000 : memref<1x16x128xf32, #tpu.memory_space<vmem>> -> memref<16x128xf32, #tpu.memory_space<vmem>>
      %dma_wait3A_1002 = arith.constant 0 : i32
      %dma_wait3A_1003 = arith.constant 0 : i32
      %dma_wait3A_1004 = tpu.memref_slice %arg3[%dma_wait3A_1002, %dma_wait3A_1003] : memref<16x1000000xf32, #tpu.memory_space<hbm>> -> memref<16x128xf32, #tpu.memory_space<hbm>>
      tpu.wait_dma2 semaphore(%arg11 : memref<!tpu.dma_semaphore, #tpu.memory_space<semaphore_mem>>) src(%dma_wait3A_1004 : memref<16x128xf32, #tpu.memory_space<hbm>>) dst(%dma_wait3A_1001 : memref<16x128xf32, #tpu.memory_space<vmem>>)
    }
    %scan3A_780 = arith.constant 16 : i32
    %get3A_781 = arith.constant 496 : index
    %get3A_782 = tpu.vector_load %arg5[%get3A_781] {strides = array<i32>} : memref<512xi32, #tpu.memory_space<vmem>>, vector<16xi32>,
    %and3A_783 = arith.constant 127 : i32
    %and3A_784 = vector.broadcast %and3A_783 : i32 to vector<16xi32>
    %and3A_785 = arith.andi %get3A_782, %and3A_784 : vector<16xi32>
    %broadcast_in_dim3A_786 = arith.constant 0 : i32
    %broadcast_in_dim3A_787 = vector.broadcast %broadcast_in_dim3A_786 : i32 to vector<16xi32>
    %gather3A_788 = tpu.vector_load_idx %arg7[%iota3A, %broadcast_in_dim3A_787, %and3A_785] : memref<16x16x128xf32, #tpu.memory_space<vmem>>[vector<16xi32>, vector<16xi32>, vector<16xi32>], vector<16xf32>,
    %broadcast_in_dim3A_789 = arith.constant 1 : i32
    %broadcast_in_dim3A_790 = vector.broadcast %broadcast_in_dim3A_789 : i32 to vector<16xi32>
    %gather3A_791 = tpu.vector_load_idx %arg7[%iota3A, %broadcast_in_dim3A_790, %and3A_785] : memref<16x16x128xf32, #tpu.memory_space<vmem>>[vector<16xi32>, vector<16xi32>, vector<16xi32>], vector<16xf32>,
    %broadcast_in_dim3A_792 = arith.constant 2 : i32
    %broadcast_in_dim3A_793 = vector.broadcast %broadcast_in_dim3A_792 : i32 to vector<16xi32>
    %gather3A_794 = tpu.vector_load_idx %arg7[%iota3A, %broadcast_in_dim3A_793, %and3A_785] : memref<16x16x128xf32, #tpu.memory_space<vmem>>[vector<16xi32>, vector<16xi32>, vector<16xi32>], vector<16xf32>,
    %broadcast_in_dim3A_795 = arith.constant 3 : i32
    %broadcast_in_dim3A_796 = vector.broadcast %broadcast_in_dim3A_795 : i32 to vector<16xi32>
    %gather3A_797 = tpu.vector_load_idx %arg7[%iota3A, %broadcast_in_dim3A_796, %and3A_785] : memref<16x16x128xf32, #tpu.memory_space<vmem>>[vector<16xi32>, vector<16xi32>, vector<16xi32>], vector<16xf32>,
    %broadcast_in_dim3A_798 = arith.constant 4 : i32
    %broadcast_in_dim3A_799 = vector.broadcast %broadcast_in_dim3A_798 : i32 to vector<16xi32>
    %gather3A_800 = tpu.vector_load_idx %arg7[%iota3A, %broadcast_in_dim3A_799, %and3A_785] : memref<16x16x128xf32, #tpu.memory_space<vmem>>[vector<16xi32>, vector<16xi32>, vector<16xi32>], vector<16xf32>,
    %broadcast_in_dim3A_801 = arith.constant 5 : i32
    %broadcast_in_dim3A_802 = vector.broadcast %broadcast_in_dim3A_801 : i32 to vector<16xi32>
    %gather3A_803 = tpu.vector_load_idx %arg7[%iota3A, %broadcast_in_dim3A_802, %and3A_785] : memref<16x16x128xf32, #tpu.memory_space<vmem>>[vector<16xi32>, vector<16xi32>, vector<16xi32>], vector<16xf32>,
    %broadcast_in_dim3A_804 = arith.constant 6 : i32
    %broadcast_in_dim3A_805 = vector.broadcast %broadcast_in_dim3A_804 : i32 to vector<16xi32>
    %gather3A_806 = tpu.vector_load_idx %arg7[%iota3A, %broadcast_in_dim3A_805, %and3A_785] : memref<16x16x128xf32, #tpu.memory_space<vmem>>[vector<16xi32>, vector<16xi32>, vector<16xi32>], vector<16xf32>,
    %broadcast_in_dim3A_807 = arith.constant 7 : i32
    %broadcast_in_dim3A_808 = vector.broadcast %broadcast_in_dim3A_807 : i32 to vector<16xi32>
    %gather3A_809 = tpu.vector_load_idx %arg7[%iota3A, %broadcast_in_dim3A_808, %and3A_785] : memref<16x16x128xf32, #tpu.memory_space<vmem>>[vector<16xi32>, vector<16xi32>, vector<16xi32>], vector<16xf32>,
    %broadcast_in_dim3A_810 = arith.constant 8 : i32
    %broadcast_in_dim3A_811 = vector.broadcast %broadcast_in_dim3A_810 : i32 to vector<16xi32>
    %gather3A_812 = tpu.vector_load_idx %arg7[%iota3A, %broadcast_in_dim3A_811, %and3A_785] : memref<16x16x128xf32, #tpu.memory_space<vmem>>[vector<16xi32>, vector<16xi32>, vector<16xi32>], vector<16xf32>,
    %broadcast_in_dim3A_813 = arith.constant 9 : i32
    %broadcast_in_dim3A_814 = vector.broadcast %broadcast_in_dim3A_813 : i32 to vector<16xi32>
    %gather3A_815 = tpu.vector_load_idx %arg7[%iota3A, %broadcast_in_dim3A_814, %and3A_785] : memref<16x16x128xf32, #tpu.memory_space<vmem>>[vector<16xi32>, vector<16xi32>, vector<16xi32>], vector<16xf32>,
    %broadcast_in_dim3A_816 = arith.constant 10 : i32
    %broadcast_in_dim3A_817 = vector.broadcast %broadcast_in_dim3A_816 : i32 to vector<16xi32>
    %gather3A_818 = tpu.vector_load_idx %arg7[%iota3A, %broadcast_in_dim3A_817, %and3A_785] : memref<16x16x128xf32, #tpu.memory_space<vmem>>[vector<16xi32>, vector<16xi32>, vector<16xi32>], vector<16xf32>,
    %broadcast_in_dim3A_819 = arith.constant 11 : i32
    %broadcast_in_dim3A_820 = vector.broadcast %broadcast_in_dim3A_819 : i32 to vector<16xi32>
    %gather3A_821 = tpu.vector_load_idx %arg7[%iota3A, %broadcast_in_dim3A_820, %and3A_785] : memref<16x16x128xf32, #tpu.memory_space<vmem>>[vector<16xi32>, vector<16xi32>, vector<16xi32>], vector<16xf32>,
    %broadcast_in_dim3A_822 = arith.constant 12 : i32
    %broadcast_in_dim3A_823 = vector.broadcast %broadcast_in_dim3A_822 : i32 to vector<16xi32>
    %gather3A_824 = tpu.vector_load_idx %arg7[%iota3A, %broadcast_in_dim3A_823, %and3A_785] : memref<16x16x128xf32, #tpu.memory_space<vmem>>[vector<16xi32>, vector<16xi32>, vector<16xi32>], vector<16xf32>,
    %broadcast_in_dim3A_825 = arith.constant 13 : i32
    %broadcast_in_dim3A_826 = vector.broadcast %broadcast_in_dim3A_825 : i32 to vector<16xi32>
    %gather3A_827 = tpu.vector_load_idx %arg7[%iota3A, %broadcast_in_dim3A_826, %and3A_785] : memref<16x16x128xf32, #tpu.memory_space<vmem>>[vector<16xi32>, vector<16xi32>, vector<16xi32>], vector<16xf32>,
    %broadcast_in_dim3A_828 = arith.constant 14 : i32
    %broadcast_in_dim3A_829 = vector.broadcast %broadcast_in_dim3A_828 : i32 to vector<16xi32>
    %gather3A_830 = tpu.vector_load_idx %arg7[%iota3A, %broadcast_in_dim3A_829, %and3A_785] : memref<16x16x128xf32, #tpu.memory_space<vmem>>[vector<16xi32>, vector<16xi32>, vector<16xi32>], vector<16xf32>,
    %broadcast_in_dim3A_831 = arith.constant 15 : i32
    %broadcast_in_dim3A_832 = vector.broadcast %broadcast_in_dim3A_831 : i32 to vector<16xi32>
    %gather3A_833 = tpu.vector_load_idx %arg7[%iota3A, %broadcast_in_dim3A_832, %and3A_785] : memref<16x16x128xf32, #tpu.memory_space<vmem>>[vector<16xi32>, vector<16xi32>, vector<16xi32>], vector<16xf32>,
    %max3A_834 = arith.maximumf %gather3A_788, %gather3A_791 : vector<16xf32>
    %max3A_835 = arith.maximumf %max3A_834, %gather3A_794 : vector<16xf32>
    %max3A_836 = arith.maximumf %max3A_835, %gather3A_797 : vector<16xf32>
    %max3A_837 = arith.maximumf %max3A_836, %gather3A_800 : vector<16xf32>
    %max3A_838 = arith.maximumf %max3A_837, %gather3A_803 : vector<16xf32>
    %max3A_839 = arith.maximumf %max3A_838, %gather3A_806 : vector<16xf32>
    %max3A_840 = arith.maximumf %max3A_839, %gather3A_809 : vector<16xf32>
    %max3A_841 = arith.maximumf %max3A_840, %gather3A_812 : vector<16xf32>
    %max3A_842 = arith.maximumf %max3A_841, %gather3A_815 : vector<16xf32>
    %max3A_843 = arith.maximumf %max3A_842, %gather3A_818 : vector<16xf32>
    %max3A_844 = arith.maximumf %max3A_843, %gather3A_821 : vector<16xf32>
    %max3A_845 = arith.maximumf %max3A_844, %gather3A_824 : vector<16xf32>
    %max3A_846 = arith.maximumf %max3A_845, %gather3A_827 : vector<16xf32>
    %max3A_847 = arith.maximumf %max3A_846, %gather3A_830 : vector<16xf32>
    %max3A_848 = arith.maximumf %max3A_847, %gather3A_833 : vector<16xf32>
    %sub3A_849 = arith.subf %gather3A_788, %max3A_848 : vector<16xf32>
    %exp3A_850 = math.exp %sub3A_849 : vector<16xf32>
    %sub3A_851 = arith.subf %gather3A_791, %max3A_848 : vector<16xf32>
    %exp3A_852 = math.exp %sub3A_851 : vector<16xf32>
    %sub3A_853 = arith.subf %gather3A_794, %max3A_848 : vector<16xf32>
    %exp3A_854 = math.exp %sub3A_853 : vector<16xf32>
    %sub3A_855 = arith.subf %gather3A_797, %max3A_848 : vector<16xf32>
    %exp3A_856 = math.exp %sub3A_855 : vector<16xf32>
    %sub3A_857 = arith.subf %gather3A_800, %max3A_848 : vector<16xf32>
    %exp3A_858 = math.exp %sub3A_857 : vector<16xf32>
    %sub3A_859 = arith.subf %gather3A_803, %max3A_848 : vector<16xf32>
    %exp3A_860 = math.exp %sub3A_859 : vector<16xf32>
    %sub3A_861 = arith.subf %gather3A_806, %max3A_848 : vector<16xf32>
    %exp3A_862 = math.exp %sub3A_861 : vector<16xf32>
    %sub3A_863 = arith.subf %gather3A_809, %max3A_848 : vector<16xf32>
    %exp3A_864 = math.exp %sub3A_863 : vector<16xf32>
    %sub3A_865 = arith.subf %gather3A_812, %max3A_848 : vector<16xf32>
    %exp3A_866 = math.exp %sub3A_865 : vector<16xf32>
    %sub3A_867 = arith.subf %gather3A_815, %max3A_848 : vector<16xf32>
    %exp3A_868 = math.exp %sub3A_867 : vector<16xf32>
    %sub3A_869 = arith.subf %gather3A_818, %max3A_848 : vector<16xf32>
    %exp3A_870 = math.exp %sub3A_869 : vector<16xf32>
    %sub3A_871 = arith.subf %gather3A_821, %max3A_848 : vector<16xf32>
    %exp3A_872 = math.exp %sub3A_871 : vector<16xf32>
    %sub3A_873 = arith.subf %gather3A_824, %max3A_848 : vector<16xf32>
    %exp3A_874 = math.exp %sub3A_873 : vector<16xf32>
    %sub3A_875 = arith.subf %gather3A_827, %max3A_848 : vector<16xf32>
    %exp3A_876 = math.exp %sub3A_875 : vector<16xf32>
    %sub3A_877 = arith.subf %gather3A_830, %max3A_848 : vector<16xf32>
    %exp3A_878 = math.exp %sub3A_877 : vector<16xf32>
    %sub3A_879 = arith.subf %gather3A_833, %max3A_848 : vector<16xf32>
    %exp3A_880 = math.exp %sub3A_879 : vector<16xf32>
    %add3A_881 = arith.addf %exp3A_850, %exp3A_852 : vector<16xf32>
    %add3A_882 = arith.addf %add3A_881, %exp3A_854 : vector<16xf32>
    %add3A_883 = arith.addf %add3A_882, %exp3A_856 : vector<16xf32>
    %add3A_884 = arith.addf %add3A_883, %exp3A_858 : vector<16xf32>
    %add3A_885 = arith.addf %add3A_884, %exp3A_860 : vector<16xf32>
    %add3A_886 = arith.addf %add3A_885, %exp3A_862 : vector<16xf32>
    %add3A_887 = arith.addf %add3A_886, %exp3A_864 : vector<16xf32>
    %add3A_888 = arith.addf %add3A_887, %exp3A_866 : vector<16xf32>
    %add3A_889 = arith.addf %add3A_888, %exp3A_868 : vector<16xf32>
    %add3A_890 = arith.addf %add3A_889, %exp3A_870 : vector<16xf32>
    %add3A_891 = arith.addf %add3A_890, %exp3A_872 : vector<16xf32>
    %add3A_892 = arith.addf %add3A_891, %exp3A_874 : vector<16xf32>
    %add3A_893 = arith.addf %add3A_892, %exp3A_876 : vector<16xf32>
    %add3A_894 = arith.addf %add3A_893, %exp3A_878 : vector<16xf32>
    %add3A_895 = arith.addf %add3A_894, %exp3A_880 : vector<16xf32>
    %div3A_896 = arith.constant 1.000000e+00 : f32
    %div3A_897 = vector.broadcast %div3A_896 : f32 to vector<16xf32>
    %div3A_898 = arith.divf %div3A_897, %add3A_895 : vector<16xf32>
    %mul3A_899 = arith.mulf %exp3A_850, %div3A_898 : vector<16xf32>
    %swap3A_900 = arith.constant 0 : i32
    %swap3A_901 = arith.index_cast %swap3A_900 : i32 to index
    %swap3A_902 = arith.constant 496 : index
    %swap3A_903 = tpu.vector_load %arg9[%swap3A_901, %swap3A_902] {strides = array<i32>} : memref<16x512xf32, #tpu.memory_space<vmem>>, vector<16xf32>,
    tpu.vector_store %arg9[%swap3A_901, %swap3A_902], %mul3A_899 {strides = array<i32>} : memref<16x512xf32, #tpu.memory_space<vmem>>, vector<16xf32>,
    %mul3A_904 = arith.mulf %exp3A_852, %div3A_898 : vector<16xf32>
    %swap3A_905 = arith.constant 1 : i32
    %swap3A_906 = arith.index_cast %swap3A_905 : i32 to index
    %swap3A_907 = arith.constant 496 : index
    %swap3A_908 = tpu.vector_load %arg9[%swap3A_906, %swap3A_907] {strides = array<i32>} : memref<16x512xf32, #tpu.memory_space<vmem>>, vector<16xf32>,
    tpu.vector_store %arg9[%swap3A_906, %swap3A_907], %mul3A_904 {strides = array<i32>} : memref<16x512xf32, #tpu.memory_space<vmem>>, vector<16xf32>,
    %mul3A_909 = arith.mulf %exp3A_854, %div3A_898 : vector<16xf32>
    %swap3A_910 = arith.constant 2 : i32
    %swap3A_911 = arith.index_cast %swap3A_910 : i32 to index
    %swap3A_912 = arith.constant 496 : index
    %swap3A_913 = tpu.vector_load %arg9[%swap3A_911, %swap3A_912] {strides = array<i32>} : memref<16x512xf32, #tpu.memory_space<vmem>>, vector<16xf32>,
    tpu.vector_store %arg9[%swap3A_911, %swap3A_912], %mul3A_909 {strides = array<i32>} : memref<16x512xf32, #tpu.memory_space<vmem>>, vector<16xf32>,
    %mul3A_914 = arith.mulf %exp3A_856, %div3A_898 : vector<16xf32>
    %swap3A_915 = arith.constant 3 : i32
    %swap3A_916 = arith.index_cast %swap3A_915 : i32 to index
    %swap3A_917 = arith.constant 496 : index
    %swap3A_918 = tpu.vector_load %arg9[%swap3A_916, %swap3A_917] {strides = array<i32>} : memref<16x512xf32, #tpu.memory_space<vmem>>, vector<16xf32>,
    tpu.vector_store %arg9[%swap3A_916, %swap3A_917], %mul3A_914 {strides = array<i32>} : memref<16x512xf32, #tpu.memory_space<vmem>>, vector<16xf32>,
    %mul3A_919 = arith.mulf %exp3A_858, %div3A_898 : vector<16xf32>
    %swap3A_920 = arith.constant 4 : i32
    %swap3A_921 = arith.index_cast %swap3A_920 : i32 to index
    %swap3A_922 = arith.constant 496 : index
    %swap3A_923 = tpu.vector_load %arg9[%swap3A_921, %swap3A_922] {strides = array<i32>} : memref<16x512xf32, #tpu.memory_space<vmem>>, vector<16xf32>,
    tpu.vector_store %arg9[%swap3A_921, %swap3A_922], %mul3A_919 {strides = array<i32>} : memref<16x512xf32, #tpu.memory_space<vmem>>, vector<16xf32>,
    %mul3A_924 = arith.mulf %exp3A_860, %div3A_898 : vector<16xf32>
    %swap3A_925 = arith.constant 5 : i32
    %swap3A_926 = arith.index_cast %swap3A_925 : i32 to index
    %swap3A_927 = arith.constant 496 : index
    %swap3A_928 = tpu.vector_load %arg9[%swap3A_926, %swap3A_927] {strides = array<i32>} : memref<16x512xf32, #tpu.memory_space<vmem>>, vector<16xf32>,
    tpu.vector_store %arg9[%swap3A_926, %swap3A_927], %mul3A_924 {strides = array<i32>} : memref<16x512xf32, #tpu.memory_space<vmem>>, vector<16xf32>,
    %mul3A_929 = arith.mulf %exp3A_862, %div3A_898 : vector<16xf32>
    %swap3A_930 = arith.constant 6 : i32
    %swap3A_931 = arith.index_cast %swap3A_930 : i32 to index
    %swap3A_932 = arith.constant 496 : index
    %swap3A_933 = tpu.vector_load %arg9[%swap3A_931, %swap3A_932] {strides = array<i32>} : memref<16x512xf32, #tpu.memory_space<vmem>>, vector<16xf32>,
    tpu.vector_store %arg9[%swap3A_931, %swap3A_932], %mul3A_929 {strides = array<i32>} : memref<16x512xf32, #tpu.memory_space<vmem>>, vector<16xf32>,
    %mul3A_934 = arith.mulf %exp3A_864, %div3A_898 : vector<16xf32>
    %swap3A_935 = arith.constant 7 : i32
    %swap3A_936 = arith.index_cast %swap3A_935 : i32 to index
    %swap3A_937 = arith.constant 496 : index
    %swap3A_938 = tpu.vector_load %arg9[%swap3A_936, %swap3A_937] {strides = array<i32>} : memref<16x512xf32, #tpu.memory_space<vmem>>, vector<16xf32>,
    tpu.vector_store %arg9[%swap3A_936, %swap3A_937], %mul3A_934 {strides = array<i32>} : memref<16x512xf32, #tpu.memory_space<vmem>>, vector<16xf32>,
    %mul3A_939 = arith.mulf %exp3A_866, %div3A_898 : vector<16xf32>
    %swap3A_940 = arith.constant 8 : i32
    %swap3A_941 = arith.index_cast %swap3A_940 : i32 to index
    %swap3A_942 = arith.constant 496 : index
    %swap3A_943 = tpu.vector_load %arg9[%swap3A_941, %swap3A_942] {strides = array<i32>} : memref<16x512xf32, #tpu.memory_space<vmem>>, vector<16xf32>,
    tpu.vector_store %arg9[%swap3A_941, %swap3A_942], %mul3A_939 {strides = array<i32>} : memref<16x512xf32, #tpu.memory_space<vmem>>, vector<16xf32>,
    %mul3A_944 = arith.mulf %exp3A_868, %div3A_898 : vector<16xf32>
    %swap3A_945 = arith.constant 9 : i32
    %swap3A_946 = arith.index_cast %swap3A_945 : i32 to index
    %swap3A_947 = arith.constant 496 : index
    %swap3A_948 = tpu.vector_load %arg9[%swap3A_946, %swap3A_947] {strides = array<i32>} : memref<16x512xf32, #tpu.memory_space<vmem>>, vector<16xf32>,
    tpu.vector_store %arg9[%swap3A_946, %swap3A_947], %mul3A_944 {strides = array<i32>} : memref<16x512xf32, #tpu.memory_space<vmem>>, vector<16xf32>,
    %mul3A_949 = arith.mulf %exp3A_870, %div3A_898 : vector<16xf32>
    %swap3A_950 = arith.constant 10 : i32
    %swap3A_951 = arith.index_cast %swap3A_950 : i32 to index
    %swap3A_952 = arith.constant 496 : index
    %swap3A_953 = tpu.vector_load %arg9[%swap3A_951, %swap3A_952] {strides = array<i32>} : memref<16x512xf32, #tpu.memory_space<vmem>>, vector<16xf32>,
    tpu.vector_store %arg9[%swap3A_951, %swap3A_952], %mul3A_949 {strides = array<i32>} : memref<16x512xf32, #tpu.memory_space<vmem>>, vector<16xf32>,
    %mul3A_954 = arith.mulf %exp3A_872, %div3A_898 : vector<16xf32>
    %swap3A_955 = arith.constant 11 : i32
    %swap3A_956 = arith.index_cast %swap3A_955 : i32 to index
    %swap3A_957 = arith.constant 496 : index
    %swap3A_958 = tpu.vector_load %arg9[%swap3A_956, %swap3A_957] {strides = array<i32>} : memref<16x512xf32, #tpu.memory_space<vmem>>, vector<16xf32>,
    tpu.vector_store %arg9[%swap3A_956, %swap3A_957], %mul3A_954 {strides = array<i32>} : memref<16x512xf32, #tpu.memory_space<vmem>>, vector<16xf32>,
    %mul3A_959 = arith.mulf %exp3A_874, %div3A_898 : vector<16xf32>
    %swap3A_960 = arith.constant 12 : i32
    %swap3A_961 = arith.index_cast %swap3A_960 : i32 to index
    %swap3A_962 = arith.constant 496 : index
    %swap3A_963 = tpu.vector_load %arg9[%swap3A_961, %swap3A_962] {strides = array<i32>} : memref<16x512xf32, #tpu.memory_space<vmem>>, vector<16xf32>,
    tpu.vector_store %arg9[%swap3A_961, %swap3A_962], %mul3A_959 {strides = array<i32>} : memref<16x512xf32, #tpu.memory_space<vmem>>, vector<16xf32>,
    %mul3A_964 = arith.mulf %exp3A_876, %div3A_898 : vector<16xf32>
    %swap3A_965 = arith.constant 13 : i32
    %swap3A_966 = arith.index_cast %swap3A_965 : i32 to index
    %swap3A_967 = arith.constant 496 : index
    %swap3A_968 = tpu.vector_load %arg9[%swap3A_966, %swap3A_967] {strides = array<i32>} : memref<16x512xf32, #tpu.memory_space<vmem>>, vector<16xf32>,
    tpu.vector_store %arg9[%swap3A_966, %swap3A_967], %mul3A_964 {strides = array<i32>} : memref<16x512xf32, #tpu.memory_space<vmem>>, vector<16xf32>,
    %mul3A_969 = arith.mulf %exp3A_878, %div3A_898 : vector<16xf32>
    %swap3A_970 = arith.constant 14 : i32
    %swap3A_971 = arith.index_cast %swap3A_970 : i32 to index
    %swap3A_972 = arith.constant 496 : index
    %swap3A_973 = tpu.vector_load %arg9[%swap3A_971, %swap3A_972] {strides = array<i32>} : memref<16x512xf32, #tpu.memory_space<vmem>>, vector<16xf32>,
    tpu.vector_store %arg9[%swap3A_971, %swap3A_972], %mul3A_969 {strides = array<i32>} : memref<16x512xf32, #tpu.memory_space<vmem>>, vector<16xf32>,
    %mul3A_974 = arith.mulf %exp3A_880, %div3A_898 : vector<16xf32>
    %swap3A_975 = arith.constant 15 : i32
    %swap3A_976 = arith.index_cast %swap3A_975 : i32 to index
    %swap3A_977 = arith.constant 496 : index
    %swap3A_978 = tpu.vector_load %arg9[%swap3A_976, %swap3A_977] {strides = array<i32>} : memref<16x512xf32, #tpu.memory_space<vmem>>, vector<16xf32>,
    tpu.vector_store %arg9[%swap3A_976, %swap3A_977], %mul3A_974 {strides = array<i32>} : memref<16x512xf32, #tpu.memory_space<vmem>>, vector<16xf32>,
    %dma_start3A_979 = arith.constant 0 : i32
    %dma_start3A_980 = tpu.memref_slice %arg4[%dma_start3A_979, %mul3A_2] : memref<16x16384xf32, #tpu.memory_space<hbm>> -> memref<16x512xf32, #tpu.memory_space<hbm>>
    %dma_start3A_981 = arith.constant 0 : i32
    %dma_start3A_982 = tpu.memref_slice %arg4[%dma_start3A_981, %mul3A_2] : memref<16x16384xf32, #tpu.memory_space<hbm>> -> memref<16x512xf32, #tpu.memory_space<hbm>>
    tpu.enqueue_dma source(%arg9 : memref<16x512xf32, #tpu.memory_space<vmem>>) target(%dma_start3A_982 : memref<16x512xf32, #tpu.memory_space<hbm>>) target_semaphore(%arg13 : memref<!tpu.dma_semaphore, #tpu.memory_space<semaphore_mem>>)
    %dma_wait3A = arith.constant 0 : i32
    %dma_wait3A_983 = tpu.memref_slice %arg4[%dma_wait3A, %mul3A_2] : memref<16x16384xf32, #tpu.memory_space<hbm>> -> memref<16x512xf32, #tpu.memory_space<hbm>>
    %dma_wait3A_984 = arith.constant 0 : i32
    %dma_wait3A_985 = tpu.memref_slice %arg4[%dma_wait3A_984, %mul3A_2] : memref<16x16384xf32, #tpu.memory_space<hbm>> -> memref<16x512xf32, #tpu.memory_space<hbm>>
    tpu.wait_dma2 semaphore(%arg13 : memref<!tpu.dma_semaphore, #tpu.memory_space<semaphore_mem>>) src(%arg9 : memref<16x512xf32, #tpu.memory_space<vmem>>) dst(%dma_wait3A_985 : memref<16x512xf32, #tpu.memory_space<hbm>>)
    return
  }
}

</mosaic_0001>

<sc_bundles>
// kernel: kernel.3.cloned.1.call-start
scs
__scs_entry_jumppad:
0x0: {  	(pc) =	sbr.rel $0x88, $3  }
0x1: {  	(tag) =	ssettag $0x0;
	lr =	simm.s32 $0x1  }
0x2: {  	[smem:$0x3F9F] =	sst lr;
	_ =	strace $0xD0000000  }
0x3: {  	_ = 	snop  }
0x4: {  	_ = 	snop  }
0x5: {  	_ = 	snop  }
0x6: {  	_ = 	snop  }
0x7: {  	_ = 	snop  }
__scs_overlays_trampoline_lowered:
0x8: {  	[smem:$0x3FAE] =	sst s0  }
0x9: {  	[smem:$0x3FAF] =	sst s1  }
0xa: {  	[smem:$0x3FB0] =	sst s2  }
0xb: {  	[smem:$0x3FB1] =	sst s3  }
0xc: {  	[smem:$0x3FB2] =	sst s4  }
0xd: {  	[smem:$0x3FB3] =	sst s5  }
0xe: {  	[smem:$0x3FB4] =	sst s6  }
0xf: {  	[smem:$0x3FB5] =	sst s7  }
0x10: {  	[smem:$0x3FB6] =	sst s8  }
0x11: {  	[smem:$0x3FB7] =	sst s9;
	s0 =	simm.s32 @!p0 $0x0  }
0x12: {  	s1 =	sld [smem:$0x3F9D];
	s0 =	simm.s32 @p0 $0x1  }
0x13: {  	[smem:$0x3FB8] =	sst s0;
	s0 =	simm.s32 @!p1 $0x0  }
0x14: {  	s2 =	sld [smem:$0x3F9C];
	s0 =	simm.s32 @p1 $0x1  }
0x15: {  	[smem:$0x3FB9] =	sst s0;
	s0 =	simm.s32 @!p2 $0x0  }
0x16: {  	s3 =	sld [smem:$0x3FDB];
	s0 =	simm.s32 @p2 $0x1  }
0x17: {  	s4 =	simm.s32 $0x1BF5;
	[smem:$0x3FBB] =	sst s0  }
0x18: {  	s0 =	sld [smem:$0x3F9E];
	_ =	swait.ge [sflag:s4], $0x0  }
0x19: {  	s7 =	sld [smem:$0x3F9F]  }
0x1a: {  	s8 =	sadd.s32 $0xFFFFE003, lr  }
0x1b: {  	s9 =	sadd.s32 $0xFFFFFEF7, lr;
	s5 =	simm.s32 $0xFFFFFFFF;
	p2 =	slt.u32 s8, $0xFFFFF086  }
0x1c: {  	p1 =	slt.u32 s9, $0xF7A;
	s5 =	simm.s32 @!p2 $0x0  }
0x1d: {  	s5 =	simm.s32 @p1 $0x1;
	p0 =	seq.s32 s7, s2  }
0x1e: {  	s7 =	smul.u32 @!p0 $0xF7A, s2;
	p2 =	seq.s32 @!p0 s5, $0x0  }
0x1f: {  	s9 =	smul.u32 $0xF7A, s1;
	s8 =	simm.s32 @!p0 $0x1BF5;
	p2 =	por !p2, p0  }
0x20: {  	[sflag:s8] =	ssyncset.s32 @!p0 $0xFFFFF086;
	s6 =	sadd.s32 @!p0 s3, s7;
	s7 =	simm.s32 @!p0 $0x108  }
0x21: {  	s3 =	sadd.s32 s3, s9;
	s6 =	sadd.s32 @!p0 $0x88, s6;
	s7 =	simm.s32 @p2 $0x1082  }
0x22: {  	[simem:s7], [sflag:s8] =	dma.local @!p0 [hbm:s6], $0xF7A  }
0x23: {  	s9 =	sor.u32 $0xD0000000, s2;
	s6 =	simm.s32 $0x108;
	_ =	swait.ge @!p0 [sflag:s8], $0x0  }
0x24: {  	s3 =	sadd.s32 $0x88, s3;
	s6 =	simm.s32 @!p1 $0x1082;
	[sflag:s4] =	ssyncset.s32 $0xFFFFF086  }
0x25: {  	[simem:s6], [sflag:s4] =	dma.local [hbm:s3], $0xF7A  }
0x26: {  	[smem:$0x3F9F] =	sst s1;
	(tag) =	ssettag s2;
	_ =	strace s9  }
0x27: {  	s1 =	sld [smem:$0x3FAF]  }
0x28: {  	s2 =	sld [smem:$0x3FB0]  }
0x29: {  	s4 =	sld [smem:$0x3FB2]  }
0x2a: {  	p0 =	seq.s32 s5, $0x0;
	s5 =	sld [smem:$0x3FB3]  }
0x2b: {  	s6 =	sld [smem:$0x3FB4]  }
0x2c: {  	s7 =	sld [smem:$0x3FB5]  }
0x2d: {  	s3 =	simm.s32 $0x108;
	s8 =	sld [smem:$0x3FB6]  }
0x2e: {  	s3 =	simm.s32 @!p0 $0x1082;
	s9 =	sld [smem:$0x3FB7]  }
0x2f: {  	lr =	sadd.s32 s0, s3;
	s0 =	sld [smem:$0x3FAE]  }
0x30: {  	s3 =	sld [smem:$0x3FB1]  }
0x31: {  	[smem:$0x3FBA] =	sst s10  }
0x32: {  	s10 =	sld [smem:$0x3FB8];
	_ =	sdelay $0x3  }
0x33: {  	p0 =	seq.s32 s10, $0x1;
	s10 =	sld [smem:$0x3FBA];
	_ =	sdelay $0x3  }
0x34: {  	[smem:$0x3FBA] =	sst s10  }
0x35: {  	s10 =	sld [smem:$0x3FB9];
	_ =	sdelay $0x3  }
0x36: {  	p1 =	seq.s32 s10, $0x1;
	s10 =	sld [smem:$0x3FBA];
	_ =	sdelay $0x3  }
0x37: {  	[smem:$0x3FBA] =	sst s10  }
0x38: {  	s10 =	sld [smem:$0x3FBB]  }
0x39: {  	_ = 	snop;
	(pc) =	sbr.ind lr, $3  }
0x3a: {  	_ = 	snop  }
0x3b: {  	_ = 	snop  }
0x3c: {  	p2 =	seq.s32 s10, $0x1;
	s10 =	sld [smem:$0x3FBA]  }
0x3d: {  	_ =	shalt  }
0x3e: {  	_ =	shalt  }
0x3f: {  	_ =	shalt  }
0x40: {  	_ =	shalt  }
0x41: {  	_ =	shalt  }
0x42: {  	_ =	shalt  }
0x43: {  	_ =	shalt  }
0x44: {  	_ =	shalt  }
0x45: {  	_ =	shalt  }
0x46: {  	_ =	shalt  }
0x47: {  	_ =	shalt  }
0x48: {  	_ =	shalt  }
0x49: {  	_ =	shalt  }
0x4a: {  	_ =	shalt  }
0x4b: {  	_ =	shalt  }
0x4c: {  	_ =	shalt  }
0x4d: {  	_ =	shalt  }
0x4e: {  	_ =	shalt  }
0x4f: {  	_ =	shalt  }
0x50: {  	_ =	shalt  }
0x51: {  	_ =	shalt  }
0x52: {  	_ =	shalt  }
0x53: {  	_ =	shalt  }
0x54: {  	_ =	shalt  }
0x55: {  	_ =	shalt  }
0x56: {  	_ =	shalt  }
0x57: {  	_ =	shalt  }
0x58: {  	_ =	shalt  }
0x59: {  	_ =	shalt  }
0x5a: {  	_ =	shalt  }
0x5b: {  	_ =	shalt  }
0x5c: {  	_ =	shalt  }
0x5d: {  	_ =	shalt  }
0x5e: {  	_ =	shalt  }
0x5f: {  	_ =	shalt  }
0x60: {  	_ =	shalt  }
0x61: {  	_ =	shalt  }
0x62: {  	_ =	shalt  }
0x63: {  	_ =	shalt  }
0x64: {  	_ =	shalt  }
0x65: {  	_ =	shalt  }
0x66: {  	_ =	shalt  }
0x67: {  	_ =	shalt  }
0x68: {  	_ =	shalt  }
0x69: {  	_ =	shalt  }
0x6a: {  	_ =	shalt  }
0x6b: {  	_ =	shalt  }
0x6c: {  	_ =	shalt  }
0x6d: {  	_ =	shalt  }
0x6e: {  	_ =	shalt  }
0x6f: {  	_ =	shalt  }
0x70: {  	_ =	shalt  }
0x71: {  	_ =	shalt  }
0x72: {  	_ =	shalt  }
0x73: {  	_ =	shalt  }
0x74: {  	_ =	shalt  }
0x75: {  	_ =	shalt  }
0x76: {  	_ =	shalt  }
0x77: {  	_ =	shalt  }
0x78: {  	_ =	shalt  }
0x79: {  	_ =	shalt  }
0x7a: {  	_ =	shalt  }
0x7b: {  	_ =	shalt  }
0x7c: {  	_ =	shalt  }
0x7d: {  	_ =	shalt  }
0x7e: {  	_ =	shalt  }
0x7f: {  	_ =	shalt  }
0x80: {  	_ =	shalt  }
0x81: {  	_ =	shalt  }
0x82: {  	_ =	shalt  }
0x83: {  	_ =	shalt  }
0x84: {  	_ =	shalt  }
0x85: {  	_ =	shalt  }
0x86: {  	_ =	shalt  }
0x87: {  	_ =	shalt  }
.Lfunc_end0:
.L_simem_size_0:
called_computation_lowered:
.L_overlay_start_0:
0x88: {  	s2 =	sld [smem:$0x3FD9]  }
0x89: {  	s3 =	sld [smem:$0x3FFE];
	_ =	sdelay $0x1  }
0x8a: {  	s1 =	srdreg.scid  }
0x8b: {  	s0 =	sand.u32 $0x1, s1  }
0x8c: {  	s18 =	sshll.u32 s0, $0xA;
	s2 =	sadd.s32 s3, s2  }
0x8d: {  	s2 =	sadd.s32 s2, s18  }
0x8e: {  	[smem:$0x3FC6] =	sst s2  }
0x8f: {  	_ = 	snop  }
0x90: {  	s2 =	sld [smem:$0x3FC9]  }
0x91: {  	s19 =	sld [smem:$0x3FC8]  }
0x92: {  	s4 =	sld [smem:$0x3FD0];
	(tm) =	ssettm $0x1  }
0x93: {  	s5 =	sld [smem:$0x3FFB];
	_ =	sdelay $0x3  }
0x94: {  	_ =	strace s5  }
0x95: {  	s5 =	sld [smem:$0x3FFC];
	_ =	sdelay $0x3  }
0x96: {  	_ =	strace s5  }
0x97: {  	s5 =	sld [smem:$0x3FFD];
	_ =	sdelay $0x3  }
0x98: {  	_ =	strace s5  }
0x99: {  	_ =	strace $0x8FFFFFFF  }
0x9a: {  	s20 =	sld [smem:$0x3FDB];
	_ =	sdelay $0x1  }
0x9b: {  	s6 =	simm.s32 $_scs_section_size  }
0x9c: {  	s7 =	simm.s32 $_size__tile_overlayer_lowered;
	s8 =	simm.s32 $_tile_overlayer_lowered  }
0x9d: {  	s23 =	simm.s32 $0x1BFF;
	s22 =	sshll.u32 s8, $0x1;
	s5 =	sadd.s32 s6, s20  }
0x9e: {  	s9 =	simm.s32 $0x0;
	s21 =	sshll.u32 s7, $0x1;
	s7 =	sadd.s32 s22, s5  }
0x9f: {  	[timem:s9], [sflag:s23] =	dma.local [hbm:s7], s21  }
0xa0: {  	_ =	swait.ge [sflag:s23], s21  }
0xa1: {  	s6 =	ssub.s32 $0x0, s21;
	[sflag:s23] =	ssyncset.done $0x0  }
0xa2: {  	[sflag:s23] =	ssyncadd.s32 s6;
	_ =	sdelay $0x1  }
0xa3: {  	s24 =	simm.s32 $0x1B8B  }
0xa4: {  	_ =	swait.ge [sflag:s24], $0x1  }
0xa5: {  	[sflag:s24] =	ssyncset.done $0x0  }
0xa6: {  	s25 =	simm.s32 $0x1B8E;
	[sflag:s24] =	ssyncadd.s32 $0xFFFFFFFF  }
0xa7: {  	s26 =	simm.s32 $execute0_lowered;
	[smem:$0x3FD2] =	sst s25  }
0xa8: {  	s6 =	sshll.u32 s26, $0x1;
	_ =	strace $0x80000046;
	[dreg:$0x1] =	wrdreg $0xFFFFFFFF  }
0xa9: {  	s28 =	simm.s32 $_size_execute0_lowered;
	s5 =	sadd.s32 s5, s6;
	[dreg:$0x0] =	wrdreg $0x0  }
0xaa: {  	s6 =	sshll.u32 s28, $0x1;
	[dreg:$0x2] =	wrdreg s5  }
0xab: {  	[dreg:$0x3] =	wrdreg s6  }
0xac: {  	[dreg:$0x4] =	wrdreg $0xC0  }
0xad: {  	_ =	task [dreg:s9], $0x5FFFF  }
0xae: {  	[dreg:$0x1] =	wrdreg $0xFFFFFFFF  }
0xaf: {  	[dreg:$0x0] =	wrdreg $0x60  }
0xb0: {  	[dreg:$0x2] =	wrdreg s2  }
0xb1: {  	[dreg:$0x3] =	wrdreg s19  }
0xb2: {  	[dreg:$0x4] =	wrdreg s4  }
0xb3: {  	[dreg:$0x5] =	wrdreg $0x9  }
0xb4: {  	_ =	task.clear_ibuf [dreg:s9], $0x6FFFF;
	_ =	strace $0x90000046  }
0xb5: {  	s29 =	simm.s32 $0x9;
	_ =	strace $0x80000048  }
0xb6: {  	_ =	swait.ge [sflag:s29], $0x1  }
0xb7: {  	[sflag:s29] =	ssyncadd.s32 $0xFFFFFFFF  }
0xb8: {  	_ =	strace $0x90000048  }
0xb9: {  	_ =	sfence  }
0xba: {  	s30 =	sld [smem:$0x0];
	_ =	sdelay $0x2  }
0xbb: {  	s31 =	sshll.u32 s1, $0xD;
	s1 =	sshrl.u32 s1, $0x2  }
0xbc: {  	s3 =	sand.u32 $0x4000, s31;
	s1 =	sadd.s32 s1, s30  }
0xbd: {  	s0 =	sor.u32 s3, s0;
	s1 =	sshll.u32 s1, $0x11  }
0xbe: {  	s0 =	sor.u32 s1, s0  }
0xbf: {  	s0 =	sadd.s32 $0x8F2B, s0  }
0xc0: {  	[sflag:s0] =	ssyncadd.remote.s32 $0x1  }
0xc1: {  	_ =	sfence.sel $0xFFFF  }
0xc2: {  	[dreg:$0x0] =	wrdreg $0xFFFFFFFF;
	(pc) =	sbr.abs _section_cstart, $3  }
0xc3: {  	[dreg:$0x1] =	wrdreg $0xFFFFFFFF  }
0xc4: {  	_ =	task.clear_ibuf [dreg:s9], $0x2FFFF;
	_ =	strace $0x9FFFFFFF  }
0xc5: {  	(tm) =	ssettm $0x7FFFFFFF  }
tec
execute0_lowered:
.L_overlay_start_1:
0x0: {  	(tag) =	ssettag $0x1  }
0x1: {  	s0 =	rddreg [dreg:$0x0]  }
0x2: {  	s2 =	rddreg [dreg:$0x1]  }
0x3: {  	s1 =	rddreg [dreg:$0x2]  }
0x4: {  	s3 =	srdreg.scid;
	s4 =	stileid.u32;
	s6 =	simm.s32 $0x0  }
0x5: {  	s8 =	simm.s32 $0x400;
	s9 =	simm.s32 $0x7A1400;
	s10 =	simm.s32 $0x200  }
0x6: {  	s21 =	simm.s32 $0xA00;
	s22 =	simm.s32 $0x1200;
	s7 =	simm.s32 $0x11A00  }
0x7: {  	s23 =	simm.s32 $0x1A00;
	s11 =	simm.s32 $0x12200;
	s24 =	simm.s32 $0x2200  }
0x8: {  	s12 =	simm.s32 $0x12A00;
	[smem:$0x7FF] =	sst s6;
	s6 =	simm.s32 $0x11200  }
0x9: {  	s13 =	simm.s32 $0x13200;
	_ =	strace $0x80000047;
	[dreg:$0x5] =	wrdreg s6  }
0xa: {  	s14 =	simm.s32 $0x13A00;
	s15 =	simm.s32 $0x14200;
	[dreg:$0x6] =	wrdreg s7  }
0xb: {  	s16 =	simm.s32 $0x14A00;
	s17 =	simm.s32 $0x15200;
	[dreg:$0x7] =	wrdreg s11  }
0xc: {  	s18 =	simm.s32 $0x15A00;
	s19 =	simm.s32 $0x16200;
	[dreg:$0x8] =	wrdreg s12  }
0xd: {  	s20 =	simm.s32 $0x16A00;
	s28 =	simm.s32 $0x9200;
	[dreg:$0x9] =	wrdreg s13  }
0xe: {  	s29 =	simm.s32 $0x9A00;
	s30 =	simm.s32 $0xA200;
	[dreg:$0xa] =	wrdreg s14  }
0xf: {  	s31 =	simm.s32 $0xAA00;
	s3 =	sand.u32 $0x1, s3;
	[dreg:$0xb] =	wrdreg s15  }
0x10: {  	s4 =	sshll.u32 s4, $0xA;
	s5 =	sshll.u32 s3, $0x9;
	[dreg:$0xc] =	wrdreg s16  }
0x11: {  	s3 =	ssub.s32 $0x2, s3;
	s6 =	simm.s32 $0x4A00;
	[dreg:$0xd] =	wrdreg s17  }
0x12: {  	s7 =	simm.s32 $0x5200;
	s11 =	simm.s32 $0x5A00;
	[dreg:$0xe] =	wrdreg s18  }
0x13: {  	s12 =	simm.s32 $0x6200;
	[dreg:$0xf] =	wrdreg s19;
	s13 =	simm.s32 $0x6A00  }
0x14: {  	[dreg:$0x10] =	wrdreg s20;
	s14 =	simm.s32 $0x7200;
	s15 =	simm.s32 $0x10200  }
0x15: {  	s16 =	simm.s32 $0x1;
	s17 =	simm.s32 $0x2;
	s18 =	simm.s32 $0x3  }
0x16: {  	v0 =	vlaneseq.u32;
	s20 =	simm.s32 $0x0;
	s4 =	sor.u32 s5, s4;
	s25 =	sshrl.u32 s3, $0x1  }
0x17: {  	v0 =	vmul.u32 $0x800, v0;
	s5 =	simm.s32 $0x10A00;
	s26 =	sshrl.u32 s4, $0x3;
	s3 =	ssub.s32 s3, s25  }
0x18: {  	v1 =	vimm.s32 $0x0;
	s1 =	sadd.s32 s1, s4;
	[dreg:$0x4] =	wrdreg s5;
	s5 =	simm.s32 $0x4200  }
0x19: {  	v2 =	vor.u32 $0x80, v0;
	v3 =	vor.u32 $0x100, v0;
	v4 =	vor.u32 $0x180, v0;
	s25 =	simm.s32 $0x17200;
	s0 =	sadd.s32 s0, s26;
	[dreg:$0x14] =	wrdreg s1  }
0x1a: {  	v5 =	vor.u32 $0x200, v0;
	v6 =	vor.u32 $0x280, v0;
	v7 =	vor.u32 $0x300, v0;
	s4 =	smax.u32 s3, $0x1;
	s1 =	simm.s32 $0x2A00;
	[dreg:$0x11] =	wrdreg s25  }
0x1b: {  	v8 =	vor.u32 $0x380, v0;
	v9 =	vor.u32 $0x400, v0;
	v10 =	vor.u32 $0x480, v0;
	s3 =	simm.s32 $0x3200;
	s26 =	simm.s32 $0x17A00;
	[dreg:$0x13] =	wrdreg s0  }
0x1c: {  	v11 =	vor.u32 $0x500, v0;
	v12 =	vor.u32 $0x580, v0;
	v13 =	vor.u32 $0x600, v0;
	s25 =	simm.s32 $0x8A00;
	[dreg:$0x15] =	wrdreg s4;
	s4 =	simm.s32 $0x3A00  }
0x1d: {  	v14 =	vor.u32 $0x680, v0;
	v15 =	vor.u32 $0x700, v0;
	v16 =	vor.u32 $0x780, v0;
	[dreg:$0x12] =	wrdreg s26;
	s0 =	simm.s32 $0x7A00;
	s26 =	simm.s32 $0x8200  }
.LBB2_1:
0x1e: {  	[dreg:$0x16] =	wrdreg s20  }
0x1f: {  	s19 =	simm.s32 $0x0;
	s20 =	rddreg [dreg:$0x13]  }
0x20: {  	[tilespmem:s19], [sflag:$0x5] =	stream.linear.gather [hbm4b:s20+s19], $0x200, $0x38;
	[tilespmem:$0x1A200] =	vst v63  }
0x21: {  	s20 =	simm.s32 $0x5  }
0x22: {  	_ =	swait.ge [sflag:s20], $0x200  }
0x23: {  	[sflag:s20] =	ssyncset.done $0x0  }
0x24: {  	[sflag:s20] =	ssyncadd.s32 $0xFFFFFE00  }
0x25: {  	v17 =	vld [tilespmem:$0x0];
	_ =	sdelay $0x4  }
0x26: {  	v18 =	vshra.s32 v17, $0x1F;
	v19 =	vand.u32 $0x7F, v17  }
0x27: {  	vm0 =	vlt.s32 v17, $0x1;
	v18 =	vshrl.u32 v18, $0x19;
	vm1 =	vne.s32 v19, $0x0  }
0x28: {  	v17 =	vadd.s32 v18, v17;
	vm0 =	vmand vm0, vm1  }
0x29: {  	v17 =	vshrl.u32 v17, $0x7;
	v18 =	vsel vm0, $0xFFFFFFFF, v1  }
0x2a: {  	v17 =	vadd.s32 v18, v17  }
0x2b: {  	v17 =	vshll.u32 v17, $0x7  }
0x2c: {  	v17 =	vadd.s32 s2, v17  }
0x2d: {  	(v2sf) =	vpush v17, $0x0;
	_ =	sdelay $0x1  }
0x2e: {  	(v2sf) =	vpush v17, $0x1;
	_ =	sdelay $0x1  }
0x2f: {  	(v2sf) =	vpush v17, $0x2;
	_ =	sdelay $0x1  }
0x30: {  	(v2sf) =	vpush v17, $0x3;
	_ =	sdelay $0x1  }
0x31: {  	(v2sf) =	vpush v17, $0x4;
	_ =	sdelay $0x1  }
0x32: {  	(v2sf) =	vpush v17, $0x5;
	_ =	sdelay $0x1  }
0x33: {  	(v2sf) =	vpush v17, $0x6;
	_ =	sdelay $0x1  }
0x34: {  	(v2sf) =	vpush v17, $0x7  }
0x35: {  	s20 =	spop (v2sf)  }
0x36: {  	(v2sf) =	vpush v17, $0x8;
	[tilespmem:s10], [sflag:$0x1] =	stream.strided.gather [hbm4b:s20+s8], $0x800, s9, s8, $0x38;
	[tilespmem:$0x1A200] =	vst v63  }
0x37: {  	s20 =	spop (v2sf)  }
0x38: {  	(v2sf) =	vpush v17, $0x9;
	[tilespmem:s21], [sflag:$0x1] =	stream.strided.gather [hbm4b:s20+s8], $0x800, s9, s8, $0x38;
	[tilespmem:$0x1A200] =	vst v63  }
0x39: {  	s21 =	spop (v2sf)  }
0x3a: {  	(v2sf) =	vpush v17, $0xA;
	[tilespmem:s22], [sflag:$0x1] =	stream.strided.gather [hbm4b:s21+s8], $0x800, s9, s8, $0x38;
	[tilespmem:$0x1A200] =	vst v63  }
0x3b: {  	s22 =	spop (v2sf)  }
0x3c: {  	(v2sf) =	vpush v17, $0xB;
	[tilespmem:s23], [sflag:$0x1] =	stream.strided.gather [hbm4b:s22+s8], $0x800, s9, s8, $0x38;
	[tilespmem:$0x1A200] =	vst v63  }
0x3d: {  	s23 =	spop (v2sf)  }
0x3e: {  	(v2sf) =	vpush v17, $0xC;
	[tilespmem:s24], [sflag:$0x1] =	stream.strided.gather [hbm4b:s23+s8], $0x800, s9, s8, $0x38;
	[tilespmem:$0x1A200] =	vst v63  }
0x3f: {  	s24 =	spop (v2sf)  }
0x40: {  	(v2sf) =	vpush v17, $0xD;
	[tilespmem:s1], [sflag:$0x1] =	stream.strided.gather [hbm4b:s24+s8], $0x800, s9, s8, $0x38;
	[tilespmem:$0x1A200] =	vst v63  }
0x41: {  	s1 =	spop (v2sf)  }
0x42: {  	(v2sf) =	vpush v17, $0xE;
	[tilespmem:s3], [sflag:$0x1] =	stream.strided.gather [hbm4b:s1+s8], $0x800, s9, s8, $0x38;
	[tilespmem:$0x1A200] =	vst v63  }
0x43: {  	s3 =	spop (v2sf)  }
0x44: {  	(v2sf) =	vpush v17, $0xF;
	[tilespmem:s4], [sflag:$0x1] =	stream.strided.gather [hbm4b:s3+s8], $0x800, s9, s8, $0x38;
	[tilespmem:$0x1A200] =	vst v63  }
0x45: {  	s4 =	spop (v2sf)  }
0x46: {  	[tilespmem:s5], [sflag:$0x1] =	stream.strided.gather [hbm4b:s4+s8], $0x800, s9, s8, $0x38;
	[tilespmem:$0x1A200] =	vst v63  }
0x47: {  	s5 =	spop (v2sf)  }
0x48: {  	[tilespmem:s6], [sflag:$0x1] =	stream.strided.gather [hbm4b:s5+s8], $0x800, s9, s8, $0x38;
	[tilespmem:$0x1A200] =	vst v63  }
0x49: {  	s6 =	spop (v2sf)  }
0x4a: {  	[tilespmem:s7], [sflag:$0x1] =	stream.strided.gather [hbm4b:s6+s8], $0x800, s9, s8, $0x38;
	[tilespmem:$0x1A200] =	vst v63  }
0x4b: {  	s20 =	spop (v2sf)  }
0x4c: {  	[tilespmem:s11], [sflag:$0x1] =	stream.strided.gather [hbm4b:s20+s8], $0x800, s9, s8, $0x38;
	[tilespmem:$0x1A200] =	vst v63  }
0x4d: {  	s21 =	spop (v2sf)  }
0x4e: {  	[tilespmem:s12], [sflag:$0x1] =	stream.strided.gather [hbm4b:s21+s8], $0x800, s9, s8, $0x38;
	[tilespmem:$0x1A200] =	vst v63  }
0x4f: {  	s22 =	spop (v2sf)  }
0x50: {  	[tilespmem:s13], [sflag:$0x1] =	stream.strided.gather [hbm4b:s22+s8], $0x800, s9, s8, $0x38;
	[tilespmem:$0x1A200] =	vst v63  }
0x51: {  	s23 =	spop (v2sf)  }
0x52: {  	[tilespmem:s14], [sflag:$0x1] =	stream.strided.gather [hbm4b:s23+s8], $0x800, s9, s8, $0x38;
	[tilespmem:$0x1A200] =	vst v63  }
0x53: {  	s24 =	spop (v2sf)  }
0x54: {  	[tilespmem:s0], [sflag:$0x1] =	stream.strided.gather [hbm4b:s24+s8], $0x800, s9, s8, $0x38;
	[tilespmem:$0x1A200] =	vst v63  }
0x55: {  	v17 =	vld [tilespmem:$0x10];
	_ =	sdelay $0x4  }
0x56: {  	v18 =	vshra.s32 v17, $0x1F;
	v19 =	vand.u32 $0x7F, v17  }
0x57: {  	vm15 =	vlt.s32 v17, $0x1;
	vm14 =	vne.s32 v19, $0x0;
	v18 =	vshrl.u32 v18, $0x19  }
0x58: {  	v17 =	vadd.s32 v18, v17;
	vm0 =	vmand vm15, vm14  }
0x59: {  	v17 =	vshrl.u32 v17, $0x7;
	v18 =	vsel vm0, $0xFFFFFFFF, v1  }
0x5a: {  	v17 =	vadd.s32 v18, v17  }
0x5b: {  	v17 =	vshll.u32 v17, $0x7  }
0x5c: {  	v17 =	vadd.s32 s2, v17  }
0x5d: {  	(v2sf) =	vpush v17, $0x0;
	_ =	sdelay $0x1  }
0x5e: {  	(v2sf) =	vpush v17, $0x1;
	_ =	sdelay $0x1  }
0x5f: {  	(v2sf) =	vpush v17, $0x2;
	_ =	sdelay $0x1  }
0x60: {  	(v2sf) =	vpush v17, $0x3;
	_ =	sdelay $0x1  }
0x61: {  	(v2sf) =	vpush v17, $0x4;
	_ =	sdelay $0x1  }
0x62: {  	(v2sf) =	vpush v17, $0x5;
	_ =	sdelay $0x1  }
0x63: {  	(v2sf) =	vpush v17, $0x6;
	_ =	sdelay $0x1  }
0x64: {  	(v2sf) =	vpush v17, $0x7  }
0x65: {  	s1 =	spop (v2sf)  }
0x66: {  	(v2sf) =	vpush v17, $0x8;
	[tilespmem:s26], [sflag:$0x2] =	stream.strided.gather [hbm4b:s1+s8], $0x800, s9, s8, $0x38;
	[tilespmem:$0x1A200] =	vst v63  }
0x67: {  	s3 =	spop (v2sf)  }
0x68: {  	(v2sf) =	vpush v17, $0x9;
	[tilespmem:s25], [sflag:$0x2] =	stream.strided.gather [hbm4b:s3+s8], $0x800, s9, s8, $0x38;
	[tilespmem:$0x1A200] =	vst v63  }
0x69: {  	s4 =	spop (v2sf)  }
0x6a: {  	(v2sf) =	vpush v17, $0xA;
	[tilespmem:s28], [sflag:$0x2] =	stream.strided.gather [hbm4b:s4+s8], $0x800, s9, s8, $0x38;
	[tilespmem:$0x1A200] =	vst v63  }
0x6b: {  	s5 =	spop (v2sf)  }
0x6c: {  	(v2sf) =	vpush v17, $0xB;
	[tilespmem:s29], [sflag:$0x2] =	stream.strided.gather [hbm4b:s5+s8], $0x800, s9, s8, $0x38;
	[tilespmem:$0x1A200] =	vst v63  }
0x6d: {  	s6 =	spop (v2sf)  }
0x6e: {  	(v2sf) =	vpush v17, $0xC;
	[tilespmem:s30], [sflag:$0x2] =	stream.strided.gather [hbm4b:s6+s8], $0x800, s9, s8, $0x38;
	[tilespmem:$0x1A200] =	vst v63  }
0x6f: {  	s7 =	spop (v2sf)  }
0x70: {  	(v2sf) =	vpush v17, $0xD;
	[tilespmem:s31], [sflag:$0x2] =	stream.strided.gather [hbm4b:s7+s8], $0x800, s9, s8, $0x38;
	[tilespmem:$0x1A200] =	vst v63  }
0x71: {  	s19 =	simm.s32 $0x20;
	s12 =	simm.s32 $0xB200;
	s11 =	spop (v2sf)  }
0x72: {  	(v2sf) =	vpush v17, $0xE;
	[tilespmem:s12], [sflag:$0x2] =	stream.strided.gather [hbm4b:s11+s8], $0x800, s9, s8, $0x38;
	[tilespmem:$0x1A200] =	vst v63  }
0x73: {  	s0 =	simm.s32 $0xA200;
	s3 =	simm.s32 $0xBA00;
	s13 =	spop (v2sf)  }
0x74: {  	(v2sf) =	vpush v17, $0xF;
	[tilespmem:s3], [sflag:$0x2] =	stream.strided.gather [hbm4b:s13+s8], $0x800, s9, s8, $0x38;
	[tilespmem:$0x1A200] =	vst v63  }
0x75: {  	s1 =	simm.s32 $0xC200;
	s4 =	simm.s32 $0xCA00;
	s14 =	spop (v2sf)  }
0x76: {  	[tilespmem:s1], [sflag:$0x2] =	stream.strided.gather [hbm4b:s14+s8], $0x800, s9, s8, $0x38;
	[tilespmem:$0x1A200] =	vst v63  }
0x77: {  	s5 =	simm.s32 $0xD200;
	s29 =	simm.s32 $0xAA00;
	s20 =	spop (v2sf)  }
0x78: {  	[tilespmem:s4], [sflag:$0x2] =	stream.strided.gather [hbm4b:s20+s8], $0x800, s9, s8, $0x38;
	[tilespmem:$0x1A200] =	vst v63  }
0x79: {  	s6 =	simm.s32 $0xDA00;
	s30 =	simm.s32 $0x8A00;
	s21 =	spop (v2sf)  }
0x7a: {  	[tilespmem:s5], [sflag:$0x2] =	stream.strided.gather [hbm4b:s21+s8], $0x800, s9, s8, $0x38;
	[tilespmem:$0x1A200] =	vst v63  }
0x7b: {  	s7 =	simm.s32 $0xE200;
	s31 =	simm.s32 $0x9200;
	s22 =	spop (v2sf)  }
0x7c: {  	[tilespmem:s6], [sflag:$0x2] =	stream.strided.gather [hbm4b:s22+s8], $0x800, s9, s8, $0x38;
	[tilespmem:$0x1A200] =	vst v63  }
0x7d: {  	s11 =	simm.s32 $0xEA00;
	s12 =	simm.s32 $0xF200;
	s23 =	spop (v2sf)  }
0x7e: {  	[tilespmem:s7], [sflag:$0x2] =	stream.strided.gather [hbm4b:s23+s8], $0x800, s9, s8, $0x38;
	[tilespmem:$0x1A200] =	vst v63  }
0x7f: {  	s13 =	simm.s32 $0xFA00;
	s14 =	simm.s32 $0x7200;
	s24 =	spop (v2sf)  }
0x80: {  	[tilespmem:s11], [sflag:$0x2] =	stream.strided.gather [hbm4b:s24+s8], $0x800, s9, s8, $0x38;
	[tilespmem:$0x1A200] =	vst v63  }
0x81: {  	s20 =	simm.s32 $0x2;
	s25 =	spop (v2sf);
	s21 =	simm.s32 $0x1  }
0x82: {  	[tilespmem:s12], [sflag:$0x2] =	stream.strided.gather [hbm4b:s25+s8], $0x800, s9, s8, $0x38;
	[tilespmem:$0x1A200] =	vst v63  }
0x83: {  	s28 =	spop (v2sf);
	s22 =	simm.s32 $0x0;
	s23 =	simm.s32 $0x0  }
0x84: {  	[tilespmem:s13], [sflag:$0x2] =	stream.strided.gather [hbm4b:s28+s8], $0x800, s9, s8, $0x38;
	[tilespmem:$0x1A200] =	vst v63  }
.LBB2_2:
0x85: {  	v17 =	vld [tilespmem:s19+$0x0];
	_ =	sdelay $0x4  }
0x86: {  	v18 =	vshra.s32 v17, $0x1F;
	v19 =	vand.u32 $0x7F, v17  }
0x87: {  	vm0 =	vlt.s32 v17, $0x1;
	v18 =	vshrl.u32 v18, $0x19;
	vm1 =	vne.s32 v19, $0x0  }
0x88: {  	v17 =	vadd.s32 v18, v17;
	vm0 =	vmand vm0, vm1  }
0x89: {  	v17 =	vshrl.u32 v17, $0x7;
	v18 =	vsel vm0, $0xFFFFFFFF, v1  }
0x8a: {  	v17 =	vadd.s32 v18, v17  }
0x8b: {  	v17 =	vshll.u32 v17, $0x7  }
0x8c: {  	v17 =	vadd.s32 s2, v17  }
0x8d: {  	(v2sf) =	vpush v17, $0x0;
	_ =	sdelay $0x1  }
0x8e: {  	(v2sf) =	vpush v17, $0x1;
	_ =	sdelay $0x1  }
0x8f: {  	(v2sf) =	vpush v17, $0x2;
	_ =	sdelay $0x1  }
0x90: {  	(v2sf) =	vpush v17, $0x3;
	_ =	sdelay $0x1  }
0x91: {  	(v2sf) =	vpush v17, $0x4;
	_ =	sdelay $0x1  }
0x92: {  	(v2sf) =	vpush v17, $0x5;
	_ =	sdelay $0x1  }
0x93: {  	(v2sf) =	vpush v17, $0x6;
	_ =	sdelay $0x1  }
0x94: {  	(v2sf) =	vpush v17, $0x7  }
0x95: {  	s24 =	spop (v2sf)  }
0x96: {  	(v2sf) =	vpush v17, $0x8;
	[tilespmem:s15], [sflag:$0x3] =	stream.strided.gather [hbm4b:s24+s8], $0x800, s9, s8, $0x38;
	[tilespmem:$0x1A200] =	vst v63  }
0x97: {  	s25 =	rddreg [dreg:$0x4];
	s24 =	spop (v2sf)  }
0x98: {  	(v2sf) =	vpush v17, $0x9;
	[tilespmem:s25], [sflag:$0x3] =	stream.strided.gather [hbm4b:s24+s8], $0x800, s9, s8, $0x38;
	[tilespmem:$0x1A200] =	vst v63  }
0x99: {  	s28 =	rddreg [dreg:$0x5];
	s24 =	spop (v2sf)  }
0x9a: {  	(v2sf) =	vpush v17, $0xA;
	[tilespmem:s28], [sflag:$0x3] =	stream.strided.gather [hbm4b:s24+s8], $0x800, s9, s8, $0x38;
	[tilespmem:$0x1A200] =	vst v63  }
0x9b: {  	s25 =	rddreg [dreg:$0x6];
	s24 =	spop (v2sf)  }
0x9c: {  	(v2sf) =	vpush v17, $0xB;
	[tilespmem:s25], [sflag:$0x3] =	stream.strided.gather [hbm4b:s24+s8], $0x800, s9, s8, $0x38;
	[tilespmem:$0x1A200] =	vst v63  }
0x9d: {  	s28 =	rddreg [dreg:$0x7];
	s24 =	spop (v2sf)  }
0x9e: {  	(v2sf) =	vpush v17, $0xC;
	[tilespmem:s28], [sflag:$0x3] =	stream.strided.gather [hbm4b:s24+s8], $0x800, s9, s8, $0x38;
	[tilespmem:$0x1A200] =	vst v63  }
0x9f: {  	s25 =	rddreg [dreg:$0x8];
	s24 =	spop (v2sf)  }
0xa0: {  	(v2sf) =	vpush v17, $0xD;
	[tilespmem:s25], [sflag:$0x3] =	stream.strided.gather [hbm4b:s24+s8], $0x800, s9, s8, $0x38;
	[tilespmem:$0x1A200] =	vst v63  }
0xa1: {  	s28 =	rddreg [dreg:$0x9];
	s24 =	spop (v2sf)  }
0xa2: {  	(v2sf) =	vpush v17, $0xE;
	[tilespmem:s28], [sflag:$0x3] =	stream.strided.gather [hbm4b:s24+s8], $0x800, s9, s8, $0x38;
	[tilespmem:$0x1A200] =	vst v63  }
0xa3: {  	s25 =	rddreg [dreg:$0xa];
	s24 =	spop (v2sf)  }
0xa4: {  	(v2sf) =	vpush v17, $0xF;
	[tilespmem:s25], [sflag:$0x3] =	stream.strided.gather [hbm4b:s24+s8], $0x800, s9, s8, $0x38;
	[tilespmem:$0x1A200] =	vst v63  }
0xa5: {  	s28 =	rddreg [dreg:$0xb];
	s24 =	spop (v2sf)  }
0xa6: {  	[tilespmem:s28], [sflag:$0x3] =	stream.strided.gather [hbm4b:s24+s8], $0x800, s9, s8, $0x38;
	[tilespmem:$0x1A200] =	vst v63  }
0xa7: {  	s25 =	rddreg [dreg:$0xc];
	s24 =	spop (v2sf)  }
0xa8: {  	[tilespmem:s25], [sflag:$0x3] =	stream.strided.gather [hbm4b:s24+s8], $0x800, s9, s8, $0x38;
	[tilespmem:$0x1A200] =	vst v63  }
0xa9: {  	s28 =	rddreg [dreg:$0xd];
	s24 =	spop (v2sf)  }
0xaa: {  	[tilespmem:s28], [sflag:$0x3] =	stream.strided.gather [hbm4b:s24+s8], $0x800, s9, s8, $0x38;
	[tilespmem:$0x1A200] =	vst v63  }
0xab: {  	s25 =	rddreg [dreg:$0xe];
	s24 =	spop (v2sf)  }
0xac: {  	[tilespmem:s25], [sflag:$0x3] =	stream.strided.gather [hbm4b:s24+s8], $0x800, s9, s8, $0x38;
	[tilespmem:$0x1A200] =	vst v63  }
0xad: {  	s28 =	rddreg [dreg:$0xf];
	s24 =	spop (v2sf)  }
0xae: {  	[tilespmem:s28], [sflag:$0x3] =	stream.strided.gather [hbm4b:s24+s8], $0x800, s9, s8, $0x38;
	[tilespmem:$0x1A200] =	vst v63  }
0xaf: {  	s25 =	rddreg [dreg:$0x10];
	s24 =	spop (v2sf)  }
0xb0: {  	[tilespmem:s25], [sflag:$0x3] =	stream.strided.gather [hbm4b:s24+s8], $0x800, s9, s8, $0x38;
	[tilespmem:$0x1A200] =	vst v63  }
0xb1: {  	s28 =	rddreg [dreg:$0x11];
	s24 =	spop (v2sf)  }
0xb2: {  	[tilespmem:s28], [sflag:$0x3] =	stream.strided.gather [hbm4b:s24+s8], $0x800, s9, s8, $0x38;
	[tilespmem:$0x1A200] =	vst v63  }
0xb3: {  	s25 =	rddreg [dreg:$0x12];
	s28 =	spop (v2sf)  }
0xb4: {  	[tilespmem:s25], [sflag:$0x3] =	stream.strided.gather [hbm4b:s28+s8], $0x800, s9, s8, $0x38;
	[tilespmem:$0x1A200] =	vst v63  }
0xb5: {  	_ =	swait.ge [sflag:s16], $0x800  }
0xb6: {  	[sflag:s16] =	ssyncset.done $0x0  }
0xb7: {  	[sflag:s16] =	ssyncadd.s32 $0xFFFFF800  }
0xb8: {  	_ =	swait.ge [sflag:s16], $0x800  }
0xb9: {  	[sflag:s16] =	ssyncset.done $0x0  }
0xba: {  	[sflag:s16] =	ssyncadd.s32 $0xFFFFF800  }
0xbb: {  	_ =	swait.ge [sflag:s16], $0x800  }
0xbc: {  	[sflag:s16] =	ssyncset.done $0x0  }
0xbd: {  	[sflag:s16] =	ssyncadd.s32 $0xFFFFF800  }
0xbe: {  	_ =	swait.ge [sflag:s16], $0x800  }
0xbf: {  	[sflag:s16] =	ssyncset.done $0x0  }
0xc0: {  	[sflag:s16] =	ssyncadd.s32 $0xFFFFF800  }
0xc1: {  	_ =	swait.ge [sflag:s16], $0x800  }
0xc2: {  	[sflag:s16] =	ssyncset.done $0x0  }
0xc3: {  	[sflag:s16] =	ssyncadd.s32 $0xFFFFF800  }
0xc4: {  	_ =	swait.ge [sflag:s16], $0x800  }
0xc5: {  	[sflag:s16] =	ssyncset.done $0x0  }
0xc6: {  	[sflag:s16] =	ssyncadd.s32 $0xFFFFF800  }
0xc7: {  	_ =	swait.ge [sflag:s16], $0x800  }
0xc8: {  	[sflag:s16] =	ssyncset.done $0x0  }
0xc9: {  	[sflag:s16] =	ssyncadd.s32 $0xFFFFF800  }
0xca: {  	_ =	swait.ge [sflag:s16], $0x800  }
0xcb: {  	[sflag:s16] =	ssyncset.done $0x0  }
0xcc: {  	[sflag:s16] =	ssyncadd.s32 $0xFFFFF800  }
0xcd: {  	_ =	swait.ge [sflag:s16], $0x800  }
0xce: {  	[sflag:s16] =	ssyncset.done $0x0  }
0xcf: {  	[sflag:s16] =	ssyncadd.s32 $0xFFFFF800  }
0xd0: {  	_ =	swait.ge [sflag:s16], $0x800  }
0xd1: {  	[sflag:s16] =	ssyncset.done $0x0  }
0xd2: {  	[sflag:s16] =	ssyncadd.s32 $0xFFFFF800  }
0xd3: {  	_ =	swait.ge [sflag:s16], $0x800  }
0xd4: {  	[sflag:s16] =	ssyncset.done $0x0  }
0xd5: {  	[sflag:s16] =	ssyncadd.s32 $0xFFFFF800  }
0xd6: {  	_ =	swait.ge [sflag:s16], $0x800  }
0xd7: {  	[sflag:s16] =	ssyncset.done $0x0  }
0xd8: {  	[sflag:s16] =	ssyncadd.s32 $0xFFFFF800  }
0xd9: {  	_ =	swait.ge [sflag:s16], $0x800  }
0xda: {  	[sflag:s16] =	ssyncset.done $0x0  }
0xdb: {  	[sflag:s16] =	ssyncadd.s32 $0xFFFFF800  }
0xdc: {  	_ =	swait.ge [sflag:s16], $0x800  }
0xdd: {  	[sflag:s16] =	ssyncset.done $0x0  }
0xde: {  	[sflag:s16] =	ssyncadd.s32 $0xFFFFF800  }
0xdf: {  	_ =	swait.ge [sflag:s16], $0x800  }
0xe0: {  	[sflag:s16] =	ssyncset.done $0x0  }
0xe1: {  	[sflag:s16] =	ssyncadd.s32 $0xFFFFF800  }
0xe2: {  	_ =	swait.ge [sflag:s16], $0x800  }
0xe3: {  	[sflag:s16] =	ssyncset.done $0x0  }
0xe4: {  	[sflag:s16] =	ssyncadd.s32 $0xFFFFF800  }
0xe5: {  	v17 =	vld [tilespmem:s19+$0xFFFFFFE0];
	_ =	sdelay $0x4  }
0xe6: {  	v17 =	vand.u32 $0x7F, v17  }
0xe7: {  	v18 =	vor.u32 v0, v17  }
0xe8: {  	v19 =	vor.u32 v2, v17  }
0xe9: {  	v20 =	vor.u32 v3, v17  }
0xea: {  	v21 =	vor.u32 v4, v17  }
0xeb: {  	v22 =	vor.u32 v5, v17  }
0xec: {  	v23 =	vor.u32 v6, v17;
	v18 =	vld.idx.msk [tilespmem:v18+s10+$0x0], $0xffff  }
0xed: {  	v24 =	vor.u32 v7, v17;
	v19 =	vld.idx.msk [tilespmem:v19+s10+$0x0], $0xffff  }
0xee: {  	v25 =	vor.u32 v8, v17;
	v20 =	vld.idx.msk [tilespmem:v20+s10+$0x0], $0xffff  }
0xef: {  	v26 =	vor.u32 v9, v17;
	v21 =	vld.idx.msk [tilespmem:v21+s10+$0x0], $0xffff  }
0xf0: {  	v27 =	vor.u32 v10, v17;
	v22 =	vld.idx.msk [tilespmem:v22+s10+$0x0], $0xffff  }
0xf1: {  	v28 =	vor.u32 v11, v17;
	v23 =	vld.idx.msk [tilespmem:v23+s10+$0x0], $0xffff  }
0xf2: {  	v29 =	vor.u32 v12, v17;
	v24 =	vld.idx.msk [tilespmem:v24+s10+$0x0], $0xffff;
	v30 =	vmax.f32 v18, v19  }
0xf3: {  	v31 =	vor.u32 v13, v17;
	v25 =	vld.idx.msk [tilespmem:v25+s10+$0x0], $0xffff;
	v30 =	vmax.f32 v30, v20  }
0xf4: {  	v32 =	vor.u32 v14, v17;
	v26 =	vld.idx.msk [tilespmem:v26+s10+$0x0], $0xffff;
	v30 =	vmax.f32 v30, v21  }
0xf5: {  	v33 =	vor.u32 v15, v17;
	v27 =	vld.idx.msk [tilespmem:v27+s10+$0x0], $0xffff;
	v30 =	vmax.f32 v30, v22  }
0xf6: {  	v17 =	vor.u32 v16, v17;
	v28 =	vld.idx.msk [tilespmem:v28+s10+$0x0], $0xffff;
	v30 =	vmax.f32 v30, v23  }
0xf7: {  	v29 =	vld.idx.msk [tilespmem:v29+s10+$0x0], $0xffff;
	v30 =	vmax.f32 v30, v24  }
0xf8: {  	v31 =	vld.idx.msk [tilespmem:v31+s10+$0x0], $0xffff;
	v30 =	vmax.f32 v30, v25  }
0xf9: {  	v32 =	vld.idx.msk [tilespmem:v32+s10+$0x0], $0xffff;
	v30 =	vmax.f32 v30, v26  }
0xfa: {  	v33 =	vld.idx.msk [tilespmem:v33+s10+$0x0], $0xffff;
	v30 =	vmax.f32 v30, v27  }
0xfb: {  	v17 =	vld.idx.msk [tilespmem:v17+s10+$0x0], $0xffff;
	v30 =	vmax.f32 v30, v28  }
0xfc: {  	v30 =	vmax.f32 v30, v29  }
0xfd: {  	v30 =	vmax.f32 v30, v31  }
0xfe: {  	v30 =	vmax.f32 v30, v32  }
0xff: {  	v30 =	vmax.f32 v30, v33  }
0x100: {  	v30 =	vmax.f32 v30, v17  }
0x101: {  	v18 =	vsub.f32 v18, v30  }
0x102: {  	v19 =	vsub.f32 v19, v30  }
0x103: {  	v18 =	vmul.f32 $1.442695020e+00, v18  }
0x104: {  	v20 =	vsub.f32 v20, v30;
	v19 =	vmul.f32 $1.442695020e+00, v19  }
0x105: {  	(erf) = vpow2.f32 v18  }
0x106: {  	v18 =	vmul.f32 $1.442695020e+00, v20;
	(erf) = vpow2.f32 v19;
	v19 =	vsub.f32 v21, v30;
	_ =	sdelay $0x1  }
0x107: {  	(erf) = vpow2.f32 v18;
	v18 =	vmul.f32 $1.442695020e+00, v19;
	v19 =	vsub.f32 v22, v30;
	_ =	sdelay $0x1  }
0x108: {  	(erf) = vpow2.f32 v18;
	v18 =	vmul.f32 $1.442695020e+00, v19;
	v19 =	vsub.f32 v23, v30;
	_ =	sdelay $0x1  }
0x109: {  	(erf) = vpow2.f32 v18;
	v18 =	vmul.f32 $1.442695020e+00, v19;
	v19 =	vsub.f32 v24, v30;
	_ =	sdelay $0x1  }
0x10a: {  	v47 =	vsub.f32 v25, v30  }
0x10b: {  	v48 =	vpop (erf);
	(erf) = vpow2.f32 v18;
	v18 =	vmul.f32 $1.442695020e+00, v19  }
0x10c: {  	v20 =	vmul.f32 $1.442695020e+00, v47;
	v19 =	vpop (erf)  }
0x10d: {  	(erf) = vpow2.f32 v18;
	v18 =	vsub.f32 v26, v30;
	v49 =	vadd.f32 v19, v48  }
0x10e: {  	v51 =	vsub.f32 v27, v30;
	v50 =	vpop (erf)  }
0x10f: {  	(erf) = vpow2.f32 v20;
	v18 =	vmul.f32 $1.442695020e+00, v18;
	v22 =	vadd.f32 v49, v50  }
0x110: {  	v52 =	vpop (erf)  }
0x111: {  	(erf) = vpow2.f32 v18;
	v18 =	vmul.f32 $1.442695020e+00, v51;
	v54 =	vadd.f32 v22, v52  }
0x112: {  	v53 =	vsub.f32 v28, v30;
	v55 =	vpop (erf)  }
0x113: {  	(erf) = vpow2.f32 v18;
	v18 =	vsub.f32 v29, v30;
	v20 =	vadd.f32 v54, v55  }
0x114: {  	v25 =	vmul.f32 $1.442695020e+00, v53;
	v56 =	vpop (erf)  }
0x115: {  	v57 =	vsub.f32 v31, v30;
	v18 =	vmul.f32 $1.442695020e+00, v18;
	v20 =	vadd.f32 v20, v56  }
0x116: {  	(erf) = vpow2.f32 v25;
	v58 =	vpop (erf)  }
0x117: {  	(erf) = vpow2.f32 v18;
	v18 =	vmul.f32 $1.442695020e+00, v57;
	v20 =	vadd.f32 v20, v58  }
0x118: {  	v59 =	vsub.f32 v32, v30;
	v60 =	vpop (erf)  }
0x119: {  	(erf) = vpow2.f32 v18;
	v18 =	vsub.f32 v33, v30;
	v20 =	vadd.f32 v20, v60  }
0x11a: {  	v28 =	vmul.f32 $1.442695020e+00, v59;
	v61 =	vpop (erf)  }
0x11b: {  	v18 =	vmul.f32 $1.442695020e+00, v18;
	v20 =	vadd.f32 v20, v61  }
0x11c: {  	v17 =	vsub.f32 v17, v30;
	(erf) = vpow2.f32 v28;
	v62 =	vpop (erf)  }
0x11d: {  	(erf) = vpow2.f32 v18;
	v18 =	vadd.f32 v20, v62  }
0x11e: {  	v17 =	vmul.f32 $1.442695020e+00, v17  }
0x11f: {  	v63 =	vpop (erf)  }
0x120: {  	(erf) = vpow2.f32 v17;
	v17 =	vadd.f32 v18, v63  }
0x121: {  	v18 =	vpop (erf)  }
0x122: {  	v17 =	vadd.f32 v17, v18  }
0x123: {  	v36 =	vpop (erf)  }
0x124: {  	v17 =	vadd.f32 v17, v36  }
0x125: {  	v37 =	vpop (erf)  }
0x126: {  	v17 =	vadd.f32 v17, v37  }
0x127: {  	v38 =	vpop (erf)  }
0x128: {  	v17 =	vadd.f32 v17, v38  }
0x129: {  	v39 =	vpop (erf)  }
0x12a: {  	v17 =	vadd.f32 v17, v39;
	_ =	sdelay $0x1  }
0x12b: {  	(erf) = vrcp.f32 v17;
	_ =	sdelay $0x8  }
0x12c: {  	v17 =	vpop (erf)  }
0x12d: {  	s25 =	sand.u32 $0x70, s22;
	s28 =	sand.u32 $0x1C00, s23;
	v21 =	vmul.f32 v17, v48  }
0x12e: {  	s24 =	sor.u32 s25, s28;
	v19 =	vmul.f32 v17, v19  }
0x12f: {  	v40 =	vmul.f32 v17, v50;
	[tilespmem:s24+$0x18200] =	vst v21  }
0x130: {  	[tilespmem:s24+$0x18280] =	vst v19;
	v19 =	vmul.f32 v17, v52  }
0x131: {  	v41 =	vmul.f32 v17, v55;
	[tilespmem:s24+$0x18300] =	vst v40  }
0x132: {  	[tilespmem:s24+$0x18380] =	vst v19;
	v19 =	vmul.f32 v17, v56  }
0x133: {  	v42 =	vmul.f32 v17, v58;
	[tilespmem:s24+$0x18400] =	vst v41  }
0x134: {  	s28 =	sor.u32 s23, s22;
	[tilespmem:s24+$0x18480] =	vst v19;
	v19 =	vmul.f32 v17, v60  }
0x135: {  	s25 =	sor.u32 $0x380, s28;
	v43 =	vmul.f32 v17, v61;
	[tilespmem:s24+$0x18500] =	vst v42  }
0x136: {  	v20 =	vmul.f32 v17, v63;
	[tilespmem:s25+$0x18200] =	vst v19  }
0x137: {  	v19 =	vmul.f32 v17, v62;
	[tilespmem:s24+$0x19200] =	vst v43  }
0x138: {  	v18 =	vmul.f32 v17, v18;
	[tilespmem:s24+$0x19300] =	vst v20  }
0x139: {  	[tilespmem:s24+$0x19280] =	vst v19;
	v19 =	vmul.f32 v17, v36  }
0x13a: {  	[tilespmem:s24+$0x19380] =	vst v18;
	v18 =	vmul.f32 v17, v37  }
0x13b: {  	[tilespmem:s24+$0x19400] =	vst v19;
	v19 =	vmul.f32 v17, v38  }
0x13c: {  	[tilespmem:s24+$0x19480] =	vst v18;
	v17 =	vmul.f32 v17, v39  }
0x13d: {  	[tilespmem:s24+$0x19500] =	vst v19  }
0x13e: {  	[tilespmem:s24+$0x19580] =	vst v17  }
0x13f: {  	v17 =	vld [tilespmem:s19+$0x10];
	_ =	sdelay $0x4  }
0x140: {  	v18 =	vshra.s32 v17, $0x1F;
	v19 =	vand.u32 $0x7F, v17  }
0x141: {  	vm12 =	vlt.s32 v17, $0x1;
	v18 =	vshrl.u32 v18, $0x19;
	vm13 =	vne.s32 v19, $0x0  }
0x142: {  	v17 =	vadd.s32 v18, v17;
	vm0 =	vmand vm12, vm13  }
0x143: {  	v17 =	vshrl.u32 v17, $0x7;
	v18 =	vsel vm0, $0xFFFFFFFF, v1  }
0x144: {  	v17 =	vadd.s32 v18, v17  }
0x145: {  	v17 =	vshll.u32 v17, $0x7  }
0x146: {  	v17 =	vadd.s32 s2, v17  }
0x147: {  	(v2sf) =	vpush v17, $0x0;
	_ =	sdelay $0x1  }
0x148: {  	(v2sf) =	vpush v17, $0x1;
	_ =	sdelay $0x1  }
0x149: {  	(v2sf) =	vpush v17, $0x2;
	_ =	sdelay $0x1  }
0x14a: {  	(v2sf) =	vpush v17, $0x3;
	_ =	sdelay $0x1  }
0x14b: {  	(v2sf) =	vpush v17, $0x4;
	_ =	sdelay $0x1  }
0x14c: {  	(v2sf) =	vpush v17, $0x5;
	_ =	sdelay $0x1  }
0x14d: {  	(v2sf) =	vpush v17, $0x6;
	_ =	sdelay $0x1  }
0x14e: {  	(v2sf) =	vpush v17, $0x7  }
0x14f: {  	s28 =	spop (v2sf)  }
0x150: {  	(v2sf) =	vpush v17, $0x8;
	[tilespmem:s10], [sflag:$0x1] =	stream.strided.gather [hbm4b:s28+s8], $0x800, s9, s8, $0x38;
	[tilespmem:$0x1A200] =	vst v63  }
0x151: {  	s25 =	spop (v2sf);
	s28 =	simm.s32 $0xA00  }
0x152: {  	(v2sf) =	vpush v17, $0x9;
	[tilespmem:s28], [sflag:$0x1] =	stream.strided.gather [hbm4b:s25+s8], $0x800, s9, s8, $0x38;
	[tilespmem:$0x1A200] =	vst v63  }
0x153: {  	s25 =	spop (v2sf);
	s28 =	simm.s32 $0x1200  }
0x154: {  	(v2sf) =	vpush v17, $0xA;
	[tilespmem:s28], [sflag:$0x1] =	stream.strided.gather [hbm4b:s25+s8], $0x800, s9, s8, $0x38;
	[tilespmem:$0x1A200] =	vst v63  }
0x155: {  	s25 =	spop (v2sf);
	s28 =	simm.s32 $0x1A00  }
0x156: {  	(v2sf) =	vpush v17, $0xB;
	[tilespmem:s28], [sflag:$0x1] =	stream.strided.gather [hbm4b:s25+s8], $0x800, s9, s8, $0x38;
	[tilespmem:$0x1A200] =	vst v63  }
0x157: {  	s25 =	spop (v2sf);
	s28 =	simm.s32 $0x2200  }
0x158: {  	(v2sf) =	vpush v17, $0xC;
	[tilespmem:s28], [sflag:$0x1] =	stream.strided.gather [hbm4b:s25+s8], $0x800, s9, s8, $0x38;
	[tilespmem:$0x1A200] =	vst v63  }
0x159: {  	s25 =	spop (v2sf);
	s28 =	simm.s32 $0x2A00  }
0x15a: {  	(v2sf) =	vpush v17, $0xD;
	[tilespmem:s28], [sflag:$0x1] =	stream.strided.gather [hbm4b:s25+s8], $0x800, s9, s8, $0x38;
	[tilespmem:$0x1A200] =	vst v63  }
0x15b: {  	s25 =	spop (v2sf);
	s28 =	simm.s32 $0x3200  }
0x15c: {  	(v2sf) =	vpush v17, $0xE;
	[tilespmem:s28], [sflag:$0x1] =	stream.strided.gather [hbm4b:s25+s8], $0x800, s9, s8, $0x38;
	[tilespmem:$0x1A200] =	vst v63  }
0x15d: {  	s25 =	spop (v2sf);
	s28 =	simm.s32 $0x3A00  }
0x15e: {  	(v2sf) =	vpush v17, $0xF;
	[tilespmem:s28], [sflag:$0x1] =	stream.strided.gather [hbm4b:s25+s8], $0x800, s9, s8, $0x38;
	[tilespmem:$0x1A200] =	vst v63  }
0x15f: {  	s25 =	spop (v2sf);
	s28 =	simm.s32 $0x4200  }
0x160: {  	[tilespmem:s28], [sflag:$0x1] =	stream.strided.gather [hbm4b:s25+s8], $0x800, s9, s8, $0x38;
	[tilespmem:$0x1A200] =	vst v63  }
0x161: {  	s25 =	spop (v2sf);
	s28 =	simm.s32 $0x4A00  }
0x162: {  	[tilespmem:s28], [sflag:$0x1] =	stream.strided.gather [hbm4b:s25+s8], $0x800, s9, s8, $0x38;
	[tilespmem:$0x1A200] =	vst v63  }
0x163: {  	s25 =	spop (v2sf);
	s28 =	simm.s32 $0x5200  }
0x164: {  	[tilespmem:s28], [sflag:$0x1] =	stream.strided.gather [hbm4b:s25+s8], $0x800, s9, s8, $0x38;
	[tilespmem:$0x1A200] =	vst v63  }
0x165: {  	s25 =	spop (v2sf);
	s28 =	simm.s32 $0x5A00  }
0x166: {  	[tilespmem:s28], [sflag:$0x1] =	stream.strided.gather [hbm4b:s25+s8], $0x800, s9, s8, $0x38;
	[tilespmem:$0x1A200] =	vst v63  }
0x167: {  	s25 =	spop (v2sf);
	s28 =	simm.s32 $0x6200  }
0x168: {  	[tilespmem:s28], [sflag:$0x1] =	stream.strided.gather [hbm4b:s25+s8], $0x800, s9, s8, $0x38;
	[tilespmem:$0x1A200] =	vst v63  }
0x169: {  	s25 =	spop (v2sf);
	s28 =	simm.s32 $0x6A00  }
0x16a: {  	[tilespmem:s28], [sflag:$0x1] =	stream.strided.gather [hbm4b:s25+s8], $0x800, s9, s8, $0x38;
	[tilespmem:$0x1A200] =	vst v63  }
0x16b: {  	s28 =	spop (v2sf)  }
0x16c: {  	[tilespmem:s14], [sflag:$0x1] =	stream.strided.gather [hbm4b:s28+s8], $0x800, s9, s8, $0x38;
	[tilespmem:$0x1A200] =	vst v63  }
0x16d: {  	s25 =	spop (v2sf);
	s28 =	simm.s32 $0x7A00  }
0x16e: {  	[tilespmem:s28], [sflag:$0x1] =	stream.strided.gather [hbm4b:s25+s8], $0x800, s9, s8, $0x38;
	[tilespmem:$0x1A200] =	vst v63  }
0x16f: {  	_ =	swait.ge [sflag:s17], $0x800  }
0x170: {  	[sflag:s17] =	ssyncset.done $0x0  }
0x171: {  	[sflag:s17] =	ssyncadd.s32 $0xFFFFF800  }
0x172: {  	_ =	swait.ge [sflag:s17], $0x800  }
0x173: {  	[sflag:s17] =	ssyncset.done $0x0  }
0x174: {  	[sflag:s17] =	ssyncadd.s32 $0xFFFFF800  }
0x175: {  	_ =	swait.ge [sflag:s17], $0x800  }
0x176: {  	[sflag:s17] =	ssyncset.done $0x0  }
0x177: {  	[sflag:s17] =	ssyncadd.s32 $0xFFFFF800  }
0x178: {  	_ =	swait.ge [sflag:s17], $0x800  }
0x179: {  	[sflag:s17] =	ssyncset.done $0x0  }
0x17a: {  	[sflag:s17] =	ssyncadd.s32 $0xFFFFF800  }
0x17b: {  	_ =	swait.ge [sflag:s17], $0x800  }
0x17c: {  	[sflag:s17] =	ssyncset.done $0x0  }
0x17d: {  	[sflag:s17] =	ssyncadd.s32 $0xFFFFF800  }
0x17e: {  	_ =	swait.ge [sflag:s17], $0x800  }
0x17f: {  	[sflag:s17] =	ssyncset.done $0x0  }
0x180: {  	[sflag:s17] =	ssyncadd.s32 $0xFFFFF800  }
0x181: {  	_ =	swait.ge [sflag:s17], $0x800  }
0x182: {  	[sflag:s17] =	ssyncset.done $0x0  }
0x183: {  	[sflag:s17] =	ssyncadd.s32 $0xFFFFF800  }
0x184: {  	_ =	swait.ge [sflag:s17], $0x800  }
0x185: {  	[sflag:s17] =	ssyncset.done $0x0  }
0x186: {  	[sflag:s17] =	ssyncadd.s32 $0xFFFFF800  }
0x187: {  	_ =	swait.ge [sflag:s17], $0x800  }
0x188: {  	[sflag:s17] =	ssyncset.done $0x0  }
0x189: {  	[sflag:s17] =	ssyncadd.s32 $0xFFFFF800  }
0x18a: {  	_ =	swait.ge [sflag:s17], $0x800  }
0x18b: {  	[sflag:s17] =	ssyncset.done $0x0  }
0x18c: {  	[sflag:s17] =	ssyncadd.s32 $0xFFFFF800  }
0x18d: {  	_ =	swait.ge [sflag:s17], $0x800  }
0x18e: {  	[sflag:s17] =	ssyncset.done $0x0  }
0x18f: {  	[sflag:s17] =	ssyncadd.s32 $0xFFFFF800  }
0x190: {  	_ =	swait.ge [sflag:s17], $0x800  }
0x191: {  	[sflag:s17] =	ssyncset.done $0x0  }
0x192: {  	[sflag:s17] =	ssyncadd.s32 $0xFFFFF800  }
0x193: {  	_ =	swait.ge [sflag:s17], $0x800  }
0x194: {  	[sflag:s17] =	ssyncset.done $0x0  }
0x195: {  	[sflag:s17] =	ssyncadd.s32 $0xFFFFF800  }
0x196: {  	_ =	swait.ge [sflag:s17], $0x800  }
0x197: {  	[sflag:s17] =	ssyncset.done $0x0  }
0x198: {  	[sflag:s17] =	ssyncadd.s32 $0xFFFFF800  }
0x199: {  	_ =	swait.ge [sflag:s17], $0x800  }
0x19a: {  	[sflag:s17] =	ssyncset.done $0x0  }
0x19b: {  	[sflag:s17] =	ssyncadd.s32 $0xFFFFF800  }
0x19c: {  	_ =	swait.ge [sflag:s17], $0x800  }
0x19d: {  	[sflag:s17] =	ssyncset.done $0x0  }
0x19e: {  	[sflag:s17] =	ssyncadd.s32 $0xFFFFF800  }
0x19f: {  	v17 =	vld [tilespmem:s19+$0xFFFFFFF0];
	_ =	sdelay $0x4  }
0x1a0: {  	v17 =	vand.u32 $0x7F, v17  }
0x1a1: {  	v18 =	vor.u32 v0, v17  }
0x1a2: {  	v19 =	vor.u32 v2, v17  }
0x1a3: {  	v44 =	vor.u32 v3, v17  }
0x1a4: {  	v45 =	vor.u32 v4, v17  }
0x1a5: {  	v46 =	vor.u32 v5, v17  }
0x1a6: {  	v47 =	vor.u32 v6, v17;
	v18 =	vld.idx.msk [tilespmem:v18+s26+$0x0], $0xffff  }
0x1a7: {  	v48 =	vor.u32 v7, v17;
	v19 =	vld.idx.msk [tilespmem:v19+s26+$0x0], $0xffff  }
0x1a8: {  	v49 =	vor.u32 v8, v17;
	v20 =	vld.idx.msk [tilespmem:v44+s26+$0x0], $0xffff  }
0x1a9: {  	v50 =	vor.u32 v9, v17;
	v21 =	vld.idx.msk [tilespmem:v45+s26+$0x0], $0xffff  }
0x1aa: {  	v51 =	vor.u32 v10, v17;
	v22 =	vld.idx.msk [tilespmem:v46+s26+$0x0], $0xffff  }
0x1ab: {  	v52 =	vor.u32 v11, v17;
	v23 =	vld.idx.msk [tilespmem:v47+s26+$0x0], $0xffff  }
0x1ac: {  	v53 =	vor.u32 v12, v17;
	v24 =	vld.idx.msk [tilespmem:v48+s26+$0x0], $0xffff;
	v54 =	vmax.f32 v18, v19  }
0x1ad: {  	v55 =	vor.u32 v13, v17;
	v25 =	vld.idx.msk [tilespmem:v49+s26+$0x0], $0xffff;
	v30 =	vmax.f32 v54, v20  }
0x1ae: {  	v56 =	vor.u32 v14, v17;
	v26 =	vld.idx.msk [tilespmem:v50+s26+$0x0], $0xffff;
	v30 =	vmax.f32 v30, v21  }
0x1af: {  	v57 =	vor.u32 v15, v17;
	v27 =	vld.idx.msk [tilespmem:v51+s26+$0x0], $0xffff;
	v30 =	vmax.f32 v30, v22  }
0x1b0: {  	v17 =	vor.u32 v16, v17;
	v28 =	vld.idx.msk [tilespmem:v52+s26+$0x0], $0xffff;
	v30 =	vmax.f32 v30, v23  }
0x1b1: {  	v29 =	vld.idx.msk [tilespmem:v53+s26+$0x0], $0xffff;
	v30 =	vmax.f32 v30, v24  }
0x1b2: {  	v31 =	vld.idx.msk [tilespmem:v55+s26+$0x0], $0xffff;
	v30 =	vmax.f32 v30, v25  }
0x1b3: {  	v32 =	vld.idx.msk [tilespmem:v56+s26+$0x0], $0xffff;
	v30 =	vmax.f32 v30, v26  }
0x1b4: {  	v33 =	vld.idx.msk [tilespmem:v57+s26+$0x0], $0xffff;
	v30 =	vmax.f32 v30, v27  }
0x1b5: {  	v17 =	vld.idx.msk [tilespmem:v17+s26+$0x0], $0xffff;
	v30 =	vmax.f32 v30, v28  }
0x1b6: {  	v30 =	vmax.f32 v30, v29  }
0x1b7: {  	v30 =	vmax.f32 v30, v31  }
0x1b8: {  	v30 =	vmax.f32 v30, v32  }
0x1b9: {  	v30 =	vmax.f32 v30, v33  }
0x1ba: {  	v30 =	vmax.f32 v30, v17  }
0x1bb: {  	v18 =	vsub.f32 v18, v30  }
0x1bc: {  	v19 =	vsub.f32 v19, v30  }
0x1bd: {  	v18 =	vmul.f32 $1.442695020e+00, v18  }
0x1be: {  	v20 =	vsub.f32 v20, v30;
	v19 =	vmul.f32 $1.442695020e+00, v19  }
0x1bf: {  	(erf) = vpow2.f32 v18  }
0x1c0: {  	v18 =	vmul.f32 $1.442695020e+00, v20;
	(erf) = vpow2.f32 v19;
	v19 =	vsub.f32 v21, v30;
	_ =	sdelay $0x1  }
0x1c1: {  	(erf) = vpow2.f32 v18;
	v18 =	vmul.f32 $1.442695020e+00, v19;
	v19 =	vsub.f32 v22, v30;
	_ =	sdelay $0x1  }
0x1c2: {  	(erf) = vpow2.f32 v18;
	v18 =	vmul.f32 $1.442695020e+00, v19;
	v19 =	vsub.f32 v23, v30;
	_ =	sdelay $0x1  }
0x1c3: {  	(erf) = vpow2.f32 v18;
	v18 =	vmul.f32 $1.442695020e+00, v19;
	v19 =	vsub.f32 v24, v30;
	_ =	sdelay $0x1  }
0x1c4: {  	v58 =	vsub.f32 v25, v30  }
0x1c5: {  	v59 =	vpop (erf);
	(erf) = vpow2.f32 v18;
	v18 =	vmul.f32 $1.442695020e+00, v19  }
0x1c6: {  	v20 =	vmul.f32 $1.442695020e+00, v58;
	v19 =	vpop (erf)  }
0x1c7: {  	(erf) = vpow2.f32 v18;
	v18 =	vsub.f32 v26, v30;
	v60 =	vadd.f32 v19, v59  }
0x1c8: {  	v62 =	vsub.f32 v27, v30;
	v61 =	vpop (erf)  }
0x1c9: {  	(erf) = vpow2.f32 v20;
	v18 =	vmul.f32 $1.442695020e+00, v18;
	v22 =	vadd.f32 v60, v61  }
0x1ca: {  	v63 =	vpop (erf)  }
0x1cb: {  	(erf) = vpow2.f32 v18;
	v18 =	vmul.f32 $1.442695020e+00, v62;
	v36 =	vadd.f32 v22, v63  }
0x1cc: {  	v35 =	vsub.f32 v28, v30;
	v37 =	vpop (erf)  }
0x1cd: {  	(erf) = vpow2.f32 v18;
	v18 =	vsub.f32 v29, v30;
	v20 =	vadd.f32 v36, v37  }
0x1ce: {  	v25 =	vmul.f32 $1.442695020e+00, v35;
	v38 =	vpop (erf)  }
0x1cf: {  	v39 =	vsub.f32 v31, v30;
	v18 =	vmul.f32 $1.442695020e+00, v18;
	v20 =	vadd.f32 v20, v38  }
0x1d0: {  	(erf) = vpow2.f32 v25;
	v40 =	vpop (erf)  }
0x1d1: {  	(erf) = vpow2.f32 v18;
	v18 =	vmul.f32 $1.442695020e+00, v39;
	v20 =	vadd.f32 v20, v40  }
0x1d2: {  	v41 =	vsub.f32 v32, v30;
	v42 =	vpop (erf)  }
0x1d3: {  	(erf) = vpow2.f32 v18;
	v18 =	vsub.f32 v33, v30;
	v20 =	vadd.f32 v20, v42  }
0x1d4: {  	v28 =	vmul.f32 $1.442695020e+00, v41;
	v43 =	vpop (erf)  }
0x1d5: {  	v18 =	vmul.f32 $1.442695020e+00, v18;
	v20 =	vadd.f32 v20, v43  }
0x1d6: {  	v17 =	vsub.f32 v17, v30;
	(erf) = vpow2.f32 v28;
	v44 =	vpop (erf)  }
0x1d7: {  	(erf) = vpow2.f32 v18;
	v18 =	vadd.f32 v20, v44  }
0x1d8: {  	v17 =	vmul.f32 $1.442695020e+00, v17  }
0x1d9: {  	v45 =	vpop (erf)  }
0x1da: {  	(erf) = vpow2.f32 v17;
	v17 =	vadd.f32 v18, v45  }
0x1db: {  	v18 =	vpop (erf)  }
0x1dc: {  	v17 =	vadd.f32 v17, v18  }
0x1dd: {  	v46 =	vpop (erf)  }
0x1de: {  	v17 =	vadd.f32 v17, v46  }
0x1df: {  	v47 =	vpop (erf)  }
0x1e0: {  	v17 =	vadd.f32 v17, v47  }
0x1e1: {  	v48 =	vpop (erf)  }
0x1e2: {  	v17 =	vadd.f32 v17, v48  }
0x1e3: {  	v49 =	vpop (erf)  }
0x1e4: {  	v17 =	vadd.f32 v17, v49;
	_ =	sdelay $0x1  }
0x1e5: {  	(erf) = vrcp.f32 v17;
	_ =	sdelay $0x8  }
0x1e6: {  	s28 =	sadd.s32 $0x10, s22;
	s25 =	sadd.s32 $0x80, s23;
	v17 =	vpop (erf)  }
0x1e7: {  	s24 =	sand.u32 $0x70, s28;
	s28 =	sand.u32 $0x3C00, s25;
	v21 =	vmul.f32 v17, v59  }
0x1e8: {  	s24 =	sor.u32 s24, s28;
	v19 =	vmul.f32 v17, v19  }
0x1e9: {  	v50 =	vmul.f32 v17, v61;
	[tilespmem:s24+$0x18200] =	vst v21  }
0x1ea: {  	[tilespmem:s24+$0x18280] =	vst v19;
	v19 =	vmul.f32 v17, v63  }
0x1eb: {  	v51 =	vmul.f32 v17, v37;
	[tilespmem:s24+$0x18300] =	vst v50  }
0x1ec: {  	s28 =	sand.u32 $0x7, s21;
	[tilespmem:s24+$0x18380] =	vst v19;
	v19 =	vmul.f32 v17, v38  }
0x1ed: {  	s28 =	sshll.u32 s28, $0x4;
	v52 =	vmul.f32 v17, v40;
	[tilespmem:s24+$0x18400] =	vst v51  }
0x1ee: {  	s25 =	sadd.s32 s28, s25;
	[tilespmem:s24+$0x18480] =	vst v19;
	v19 =	vmul.f32 v17, v42  }
0x1ef: {  	s25 =	sor.u32 $0x380, s25;
	v53 =	vmul.f32 v17, v43;
	[tilespmem:s24+$0x18500] =	vst v52  }
0x1f0: {  	v20 =	vmul.f32 v17, v45;
	[tilespmem:s25+$0x18200] =	vst v19  }
0x1f1: {  	v19 =	vmul.f32 v17, v44;
	[tilespmem:s24+$0x19200] =	vst v53  }
0x1f2: {  	v18 =	vmul.f32 v17, v18;
	[tilespmem:s24+$0x19300] =	vst v20  }
0x1f3: {  	[tilespmem:s24+$0x19280] =	vst v19;
	v19 =	vmul.f32 v17, v46  }
0x1f4: {  	[tilespmem:s24+$0x19380] =	vst v18;
	v18 =	vmul.f32 v17, v47  }
0x1f5: {  	[tilespmem:s24+$0x19400] =	vst v19;
	v19 =	vmul.f32 v17, v48  }
0x1f6: {  	[tilespmem:s24+$0x19480] =	vst v18;
	v17 =	vmul.f32 v17, v49  }
0x1f7: {  	[tilespmem:s24+$0x19500] =	vst v19  }
0x1f8: {  	[tilespmem:s24+$0x19580] =	vst v17  }
0x1f9: {  	v17 =	vld [tilespmem:s19+$0x20];
	_ =	sdelay $0x4  }
0x1fa: {  	v18 =	vshra.s32 v17, $0x1F;
	v19 =	vand.u32 $0x7F, v17  }
0x1fb: {  	vm14 =	vlt.s32 v17, $0x1;
	v18 =	vshrl.u32 v18, $0x19;
	vm15 =	vne.s32 v19, $0x0  }
0x1fc: {  	v17 =	vadd.s32 v18, v17;
	vm0 =	vmand vm14, vm15  }
0x1fd: {  	v17 =	vshrl.u32 v17, $0x7;
	v18 =	vsel vm0, $0xFFFFFFFF, v1  }
0x1fe: {  	v17 =	vadd.s32 v18, v17  }
0x1ff: {  	v17 =	vshll.u32 v17, $0x7  }
0x200: {  	v17 =	vadd.s32 s2, v17  }
0x201: {  	(v2sf) =	vpush v17, $0x0;
	_ =	sdelay $0x1  }
0x202: {  	(v2sf) =	vpush v17, $0x1;
	_ =	sdelay $0x1  }
0x203: {  	(v2sf) =	vpush v17, $0x2;
	_ =	sdelay $0x1  }
0x204: {  	(v2sf) =	vpush v17, $0x3;
	_ =	sdelay $0x1  }
0x205: {  	(v2sf) =	vpush v17, $0x4;
	_ =	sdelay $0x1  }
0x206: {  	(v2sf) =	vpush v17, $0x5;
	_ =	sdelay $0x1  }
0x207: {  	(v2sf) =	vpush v17, $0x6;
	_ =	sdelay $0x1  }
0x208: {  	(v2sf) =	vpush v17, $0x7  }
0x209: {  	s28 =	spop (v2sf)  }
0x20a: {  	(v2sf) =	vpush v17, $0x8;
	[tilespmem:s26], [sflag:$0x2] =	stream.strided.gather [hbm4b:s28+s8], $0x800, s9, s8, $0x38;
	[tilespmem:$0x1A200] =	vst v63  }
0x20b: {  	s25 =	spop (v2sf)  }
0x20c: {  	(v2sf) =	vpush v17, $0x9;
	[tilespmem:s30], [sflag:$0x2] =	stream.strided.gather [hbm4b:s25+s8], $0x800, s9, s8, $0x38;
	[tilespmem:$0x1A200] =	vst v63  }
0x20d: {  	s28 =	spop (v2sf)  }
0x20e: {  	(v2sf) =	vpush v17, $0xA;
	[tilespmem:s31], [sflag:$0x2] =	stream.strided.gather [hbm4b:s28+s8], $0x800, s9, s8, $0x38;
	[tilespmem:$0x1A200] =	vst v63  }
0x20f: {  	s25 =	spop (v2sf);
	s28 =	simm.s32 $0x9A00  }
0x210: {  	(v2sf) =	vpush v17, $0xB;
	[tilespmem:s28], [sflag:$0x2] =	stream.strided.gather [hbm4b:s25+s8], $0x800, s9, s8, $0x38;
	[tilespmem:$0x1A200] =	vst v63  }
0x211: {  	s25 =	spop (v2sf)  }
0x212: {  	(v2sf) =	vpush v17, $0xC;
	[tilespmem:s0], [sflag:$0x2] =	stream.strided.gather [hbm4b:s25+s8], $0x800, s9, s8, $0x38;
	[tilespmem:$0x1A200] =	vst v63  }
0x213: {  	s28 =	spop (v2sf)  }
0x214: {  	(v2sf) =	vpush v17, $0xD;
	[tilespmem:s29], [sflag:$0x2] =	stream.strided.gather [hbm4b:s28+s8], $0x800, s9, s8, $0x38;
	[tilespmem:$0x1A200] =	vst v63  }
0x215: {  	s25 =	spop (v2sf);
	s28 =	simm.s32 $0xB200  }
0x216: {  	(v2sf) =	vpush v17, $0xE;
	[tilespmem:s28], [sflag:$0x2] =	stream.strided.gather [hbm4b:s25+s8], $0x800, s9, s8, $0x38;
	[tilespmem:$0x1A200] =	vst v63  }
0x217: {  	s25 =	spop (v2sf)  }
0x218: {  	(v2sf) =	vpush v17, $0xF;
	[tilespmem:s3], [sflag:$0x2] =	stream.strided.gather [hbm4b:s25+s8], $0x800, s9, s8, $0x38;
	[tilespmem:$0x1A200] =	vst v63  }
0x219: {  	s28 =	spop (v2sf)  }
0x21a: {  	[tilespmem:s1], [sflag:$0x2] =	stream.strided.gather [hbm4b:s28+s8], $0x800, s9, s8, $0x38;
	[tilespmem:$0x1A200] =	vst v63  }
0x21b: {  	s25 =	spop (v2sf)  }
0x21c: {  	[tilespmem:s4], [sflag:$0x2] =	stream.strided.gather [hbm4b:s25+s8], $0x800, s9, s8, $0x38;
	[tilespmem:$0x1A200] =	vst v63  }
0x21d: {  	s28 =	spop (v2sf)  }
0x21e: {  	[tilespmem:s5], [sflag:$0x2] =	stream.strided.gather [hbm4b:s28+s8], $0x800, s9, s8, $0x38;
	[tilespmem:$0x1A200] =	vst v63  }
0x21f: {  	s25 =	spop (v2sf)  }
0x220: {  	[tilespmem:s6], [sflag:$0x2] =	stream.strided.gather [hbm4b:s25+s8], $0x800, s9, s8, $0x38;
	[tilespmem:$0x1A200] =	vst v63  }
0x221: {  	s28 =	spop (v2sf)  }
0x222: {  	[tilespmem:s7], [sflag:$0x2] =	stream.strided.gather [hbm4b:s28+s8], $0x800, s9, s8, $0x38;
	[tilespmem:$0x1A200] =	vst v63  }
0x223: {  	s25 =	spop (v2sf)  }
0x224: {  	[tilespmem:s11], [sflag:$0x2] =	stream.strided.gather [hbm4b:s25+s8], $0x800, s9, s8, $0x38;
	[tilespmem:$0x1A200] =	vst v63  }
0x225: {  	s28 =	spop (v2sf)  }
0x226: {  	[tilespmem:s12], [sflag:$0x2] =	stream.strided.gather [hbm4b:s28+s8], $0x800, s9, s8, $0x38;
	[tilespmem:$0x1A200] =	vst v63  }
0x227: {  	s25 =	spop (v2sf)  }
0x228: {  	[tilespmem:s13], [sflag:$0x2] =	stream.strided.gather [hbm4b:s25+s8], $0x800, s9, s8, $0x38;
	[tilespmem:$0x1A200] =	vst v63  }
0x229: {  	_ =	swait.ge [sflag:s18], $0x800  }
0x22a: {  	[sflag:s18] =	ssyncset.done $0x0  }
0x22b: {  	[sflag:s18] =	ssyncadd.s32 $0xFFFFF800  }
0x22c: {  	_ =	swait.ge [sflag:s18], $0x800  }
0x22d: {  	[sflag:s18] =	ssyncset.done $0x0  }
0x22e: {  	[sflag:s18] =	ssyncadd.s32 $0xFFFFF800  }
0x22f: {  	_ =	swait.ge [sflag:s18], $0x800  }
0x230: {  	[sflag:s18] =	ssyncset.done $0x0  }
0x231: {  	[sflag:s18] =	ssyncadd.s32 $0xFFFFF800  }
0x232: {  	_ =	swait.ge [sflag:s18], $0x800  }
0x233: {  	[sflag:s18] =	ssyncset.done $0x0  }
0x234: {  	[sflag:s18] =	ssyncadd.s32 $0xFFFFF800  }
0x235: {  	_ =	swait.ge [sflag:s18], $0x800  }
0x236: {  	[sflag:s18] =	ssyncset.done $0x0  }
0x237: {  	[sflag:s18] =	ssyncadd.s32 $0xFFFFF800  }
0x238: {  	_ =	swait.ge [sflag:s18], $0x800  }
0x239: {  	[sflag:s18] =	ssyncset.done $0x0  }
0x23a: {  	[sflag:s18] =	ssyncadd.s32 $0xFFFFF800  }
0x23b: {  	_ =	swait.ge [sflag:s18], $0x800  }
0x23c: {  	[sflag:s18] =	ssyncset.done $0x0  }
0x23d: {  	[sflag:s18] =	ssyncadd.s32 $0xFFFFF800  }
0x23e: {  	_ =	swait.ge [sflag:s18], $0x800  }
0x23f: {  	[sflag:s18] =	ssyncset.done $0x0  }
0x240: {  	[sflag:s18] =	ssyncadd.s32 $0xFFFFF800  }
0x241: {  	_ =	swait.ge [sflag:s18], $0x800  }
0x242: {  	[sflag:s18] =	ssyncset.done $0x0  }
0x243: {  	[sflag:s18] =	ssyncadd.s32 $0xFFFFF800  }
0x244: {  	_ =	swait.ge [sflag:s18], $0x800  }
0x245: {  	[sflag:s18] =	ssyncset.done $0x0  }
0x246: {  	[sflag:s18] =	ssyncadd.s32 $0xFFFFF800  }
0x247: {  	_ =	swait.ge [sflag:s18], $0x800  }
0x248: {  	[sflag:s18] =	ssyncset.done $0x0  }
0x249: {  	[sflag:s18] =	ssyncadd.s32 $0xFFFFF800  }
0x24a: {  	_ =	swait.ge [sflag:s18], $0x800  }
0x24b: {  	[sflag:s18] =	ssyncset.done $0x0  }
0x24c: {  	[sflag:s18] =	ssyncadd.s32 $0xFFFFF800  }
0x24d: {  	_ =	swait.ge [sflag:s18], $0x800  }
0x24e: {  	[sflag:s18] =	ssyncset.done $0x0  }
0x24f: {  	[sflag:s18] =	ssyncadd.s32 $0xFFFFF800  }
0x250: {  	_ =	swait.ge [sflag:s18], $0x800  }
0x251: {  	[sflag:s18] =	ssyncset.done $0x0  }
0x252: {  	[sflag:s18] =	ssyncadd.s32 $0xFFFFF800  }
0x253: {  	_ =	swait.ge [sflag:s18], $0x800  }
0x254: {  	[sflag:s18] =	ssyncset.done $0x0  }
0x255: {  	[sflag:s18] =	ssyncadd.s32 $0xFFFFF800  }
0x256: {  	_ =	swait.ge [sflag:s18], $0x800  }
0x257: {  	[sflag:s18] =	ssyncset.done $0x0  }
0x258: {  	[sflag:s18] =	ssyncadd.s32 $0xFFFFF800  }
0x259: {  	v17 =	vld [tilespmem:s19+$0x0];
	_ =	sdelay $0x4  }
0x25a: {  	v17 =	vand.u32 $0x7F, v17  }
0x25b: {  	v18 =	vor.u32 v0, v17  }
0x25c: {  	v19 =	vor.u32 v2, v17  }
0x25d: {  	v54 =	vor.u32 v3, v17  }
0x25e: {  	v55 =	vor.u32 v4, v17  }
0x25f: {  	v56 =	vor.u32 v5, v17  }
0x260: {  	v57 =	vor.u32 v6, v17;
	v18 =	vld.idx.msk [tilespmem:v18+s15+$0x0], $0xffff  }
0x261: {  	v58 =	vor.u32 v7, v17;
	v19 =	vld.idx.msk [tilespmem:v19+s15+$0x0], $0xffff  }
0x262: {  	v59 =	vor.u32 v8, v17;
	v20 =	vld.idx.msk [tilespmem:v54+s15+$0x0], $0xffff  }
0x263: {  	v60 =	vor.u32 v9, v17;
	v21 =	vld.idx.msk [tilespmem:v55+s15+$0x0], $0xffff  }
0x264: {  	v61 =	vor.u32 v10, v17;
	v22 =	vld.idx.msk [tilespmem:v56+s15+$0x0], $0xffff  }
0x265: {  	v62 =	vor.u32 v11, v17;
	v23 =	vld.idx.msk [tilespmem:v57+s15+$0x0], $0xffff  }
0x266: {  	v63 =	vor.u32 v12, v17;
	v24 =	vld.idx.msk [tilespmem:v58+s15+$0x0], $0xffff;
	v35 =	vmax.f32 v18, v19  }
0x267: {  	v36 =	vor.u32 v13, v17;
	v25 =	vld.idx.msk [tilespmem:v59+s15+$0x0], $0xffff;
	v30 =	vmax.f32 v35, v20  }
0x268: {  	v37 =	vor.u32 v14, v17;
	v26 =	vld.idx.msk [tilespmem:v60+s15+$0x0], $0xffff;
	v30 =	vmax.f32 v30, v21  }
0x269: {  	v38 =	vor.u32 v15, v17;
	v27 =	vld.idx.msk [tilespmem:v61+s15+$0x0], $0xffff;
	v30 =	vmax.f32 v30, v22  }
0x26a: {  	v17 =	vor.u32 v16, v17;
	v28 =	vld.idx.msk [tilespmem:v62+s15+$0x0], $0xffff;
	v30 =	vmax.f32 v30, v23  }
0x26b: {  	v29 =	vld.idx.msk [tilespmem:v63+s15+$0x0], $0xffff;
	v30 =	vmax.f32 v30, v24  }
0x26c: {  	v31 =	vld.idx.msk [tilespmem:v36+s15+$0x0], $0xffff;
	v30 =	vmax.f32 v30, v25  }
0x26d: {  	v32 =	vld.idx.msk [tilespmem:v37+s15+$0x0], $0xffff;
	v30 =	vmax.f32 v30, v26  }
0x26e: {  	v33 =	vld.idx.msk [tilespmem:v38+s15+$0x0], $0xffff;
	v30 =	vmax.f32 v30, v27  }
0x26f: {  	v17 =	vld.idx.msk [tilespmem:v17+s15+$0x0], $0xffff;
	v30 =	vmax.f32 v30, v28  }
0x270: {  	v30 =	vmax.f32 v30, v29  }
0x271: {  	v30 =	vmax.f32 v30, v31  }
0x272: {  	v30 =	vmax.f32 v30, v32  }
0x273: {  	v30 =	vmax.f32 v30, v33  }
0x274: {  	v30 =	vmax.f32 v30, v17  }
0x275: {  	v18 =	vsub.f32 v18, v30  }
0x276: {  	v19 =	vsub.f32 v19, v30  }
0x277: {  	v18 =	vmul.f32 $1.442695020e+00, v18  }
0x278: {  	v20 =	vsub.f32 v20, v30;
	v19 =	vmul.f32 $1.442695020e+00, v19  }
0x279: {  	(erf) = vpow2.f32 v18  }
0x27a: {  	v18 =	vmul.f32 $1.442695020e+00, v20;
	(erf) = vpow2.f32 v19;
	v19 =	vsub.f32 v21, v30;
	_ =	sdelay $0x1  }
0x27b: {  	(erf) = vpow2.f32 v18;
	v18 =	vmul.f32 $1.442695020e+00, v19;
	v19 =	vsub.f32 v22, v30;
	_ =	sdelay $0x1  }
0x27c: {  	(erf) = vpow2.f32 v18;
	v18 =	vmul.f32 $1.442695020e+00, v19;
	v19 =	vsub.f32 v23, v30;
	_ =	sdelay $0x1  }
0x27d: {  	(erf) = vpow2.f32 v18;
	v18 =	vmul.f32 $1.442695020e+00, v19;
	v19 =	vsub.f32 v24, v30;
	_ =	sdelay $0x1  }
0x27e: {  	v39 =	vsub.f32 v25, v30  }
0x27f: {  	v40 =	vpop (erf);
	(erf) = vpow2.f32 v18;
	v18 =	vmul.f32 $1.442695020e+00, v19  }
0x280: {  	v20 =	vmul.f32 $1.442695020e+00, v39;
	v19 =	vpop (erf)  }
0x281: {  	(erf) = vpow2.f32 v18;
	v18 =	vsub.f32 v26, v30;
	v41 =	vadd.f32 v19, v40  }
0x282: {  	v43 =	vsub.f32 v27, v30;
	v42 =	vpop (erf)  }
0x283: {  	(erf) = vpow2.f32 v20;
	v18 =	vmul.f32 $1.442695020e+00, v18;
	v22 =	vadd.f32 v41, v42  }
0x284: {  	v44 =	vpop (erf)  }
0x285: {  	(erf) = vpow2.f32 v18;
	v18 =	vmul.f32 $1.442695020e+00, v43;
	v46 =	vadd.f32 v22, v44  }
0x286: {  	v45 =	vsub.f32 v28, v30;
	v47 =	vpop (erf)  }
0x287: {  	(erf) = vpow2.f32 v18;
	v18 =	vsub.f32 v29, v30;
	v20 =	vadd.f32 v46, v47  }
0x288: {  	v25 =	vmul.f32 $1.442695020e+00, v45;
	v48 =	vpop (erf)  }
0x289: {  	v49 =	vsub.f32 v31, v30;
	v18 =	vmul.f32 $1.442695020e+00, v18;
	v20 =	vadd.f32 v20, v48  }
0x28a: {  	(erf) = vpow2.f32 v25;
	v50 =	vpop (erf)  }
0x28b: {  	(erf) = vpow2.f32 v18;
	v18 =	vmul.f32 $1.442695020e+00, v49;
	v20 =	vadd.f32 v20, v50  }
0x28c: {  	v51 =	vsub.f32 v32, v30;
	v52 =	vpop (erf)  }
0x28d: {  	(erf) = vpow2.f32 v18;
	v18 =	vsub.f32 v33, v30;
	v20 =	vadd.f32 v20, v52  }
0x28e: {  	v28 =	vmul.f32 $1.442695020e+00, v51;
	v53 =	vpop (erf)  }
0x28f: {  	v18 =	vmul.f32 $1.442695020e+00, v18;
	v20 =	vadd.f32 v20, v53  }
0x290: {  	v17 =	vsub.f32 v17, v30;
	(erf) = vpow2.f32 v28;
	v54 =	vpop (erf)  }
0x291: {  	(erf) = vpow2.f32 v18;
	v18 =	vadd.f32 v20, v54  }
0x292: {  	v17 =	vmul.f32 $1.442695020e+00, v17  }
0x293: {  	v55 =	vpop (erf)  }
0x294: {  	(erf) = vpow2.f32 v17;
	v17 =	vadd.f32 v18, v55  }
0x295: {  	v18 =	vpop (erf)  }
0x296: {  	v17 =	vadd.f32 v17, v18  }
0x297: {  	v56 =	vpop (erf)  }
0x298: {  	v17 =	vadd.f32 v17, v56  }
0x299: {  	v57 =	vpop (erf)  }
0x29a: {  	v17 =	vadd.f32 v17, v57  }
0x29b: {  	v58 =	vpop (erf)  }
0x29c: {  	v17 =	vadd.f32 v17, v58  }
0x29d: {  	v59 =	vpop (erf)  }
0x29e: {  	v17 =	vadd.f32 v17, v59;
	_ =	sdelay $0x1  }
0x29f: {  	(erf) = vrcp.f32 v17;
	_ =	sdelay $0x8  }
0x2a0: {  	s28 =	sadd.s32 $0x20, s22;
	s25 =	sadd.s32 $0x100, s23;
	v17 =	vpop (erf)  }
0x2a1: {  	s24 =	sand.u32 $0x70, s28;
	s28 =	sand.u32 $0x3C00, s25;
	v21 =	vmul.f32 v17, v40  }
0x2a2: {  	s24 =	sor.u32 s24, s28;
	v19 =	vmul.f32 v17, v19  }
0x2a3: {  	v60 =	vmul.f32 v17, v42;
	[tilespmem:s24+$0x18200] =	vst v21  }
0x2a4: {  	[tilespmem:s24+$0x18280] =	vst v19;
	v19 =	vmul.f32 v17, v44  }
0x2a5: {  	v61 =	vmul.f32 v17, v47;
	[tilespmem:s24+$0x18300] =	vst v60  }
0x2a6: {  	s28 =	sand.u32 $0x7, s20;
	[tilespmem:s24+$0x18380] =	vst v19;
	v19 =	vmul.f32 v17, v48  }
0x2a7: {  	s28 =	sshll.u32 s28, $0x4;
	v62 =	vmul.f32 v17, v50;
	[tilespmem:s24+$0x18400] =	vst v61  }
0x2a8: {  	s25 =	sadd.s32 s28, s25;
	[tilespmem:s24+$0x18480] =	vst v19;
	v19 =	vmul.f32 v17, v52  }
0x2a9: {  	s25 =	sor.u32 $0x380, s25;
	v63 =	vmul.f32 v17, v53;
	[tilespmem:s24+$0x18500] =	vst v62  }
0x2aa: {  	v20 =	vmul.f32 v17, v55;
	[tilespmem:s25+$0x18200] =	vst v19  }
0x2ab: {  	v19 =	vmul.f32 v17, v54;
	[tilespmem:s24+$0x19200] =	vst v63  }
0x2ac: {  	v18 =	vmul.f32 v17, v18;
	[tilespmem:s24+$0x19300] =	vst v20  }
0x2ad: {  	p0 =	sne.s32 s23, $0xD80;
	[tilespmem:s24+$0x19280] =	vst v19;
	v19 =	vmul.f32 v17, v56  }
.Ltmp0:
0x2ae: {  	[tilespmem:s24+$0x19380] =	vst v18;
	v18 =	vmul.f32 v17, v57;
	(pc) =	sbr.rel @p0 .LBB2_2-.Ltmp0, $4  }
0x2af: {  	[tilespmem:s24+$0x19400] =	vst v19;
	v19 =	vmul.f32 v17, v58  }
0x2b0: {  	[tilespmem:s24+$0x19480] =	vst v18;
	v17 =	vmul.f32 v17, v59  }
0x2b1: {  	s21 =	sadd.s32 $0x3, s21;
	s22 =	sadd.s32 $0x30, s22;
	[tilespmem:s24+$0x19500] =	vst v19  }
0x2b2: {  	s23 =	sadd.s32 $0x180, s23;
	s20 =	sadd.s32 $0x3, s20;
	s19 =	sadd.s32 $0x30, s19;
	[tilespmem:s24+$0x19580] =	vst v17  }
0x2b3: {  	_ =	swait.ge [sflag:s16], $0x800  }
0x2b4: {  	[sflag:s16] =	ssyncset.done $0x0  }
0x2b5: {  	[sflag:s16] =	ssyncadd.s32 $0xFFFFF800  }
0x2b6: {  	_ =	swait.ge [sflag:s16], $0x800  }
0x2b7: {  	[sflag:s16] =	ssyncset.done $0x0  }
0x2b8: {  	[sflag:s16] =	ssyncadd.s32 $0xFFFFF800  }
0x2b9: {  	_ =	swait.ge [sflag:s16], $0x800  }
0x2ba: {  	[sflag:s16] =	ssyncset.done $0x0  }
0x2bb: {  	[sflag:s16] =	ssyncadd.s32 $0xFFFFF800  }
0x2bc: {  	_ =	swait.ge [sflag:s16], $0x800  }
0x2bd: {  	[sflag:s16] =	ssyncset.done $0x0  }
0x2be: {  	[sflag:s16] =	ssyncadd.s32 $0xFFFFF800  }
0x2bf: {  	_ =	swait.ge [sflag:s16], $0x800  }
0x2c0: {  	[sflag:s16] =	ssyncset.done $0x0  }
0x2c1: {  	[sflag:s16] =	ssyncadd.s32 $0xFFFFF800  }
0x2c2: {  	_ =	swait.ge [sflag:s16], $0x800  }
0x2c3: {  	[sflag:s16] =	ssyncset.done $0x0  }
0x2c4: {  	[sflag:s16] =	ssyncadd.s32 $0xFFFFF800  }
0x2c5: {  	_ =	swait.ge [sflag:s16], $0x800  }
0x2c6: {  	[sflag:s16] =	ssyncset.done $0x0  }
0x2c7: {  	[sflag:s16] =	ssyncadd.s32 $0xFFFFF800  }
0x2c8: {  	_ =	swait.ge [sflag:s16], $0x800  }
0x2c9: {  	[sflag:s16] =	ssyncset.done $0x0  }
0x2ca: {  	[sflag:s16] =	ssyncadd.s32 $0xFFFFF800  }
0x2cb: {  	_ =	swait.ge [sflag:s16], $0x800  }
0x2cc: {  	[sflag:s16] =	ssyncset.done $0x0  }
0x2cd: {  	[sflag:s16] =	ssyncadd.s32 $0xFFFFF800  }
0x2ce: {  	_ =	swait.ge [sflag:s16], $0x800  }
0x2cf: {  	[sflag:s16] =	ssyncset.done $0x0  }
0x2d0: {  	[sflag:s16] =	ssyncadd.s32 $0xFFFFF800  }
0x2d1: {  	_ =	swait.ge [sflag:s16], $0x800  }
0x2d2: {  	[sflag:s16] =	ssyncset.done $0x0  }
0x2d3: {  	[sflag:s16] =	ssyncadd.s32 $0xFFFFF800  }
0x2d4: {  	_ =	swait.ge [sflag:s16], $0x800  }
0x2d5: {  	[sflag:s16] =	ssyncset.done $0x0  }
0x2d6: {  	[sflag:s16] =	ssyncadd.s32 $0xFFFFF800  }
0x2d7: {  	_ =	swait.ge [sflag:s16], $0x800  }
0x2d8: {  	[sflag:s16] =	ssyncset.done $0x0  }
0x2d9: {  	[sflag:s16] =	ssyncadd.s32 $0xFFFFF800  }
0x2da: {  	_ =	swait.ge [sflag:s16], $0x800  }
0x2db: {  	[sflag:s16] =	ssyncset.done $0x0  }
0x2dc: {  	[sflag:s16] =	ssyncadd.s32 $0xFFFFF800  }
0x2dd: {  	_ =	swait.ge [sflag:s16], $0x800  }
0x2de: {  	[sflag:s16] =	ssyncset.done $0x0  }
0x2df: {  	[sflag:s16] =	ssyncadd.s32 $0xFFFFF800  }
0x2e0: {  	_ =	swait.ge [sflag:s16], $0x800  }
0x2e1: {  	[sflag:s16] =	ssyncset.done $0x0  }
0x2e2: {  	[sflag:s16] =	ssyncadd.s32 $0xFFFFF800  }
0x2e3: {  	v17 =	vld [tilespmem:$0x1E0];
	_ =	sdelay $0x4  }
0x2e4: {  	v17 =	vand.u32 $0x7F, v17  }
0x2e5: {  	v18 =	vor.u32 v0, v17  }
0x2e6: {  	v19 =	vor.u32 v2, v17  }
0x2e7: {  	v20 =	vor.u32 v3, v17  }
0x2e8: {  	v21 =	vor.u32 v4, v17  }
0x2e9: {  	v22 =	vor.u32 v5, v17  }
0x2ea: {  	v23 =	vor.u32 v6, v17;
	v18 =	vld.idx.msk [tilespmem:v18+s10+$0x0], $0xffff  }
0x2eb: {  	v24 =	vor.u32 v7, v17;
	v19 =	vld.idx.msk [tilespmem:v19+s10+$0x0], $0xffff  }
0x2ec: {  	v25 =	vor.u32 v8, v17;
	v20 =	vld.idx.msk [tilespmem:v20+s10+$0x0], $0xffff  }
0x2ed: {  	v26 =	vor.u32 v9, v17;
	v21 =	vld.idx.msk [tilespmem:v21+s10+$0x0], $0xffff  }
0x2ee: {  	v27 =	vor.u32 v10, v17;
	v22 =	vld.idx.msk [tilespmem:v22+s10+$0x0], $0xffff  }
0x2ef: {  	v28 =	vor.u32 v11, v17;
	v23 =	vld.idx.msk [tilespmem:v23+s10+$0x0], $0xffff  }
0x2f0: {  	v29 =	vor.u32 v12, v17;
	v24 =	vld.idx.msk [tilespmem:v24+s10+$0x0], $0xffff;
	v30 =	vmax.f32 v18, v19  }
0x2f1: {  	v31 =	vor.u32 v13, v17;
	v25 =	vld.idx.msk [tilespmem:v25+s10+$0x0], $0xffff;
	v30 =	vmax.f32 v30, v20  }
0x2f2: {  	v32 =	vor.u32 v14, v17;
	v26 =	vld.idx.msk [tilespmem:v26+s10+$0x0], $0xffff;
	v30 =	vmax.f32 v30, v21  }
0x2f3: {  	v33 =	vor.u32 v15, v17;
	v27 =	vld.idx.msk [tilespmem:v27+s10+$0x0], $0xffff;
	v30 =	vmax.f32 v30, v22  }
0x2f4: {  	v17 =	vor.u32 v16, v17;
	v28 =	vld.idx.msk [tilespmem:v28+s10+$0x0], $0xffff;
	v30 =	vmax.f32 v30, v23  }
0x2f5: {  	v29 =	vld.idx.msk [tilespmem:v29+s10+$0x0], $0xffff;
	v30 =	vmax.f32 v30, v24  }
0x2f6: {  	v31 =	vld.idx.msk [tilespmem:v31+s10+$0x0], $0xffff;
	v30 =	vmax.f32 v30, v25  }
0x2f7: {  	v32 =	vld.idx.msk [tilespmem:v32+s10+$0x0], $0xffff;
	v30 =	vmax.f32 v30, v26  }
0x2f8: {  	v33 =	vld.idx.msk [tilespmem:v33+s10+$0x0], $0xffff;
	v30 =	vmax.f32 v30, v27  }
0x2f9: {  	v17 =	vld.idx.msk [tilespmem:v17+s10+$0x0], $0xffff;
	v30 =	vmax.f32 v30, v28  }
0x2fa: {  	v30 =	vmax.f32 v30, v29  }
0x2fb: {  	v30 =	vmax.f32 v30, v31  }
0x2fc: {  	v30 =	vmax.f32 v30, v32  }
0x2fd: {  	v30 =	vmax.f32 v30, v33  }
0x2fe: {  	v30 =	vmax.f32 v30, v17  }
0x2ff: {  	v18 =	vsub.f32 v18, v30  }
0x300: {  	v19 =	vsub.f32 v19, v30  }
0x301: {  	v18 =	vmul.f32 $1.442695020e+00, v18  }
0x302: {  	v20 =	vsub.f32 v20, v30;
	v19 =	vmul.f32 $1.442695020e+00, v19  }
0x303: {  	(erf) = vpow2.f32 v18  }
0x304: {  	v18 =	vmul.f32 $1.442695020e+00, v20;
	(erf) = vpow2.f32 v19;
	v19 =	vsub.f32 v21, v30;
	_ =	sdelay $0x1  }
0x305: {  	(erf) = vpow2.f32 v18;
	v18 =	vmul.f32 $1.442695020e+00, v19;
	v19 =	vsub.f32 v22, v30;
	_ =	sdelay $0x1  }
0x306: {  	(erf) = vpow2.f32 v18;
	v18 =	vmul.f32 $1.442695020e+00, v19;
	v19 =	vsub.f32 v23, v30;
	_ =	sdelay $0x1  }
0x307: {  	(erf) = vpow2.f32 v18;
	v18 =	vmul.f32 $1.442695020e+00, v19;
	v19 =	vsub.f32 v24, v30;
	_ =	sdelay $0x1  }
0x308: {  	v58 =	vsub.f32 v25, v30  }
0x309: {  	v59 =	vpop (erf);
	(erf) = vpow2.f32 v18;
	v18 =	vmul.f32 $1.442695020e+00, v19  }
0x30a: {  	v20 =	vmul.f32 $1.442695020e+00, v58;
	v19 =	vpop (erf)  }
0x30b: {  	(erf) = vpow2.f32 v18;
	v18 =	vsub.f32 v26, v30;
	v60 =	vadd.f32 v19, v59  }
0x30c: {  	v62 =	vsub.f32 v27, v30;
	v61 =	vpop (erf)  }
0x30d: {  	(erf) = vpow2.f32 v20;
	v18 =	vmul.f32 $1.442695020e+00, v18;
	v22 =	vadd.f32 v60, v61  }
0x30e: {  	v63 =	vpop (erf)  }
0x30f: {  	(erf) = vpow2.f32 v18;
	v18 =	vmul.f32 $1.442695020e+00, v62;
	v36 =	vadd.f32 v22, v63  }
0x310: {  	v35 =	vsub.f32 v28, v30;
	v37 =	vpop (erf)  }
0x311: {  	(erf) = vpow2.f32 v18;
	v18 =	vsub.f32 v29, v30;
	v20 =	vadd.f32 v36, v37  }
0x312: {  	v25 =	vmul.f32 $1.442695020e+00, v35;
	v38 =	vpop (erf)  }
0x313: {  	v39 =	vsub.f32 v31, v30;
	v18 =	vmul.f32 $1.442695020e+00, v18;
	v20 =	vadd.f32 v20, v38  }
0x314: {  	(erf) = vpow2.f32 v25;
	v40 =	vpop (erf)  }
0x315: {  	(erf) = vpow2.f32 v18;
	v18 =	vmul.f32 $1.442695020e+00, v39;
	v20 =	vadd.f32 v20, v40  }
0x316: {  	v41 =	vsub.f32 v32, v30;
	v42 =	vpop (erf)  }
0x317: {  	(erf) = vpow2.f32 v18;
	v18 =	vsub.f32 v33, v30;
	v20 =	vadd.f32 v20, v42  }
0x318: {  	v28 =	vmul.f32 $1.442695020e+00, v41;
	v43 =	vpop (erf)  }
0x319: {  	v18 =	vmul.f32 $1.442695020e+00, v18;
	v20 =	vadd.f32 v20, v43  }
0x31a: {  	v17 =	vsub.f32 v17, v30;
	(erf) = vpow2.f32 v28;
	v44 =	vpop (erf)  }
0x31b: {  	(erf) = vpow2.f32 v18;
	v18 =	vadd.f32 v20, v44  }
0x31c: {  	v17 =	vmul.f32 $1.442695020e+00, v17  }
0x31d: {  	v45 =	vpop (erf)  }
0x31e: {  	(erf) = vpow2.f32 v17;
	v17 =	vadd.f32 v18, v45  }
0x31f: {  	v18 =	vpop (erf)  }
0x320: {  	v17 =	vadd.f32 v17, v18  }
0x321: {  	v46 =	vpop (erf)  }
0x322: {  	v17 =	vadd.f32 v17, v46  }
0x323: {  	v47 =	vpop (erf)  }
0x324: {  	v17 =	vadd.f32 v17, v47  }
0x325: {  	v48 =	vpop (erf)  }
0x326: {  	v17 =	vadd.f32 v17, v48  }
0x327: {  	v49 =	vpop (erf)  }
0x328: {  	v17 =	vadd.f32 v17, v49;
	_ =	sdelay $0x1  }
0x329: {  	(erf) = vrcp.f32 v17;
	_ =	sdelay $0x8  }
0x32a: {  	v17 =	vpop (erf)  }
0x32b: {  	v21 =	vmul.f32 v17, v59  }
0x32c: {  	v19 =	vmul.f32 v17, v19  }
0x32d: {  	v50 =	vmul.f32 v17, v61;
	[tilespmem:$0x18E60] =	vst v21  }
0x32e: {  	v51 =	vmul.f32 v17, v37;
	[tilespmem:$0x18EE0] =	vst v19  }
0x32f: {  	v19 =	vmul.f32 v17, v63;
	[tilespmem:$0x18F60] =	vst v50  }
0x330: {  	v52 =	vmul.f32 v17, v40;
	[tilespmem:$0x19060] =	vst v51  }
0x331: {  	[tilespmem:$0x18FE0] =	vst v19;
	v19 =	vmul.f32 v17, v38  }
0x332: {  	v53 =	vmul.f32 v17, v43;
	[tilespmem:$0x19160] =	vst v52  }
0x333: {  	[tilespmem:$0x190E0] =	vst v19;
	v19 =	vmul.f32 v17, v42  }
0x334: {  	v20 =	vmul.f32 v17, v45;
	[tilespmem:$0x19E60] =	vst v53  }
0x335: {  	[tilespmem:$0x191E0] =	vst v19;
	v19 =	vmul.f32 v17, v44  }
0x336: {  	v18 =	vmul.f32 v17, v18;
	[tilespmem:$0x19F60] =	vst v20  }
0x337: {  	[tilespmem:$0x19EE0] =	vst v19;
	v19 =	vmul.f32 v17, v46  }
0x338: {  	[tilespmem:$0x19FE0] =	vst v18;
	v18 =	vmul.f32 v17, v47  }
0x339: {  	[tilespmem:$0x1A060] =	vst v19;
	v19 =	vmul.f32 v17, v48  }
0x33a: {  	[tilespmem:$0x1A0E0] =	vst v18;
	v17 =	vmul.f32 v17, v49  }
0x33b: {  	[tilespmem:$0x1A160] =	vst v19  }
0x33c: {  	[tilespmem:$0x1A1E0] =	vst v17  }
0x33d: {  	_ =	swait.ge [sflag:s17], $0x800  }
0x33e: {  	[sflag:s17] =	ssyncset.done $0x0  }
0x33f: {  	[sflag:s17] =	ssyncadd.s32 $0xFFFFF800  }
0x340: {  	_ =	swait.ge [sflag:s17], $0x800  }
0x341: {  	[sflag:s17] =	ssyncset.done $0x0  }
0x342: {  	[sflag:s17] =	ssyncadd.s32 $0xFFFFF800  }
0x343: {  	_ =	swait.ge [sflag:s17], $0x800  }
0x344: {  	[sflag:s17] =	ssyncset.done $0x0  }
0x345: {  	[sflag:s17] =	ssyncadd.s32 $0xFFFFF800  }
0x346: {  	_ =	swait.ge [sflag:s17], $0x800  }
0x347: {  	[sflag:s17] =	ssyncset.done $0x0  }
0x348: {  	[sflag:s17] =	ssyncadd.s32 $0xFFFFF800  }
0x349: {  	_ =	swait.ge [sflag:s17], $0x800  }
0x34a: {  	[sflag:s17] =	ssyncset.done $0x0  }
0x34b: {  	[sflag:s17] =	ssyncadd.s32 $0xFFFFF800  }
0x34c: {  	_ =	swait.ge [sflag:s17], $0x800  }
0x34d: {  	[sflag:s17] =	ssyncset.done $0x0  }
0x34e: {  	[sflag:s17] =	ssyncadd.s32 $0xFFFFF800  }
0x34f: {  	_ =	swait.ge [sflag:s17], $0x800  }
0x350: {  	[sflag:s17] =	ssyncset.done $0x0  }
0x351: {  	[sflag:s17] =	ssyncadd.s32 $0xFFFFF800  }
0x352: {  	_ =	swait.ge [sflag:s17], $0x800  }
0x353: {  	[sflag:s17] =	ssyncset.done $0x0  }
0x354: {  	[sflag:s17] =	ssyncadd.s32 $0xFFFFF800  }
0x355: {  	_ =	swait.ge [sflag:s17], $0x800  }
0x356: {  	[sflag:s17] =	ssyncset.done $0x0  }
0x357: {  	[sflag:s17] =	ssyncadd.s32 $0xFFFFF800  }
0x358: {  	_ =	swait.ge [sflag:s17], $0x800  }
0x359: {  	[sflag:s17] =	ssyncset.done $0x0  }
0x35a: {  	[sflag:s17] =	ssyncadd.s32 $0xFFFFF800  }
0x35b: {  	_ =	swait.ge [sflag:s17], $0x800  }
0x35c: {  	[sflag:s17] =	ssyncset.done $0x0  }
0x35d: {  	[sflag:s17] =	ssyncadd.s32 $0xFFFFF800  }
0x35e: {  	_ =	swait.ge [sflag:s17], $0x800  }
0x35f: {  	[sflag:s17] =	ssyncset.done $0x0  }
0x360: {  	[sflag:s17] =	ssyncadd.s32 $0xFFFFF800  }
0x361: {  	_ =	swait.ge [sflag:s17], $0x800  }
0x362: {  	[sflag:s17] =	ssyncset.done $0x0  }
0x363: {  	[sflag:s17] =	ssyncadd.s32 $0xFFFFF800  }
0x364: {  	_ =	swait.ge [sflag:s17], $0x800  }
0x365: {  	[sflag:s17] =	ssyncset.done $0x0  }
0x366: {  	[sflag:s17] =	ssyncadd.s32 $0xFFFFF800  }
0x367: {  	_ =	swait.ge [sflag:s17], $0x800  }
0x368: {  	[sflag:s17] =	ssyncset.done $0x0  }
0x369: {  	[sflag:s17] =	ssyncadd.s32 $0xFFFFF800  }
0x36a: {  	_ =	swait.ge [sflag:s17], $0x800  }
0x36b: {  	[sflag:s17] =	ssyncset.done $0x0  }
0x36c: {  	[sflag:s17] =	ssyncadd.s32 $0xFFFFF800  }
0x36d: {  	v17 =	vld [tilespmem:$0x1F0];
	_ =	sdelay $0x4  }
0x36e: {  	v17 =	vand.u32 $0x7F, v17  }
0x36f: {  	v18 =	vor.u32 v0, v17  }
0x370: {  	v19 =	vor.u32 v2, v17  }
0x371: {  	v54 =	vor.u32 v3, v17  }
0x372: {  	v55 =	vor.u32 v4, v17  }
0x373: {  	v56 =	vor.u32 v5, v17  }
0x374: {  	v57 =	vor.u32 v6, v17;
	v18 =	vld.idx.msk [tilespmem:v18+s26+$0x0], $0xffff  }
0x375: {  	v58 =	vor.u32 v7, v17;
	v19 =	vld.idx.msk [tilespmem:v19+s26+$0x0], $0xffff  }
0x376: {  	v59 =	vor.u32 v8, v17;
	v20 =	vld.idx.msk [tilespmem:v54+s26+$0x0], $0xffff  }
0x377: {  	v60 =	vor.u32 v9, v17;
	v21 =	vld.idx.msk [tilespmem:v55+s26+$0x0], $0xffff  }
0x378: {  	v61 =	vor.u32 v10, v17;
	v22 =	vld.idx.msk [tilespmem:v56+s26+$0x0], $0xffff  }
0x379: {  	v62 =	vor.u32 v11, v17;
	v23 =	vld.idx.msk [tilespmem:v57+s26+$0x0], $0xffff  }
0x37a: {  	v63 =	vor.u32 v12, v17;
	v24 =	vld.idx.msk [tilespmem:v58+s26+$0x0], $0xffff;
	v35 =	vmax.f32 v18, v19  }
0x37b: {  	v36 =	vor.u32 v13, v17;
	v25 =	vld.idx.msk [tilespmem:v59+s26+$0x0], $0xffff;
	v30 =	vmax.f32 v35, v20  }
0x37c: {  	v37 =	vor.u32 v14, v17;
	v26 =	vld.idx.msk [tilespmem:v60+s26+$0x0], $0xffff;
	v30 =	vmax.f32 v30, v21  }
0x37d: {  	v38 =	vor.u32 v15, v17;
	v27 =	vld.idx.msk [tilespmem:v61+s26+$0x0], $0xffff;
	v30 =	vmax.f32 v30, v22  }
0x37e: {  	v17 =	vor.u32 v16, v17;
	v28 =	vld.idx.msk [tilespmem:v62+s26+$0x0], $0xffff;
	v30 =	vmax.f32 v30, v23  }
0x37f: {  	v29 =	vld.idx.msk [tilespmem:v63+s26+$0x0], $0xffff;
	v30 =	vmax.f32 v30, v24  }
0x380: {  	v31 =	vld.idx.msk [tilespmem:v36+s26+$0x0], $0xffff;
	v30 =	vmax.f32 v30, v25  }
0x381: {  	v32 =	vld.idx.msk [tilespmem:v37+s26+$0x0], $0xffff;
	v30 =	vmax.f32 v30, v26  }
0x382: {  	v33 =	vld.idx.msk [tilespmem:v38+s26+$0x0], $0xffff;
	v30 =	vmax.f32 v30, v27  }
0x383: {  	v17 =	vld.idx.msk [tilespmem:v17+s26+$0x0], $0xffff;
	v30 =	vmax.f32 v30, v28  }
0x384: {  	v30 =	vmax.f32 v30, v29  }
0x385: {  	v30 =	vmax.f32 v30, v31  }
0x386: {  	v30 =	vmax.f32 v30, v32  }
0x387: {  	v30 =	vmax.f32 v30, v33  }
0x388: {  	v30 =	vmax.f32 v30, v17  }
0x389: {  	v18 =	vsub.f32 v18, v30  }
0x38a: {  	v19 =	vsub.f32 v19, v30  }
0x38b: {  	v18 =	vmul.f32 $1.442695020e+00, v18  }
0x38c: {  	v20 =	vsub.f32 v20, v30;
	v19 =	vmul.f32 $1.442695020e+00, v19  }
0x38d: {  	(erf) = vpow2.f32 v18  }
0x38e: {  	v18 =	vmul.f32 $1.442695020e+00, v20;
	(erf) = vpow2.f32 v19;
	v19 =	vsub.f32 v21, v30;
	_ =	sdelay $0x1  }
0x38f: {  	(erf) = vpow2.f32 v18;
	v18 =	vmul.f32 $1.442695020e+00, v19;
	v19 =	vsub.f32 v22, v30;
	_ =	sdelay $0x1  }
0x390: {  	(erf) = vpow2.f32 v18;
	v18 =	vmul.f32 $1.442695020e+00, v19;
	v19 =	vsub.f32 v23, v30;
	_ =	sdelay $0x1  }
0x391: {  	(erf) = vpow2.f32 v18;
	v18 =	vmul.f32 $1.442695020e+00, v19;
	v19 =	vsub.f32 v24, v30;
	_ =	sdelay $0x1  }
0x392: {  	v39 =	vsub.f32 v25, v30  }
0x393: {  	v40 =	vpop (erf);
	(erf) = vpow2.f32 v18;
	v18 =	vmul.f32 $1.442695020e+00, v19  }
0x394: {  	v20 =	vmul.f32 $1.442695020e+00, v39;
	v19 =	vpop (erf)  }
0x395: {  	(erf) = vpow2.f32 v18;
	v18 =	vsub.f32 v26, v30;
	v41 =	vadd.f32 v19, v40  }
0x396: {  	v43 =	vsub.f32 v27, v30;
	v42 =	vpop (erf)  }
0x397: {  	(erf) = vpow2.f32 v20;
	v18 =	vmul.f32 $1.442695020e+00, v18;
	v22 =	vadd.f32 v41, v42  }
0x398: {  	v44 =	vpop (erf)  }
0x399: {  	(erf) = vpow2.f32 v18;
	v18 =	vmul.f32 $1.442695020e+00, v43;
	v46 =	vadd.f32 v22, v44  }
0x39a: {  	v45 =	vsub.f32 v28, v30;
	v47 =	vpop (erf)  }
0x39b: {  	(erf) = vpow2.f32 v18;
	v18 =	vsub.f32 v29, v30;
	v20 =	vadd.f32 v46, v47  }
0x39c: {  	v25 =	vmul.f32 $1.442695020e+00, v45;
	v48 =	vpop (erf)  }
0x39d: {  	v49 =	vsub.f32 v31, v30;
	v18 =	vmul.f32 $1.442695020e+00, v18;
	v20 =	vadd.f32 v20, v48  }
0x39e: {  	(erf) = vpow2.f32 v25;
	v50 =	vpop (erf)  }
0x39f: {  	(erf) = vpow2.f32 v18;
	v18 =	vmul.f32 $1.442695020e+00, v49;
	v20 =	vadd.f32 v20, v50  }
0x3a0: {  	v51 =	vsub.f32 v32, v30;
	v52 =	vpop (erf)  }
0x3a1: {  	(erf) = vpow2.f32 v18;
	v18 =	vsub.f32 v33, v30;
	v20 =	vadd.f32 v20, v52  }
0x3a2: {  	v28 =	vmul.f32 $1.442695020e+00, v51;
	v53 =	vpop (erf)  }
0x3a3: {  	v18 =	vmul.f32 $1.442695020e+00, v18;
	v20 =	vadd.f32 v20, v53  }
0x3a4: {  	v17 =	vsub.f32 v17, v30;
	(erf) = vpow2.f32 v28;
	v54 =	vpop (erf)  }
0x3a5: {  	(erf) = vpow2.f32 v18;
	v18 =	vadd.f32 v20, v54  }
0x3a6: {  	v17 =	vmul.f32 $1.442695020e+00, v17  }
0x3a7: {  	v55 =	vpop (erf)  }
0x3a8: {  	(erf) = vpow2.f32 v17;
	v17 =	vadd.f32 v18, v55  }
0x3a9: {  	v18 =	vpop (erf)  }
0x3aa: {  	v17 =	vadd.f32 v17, v18  }
0x3ab: {  	v56 =	vpop (erf)  }
0x3ac: {  	v17 =	vadd.f32 v17, v56  }
0x3ad: {  	v57 =	vpop (erf)  }
0x3ae: {  	v17 =	vadd.f32 v17, v57  }
0x3af: {  	v58 =	vpop (erf)  }
0x3b0: {  	v17 =	vadd.f32 v17, v58  }
0x3b1: {  	v59 =	vpop (erf)  }
0x3b2: {  	v17 =	vadd.f32 v17, v59;
	_ =	sdelay $0x1  }
0x3b3: {  	(erf) = vrcp.f32 v17;
	_ =	sdelay $0x8  }
0x3b4: {  	v17 =	vpop (erf)  }
0x3b5: {  	v21 =	vmul.f32 v17, v40  }
0x3b6: {  	v19 =	vmul.f32 v17, v19  }
0x3b7: {  	v60 =	vmul.f32 v17, v42;
	[tilespmem:$0x18E70] =	vst v21  }
0x3b8: {  	v61 =	vmul.f32 v17, v47;
	[tilespmem:$0x18EF0] =	vst v19  }
0x3b9: {  	v19 =	vmul.f32 v17, v44;
	[tilespmem:$0x18F70] =	vst v60  }
0x3ba: {  	v62 =	vmul.f32 v17, v50;
	[tilespmem:$0x19070] =	vst v61  }
0x3bb: {  	[tilespmem:$0x18FF0] =	vst v19;
	v19 =	vmul.f32 v17, v48  }
0x3bc: {  	v63 =	vmul.f32 v17, v53;
	[tilespmem:$0x19170] =	vst v62  }
0x3bd: {  	[tilespmem:$0x190F0] =	vst v19;
	v19 =	vmul.f32 v17, v52  }
0x3be: {  	v20 =	vmul.f32 v17, v55;
	[tilespmem:$0x19E70] =	vst v63  }
0x3bf: {  	[tilespmem:$0x191F0] =	vst v19;
	v19 =	vmul.f32 v17, v54  }
0x3c0: {  	v18 =	vmul.f32 v17, v18;
	[tilespmem:$0x19F70] =	vst v20  }
0x3c1: {  	[tilespmem:$0x19EF0] =	vst v19;
	v19 =	vmul.f32 v17, v56  }
0x3c2: {  	[tilespmem:$0x19FF0] =	vst v18;
	v18 =	vmul.f32 v17, v57  }
0x3c3: {  	[tilespmem:$0x1A070] =	vst v19;
	v19 =	vmul.f32 v17, v58  }
0x3c4: {  	[tilespmem:$0x1A0F0] =	vst v18;
	v17 =	vmul.f32 v17, v59  }
0x3c5: {  	s0 =	simm.s32 $0x1000;
	s1 =	simm.s32 $0x20000;
	s3 =	simm.s32 $0x18200;
	[tilespmem:$0x1A170] =	vst v19  }
0x3c6: {  	s24 =	simm.s32 $0x4;
	s21 =	simm.s32 $0xA00;
	s19 =	rddreg [dreg:$0x14];
	[tilespmem:$0x1A1F0] =	vst v17  }
0x3c7: {  	[hbm4b:s19+s0] =	stream.strided.scatter [tilespmem:s3], [sflag:$0x4], $0x2000, s1, s0, $0x38;
	[tilespmem:$0x1A200] =	vst v63  }
0x3c8: {  	s22 =	simm.s32 $0x1200;
	s23 =	simm.s32 $0x1A00;
	_ =	swait.ge [sflag:s24], $0x2000  }
0x3c9: {  	s4 =	simm.s32 $0x3A00;
	s5 =	simm.s32 $0x4200;
	s20 =	rddreg [dreg:$0x16]  }
0x3ca: {  	s6 =	simm.s32 $0x4A00;
	s25 =	rddreg [dreg:$0x15];
	s20 =	sadd.s32 $0x1, s20  }
0x3cb: {  	s7 =	simm.s32 $0x5200;
	s11 =	simm.s32 $0x5A00;
	p0 =	sne.s32 s20, s25  }
.Ltmp1:
0x3cc: {  	s12 =	simm.s32 $0x6200;
	s13 =	simm.s32 $0x6A00;
	(pc) =	sbr.rel @p0 .LBB2_1-.Ltmp1, $4  }
0x3cd: {  	s14 =	simm.s32 $0x7200;
	s28 =	simm.s32 $0x9200;
	s29 =	simm.s32 $0x9A00  }
0x3ce: {  	s30 =	simm.s32 $0xA200;
	s31 =	simm.s32 $0xAA00;
	s1 =	simm.s32 $0x2A00  }
0x3cf: {  	s3 =	simm.s32 $0x3200;
	s0 =	simm.s32 $0x7A00;
	[sflag:s24] =	ssyncset.done $0x0  }
0x3d0: {  	[sflag:s24] =	ssyncadd.s32 $0xFFFFE000;
	s24 =	simm.s32 $0x2200;
	s25 =	simm.s32 $0x8A00  }
0x3d1: {  	_ =	sfence.sel $0x180000  }
0x3d2: {  	[bflag:$0x0] =	sbarrier.arrive $0xFFFF  }
0x3d3: {  	_ =	strace $0x90000047  }
0x3d4: {  	s0 =	stileid.u32;
	[bflag:$0x2] =	sbarrier.arrive $0xFFFF  }
0x3d5: {  	p0 =	sne.s32 s0, $0x0;
	s0 =	rddreg [dreg:$0x3]  }
0x3d6: {  	s0 =	sadd.s32 @!p0 $0x100000, s0  }
0x3d7: {  	[sflag:s0] =	ssyncadd.tile.s32 @!p0 $0x1;
	_ =	shalt  }
.Lfunc_end2:
_tile_overlayer_lowered:
.L_overlay_start_2:
0x3d8: {  	(tag) =	ssettag $0x2  }
0x3d9: {  	s0 =	rddreg [dreg:$0x0];
	s2 =	stileid.u32  }
0x3da: {  	s1 =	rddreg [dreg:$0x1];
	p0 =	sne.s32 s2, $0x0  }
0x3db: {  	s3 =	rddreg [dreg:$0x2];
	[bflag:$0x3] =	sbarrier.arrive $0xFFFF;
	s2 =	simm.s32 @!p0 $0x1C05  }
0x3dc: {  	[timem:s3], [sflag:s2] =	dma.local @!p0 [hbm:s0], s1  }
0x3dd: {  	s0 =	simm.s32 @!p0 $0x5  }
0x3de: {  	_ =	swait.ge @!p0 [sflag:s0], s1  }
0x3df: {  	s1 =	ssub.s32 @!p0 $0x0, s1;
	[sflag:s0] =	ssyncset.done @!p0 $0x0  }
0x3e0: {  	[sflag:s0] =	ssyncadd.s32 @!p0 s1  }
0x3e1: {  	[bflag:$0x3] =	sbarrier.arrive $0xFFFF  }
0x3e2: {  	_ =	shalt  }

</sc_bundles>
